<compile_context>
chip_gen: v7x
topology: tpu7x:2x2x1
jax: 0.10.2.dev20260603
libtpu: 0.0.44.dev20260713+nightly
codegen_flags: <defaults>
</compile_context>

<pallas_src>
import functools

import jax
import jax.numpy as jnp
from jax.experimental import pallas as pl
from jax.experimental.pallas import tpu as pltpu
from jax.experimental.pallas import tpu_sc as plsc

B = 8
C = 3
H = 352
N = 484
NPAD = 512
D = 768
K = 9
NEG = -3e38


def _band_matmul(src_b, band_ref):
    acc = jnp.zeros((H, C * H), jnp.float32)
    for ci in range(C):
        for dh in range(3):
            lhs = src_b[ci, dh:dh + H, :]
            rhs = band_ref[ci * 3 + dh]
            acc = acc + jnp.dot(lhs, rhs, preferred_element_type=jnp.float32)
    return acc


def _conv_patch_kernel(b0_ref, b1_ref, band0_ref, band1_ref, x_ref, amp_ref,
                       p_ref, xs, hs):
    @pl.when(pl.program_id(0) == 0)
    def _init():
        xs[...] = jnp.zeros_like(xs)
        hs[...] = jnp.zeros_like(hs)

    xs[:, 1:H + 1, 1:H + 1] = x_ref[0]
    xp = xs[...]
    y0 = _band_matmul(xp.astype(jnp.bfloat16), band0_ref)
    for co in range(C):
        hco = jnp.maximum(y0[:, co * H:(co + 1) * H] + b0_ref[co], 0.0)
        hs[co, 1:H + 1, 1:H + 1] = hco
    y1 = _band_matmul(hs[...].astype(jnp.bfloat16), band1_ref)
    prs = []
    for co in range(C):
        pr = y1[:, co * H:(co + 1) * H] + b1_ref[co]
        amp_ref[0, co] = pr * xp[co, 1:H + 1, 1:H + 1]
        prs.append(pr)
    v = jnp.stack(prs)
    v = v.reshape(C, 22, 16, 22, 16)
    v = jnp.transpose(v, (1, 3, 0, 2, 4))
    v = v.reshape(N, D)
    p_ref[0] = jnp.concatenate([v, jnp.zeros((NPAD - N, D), jnp.float32)], axis=0)


def _make_band(W):
    jp = jnp.arange(H + 2)
    j = jnp.arange(H)
    diff = jp[:, None] - j[None, :]
    vals = jnp.zeros((C, C, 3, H + 2, H), jnp.float32)
    for dw in range(3):
        mask = (diff == dw).astype(jnp.float32)
        vals = vals + W[:, :, :, dw][..., None, None] * mask
    vals = vals.transpose(1, 2, 3, 0, 4)
    return vals.reshape(C * 3, H + 2, C * H).astype(jnp.bfloat16)


def _vig_a_kernel(p_ref, we_ref, be_ref, feat_ref, idx_ref):
    pb = p_ref[0].astype(jnp.bfloat16)
    feat = jnp.dot(pb, we_ref[...], preferred_element_type=jnp.float32)
    feat = feat + be_ref[...]
    feat_ref[0] = feat
    sq = jnp.sum(feat * feat, axis=1, keepdims=True)
    fb = feat.astype(jnp.bfloat16)
    gram = jax.lax.dot_general(fb, fb, (((1,), (1,)), ((), ())),
                               preferred_element_type=jnp.float32)
    dist = sq + sq.T - 2.0 * gram
    col = jax.lax.broadcasted_iota(jnp.int32, (NPAD, NPAD), 1)
    dist = jnp.where(col < N, dist, jnp.inf)
    base = pl.program_id(0) * NPAD
    col128 = jax.lax.broadcasted_iota(jnp.int32, (NPAD, 128), 1)
    idxm = jnp.zeros((NPAD, 128), jnp.int32)
    sel0 = None
    for t in range(K):
        rowmin = jnp.min(dist, axis=1, keepdims=True)
        cand = jnp.where(dist == rowmin, col, NPAD)
        sel = jnp.min(cand, axis=1, keepdims=True)
        part = col128 - 6 * t
        idxm = idxm + jnp.where((part >= 0) & (part < 6),
                                (sel + base) * 6 + part, 0)
        if sel0 is None:
            sel0 = sel
        dist = jnp.where(col == sel, jnp.inf, dist)
    idxm = jnp.where((col128 >= 6 * K) & (col128 < 64), (sel0 + base) * 6, idxm)
    idx_ref[0] = idxm


def _vig_b_kernel(feat_ref, mr_ref, wgt_ref, wgb_ref, bg_ref, out_ref):
    feat = feat_ref[0]
    fb = feat.astype(jnp.bfloat16)
    hh = jnp.dot(fb, wgt_ref[...], preferred_element_type=jnp.float32)
    hh = hh + jnp.dot(mr_ref[0].astype(jnp.bfloat16), wgb_ref[...],
                      preferred_element_type=jnp.float32)
    hh = hh + bg_ref[...]
    out_ref[0] = feat + jnp.maximum(hh, 0.0)


NTILES = 32
CH = 4


SUB = 128
NSUB = D // SUB
GL = 64


def _sc_gather_kernel(feat_hbm, idx_hbm, mr_hbm, idxv, fbuf, gbuf, obuf, sem):
    nc = 2
    wid = jax.lax.axis_index("s") * nc + jax.lax.axis_index("c")
    nrows = feat_hbm.shape[0] // NSUB
    rows_per_tile = nrows // NTILES
    tile_base = wid * rows_per_tile
    nchunks = rows_per_tile // CH

    def fire(slot, g):
        cbase = tile_base + g * CH
        pltpu.sync_copy(idx_hbm.at[pl.ds(cbase, CH)], idxv.at[slot])
        pltpu.sync_copy(feat_hbm.at[pl.ds(cbase * NSUB, CH * NSUB)], fbuf.at[slot])
        for t in range(CH):
            pltpu.async_copy(
                feat_hbm.at[idxv.at[slot, t, pl.ds(0, GL)]],
                gbuf.at[slot, t], sem)

    fire(0, 0)

    def chunk(g, carry):
        slot = jax.lax.rem(g, 2)
        nslot = jax.lax.rem(g + 1, 2)

        @pl.when(g + 1 < nchunks)
        def _prefetch():
            fire(nslot, g + 1)

        for t in range(CH):
            pltpu.make_async_copy(
                feat_hbm.at[idxv.at[slot, t, pl.ds(0, GL)]],
                gbuf.at[slot, t], sem).wait()
        def tbody(t, tc):
            for part in range(NSUB):
                for w3 in range(SUB // 16):
                    sl = pl.ds(w3 * 16, 16)
                    m = gbuf[slot, t, part, sl]
                    for r in range(1, K):
                        m = jnp.maximum(m, gbuf[slot, t, r * NSUB + part, sl])
                    obuf[t, pl.ds(part * SUB + w3 * 16, 16)] = (
                        m - fbuf[slot, t * NSUB + part, sl])
            return tc
        jax.lax.fori_loop(0, CH, tbody, 0)
        cbase = tile_base + g * CH
        pltpu.sync_copy(obuf, mr_hbm.at[pl.ds(cbase, CH)])
        return carry

    jax.lax.fori_loop(0, nchunks, chunk, 0)


def kernel(x, W0, b0, W1, b1, We, be, Wg, bg):
    band0 = _make_band(W0)
    band1 = _make_band(W1)

    amp_src, p = pl.pallas_call(
        _conv_patch_kernel,
        grid=(B,),
        in_specs=[
            pl.BlockSpec(memory_space=pltpu.SMEM),
            pl.BlockSpec(memory_space=pltpu.SMEM),
            pl.BlockSpec((C * 3, H + 2, C * H), lambda i: (0, 0, 0)),
            pl.BlockSpec((C * 3, H + 2, C * H), lambda i: (0, 0, 0)),
            pl.BlockSpec((1, C, H, H), lambda i: (i, 0, 0, 0)),
        ],
        out_specs=[
            pl.BlockSpec((1, C, H, H), lambda i: (i, 0, 0, 0)),
            pl.BlockSpec((1, NPAD, D), lambda i: (i, 0, 0)),
        ],
        out_shape=[
            jax.ShapeDtypeStruct((B, C, H, H), jnp.float32),
            jax.ShapeDtypeStruct((B, NPAD, D), jnp.float32),
        ],
        scratch_shapes=[
            pltpu.VMEM((C, H + 2, H + 2), jnp.float32),
            pltpu.VMEM((C, H + 2, H + 2), jnp.float32),
        ],
    )(b0, b1, band0, band1, x)

    web = We.astype(jnp.bfloat16)
    wgtb = Wg[:D].astype(jnp.bfloat16)
    wgbb = Wg[D:].astype(jnp.bfloat16)
    be2 = be.reshape(1, D)
    bg2 = bg.reshape(1, D)

    HB = B
    HROWS = HB * NPAD
    sc_gather = functools.partial(
        pl.kernel,
        mesh=plsc.VectorSubcoreMesh(core_axis_name="c", subcore_axis_name="s"),
        out_type=jax.ShapeDtypeStruct((HROWS, D), jnp.float32),
        scratch_types=[
            pltpu.VMEM((2, CH, 128), jnp.int32),
            pltpu.VMEM((2, CH * NSUB, SUB), jnp.float32),
            pltpu.VMEM((2, CH, GL, SUB), jnp.float32),
            pltpu.VMEM((CH, D), jnp.float32),
            pltpu.SemaphoreType.DMA,
        ],
    )(_sc_gather_kernel)

    feat, idx = pl.pallas_call(
        _vig_a_kernel,
        grid=(HB,),
        in_specs=[
            pl.BlockSpec((1, NPAD, D), lambda i: (i, 0, 0)),
            pl.BlockSpec((D, D), lambda i: (0, 0)),
            pl.BlockSpec((1, D), lambda i: (0, 0)),
        ],
        out_specs=[
            pl.BlockSpec((1, NPAD, D), lambda i: (i, 0, 0)),
            pl.BlockSpec((1, NPAD, 128), lambda i: (i, 0, 0)),
        ],
        out_shape=[
            jax.ShapeDtypeStruct((HB, NPAD, D), jnp.float32),
            jax.ShapeDtypeStruct((HB, NPAD, 128), jnp.int32),
        ],
    )(p, web, be2)
    mr = sc_gather(feat.reshape(HROWS * NSUB, SUB), idx.reshape(HROWS, 128))
    mr = mr.reshape(HB, NPAD, D)
    out = pl.pallas_call(
        _vig_b_kernel,
        grid=(HB,),
        in_specs=[
            pl.BlockSpec((1, NPAD, D), lambda i: (i, 0, 0)),
            pl.BlockSpec((1, NPAD, D), lambda i: (i, 0, 0)),
            pl.BlockSpec((D, D), lambda i: (0, 0)),
            pl.BlockSpec((D, D), lambda i: (0, 0)),
            pl.BlockSpec((1, D), lambda i: (0, 0)),
        ],
        out_specs=pl.BlockSpec((1, NPAD, D), lambda i: (i, 0, 0)),
        out_shape=jax.ShapeDtypeStruct((HB, NPAD, D), jnp.float32),
    )(feat, mr, wgtb, wgbb, bg2)

    amp_low = out[:, :N, :]
    return (amp_src, amp_low)

# --- scband reference (transcript-rebuilt; emitter-appended) ---
"""Pipeline reference for scband-prompt-39204461478917 (READ-ONLY COPY).

The authoritative reference and input builder live on the scoring server;
editing this copy changes nothing except your own understanding.
"""

import jax, jax.numpy as jnp
import numpy as np


def conv2d(x, W, b):
    y = jax.lax.conv_general_dilated(x, W, window_strides=(1, 1), padding='SAME',
                                     dimension_numbers=('NCHW', 'OIHW', 'NCHW'))
    return y + b[None, :, None, None]


def feature_extract(x, W0, b0, W1, b1):
    # FeatureExtract with block_num=2: conv3x3 -> relu -> conv3x3, same-shape prompt map
    h = jax.nn.relu(conv2d(x, W0, b0))
    h = conv2d(h, W1, b1)
    return h


def patchify(x, patch=16):
    B, C, H, W = x.shape
    ph, pw = H // patch, W // patch  # 22 x 22 = 484 patches for 352x352
    x = x.reshape(B, C, ph, patch, pw, patch)
    x = x.transpose(0, 2, 4, 1, 3, 5).reshape(B, ph * pw, C * patch * patch)
    return x


def vgnn(x_img, We, be, Wg, bg, k=9):
    # Vision GNN: patch embed -> kNN graph -> max-relative graph conv (1 ViG block)
    p = patchify(x_img)                      # [B, 484, 768]
    feat = p @ We + be                       # [B, 484, 768]
    B, N, D = feat.shape
    sq = jnp.sum(feat * feat, axis=-1)
    dist = sq[:, :, None] + sq[:, None, :] - 2.0 * jnp.einsum('bnd,bmd->bnm', feat, feat)
    _, idx = jax.lax.top_k(-dist, k)         # [B, N, k] neighbor indices
    nb = feat[jnp.arange(B)[:, None, None], idx]       # gather neighbors [B, N, k, D]
    maxrel = jnp.max(nb - feat[:, :, None, :], axis=2)  # max-relative aggregation
    h = jnp.concatenate([feat, maxrel], axis=-1) @ Wg + bg
    feat = feat + jax.nn.relu(h)
    return feat


def setup_inputs(seed: int = 0) -> dict:
    key = jax.random.key(seed)
    ks = jax.random.split(key, 10)
    x = jax.random.normal(ks[0], (8, 3, 352, 352), dtype=jnp.float32)
    W0 = jax.random.normal(ks[1], (3, 3, 3, 3), dtype=jnp.float32) * 0.1
    b0 = jnp.zeros((3,), dtype=jnp.float32)
    W1 = jax.random.normal(ks[2], (3, 3, 3, 3), dtype=jnp.float32) * 0.1
    b1 = jnp.zeros((3,), dtype=jnp.float32)
    We = jax.random.normal(ks[3], (768, 768), dtype=jnp.float32) * 0.02
    be = jnp.zeros((768,), dtype=jnp.float32)
    Wg = jax.random.normal(ks[4], (1536, 768), dtype=jnp.float32) * 0.02
    bg = jnp.zeros((768,), dtype=jnp.float32)
    return {'x': x, 'W0': W0, 'b0': b0, 'W1': W1, 'b1': b1,
            'We': We, 'be': be, 'Wg': Wg, 'bg': bg}


def reference(x, W0, b0, W1, b1, We, be, Wg, bg):
    prompt1 = feature_extract(x, W0, b0, W1, b1)
    amp_src_ = x * prompt1
    # VGNN branch is under torch.no_grad in the original
    amp_low_ = jax.lax.stop_gradient(vgnn(prompt1, We, be, Wg, bg))
    return (amp_src_, amp_low_)

if __name__ == "__main__":
    import jax
    _d = setup_inputs()
    print(jax.jit(kernel)(*tuple(_d.values())))

</pallas_src>

<mosaic_0001>
#map = affine_map<(d0, d1) -> (0, 0)>
module attributes {stable_mosaic.version = 14 : i64} {
  func.func @_sc_gather_kernel(%arg0: i32, %arg1: i32, %arg2: memref<24576x128xf32, #tpu.memory_space<hbm>>, %arg3: memref<4096x128xi32, #tpu.memory_space<hbm>>, %arg4: memref<4096x768xf32, #tpu.memory_space<hbm>>, %arg5: memref<2x4x128xi32, #tpu.memory_space<vmem>>, %arg6: memref<2x24x128xf32, #tpu.memory_space<vmem>>, %arg7: memref<2x4x64x128xf32, #tpu.memory_space<vmem>>, %arg8: memref<4x768xf32, #tpu.memory_space<vmem>>, %arg9: memref<!tpu.dma_semaphore, #tpu.memory_space<semaphore_mem>>) attributes {dimension_semantics = [#tpu.dimension_semantics<core_parallel>, #tpu.dimension_semantics<subcore_parallel>], iteration_bounds = array<i64: 2, 16>, scalar_prefetch = 0 : i64, scratch_operands = 5 : i64, tpu.core_type = #tpu.core_type<sc_vector_subcore>, window_params = [{transform_indices = #map}, {transform_indices = #map}, {transform_indices = #map}]} {
    %mul3A = arith.constant 2 : i32
    %mul3A_0 = arith.muli %arg1, %mul3A : i32
    %add3A = arith.addi %mul3A_0, %arg0 : i32
    %mul3A_1 = arith.constant 128 : i32
    %mul3A_2 = arith.muli %add3A, %mul3A_1 : i32
    %add3A_3 = arith.constant 0 : i32
    %add3A_4 = arith.addi %mul3A_2, %add3A_3 : i32
    %run_scoped3A = arith.constant 0 : i32
    "tpu.region"() ({
      %run_scoped3A_68 = tpu.sem_alloc : memref<!tpu.dma_semaphore, #tpu.memory_space<semaphore_mem>>
      %dma_start3A_69 = arith.constant 0 : i32
      %dma_start3A_70 = arith.constant 0 : i32
      %dma_start3A_71 = tpu.memref_slice %arg5[%run_scoped3A, %dma_start3A_69, %dma_start3A_70] : memref<2x4x128xi32, #tpu.memory_space<vmem>> -> memref<1x4x128xi32, #tpu.memory_space<vmem>>
      %dma_start3A_72 = tpu.memref_squeeze %dma_start3A_71 : memref<1x4x128xi32, #tpu.memory_space<vmem>> -> memref<4x128xi32, #tpu.memory_space<vmem>>
      %dma_start3A_73 = arith.constant 0 : i32
      %dma_start3A_74 = tpu.memref_slice %arg3[%add3A_4, %dma_start3A_73] : memref<4096x128xi32, #tpu.memory_space<hbm>> -> memref<4x128xi32, #tpu.memory_space<hbm>>
      %dma_start3A_75 = arith.constant 0 : i32
      %dma_start3A_76 = arith.constant 0 : i32
      %dma_start3A_77 = tpu.memref_slice %arg5[%run_scoped3A, %dma_start3A_75, %dma_start3A_76] : memref<2x4x128xi32, #tpu.memory_space<vmem>> -> memref<1x4x128xi32, #tpu.memory_space<vmem>>
      %dma_start3A_78 = tpu.memref_squeeze %dma_start3A_77 : memref<1x4x128xi32, #tpu.memory_space<vmem>> -> memref<4x128xi32, #tpu.memory_space<vmem>>
      %dma_start3A_79 = arith.constant 0 : i32
      %dma_start3A_80 = tpu.memref_slice %arg3[%add3A_4, %dma_start3A_79] : memref<4096x128xi32, #tpu.memory_space<hbm>> -> memref<4x128xi32, #tpu.memory_space<hbm>>
      tpu.enqueue_dma source(%dma_start3A_80 : memref<4x128xi32, #tpu.memory_space<hbm>>) target(%dma_start3A_78 : memref<4x128xi32, #tpu.memory_space<vmem>>) target_semaphore(%run_scoped3A_68 : memref<!tpu.dma_semaphore, #tpu.memory_space<semaphore_mem>>)
      %dma_wait3A = arith.constant 0 : i32
      %dma_wait3A_81 = arith.constant 0 : i32
      %dma_wait3A_82 = tpu.memref_slice %arg5[%run_scoped3A, %dma_wait3A, %dma_wait3A_81] : memref<2x4x128xi32, #tpu.memory_space<vmem>> -> memref<1x4x128xi32, #tpu.memory_space<vmem>>
      %dma_wait3A_83 = tpu.memref_squeeze %dma_wait3A_82 : memref<1x4x128xi32, #tpu.memory_space<vmem>> -> memref<4x128xi32, #tpu.memory_space<vmem>>
      %dma_wait3A_84 = arith.constant 0 : i32
      %dma_wait3A_85 = tpu.memref_slice %arg3[%add3A_4, %dma_wait3A_84] : memref<4096x128xi32, #tpu.memory_space<hbm>> -> memref<4x128xi32, #tpu.memory_space<hbm>>
      %dma_wait3A_86 = arith.constant 0 : i32
      %dma_wait3A_87 = arith.constant 0 : i32
      %dma_wait3A_88 = tpu.memref_slice %arg5[%run_scoped3A, %dma_wait3A_86, %dma_wait3A_87] : memref<2x4x128xi32, #tpu.memory_space<vmem>> -> memref<1x4x128xi32, #tpu.memory_space<vmem>>
      %dma_wait3A_89 = tpu.memref_squeeze %dma_wait3A_88 : memref<1x4x128xi32, #tpu.memory_space<vmem>> -> memref<4x128xi32, #tpu.memory_space<vmem>>
      %dma_wait3A_90 = arith.constant 0 : i32
      %dma_wait3A_91 = tpu.memref_slice %arg3[%add3A_4, %dma_wait3A_90] : memref<4096x128xi32, #tpu.memory_space<hbm>> -> memref<4x128xi32, #tpu.memory_space<hbm>>
      tpu.wait_dma2 semaphore(%run_scoped3A_68 : memref<!tpu.dma_semaphore, #tpu.memory_space<semaphore_mem>>) src(%dma_wait3A_91 : memref<4x128xi32, #tpu.memory_space<hbm>>) dst(%dma_wait3A_89 : memref<4x128xi32, #tpu.memory_space<vmem>>)
      tpu.yield
    }) : () -> ()
    %mul3A_5 = arith.constant 6 : i32
    %mul3A_6 = arith.muli %add3A_4, %mul3A_5 : i32
    %run_scoped3A_7 = arith.constant 0 : i32
    "tpu.region"() ({
      %run_scoped3A_68 = tpu.sem_alloc : memref<!tpu.dma_semaphore, #tpu.memory_space<semaphore_mem>>
      %dma_start3A_69 = arith.constant 0 : i32
      %dma_start3A_70 = arith.constant 0 : i32
      %dma_start3A_71 = tpu.memref_slice %arg6[%run_scoped3A_7, %dma_start3A_69, %dma_start3A_70] : memref<2x24x128xf32, #tpu.memory_space<vmem>> -> memref<1x24x128xf32, #tpu.memory_space<vmem>>
      %dma_start3A_72 = tpu.memref_squeeze %dma_start3A_71 : memref<1x24x128xf32, #tpu.memory_space<vmem>> -> memref<24x128xf32, #tpu.memory_space<vmem>>
      %dma_start3A_73 = arith.constant 0 : i32
      %dma_start3A_74 = tpu.memref_slice %arg2[%mul3A_6, %dma_start3A_73] : memref<24576x128xf32, #tpu.memory_space<hbm>> -> memref<24x128xf32, #tpu.memory_space<hbm>>
      %dma_start3A_75 = arith.constant 0 : i32
      %dma_start3A_76 = arith.constant 0 : i32
      %dma_start3A_77 = tpu.memref_slice %arg6[%run_scoped3A_7, %dma_start3A_75, %dma_start3A_76] : memref<2x24x128xf32, #tpu.memory_space<vmem>> -> memref<1x24x128xf32, #tpu.memory_space<vmem>>
      %dma_start3A_78 = tpu.memref_squeeze %dma_start3A_77 : memref<1x24x128xf32, #tpu.memory_space<vmem>> -> memref<24x128xf32, #tpu.memory_space<vmem>>
      %dma_start3A_79 = arith.constant 0 : i32
      %dma_start3A_80 = tpu.memref_slice %arg2[%mul3A_6, %dma_start3A_79] : memref<24576x128xf32, #tpu.memory_space<hbm>> -> memref<24x128xf32, #tpu.memory_space<hbm>>
      tpu.enqueue_dma source(%dma_start3A_80 : memref<24x128xf32, #tpu.memory_space<hbm>>) target(%dma_start3A_78 : memref<24x128xf32, #tpu.memory_space<vmem>>) target_semaphore(%run_scoped3A_68 : memref<!tpu.dma_semaphore, #tpu.memory_space<semaphore_mem>>)
      %dma_wait3A = arith.constant 0 : i32
      %dma_wait3A_81 = arith.constant 0 : i32
      %dma_wait3A_82 = tpu.memref_slice %arg6[%run_scoped3A_7, %dma_wait3A, %dma_wait3A_81] : memref<2x24x128xf32, #tpu.memory_space<vmem>> -> memref<1x24x128xf32, #tpu.memory_space<vmem>>
      %dma_wait3A_83 = tpu.memref_squeeze %dma_wait3A_82 : memref<1x24x128xf32, #tpu.memory_space<vmem>> -> memref<24x128xf32, #tpu.memory_space<vmem>>
      %dma_wait3A_84 = arith.constant 0 : i32
      %dma_wait3A_85 = tpu.memref_slice %arg2[%mul3A_6, %dma_wait3A_84] : memref<24576x128xf32, #tpu.memory_space<hbm>> -> memref<24x128xf32, #tpu.memory_space<hbm>>
      %dma_wait3A_86 = arith.constant 0 : i32
      %dma_wait3A_87 = arith.constant 0 : i32
      %dma_wait3A_88 = tpu.memref_slice %arg6[%run_scoped3A_7, %dma_wait3A_86, %dma_wait3A_87] : memref<2x24x128xf32, #tpu.memory_space<vmem>> -> memref<1x24x128xf32, #tpu.memory_space<vmem>>
      %dma_wait3A_89 = tpu.memref_squeeze %dma_wait3A_88 : memref<1x24x128xf32, #tpu.memory_space<vmem>> -> memref<24x128xf32, #tpu.memory_space<vmem>>
      %dma_wait3A_90 = arith.constant 0 : i32
      %dma_wait3A_91 = tpu.memref_slice %arg2[%mul3A_6, %dma_wait3A_90] : memref<24576x128xf32, #tpu.memory_space<hbm>> -> memref<24x128xf32, #tpu.memory_space<hbm>>
      tpu.wait_dma2 semaphore(%run_scoped3A_68 : memref<!tpu.dma_semaphore, #tpu.memory_space<semaphore_mem>>) src(%dma_wait3A_91 : memref<24x128xf32, #tpu.memory_space<hbm>>) dst(%dma_wait3A_89 : memref<24x128xf32, #tpu.memory_space<vmem>>)
      tpu.yield
    }) : () -> ()
    %dma_start3A = arith.constant 0 : i32
    %dma_start3A_8 = arith.constant 0 : i32
    %dma_start3A_9 = arith.constant 0 : i32
    %dma_start3A_10 = arith.constant 0 : i32
    %dma_start3A_11 = arith.constant 0 : i32
    %dma_start3A_12 = arith.constant 0 : i32
    %dma_start3A_13 = tpu.memref_slice %arg7[%dma_start3A_9, %dma_start3A_10, %dma_start3A_11, %dma_start3A_12] : memref<2x4x64x128xf32, #tpu.memory_space<vmem>> -> memref<1x1x64x128xf32, #tpu.memory_space<vmem>>
    %dma_start3A_14 = tpu.memref_squeeze %dma_start3A_13 : memref<1x1x64x128xf32, #tpu.memory_space<vmem>> -> memref<64x128xf32, #tpu.memory_space<vmem>>
    %dma_start3A_15 = arith.constant 0 : i32
    %dma_start3A_16 = tpu.memref_slice %arg5[%dma_start3A, %dma_start3A_8, %dma_start3A_15] : memref<2x4x128xi32, #tpu.memory_space<vmem>> -> memref<1x1x64xi32, #tpu.memory_space<vmem>>
    %dma_start3A_17 = tpu.memref_squeeze %dma_start3A_16 : memref<1x1x64xi32, #tpu.memory_space<vmem>> -> memref<64xi32, #tpu.memory_space<vmem>>
    %dma_start3A_18 = arith.constant 0 : i32
    %dma_start3A_19 = arith.constant 0 : i32
    %dma_start3A_20 = tpu.memref_slice %arg2[%dma_start3A_18, %dma_start3A_19] : memref<24576x128xf32, #tpu.memory_space<hbm>> -> memref<24576x128xf32, #tpu.memory_space<hbm>>
    tpu.enqueue_indirect_dma source(%dma_start3A_20 : memref<24576x128xf32, #tpu.memory_space<hbm>>) target(%dma_start3A_14 : memref<64x128xf32, #tpu.memory_space<vmem>>) offsets(%dma_start3A_17 : memref<64xi32, #tpu.memory_space<vmem>>) semaphore(%arg9 : memref<!tpu.dma_semaphore, #tpu.memory_space<semaphore_mem>>)
    %dma_start3A_21 = arith.constant 0 : i32
    %dma_start3A_22 = arith.constant 1 : i32
    %dma_start3A_23 = arith.constant 0 : i32
    %dma_start3A_24 = arith.constant 1 : i32
    %dma_start3A_25 = arith.constant 0 : i32
    %dma_start3A_26 = arith.constant 0 : i32
    %dma_start3A_27 = tpu.memref_slice %arg7[%dma_start3A_23, %dma_start3A_24, %dma_start3A_25, %dma_start3A_26] : memref<2x4x64x128xf32, #tpu.memory_space<vmem>> -> memref<1x1x64x128xf32, #tpu.memory_space<vmem>>
    %dma_start3A_28 = tpu.memref_squeeze %dma_start3A_27 : memref<1x1x64x128xf32, #tpu.memory_space<vmem>> -> memref<64x128xf32, #tpu.memory_space<vmem>>
    %dma_start3A_29 = arith.constant 0 : i32
    %dma_start3A_30 = tpu.memref_slice %arg5[%dma_start3A_21, %dma_start3A_22, %dma_start3A_29] : memref<2x4x128xi32, #tpu.memory_space<vmem>> -> memref<1x1x64xi32, #tpu.memory_space<vmem>>
    %dma_start3A_31 = tpu.memref_squeeze %dma_start3A_30 : memref<1x1x64xi32, #tpu.memory_space<vmem>> -> memref<64xi32, #tpu.memory_space<vmem>>
    %dma_start3A_32 = arith.constant 0 : i32
    %dma_start3A_33 = arith.constant 0 : i32
    %dma_start3A_34 = tpu.memref_slice %arg2[%dma_start3A_32, %dma_start3A_33] : memref<24576x128xf32, #tpu.memory_space<hbm>> -> memref<24576x128xf32, #tpu.memory_space<hbm>>
    tpu.enqueue_indirect_dma source(%dma_start3A_34 : memref<24576x128xf32, #tpu.memory_space<hbm>>) target(%dma_start3A_28 : memref<64x128xf32, #tpu.memory_space<vmem>>) offsets(%dma_start3A_31 : memref<64xi32, #tpu.memory_space<vmem>>) semaphore(%arg9 : memref<!tpu.dma_semaphore, #tpu.memory_space<semaphore_mem>>)
    %dma_start3A_35 = arith.constant 0 : i32
    %dma_start3A_36 = arith.constant 2 : i32
    %dma_start3A_37 = arith.constant 0 : i32
    %dma_start3A_38 = arith.constant 2 : i32
    %dma_start3A_39 = arith.constant 0 : i32
    %dma_start3A_40 = arith.constant 0 : i32
    %dma_start3A_41 = tpu.memref_slice %arg7[%dma_start3A_37, %dma_start3A_38, %dma_start3A_39, %dma_start3A_40] : memref<2x4x64x128xf32, #tpu.memory_space<vmem>> -> memref<1x1x64x128xf32, #tpu.memory_space<vmem>>
    %dma_start3A_42 = tpu.memref_squeeze %dma_start3A_41 : memref<1x1x64x128xf32, #tpu.memory_space<vmem>> -> memref<64x128xf32, #tpu.memory_space<vmem>>
    %dma_start3A_43 = arith.constant 0 : i32
    %dma_start3A_44 = tpu.memref_slice %arg5[%dma_start3A_35, %dma_start3A_36, %dma_start3A_43] : memref<2x4x128xi32, #tpu.memory_space<vmem>> -> memref<1x1x64xi32, #tpu.memory_space<vmem>>
    %dma_start3A_45 = tpu.memref_squeeze %dma_start3A_44 : memref<1x1x64xi32, #tpu.memory_space<vmem>> -> memref<64xi32, #tpu.memory_space<vmem>>
    %dma_start3A_46 = arith.constant 0 : i32
    %dma_start3A_47 = arith.constant 0 : i32
    %dma_start3A_48 = tpu.memref_slice %arg2[%dma_start3A_46, %dma_start3A_47] : memref<24576x128xf32, #tpu.memory_space<hbm>> -> memref<24576x128xf32, #tpu.memory_space<hbm>>
    tpu.enqueue_indirect_dma source(%dma_start3A_48 : memref<24576x128xf32, #tpu.memory_space<hbm>>) target(%dma_start3A_42 : memref<64x128xf32, #tpu.memory_space<vmem>>) offsets(%dma_start3A_45 : memref<64xi32, #tpu.memory_space<vmem>>) semaphore(%arg9 : memref<!tpu.dma_semaphore, #tpu.memory_space<semaphore_mem>>)
    %dma_start3A_49 = arith.constant 0 : i32
    %dma_start3A_50 = arith.constant 3 : i32
    %dma_start3A_51 = arith.constant 0 : i32
    %dma_start3A_52 = arith.constant 3 : i32
    %dma_start3A_53 = arith.constant 0 : i32
    %dma_start3A_54 = arith.constant 0 : i32
    %dma_start3A_55 = tpu.memref_slice %arg7[%dma_start3A_51, %dma_start3A_52, %dma_start3A_53, %dma_start3A_54] : memref<2x4x64x128xf32, #tpu.memory_space<vmem>> -> memref<1x1x64x128xf32, #tpu.memory_space<vmem>>
    %dma_start3A_56 = tpu.memref_squeeze %dma_start3A_55 : memref<1x1x64x128xf32, #tpu.memory_space<vmem>> -> memref<64x128xf32, #tpu.memory_space<vmem>>
    %dma_start3A_57 = arith.constant 0 : i32
    %dma_start3A_58 = tpu.memref_slice %arg5[%dma_start3A_49, %dma_start3A_50, %dma_start3A_57] : memref<2x4x128xi32, #tpu.memory_space<vmem>> -> memref<1x1x64xi32, #tpu.memory_space<vmem>>
    %dma_start3A_59 = tpu.memref_squeeze %dma_start3A_58 : memref<1x1x64xi32, #tpu.memory_space<vmem>> -> memref<64xi32, #tpu.memory_space<vmem>>
    %dma_start3A_60 = arith.constant 0 : i32
    %dma_start3A_61 = arith.constant 0 : i32
    %dma_start3A_62 = tpu.memref_slice %arg2[%dma_start3A_60, %dma_start3A_61] : memref<24576x128xf32, #tpu.memory_space<hbm>> -> memref<24576x128xf32, #tpu.memory_space<hbm>>
    tpu.enqueue_indirect_dma source(%dma_start3A_62 : memref<24576x128xf32, #tpu.memory_space<hbm>>) target(%dma_start3A_56 : memref<64x128xf32, #tpu.memory_space<vmem>>) offsets(%dma_start3A_59 : memref<64xi32, #tpu.memory_space<vmem>>) semaphore(%arg9 : memref<!tpu.dma_semaphore, #tpu.memory_space<semaphore_mem>>)
    %scan3A = arith.constant 0 : i32
    %scan3A_63 = arith.constant 0 : i32
    %scan3A_64 = arith.constant 32 : i32
    %scan3A_65 = arith.addi %scan3A_63, %scan3A_64 : i32
    %scan3A_66 = arith.constant 1 : i32
    scf.for %scan3A_68 = %scan3A_63 to %scan3A_65 step %scan3A_66  : i32 {
      %rem3A = arith.constant 2 : i32
      %rem3A_69 = arith.remsi %scan3A_68, %rem3A : i32
      %add3A_70 = arith.constant 1 : i32
      %add3A_71 = arith.addi %scan3A_68, %add3A_70 : i32
      %rem3A_72 = arith.constant 2 : i32
      %rem3A_73 = arith.remsi %add3A_71, %rem3A_72 : i32
      %add3A_74 = arith.constant 1 : i32
      %add3A_75 = arith.addi %scan3A_68, %add3A_74 : i32
      %lt3A = arith.constant 32 : i32
      %lt3A_76 = arith.cmpi slt, %add3A_75, %lt3A : i32
      %convert_element_type3A = arith.extui %lt3A_76 : i1 to i32
      %cond3A = arith.constant 0 : i32
      %cond3A_77 = arith.cmpi ne, %convert_element_type3A, %cond3A : i32
      scf.if %cond3A_77 {
        %add3A_134 = arith.constant 1 : i32
        %add3A_135 = arith.addi %scan3A_68, %add3A_134 : i32
        %mul3A_136 = arith.constant 4 : i32
        %mul3A_137 = arith.muli %add3A_135, %mul3A_136 : i32
        %add3A_138 = arith.addi %mul3A_2, %mul3A_137 : i32
        "tpu.region"() ({
          %run_scoped3A_189 = tpu.sem_alloc : memref<!tpu.dma_semaphore, #tpu.memory_space<semaphore_mem>>
          %dma_start3A_190 = arith.constant 0 : i32
          %dma_start3A_191 = arith.constant 0 : i32
          %dma_start3A_192 = tpu.memref_slice %arg5[%rem3A_73, %dma_start3A_190, %dma_start3A_191] : memref<2x4x128xi32, #tpu.memory_space<vmem>> -> memref<1x4x128xi32, #tpu.memory_space<vmem>>
          %dma_start3A_193 = tpu.memref_squeeze %dma_start3A_192 : memref<1x4x128xi32, #tpu.memory_space<vmem>> -> memref<4x128xi32, #tpu.memory_space<vmem>>
          %dma_start3A_194 = arith.constant 0 : i32
          %dma_start3A_195 = tpu.memref_slice %arg3[%add3A_138, %dma_start3A_194] : memref<4096x128xi32, #tpu.memory_space<hbm>> -> memref<4x128xi32, #tpu.memory_space<hbm>>
          %dma_start3A_196 = arith.constant 0 : i32
          %dma_start3A_197 = arith.constant 0 : i32
          %dma_start3A_198 = tpu.memref_slice %arg5[%rem3A_73, %dma_start3A_196, %dma_start3A_197] : memref<2x4x128xi32, #tpu.memory_space<vmem>> -> memref<1x4x128xi32, #tpu.memory_space<vmem>>
          %dma_start3A_199 = tpu.memref_squeeze %dma_start3A_198 : memref<1x4x128xi32, #tpu.memory_space<vmem>> -> memref<4x128xi32, #tpu.memory_space<vmem>>
          %dma_start3A_200 = arith.constant 0 : i32
          %dma_start3A_201 = tpu.memref_slice %arg3[%add3A_138, %dma_start3A_200] : memref<4096x128xi32, #tpu.memory_space<hbm>> -> memref<4x128xi32, #tpu.memory_space<hbm>>
          tpu.enqueue_dma source(%dma_start3A_201 : memref<4x128xi32, #tpu.memory_space<hbm>>) target(%dma_start3A_199 : memref<4x128xi32, #tpu.memory_space<vmem>>) target_semaphore(%run_scoped3A_189 : memref<!tpu.dma_semaphore, #tpu.memory_space<semaphore_mem>>)
          %dma_wait3A_202 = arith.constant 0 : i32
          %dma_wait3A_203 = arith.constant 0 : i32
          %dma_wait3A_204 = tpu.memref_slice %arg5[%rem3A_73, %dma_wait3A_202, %dma_wait3A_203] : memref<2x4x128xi32, #tpu.memory_space<vmem>> -> memref<1x4x128xi32, #tpu.memory_space<vmem>>
          %dma_wait3A_205 = tpu.memref_squeeze %dma_wait3A_204 : memref<1x4x128xi32, #tpu.memory_space<vmem>> -> memref<4x128xi32, #tpu.memory_space<vmem>>
          %dma_wait3A_206 = arith.constant 0 : i32
          %dma_wait3A_207 = tpu.memref_slice %arg3[%add3A_138, %dma_wait3A_206] : memref<4096x128xi32, #tpu.memory_space<hbm>> -> memref<4x128xi32, #tpu.memory_space<hbm>>
          %dma_wait3A_208 = arith.constant 0 : i32
          %dma_wait3A_209 = arith.constant 0 : i32
          %dma_wait3A_210 = tpu.memref_slice %arg5[%rem3A_73, %dma_wait3A_208, %dma_wait3A_209] : memref<2x4x128xi32, #tpu.memory_space<vmem>> -> memref<1x4x128xi32, #tpu.memory_space<vmem>>
          %dma_wait3A_211 = tpu.memref_squeeze %dma_wait3A_210 : memref<1x4x128xi32, #tpu.memory_space<vmem>> -> memref<4x128xi32, #tpu.memory_space<vmem>>
          %dma_wait3A_212 = arith.constant 0 : i32
          %dma_wait3A_213 = tpu.memref_slice %arg3[%add3A_138, %dma_wait3A_212] : memref<4096x128xi32, #tpu.memory_space<hbm>> -> memref<4x128xi32, #tpu.memory_space<hbm>>
          tpu.wait_dma2 semaphore(%run_scoped3A_189 : memref<!tpu.dma_semaphore, #tpu.memory_space<semaphore_mem>>) src(%dma_wait3A_213 : memref<4x128xi32, #tpu.memory_space<hbm>>) dst(%dma_wait3A_211 : memref<4x128xi32, #tpu.memory_space<vmem>>)
          tpu.yield
        }) : () -> ()
        %mul3A_139 = arith.constant 6 : i32
        %mul3A_140 = arith.muli %add3A_138, %mul3A_139 : i32
        "tpu.region"() ({
          %run_scoped3A_189 = tpu.sem_alloc : memref<!tpu.dma_semaphore, #tpu.memory_space<semaphore_mem>>
          %dma_start3A_190 = arith.constant 0 : i32
          %dma_start3A_191 = arith.constant 0 : i32
          %dma_start3A_192 = tpu.memref_slice %arg6[%rem3A_73, %dma_start3A_190, %dma_start3A_191] : memref<2x24x128xf32, #tpu.memory_space<vmem>> -> memref<1x24x128xf32, #tpu.memory_space<vmem>>
          %dma_start3A_193 = tpu.memref_squeeze %dma_start3A_192 : memref<1x24x128xf32, #tpu.memory_space<vmem>> -> memref<24x128xf32, #tpu.memory_space<vmem>>
          %dma_start3A_194 = arith.constant 0 : i32
          %dma_start3A_195 = tpu.memref_slice %arg2[%mul3A_140, %dma_start3A_194] : memref<24576x128xf32, #tpu.memory_space<hbm>> -> memref<24x128xf32, #tpu.memory_space<hbm>>
          %dma_start3A_196 = arith.constant 0 : i32
          %dma_start3A_197 = arith.constant 0 : i32
          %dma_start3A_198 = tpu.memref_slice %arg6[%rem3A_73, %dma_start3A_196, %dma_start3A_197] : memref<2x24x128xf32, #tpu.memory_space<vmem>> -> memref<1x24x128xf32, #tpu.memory_space<vmem>>
          %dma_start3A_199 = tpu.memref_squeeze %dma_start3A_198 : memref<1x24x128xf32, #tpu.memory_space<vmem>> -> memref<24x128xf32, #tpu.memory_space<vmem>>
          %dma_start3A_200 = arith.constant 0 : i32
          %dma_start3A_201 = tpu.memref_slice %arg2[%mul3A_140, %dma_start3A_200] : memref<24576x128xf32, #tpu.memory_space<hbm>> -> memref<24x128xf32, #tpu.memory_space<hbm>>
          tpu.enqueue_dma source(%dma_start3A_201 : memref<24x128xf32, #tpu.memory_space<hbm>>) target(%dma_start3A_199 : memref<24x128xf32, #tpu.memory_space<vmem>>) target_semaphore(%run_scoped3A_189 : memref<!tpu.dma_semaphore, #tpu.memory_space<semaphore_mem>>)
          %dma_wait3A_202 = arith.constant 0 : i32
          %dma_wait3A_203 = arith.constant 0 : i32
          %dma_wait3A_204 = tpu.memref_slice %arg6[%rem3A_73, %dma_wait3A_202, %dma_wait3A_203] : memref<2x24x128xf32, #tpu.memory_space<vmem>> -> memref<1x24x128xf32, #tpu.memory_space<vmem>>
          %dma_wait3A_205 = tpu.memref_squeeze %dma_wait3A_204 : memref<1x24x128xf32, #tpu.memory_space<vmem>> -> memref<24x128xf32, #tpu.memory_space<vmem>>
          %dma_wait3A_206 = arith.constant 0 : i32
          %dma_wait3A_207 = tpu.memref_slice %arg2[%mul3A_140, %dma_wait3A_206] : memref<24576x128xf32, #tpu.memory_space<hbm>> -> memref<24x128xf32, #tpu.memory_space<hbm>>
          %dma_wait3A_208 = arith.constant 0 : i32
          %dma_wait3A_209 = arith.constant 0 : i32
          %dma_wait3A_210 = tpu.memref_slice %arg6[%rem3A_73, %dma_wait3A_208, %dma_wait3A_209] : memref<2x24x128xf32, #tpu.memory_space<vmem>> -> memref<1x24x128xf32, #tpu.memory_space<vmem>>
          %dma_wait3A_211 = tpu.memref_squeeze %dma_wait3A_210 : memref<1x24x128xf32, #tpu.memory_space<vmem>> -> memref<24x128xf32, #tpu.memory_space<vmem>>
          %dma_wait3A_212 = arith.constant 0 : i32
          %dma_wait3A_213 = tpu.memref_slice %arg2[%mul3A_140, %dma_wait3A_212] : memref<24576x128xf32, #tpu.memory_space<hbm>> -> memref<24x128xf32, #tpu.memory_space<hbm>>
          tpu.wait_dma2 semaphore(%run_scoped3A_189 : memref<!tpu.dma_semaphore, #tpu.memory_space<semaphore_mem>>) src(%dma_wait3A_213 : memref<24x128xf32, #tpu.memory_space<hbm>>) dst(%dma_wait3A_211 : memref<24x128xf32, #tpu.memory_space<vmem>>)
          tpu.yield
        }) : () -> ()
        %dma_start3A_141 = arith.constant 0 : i32
        %dma_start3A_142 = arith.constant 0 : i32
        %dma_start3A_143 = arith.constant 0 : i32
        %dma_start3A_144 = arith.constant 0 : i32
        %dma_start3A_145 = tpu.memref_slice %arg7[%rem3A_73, %dma_start3A_142, %dma_start3A_143, %dma_start3A_144] : memref<2x4x64x128xf32, #tpu.memory_space<vmem>> -> memref<1x1x64x128xf32, #tpu.memory_space<vmem>>
        %dma_start3A_146 = tpu.memref_squeeze %dma_start3A_145 : memref<1x1x64x128xf32, #tpu.memory_space<vmem>> -> memref<64x128xf32, #tpu.memory_space<vmem>>
        %dma_start3A_147 = arith.constant 0 : i32
        %dma_start3A_148 = tpu.memref_slice %arg5[%rem3A_73, %dma_start3A_141, %dma_start3A_147] : memref<2x4x128xi32, #tpu.memory_space<vmem>> -> memref<1x1x64xi32, #tpu.memory_space<vmem>>
        %dma_start3A_149 = tpu.memref_squeeze %dma_start3A_148 : memref<1x1x64xi32, #tpu.memory_space<vmem>> -> memref<64xi32, #tpu.memory_space<vmem>>
        %dma_start3A_150 = arith.constant 0 : i32
        %dma_start3A_151 = arith.constant 0 : i32
        %dma_start3A_152 = tpu.memref_slice %arg2[%dma_start3A_150, %dma_start3A_151] : memref<24576x128xf32, #tpu.memory_space<hbm>> -> memref<24576x128xf32, #tpu.memory_space<hbm>>
        tpu.enqueue_indirect_dma source(%dma_start3A_152 : memref<24576x128xf32, #tpu.memory_space<hbm>>) target(%dma_start3A_146 : memref<64x128xf32, #tpu.memory_space<vmem>>) offsets(%dma_start3A_149 : memref<64xi32, #tpu.memory_space<vmem>>) semaphore(%arg9 : memref<!tpu.dma_semaphore, #tpu.memory_space<semaphore_mem>>)
        %dma_start3A_153 = arith.constant 1 : i32
        %dma_start3A_154 = arith.constant 1 : i32
        %dma_start3A_155 = arith.constant 0 : i32
        %dma_start3A_156 = arith.constant 0 : i32
        %dma_start3A_157 = tpu.memref_slice %arg7[%rem3A_73, %dma_start3A_154, %dma_start3A_155, %dma_start3A_156] : memref<2x4x64x128xf32, #tpu.memory_space<vmem>> -> memref<1x1x64x128xf32, #tpu.memory_space<vmem>>
        %dma_start3A_158 = tpu.memref_squeeze %dma_start3A_157 : memref<1x1x64x128xf32, #tpu.memory_space<vmem>> -> memref<64x128xf32, #tpu.memory_space<vmem>>
        %dma_start3A_159 = arith.constant 0 : i32
        %dma_start3A_160 = tpu.memref_slice %arg5[%rem3A_73, %dma_start3A_153, %dma_start3A_159] : memref<2x4x128xi32, #tpu.memory_space<vmem>> -> memref<1x1x64xi32, #tpu.memory_space<vmem>>
        %dma_start3A_161 = tpu.memref_squeeze %dma_start3A_160 : memref<1x1x64xi32, #tpu.memory_space<vmem>> -> memref<64xi32, #tpu.memory_space<vmem>>
        %dma_start3A_162 = arith.constant 0 : i32
        %dma_start3A_163 = arith.constant 0 : i32
        %dma_start3A_164 = tpu.memref_slice %arg2[%dma_start3A_162, %dma_start3A_163] : memref<24576x128xf32, #tpu.memory_space<hbm>> -> memref<24576x128xf32, #tpu.memory_space<hbm>>
        tpu.enqueue_indirect_dma source(%dma_start3A_164 : memref<24576x128xf32, #tpu.memory_space<hbm>>) target(%dma_start3A_158 : memref<64x128xf32, #tpu.memory_space<vmem>>) offsets(%dma_start3A_161 : memref<64xi32, #tpu.memory_space<vmem>>) semaphore(%arg9 : memref<!tpu.dma_semaphore, #tpu.memory_space<semaphore_mem>>)
        %dma_start3A_165 = arith.constant 2 : i32
        %dma_start3A_166 = arith.constant 2 : i32
        %dma_start3A_167 = arith.constant 0 : i32
        %dma_start3A_168 = arith.constant 0 : i32
        %dma_start3A_169 = tpu.memref_slice %arg7[%rem3A_73, %dma_start3A_166, %dma_start3A_167, %dma_start3A_168] : memref<2x4x64x128xf32, #tpu.memory_space<vmem>> -> memref<1x1x64x128xf32, #tpu.memory_space<vmem>>
        %dma_start3A_170 = tpu.memref_squeeze %dma_start3A_169 : memref<1x1x64x128xf32, #tpu.memory_space<vmem>> -> memref<64x128xf32, #tpu.memory_space<vmem>>
        %dma_start3A_171 = arith.constant 0 : i32
        %dma_start3A_172 = tpu.memref_slice %arg5[%rem3A_73, %dma_start3A_165, %dma_start3A_171] : memref<2x4x128xi32, #tpu.memory_space<vmem>> -> memref<1x1x64xi32, #tpu.memory_space<vmem>>
        %dma_start3A_173 = tpu.memref_squeeze %dma_start3A_172 : memref<1x1x64xi32, #tpu.memory_space<vmem>> -> memref<64xi32, #tpu.memory_space<vmem>>
        %dma_start3A_174 = arith.constant 0 : i32
        %dma_start3A_175 = arith.constant 0 : i32
        %dma_start3A_176 = tpu.memref_slice %arg2[%dma_start3A_174, %dma_start3A_175] : memref<24576x128xf32, #tpu.memory_space<hbm>> -> memref<24576x128xf32, #tpu.memory_space<hbm>>
        tpu.enqueue_indirect_dma source(%dma_start3A_176 : memref<24576x128xf32, #tpu.memory_space<hbm>>) target(%dma_start3A_170 : memref<64x128xf32, #tpu.memory_space<vmem>>) offsets(%dma_start3A_173 : memref<64xi32, #tpu.memory_space<vmem>>) semaphore(%arg9 : memref<!tpu.dma_semaphore, #tpu.memory_space<semaphore_mem>>)
        %dma_start3A_177 = arith.constant 3 : i32
        %dma_start3A_178 = arith.constant 3 : i32
        %dma_start3A_179 = arith.constant 0 : i32
        %dma_start3A_180 = arith.constant 0 : i32
        %dma_start3A_181 = tpu.memref_slice %arg7[%rem3A_73, %dma_start3A_178, %dma_start3A_179, %dma_start3A_180] : memref<2x4x64x128xf32, #tpu.memory_space<vmem>> -> memref<1x1x64x128xf32, #tpu.memory_space<vmem>>
        %dma_start3A_182 = tpu.memref_squeeze %dma_start3A_181 : memref<1x1x64x128xf32, #tpu.memory_space<vmem>> -> memref<64x128xf32, #tpu.memory_space<vmem>>
        %dma_start3A_183 = arith.constant 0 : i32
        %dma_start3A_184 = tpu.memref_slice %arg5[%rem3A_73, %dma_start3A_177, %dma_start3A_183] : memref<2x4x128xi32, #tpu.memory_space<vmem>> -> memref<1x1x64xi32, #tpu.memory_space<vmem>>
        %dma_start3A_185 = tpu.memref_squeeze %dma_start3A_184 : memref<1x1x64xi32, #tpu.memory_space<vmem>> -> memref<64xi32, #tpu.memory_space<vmem>>
        %dma_start3A_186 = arith.constant 0 : i32
        %dma_start3A_187 = arith.constant 0 : i32
        %dma_start3A_188 = tpu.memref_slice %arg2[%dma_start3A_186, %dma_start3A_187] : memref<24576x128xf32, #tpu.memory_space<hbm>> -> memref<24576x128xf32, #tpu.memory_space<hbm>>
        tpu.enqueue_indirect_dma source(%dma_start3A_188 : memref<24576x128xf32, #tpu.memory_space<hbm>>) target(%dma_start3A_182 : memref<64x128xf32, #tpu.memory_space<vmem>>) offsets(%dma_start3A_185 : memref<64xi32, #tpu.memory_space<vmem>>) semaphore(%arg9 : memref<!tpu.dma_semaphore, #tpu.memory_space<semaphore_mem>>)
      } else {
      }
      %dma_wait3A = arith.constant 0 : i32
      %dma_wait3A_78 = arith.constant 0 : i32
      %dma_wait3A_79 = arith.constant 0 : i32
      %dma_wait3A_80 = arith.constant 0 : i32
      %dma_wait3A_81 = tpu.memref_slice %arg7[%rem3A_69, %dma_wait3A_78, %dma_wait3A_79, %dma_wait3A_80] : memref<2x4x64x128xf32, #tpu.memory_space<vmem>> -> memref<1x1x64x128xf32, #tpu.memory_space<vmem>>
      %dma_wait3A_82 = tpu.memref_squeeze %dma_wait3A_81 : memref<1x1x64x128xf32, #tpu.memory_space<vmem>> -> memref<64x128xf32, #tpu.memory_space<vmem>>
      %dma_wait3A_83 = arith.constant 0 : i32
      %dma_wait3A_84 = tpu.memref_slice %arg5[%rem3A_69, %dma_wait3A, %dma_wait3A_83] : memref<2x4x128xi32, #tpu.memory_space<vmem>> -> memref<1x1x64xi32, #tpu.memory_space<vmem>>
      %dma_wait3A_85 = tpu.memref_squeeze %dma_wait3A_84 : memref<1x1x64xi32, #tpu.memory_space<vmem>> -> memref<64xi32, #tpu.memory_space<vmem>>
      %dma_wait3A_86 = arith.constant 0 : i32
      %dma_wait3A_87 = arith.constant 0 : i32
      %dma_wait3A_88 = tpu.memref_slice %arg2[%dma_wait3A_86, %dma_wait3A_87] : memref<24576x128xf32, #tpu.memory_space<hbm>> -> memref<24576x128xf32, #tpu.memory_space<hbm>>
      tpu.wait_indirect_dma semaphore(%arg9 : memref<!tpu.dma_semaphore, #tpu.memory_space<semaphore_mem>>) src(%dma_wait3A_88 : memref<24576x128xf32, #tpu.memory_space<hbm>>) dst(%dma_wait3A_82 : memref<64x128xf32, #tpu.memory_space<vmem>>)
      %dma_wait3A_89 = arith.constant 1 : i32
      %dma_wait3A_90 = arith.constant 1 : i32
      %dma_wait3A_91 = arith.constant 0 : i32
      %dma_wait3A_92 = arith.constant 0 : i32
      %dma_wait3A_93 = tpu.memref_slice %arg7[%rem3A_69, %dma_wait3A_90, %dma_wait3A_91, %dma_wait3A_92] : memref<2x4x64x128xf32, #tpu.memory_space<vmem>> -> memref<1x1x64x128xf32, #tpu.memory_space<vmem>>
      %dma_wait3A_94 = tpu.memref_squeeze %dma_wait3A_93 : memref<1x1x64x128xf32, #tpu.memory_space<vmem>> -> memref<64x128xf32, #tpu.memory_space<vmem>>
      %dma_wait3A_95 = arith.constant 0 : i32
      %dma_wait3A_96 = tpu.memref_slice %arg5[%rem3A_69, %dma_wait3A_89, %dma_wait3A_95] : memref<2x4x128xi32, #tpu.memory_space<vmem>> -> memref<1x1x64xi32, #tpu.memory_space<vmem>>
      %dma_wait3A_97 = tpu.memref_squeeze %dma_wait3A_96 : memref<1x1x64xi32, #tpu.memory_space<vmem>> -> memref<64xi32, #tpu.memory_space<vmem>>
      %dma_wait3A_98 = arith.constant 0 : i32
      %dma_wait3A_99 = arith.constant 0 : i32
      %dma_wait3A_100 = tpu.memref_slice %arg2[%dma_wait3A_98, %dma_wait3A_99] : memref<24576x128xf32, #tpu.memory_space<hbm>> -> memref<24576x128xf32, #tpu.memory_space<hbm>>
      tpu.wait_indirect_dma semaphore(%arg9 : memref<!tpu.dma_semaphore, #tpu.memory_space<semaphore_mem>>) src(%dma_wait3A_100 : memref<24576x128xf32, #tpu.memory_space<hbm>>) dst(%dma_wait3A_94 : memref<64x128xf32, #tpu.memory_space<vmem>>)
      %dma_wait3A_101 = arith.constant 2 : i32
      %dma_wait3A_102 = arith.constant 2 : i32
      %dma_wait3A_103 = arith.constant 0 : i32
      %dma_wait3A_104 = arith.constant 0 : i32
      %dma_wait3A_105 = tpu.memref_slice %arg7[%rem3A_69, %dma_wait3A_102, %dma_wait3A_103, %dma_wait3A_104] : memref<2x4x64x128xf32, #tpu.memory_space<vmem>> -> memref<1x1x64x128xf32, #tpu.memory_space<vmem>>
      %dma_wait3A_106 = tpu.memref_squeeze %dma_wait3A_105 : memref<1x1x64x128xf32, #tpu.memory_space<vmem>> -> memref<64x128xf32, #tpu.memory_space<vmem>>
      %dma_wait3A_107 = arith.constant 0 : i32
      %dma_wait3A_108 = tpu.memref_slice %arg5[%rem3A_69, %dma_wait3A_101, %dma_wait3A_107] : memref<2x4x128xi32, #tpu.memory_space<vmem>> -> memref<1x1x64xi32, #tpu.memory_space<vmem>>
      %dma_wait3A_109 = tpu.memref_squeeze %dma_wait3A_108 : memref<1x1x64xi32, #tpu.memory_space<vmem>> -> memref<64xi32, #tpu.memory_space<vmem>>
      %dma_wait3A_110 = arith.constant 0 : i32
      %dma_wait3A_111 = arith.constant 0 : i32
      %dma_wait3A_112 = tpu.memref_slice %arg2[%dma_wait3A_110, %dma_wait3A_111] : memref<24576x128xf32, #tpu.memory_space<hbm>> -> memref<24576x128xf32, #tpu.memory_space<hbm>>
      tpu.wait_indirect_dma semaphore(%arg9 : memref<!tpu.dma_semaphore, #tpu.memory_space<semaphore_mem>>) src(%dma_wait3A_112 : memref<24576x128xf32, #tpu.memory_space<hbm>>) dst(%dma_wait3A_106 : memref<64x128xf32, #tpu.memory_space<vmem>>)
      %dma_wait3A_113 = arith.constant 3 : i32
      %dma_wait3A_114 = arith.constant 3 : i32
      %dma_wait3A_115 = arith.constant 0 : i32
      %dma_wait3A_116 = arith.constant 0 : i32
      %dma_wait3A_117 = tpu.memref_slice %arg7[%rem3A_69, %dma_wait3A_114, %dma_wait3A_115, %dma_wait3A_116] : memref<2x4x64x128xf32, #tpu.memory_space<vmem>> -> memref<1x1x64x128xf32, #tpu.memory_space<vmem>>
      %dma_wait3A_118 = tpu.memref_squeeze %dma_wait3A_117 : memref<1x1x64x128xf32, #tpu.memory_space<vmem>> -> memref<64x128xf32, #tpu.memory_space<vmem>>
      %dma_wait3A_119 = arith.constant 0 : i32
      %dma_wait3A_120 = tpu.memref_slice %arg5[%rem3A_69, %dma_wait3A_113, %dma_wait3A_119] : memref<2x4x128xi32, #tpu.memory_space<vmem>> -> memref<1x1x64xi32, #tpu.memory_space<vmem>>
      %dma_wait3A_121 = tpu.memref_squeeze %dma_wait3A_120 : memref<1x1x64xi32, #tpu.memory_space<vmem>> -> memref<64xi32, #tpu.memory_space<vmem>>
      %dma_wait3A_122 = arith.constant 0 : i32
      %dma_wait3A_123 = arith.constant 0 : i32
      %dma_wait3A_124 = tpu.memref_slice %arg2[%dma_wait3A_122, %dma_wait3A_123] : memref<24576x128xf32, #tpu.memory_space<hbm>> -> memref<24576x128xf32, #tpu.memory_space<hbm>>
      tpu.wait_indirect_dma semaphore(%arg9 : memref<!tpu.dma_semaphore, #tpu.memory_space<semaphore_mem>>) src(%dma_wait3A_124 : memref<24576x128xf32, #tpu.memory_space<hbm>>) dst(%dma_wait3A_118 : memref<64x128xf32, #tpu.memory_space<vmem>>)
      %scan3A_125 = arith.constant 0 : i32
      %scan3A_126 = arith.constant 0 : i32
      %scan3A_127 = arith.constant 4 : i32
      %scan3A_128 = arith.addi %scan3A_126, %scan3A_127 : i32
      %scan3A_129 = arith.constant 1 : i32
      scf.for %scan3A_134 = %scan3A_126 to %scan3A_128 step %scan3A_129  : i32 {
        %get3A = arith.constant 0 : i32
        %get3A_135 = arith.index_cast %rem3A_69 : i32 to index
        %get3A_136 = arith.index_cast %scan3A_134 : i32 to index
        %get3A_137 = arith.index_cast %get3A : i32 to index
        %get3A_138 = arith.constant 0 : index
        %get3A_139 = tpu.vector_load %arg7[%get3A_135, %get3A_136, %get3A_137, %get3A_138] {strides = array<i32>} : memref<2x4x64x128xf32, #tpu.memory_space<vmem>>, vector<1x1x1x16xf32>,
        %get3A_140 = vector.shape_cast %get3A_139 : vector<1x1x1x16xf32> to vector<16xf32>
        %get3A_141 = arith.constant 6 : i32
        %get3A_142 = arith.index_cast %rem3A_69 : i32 to index
        %get3A_143 = arith.index_cast %scan3A_134 : i32 to index
        %get3A_144 = arith.index_cast %get3A_141 : i32 to index
        %get3A_145 = arith.constant 0 : index
        %get3A_146 = tpu.vector_load %arg7[%get3A_142, %get3A_143, %get3A_144, %get3A_145] {strides = array<i32>} : memref<2x4x64x128xf32, #tpu.memory_space<vmem>>, vector<1x1x1x16xf32>,
        %get3A_147 = vector.shape_cast %get3A_146 : vector<1x1x1x16xf32> to vector<16xf32>
        %max3A = arith.maximumf %get3A_140, %get3A_147 : vector<16xf32>
        %get3A_148 = arith.constant 12 : i32
        %get3A_149 = arith.index_cast %rem3A_69 : i32 to index
        %get3A_150 = arith.index_cast %scan3A_134 : i32 to index
        %get3A_151 = arith.index_cast %get3A_148 : i32 to index
        %get3A_152 = arith.constant 0 : index
        %get3A_153 = tpu.vector_load %arg7[%get3A_149, %get3A_150, %get3A_151, %get3A_152] {strides = array<i32>} : memref<2x4x64x128xf32, #tpu.memory_space<vmem>>, vector<1x1x1x16xf32>,
        %get3A_154 = vector.shape_cast %get3A_153 : vector<1x1x1x16xf32> to vector<16xf32>
        %max3A_155 = arith.maximumf %max3A, %get3A_154 : vector<16xf32>
        %get3A_156 = arith.constant 18 : i32
        %get3A_157 = arith.index_cast %rem3A_69 : i32 to index
        %get3A_158 = arith.index_cast %scan3A_134 : i32 to index
        %get3A_159 = arith.index_cast %get3A_156 : i32 to index
        %get3A_160 = arith.constant 0 : index
        %get3A_161 = tpu.vector_load %arg7[%get3A_157, %get3A_158, %get3A_159, %get3A_160] {strides = array<i32>} : memref<2x4x64x128xf32, #tpu.memory_space<vmem>>, vector<1x1x1x16xf32>,
        %get3A_162 = vector.shape_cast %get3A_161 : vector<1x1x1x16xf32> to vector<16xf32>
        %max3A_163 = arith.maximumf %max3A_155, %get3A_162 : vector<16xf32>
        %get3A_164 = arith.constant 24 : i32
        %get3A_165 = arith.index_cast %rem3A_69 : i32 to index
        %get3A_166 = arith.index_cast %scan3A_134 : i32 to index
        %get3A_167 = arith.index_cast %get3A_164 : i32 to index
        %get3A_168 = arith.constant 0 : index
        %get3A_169 = tpu.vector_load %arg7[%get3A_165, %get3A_166, %get3A_167, %get3A_168] {strides = array<i32>} : memref<2x4x64x128xf32, #tpu.memory_space<vmem>>, vector<1x1x1x16xf32>,
        %get3A_170 = vector.shape_cast %get3A_169 : vector<1x1x1x16xf32> to vector<16xf32>
        %max3A_171 = arith.maximumf %max3A_163, %get3A_170 : vector<16xf32>
        %get3A_172 = arith.constant 30 : i32
        %get3A_173 = arith.index_cast %rem3A_69 : i32 to index
        %get3A_174 = arith.index_cast %scan3A_134 : i32 to index
        %get3A_175 = arith.index_cast %get3A_172 : i32 to index
        %get3A_176 = arith.constant 0 : index
        %get3A_177 = tpu.vector_load %arg7[%get3A_173, %get3A_174, %get3A_175, %get3A_176] {strides = array<i32>} : memref<2x4x64x128xf32, #tpu.memory_space<vmem>>, vector<1x1x1x16xf32>,
        %get3A_178 = vector.shape_cast %get3A_177 : vector<1x1x1x16xf32> to vector<16xf32>
        %max3A_179 = arith.maximumf %max3A_171, %get3A_178 : vector<16xf32>
        %get3A_180 = arith.constant 36 : i32
        %get3A_181 = arith.index_cast %rem3A_69 : i32 to index
        %get3A_182 = arith.index_cast %scan3A_134 : i32 to index
        %get3A_183 = arith.index_cast %get3A_180 : i32 to index
        %get3A_184 = arith.constant 0 : index
        %get3A_185 = tpu.vector_load %arg7[%get3A_181, %get3A_182, %get3A_183, %get3A_184] {strides = array<i32>} : memref<2x4x64x128xf32, #tpu.memory_space<vmem>>, vector<1x1x1x16xf32>,
        %get3A_186 = vector.shape_cast %get3A_185 : vector<1x1x1x16xf32> to vector<16xf32>
        %max3A_187 = arith.maximumf %max3A_179, %get3A_186 : vector<16xf32>
        %get3A_188 = arith.constant 42 : i32
        %get3A_189 = arith.index_cast %rem3A_69 : i32 to index
        %get3A_190 = arith.index_cast %scan3A_134 : i32 to index
        %get3A_191 = arith.index_cast %get3A_188 : i32 to index
        %get3A_192 = arith.constant 0 : index
        %get3A_193 = tpu.vector_load %arg7[%get3A_189, %get3A_190, %get3A_191, %get3A_192] {strides = array<i32>} : memref<2x4x64x128xf32, #tpu.memory_space<vmem>>, vector<1x1x1x16xf32>,
        %get3A_194 = vector.shape_cast %get3A_193 : vector<1x1x1x16xf32> to vector<16xf32>
        %max3A_195 = arith.maximumf %max3A_187, %get3A_194 : vector<16xf32>
        %get3A_196 = arith.constant 48 : i32
        %get3A_197 = arith.index_cast %rem3A_69 : i32 to index
        %get3A_198 = arith.index_cast %scan3A_134 : i32 to index
        %get3A_199 = arith.index_cast %get3A_196 : i32 to index
        %get3A_200 = arith.constant 0 : index
        %get3A_201 = tpu.vector_load %arg7[%get3A_197, %get3A_198, %get3A_199, %get3A_200] {strides = array<i32>} : memref<2x4x64x128xf32, #tpu.memory_space<vmem>>, vector<1x1x1x16xf32>,
        %get3A_202 = vector.shape_cast %get3A_201 : vector<1x1x1x16xf32> to vector<16xf32>
        %max3A_203 = arith.maximumf %max3A_195, %get3A_202 : vector<16xf32>
        %mul3A_204 = arith.constant 6 : i32
        %mul3A_205 = arith.muli %scan3A_134, %mul3A_204 : i32
        %add3A_206 = arith.constant 0 : i32
        %add3A_207 = arith.addi %mul3A_205, %add3A_206 : i32
        %get3A_208 = arith.index_cast %rem3A_69 : i32 to index
        %get3A_209 = arith.index_cast %add3A_207 : i32 to index
        %get3A_210 = arith.constant 0 : index
        %get3A_211 = tpu.vector_load %arg6[%get3A_208, %get3A_209, %get3A_210] {strides = array<i32>} : memref<2x24x128xf32, #tpu.memory_space<vmem>>, vector<1x1x16xf32>,
        %get3A_212 = vector.shape_cast %get3A_211 : vector<1x1x16xf32> to vector<16xf32>
        %sub3A = arith.subf %max3A_203, %get3A_212 : vector<16xf32>
        %swap3A = arith.index_cast %scan3A_134 : i32 to index
        %swap3A_213 = arith.constant 0 : index
        %swap3A_214 = tpu.vector_load %arg8[%swap3A, %swap3A_213] {strides = array<i32>} : memref<4x768xf32, #tpu.memory_space<vmem>>, vector<1x16xf32>,
        %swap3A_215 = vector.shape_cast %swap3A_214 : vector<1x16xf32> to vector<16xf32>
        %swap3A_216 = vector.shape_cast %sub3A : vector<16xf32> to vector<1x16xf32>
        tpu.vector_store %arg8[%swap3A, %swap3A_213], %swap3A_216 {strides = array<i32>} : memref<4x768xf32, #tpu.memory_space<vmem>>, vector<1x16xf32>,
        %get3A_217 = arith.constant 0 : i32
        %get3A_218 = arith.index_cast %rem3A_69 : i32 to index
        %get3A_219 = arith.index_cast %scan3A_134 : i32 to index
        %get3A_220 = arith.index_cast %get3A_217 : i32 to index
        %get3A_221 = arith.constant 16 : index
        %get3A_222 = tpu.vector_load %arg7[%get3A_218, %get3A_219, %get3A_220, %get3A_221] {strides = array<i32>} : memref<2x4x64x128xf32, #tpu.memory_space<vmem>>, vector<1x1x1x16xf32>,
        %get3A_223 = vector.shape_cast %get3A_222 : vector<1x1x1x16xf32> to vector<16xf32>
        %get3A_224 = arith.constant 6 : i32
        %get3A_225 = arith.index_cast %rem3A_69 : i32 to index
        %get3A_226 = arith.index_cast %scan3A_134 : i32 to index
        %get3A_227 = arith.index_cast %get3A_224 : i32 to index
        %get3A_228 = arith.constant 16 : index
        %get3A_229 = tpu.vector_load %arg7[%get3A_225, %get3A_226, %get3A_227, %get3A_228] {strides = array<i32>} : memref<2x4x64x128xf32, #tpu.memory_space<vmem>>, vector<1x1x1x16xf32>,
        %get3A_230 = vector.shape_cast %get3A_229 : vector<1x1x1x16xf32> to vector<16xf32>
        %max3A_231 = arith.maximumf %get3A_223, %get3A_230 : vector<16xf32>
        %get3A_232 = arith.constant 12 : i32
        %get3A_233 = arith.index_cast %rem3A_69 : i32 to index
        %get3A_234 = arith.index_cast %scan3A_134 : i32 to index
        %get3A_235 = arith.index_cast %get3A_232 : i32 to index
        %get3A_236 = arith.constant 16 : index
        %get3A_237 = tpu.vector_load %arg7[%get3A_233, %get3A_234, %get3A_235, %get3A_236] {strides = array<i32>} : memref<2x4x64x128xf32, #tpu.memory_space<vmem>>, vector<1x1x1x16xf32>,
        %get3A_238 = vector.shape_cast %get3A_237 : vector<1x1x1x16xf32> to vector<16xf32>
        %max3A_239 = arith.maximumf %max3A_231, %get3A_238 : vector<16xf32>
        %get3A_240 = arith.constant 18 : i32
        %get3A_241 = arith.index_cast %rem3A_69 : i32 to index
        %get3A_242 = arith.index_cast %scan3A_134 : i32 to index
        %get3A_243 = arith.index_cast %get3A_240 : i32 to index
        %get3A_244 = arith.constant 16 : index
        %get3A_245 = tpu.vector_load %arg7[%get3A_241, %get3A_242, %get3A_243, %get3A_244] {strides = array<i32>} : memref<2x4x64x128xf32, #tpu.memory_space<vmem>>, vector<1x1x1x16xf32>,
        %get3A_246 = vector.shape_cast %get3A_245 : vector<1x1x1x16xf32> to vector<16xf32>
        %max3A_247 = arith.maximumf %max3A_239, %get3A_246 : vector<16xf32>
        %get3A_248 = arith.constant 24 : i32
        %get3A_249 = arith.index_cast %rem3A_69 : i32 to index
        %get3A_250 = arith.index_cast %scan3A_134 : i32 to index
        %get3A_251 = arith.index_cast %get3A_248 : i32 to index
        %get3A_252 = arith.constant 16 : index
        %get3A_253 = tpu.vector_load %arg7[%get3A_249, %get3A_250, %get3A_251, %get3A_252] {strides = array<i32>} : memref<2x4x64x128xf32, #tpu.memory_space<vmem>>, vector<1x1x1x16xf32>,
        %get3A_254 = vector.shape_cast %get3A_253 : vector<1x1x1x16xf32> to vector<16xf32>
        %max3A_255 = arith.maximumf %max3A_247, %get3A_254 : vector<16xf32>
        %get3A_256 = arith.constant 30 : i32
        %get3A_257 = arith.index_cast %rem3A_69 : i32 to index
        %get3A_258 = arith.index_cast %scan3A_134 : i32 to index
        %get3A_259 = arith.index_cast %get3A_256 : i32 to index
        %get3A_260 = arith.constant 16 : index
        %get3A_261 = tpu.vector_load %arg7[%get3A_257, %get3A_258, %get3A_259, %get3A_260] {strides = array<i32>} : memref<2x4x64x128xf32, #tpu.memory_space<vmem>>, vector<1x1x1x16xf32>,
        %get3A_262 = vector.shape_cast %get3A_261 : vector<1x1x1x16xf32> to vector<16xf32>
        %max3A_263 = arith.maximumf %max3A_255, %get3A_262 : vector<16xf32>
        %get3A_264 = arith.constant 36 : i32
        %get3A_265 = arith.index_cast %rem3A_69 : i32 to index
        %get3A_266 = arith.index_cast %scan3A_134 : i32 to index
        %get3A_267 = arith.index_cast %get3A_264 : i32 to index
        %get3A_268 = arith.constant 16 : index
        %get3A_269 = tpu.vector_load %arg7[%get3A_265, %get3A_266, %get3A_267, %get3A_268] {strides = array<i32>} : memref<2x4x64x128xf32, #tpu.memory_space<vmem>>, vector<1x1x1x16xf32>,
        %get3A_270 = vector.shape_cast %get3A_269 : vector<1x1x1x16xf32> to vector<16xf32>
        %max3A_271 = arith.maximumf %max3A_263, %get3A_270 : vector<16xf32>
        %get3A_272 = arith.constant 42 : i32
        %get3A_273 = arith.index_cast %rem3A_69 : i32 to index
        %get3A_274 = arith.index_cast %scan3A_134 : i32 to index
        %get3A_275 = arith.index_cast %get3A_272 : i32 to index
        %get3A_276 = arith.constant 16 : index
        %get3A_277 = tpu.vector_load %arg7[%get3A_273, %get3A_274, %get3A_275, %get3A_276] {strides = array<i32>} : memref<2x4x64x128xf32, #tpu.memory_space<vmem>>, vector<1x1x1x16xf32>,
        %get3A_278 = vector.shape_cast %get3A_277 : vector<1x1x1x16xf32> to vector<16xf32>
        %max3A_279 = arith.maximumf %max3A_271, %get3A_278 : vector<16xf32>
        %get3A_280 = arith.constant 48 : i32
        %get3A_281 = arith.index_cast %rem3A_69 : i32 to index
        %get3A_282 = arith.index_cast %scan3A_134 : i32 to index
        %get3A_283 = arith.index_cast %get3A_280 : i32 to index
        %get3A_284 = arith.constant 16 : index
        %get3A_285 = tpu.vector_load %arg7[%get3A_281, %get3A_282, %get3A_283, %get3A_284] {strides = array<i32>} : memref<2x4x64x128xf32, #tpu.memory_space<vmem>>, vector<1x1x1x16xf32>,
        %get3A_286 = vector.shape_cast %get3A_285 : vector<1x1x1x16xf32> to vector<16xf32>
        %max3A_287 = arith.maximumf %max3A_279, %get3A_286 : vector<16xf32>
        %mul3A_288 = arith.constant 6 : i32
        %mul3A_289 = arith.muli %scan3A_134, %mul3A_288 : i32
        %add3A_290 = arith.constant 0 : i32
        %add3A_291 = arith.addi %mul3A_289, %add3A_290 : i32
        %get3A_292 = arith.index_cast %rem3A_69 : i32 to index
        %get3A_293 = arith.index_cast %add3A_291 : i32 to index
        %get3A_294 = arith.constant 16 : index
        %get3A_295 = tpu.vector_load %arg6[%get3A_292, %get3A_293, %get3A_294] {strides = array<i32>} : memref<2x24x128xf32, #tpu.memory_space<vmem>>, vector<1x1x16xf32>,
        %get3A_296 = vector.shape_cast %get3A_295 : vector<1x1x16xf32> to vector<16xf32>
        %sub3A_297 = arith.subf %max3A_287, %get3A_296 : vector<16xf32>
        %swap3A_298 = arith.index_cast %scan3A_134 : i32 to index
        %swap3A_299 = arith.constant 16 : index
        %swap3A_300 = tpu.vector_load %arg8[%swap3A_298, %swap3A_299] {strides = array<i32>} : memref<4x768xf32, #tpu.memory_space<vmem>>, vector<1x16xf32>,
        %swap3A_301 = vector.shape_cast %swap3A_300 : vector<1x16xf32> to vector<16xf32>
        %swap3A_302 = vector.shape_cast %sub3A_297 : vector<16xf32> to vector<1x16xf32>
        tpu.vector_store %arg8[%swap3A_298, %swap3A_299], %swap3A_302 {strides = array<i32>} : memref<4x768xf32, #tpu.memory_space<vmem>>, vector<1x16xf32>,
        %get3A_303 = arith.constant 0 : i32
        %get3A_304 = arith.index_cast %rem3A_69 : i32 to index
        %get3A_305 = arith.index_cast %scan3A_134 : i32 to index
        %get3A_306 = arith.index_cast %get3A_303 : i32 to index
        %get3A_307 = arith.constant 32 : index
        %get3A_308 = tpu.vector_load %arg7[%get3A_304, %get3A_305, %get3A_306, %get3A_307] {strides = array<i32>} : memref<2x4x64x128xf32, #tpu.memory_space<vmem>>, vector<1x1x1x16xf32>,
        %get3A_309 = vector.shape_cast %get3A_308 : vector<1x1x1x16xf32> to vector<16xf32>
        %get3A_310 = arith.constant 6 : i32
        %get3A_311 = arith.index_cast %rem3A_69 : i32 to index
        %get3A_312 = arith.index_cast %scan3A_134 : i32 to index
        %get3A_313 = arith.index_cast %get3A_310 : i32 to index
        %get3A_314 = arith.constant 32 : index
        %get3A_315 = tpu.vector_load %arg7[%get3A_311, %get3A_312, %get3A_313, %get3A_314] {strides = array<i32>} : memref<2x4x64x128xf32, #tpu.memory_space<vmem>>, vector<1x1x1x16xf32>,
        %get3A_316 = vector.shape_cast %get3A_315 : vector<1x1x1x16xf32> to vector<16xf32>
        %max3A_317 = arith.maximumf %get3A_309, %get3A_316 : vector<16xf32>
        %get3A_318 = arith.constant 12 : i32
        %get3A_319 = arith.index_cast %rem3A_69 : i32 to index
        %get3A_320 = arith.index_cast %scan3A_134 : i32 to index
        %get3A_321 = arith.index_cast %get3A_318 : i32 to index
        %get3A_322 = arith.constant 32 : index
        %get3A_323 = tpu.vector_load %arg7[%get3A_319, %get3A_320, %get3A_321, %get3A_322] {strides = array<i32>} : memref<2x4x64x128xf32, #tpu.memory_space<vmem>>, vector<1x1x1x16xf32>,
        %get3A_324 = vector.shape_cast %get3A_323 : vector<1x1x1x16xf32> to vector<16xf32>
        %max3A_325 = arith.maximumf %max3A_317, %get3A_324 : vector<16xf32>
        %get3A_326 = arith.constant 18 : i32
        %get3A_327 = arith.index_cast %rem3A_69 : i32 to index
        %get3A_328 = arith.index_cast %scan3A_134 : i32 to index
        %get3A_329 = arith.index_cast %get3A_326 : i32 to index
        %get3A_330 = arith.constant 32 : index
        %get3A_331 = tpu.vector_load %arg7[%get3A_327, %get3A_328, %get3A_329, %get3A_330] {strides = array<i32>} : memref<2x4x64x128xf32, #tpu.memory_space<vmem>>, vector<1x1x1x16xf32>,
        %get3A_332 = vector.shape_cast %get3A_331 : vector<1x1x1x16xf32> to vector<16xf32>
        %max3A_333 = arith.maximumf %max3A_325, %get3A_332 : vector<16xf32>
        %get3A_334 = arith.constant 24 : i32
        %get3A_335 = arith.index_cast %rem3A_69 : i32 to index
        %get3A_336 = arith.index_cast %scan3A_134 : i32 to index
        %get3A_337 = arith.index_cast %get3A_334 : i32 to index
        %get3A_338 = arith.constant 32 : index
        %get3A_339 = tpu.vector_load %arg7[%get3A_335, %get3A_336, %get3A_337, %get3A_338] {strides = array<i32>} : memref<2x4x64x128xf32, #tpu.memory_space<vmem>>, vector<1x1x1x16xf32>,
        %get3A_340 = vector.shape_cast %get3A_339 : vector<1x1x1x16xf32> to vector<16xf32>
        %max3A_341 = arith.maximumf %max3A_333, %get3A_340 : vector<16xf32>
        %get3A_342 = arith.constant 30 : i32
        %get3A_343 = arith.index_cast %rem3A_69 : i32 to index
        %get3A_344 = arith.index_cast %scan3A_134 : i32 to index
        %get3A_345 = arith.index_cast %get3A_342 : i32 to index
        %get3A_346 = arith.constant 32 : index
        %get3A_347 = tpu.vector_load %arg7[%get3A_343, %get3A_344, %get3A_345, %get3A_346] {strides = array<i32>} : memref<2x4x64x128xf32, #tpu.memory_space<vmem>>, vector<1x1x1x16xf32>,
        %get3A_348 = vector.shape_cast %get3A_347 : vector<1x1x1x16xf32> to vector<16xf32>
        %max3A_349 = arith.maximumf %max3A_341, %get3A_348 : vector<16xf32>
        %get3A_350 = arith.constant 36 : i32
        %get3A_351 = arith.index_cast %rem3A_69 : i32 to index
        %get3A_352 = arith.index_cast %scan3A_134 : i32 to index
        %get3A_353 = arith.index_cast %get3A_350 : i32 to index
        %get3A_354 = arith.constant 32 : index
        %get3A_355 = tpu.vector_load %arg7[%get3A_351, %get3A_352, %get3A_353, %get3A_354] {strides = array<i32>} : memref<2x4x64x128xf32, #tpu.memory_space<vmem>>, vector<1x1x1x16xf32>,
        %get3A_356 = vector.shape_cast %get3A_355 : vector<1x1x1x16xf32> to vector<16xf32>
        %max3A_357 = arith.maximumf %max3A_349, %get3A_356 : vector<16xf32>
        %get3A_358 = arith.constant 42 : i32
        %get3A_359 = arith.index_cast %rem3A_69 : i32 to index
        %get3A_360 = arith.index_cast %scan3A_134 : i32 to index
        %get3A_361 = arith.index_cast %get3A_358 : i32 to index
        %get3A_362 = arith.constant 32 : index
        %get3A_363 = tpu.vector_load %arg7[%get3A_359, %get3A_360, %get3A_361, %get3A_362] {strides = array<i32>} : memref<2x4x64x128xf32, #tpu.memory_space<vmem>>, vector<1x1x1x16xf32>,
        %get3A_364 = vector.shape_cast %get3A_363 : vector<1x1x1x16xf32> to vector<16xf32>
        %max3A_365 = arith.maximumf %max3A_357, %get3A_364 : vector<16xf32>
        %get3A_366 = arith.constant 48 : i32
        %get3A_367 = arith.index_cast %rem3A_69 : i32 to index
        %get3A_368 = arith.index_cast %scan3A_134 : i32 to index
        %get3A_369 = arith.index_cast %get3A_366 : i32 to index
        %get3A_370 = arith.constant 32 : index
        %get3A_371 = tpu.vector_load %arg7[%get3A_367, %get3A_368, %get3A_369, %get3A_370] {strides = array<i32>} : memref<2x4x64x128xf32, #tpu.memory_space<vmem>>, vector<1x1x1x16xf32>,
        %get3A_372 = vector.shape_cast %get3A_371 : vector<1x1x1x16xf32> to vector<16xf32>
        %max3A_373 = arith.maximumf %max3A_365, %get3A_372 : vector<16xf32>
        %mul3A_374 = arith.constant 6 : i32
        %mul3A_375 = arith.muli %scan3A_134, %mul3A_374 : i32
        %add3A_376 = arith.constant 0 : i32
        %add3A_377 = arith.addi %mul3A_375, %add3A_376 : i32
        %get3A_378 = arith.index_cast %rem3A_69 : i32 to index
        %get3A_379 = arith.index_cast %add3A_377 : i32 to index
        %get3A_380 = arith.constant 32 : index
        %get3A_381 = tpu.vector_load %arg6[%get3A_378, %get3A_379, %get3A_380] {strides = array<i32>} : memref<2x24x128xf32, #tpu.memory_space<vmem>>, vector<1x1x16xf32>,
        %get3A_382 = vector.shape_cast %get3A_381 : vector<1x1x16xf32> to vector<16xf32>
        %sub3A_383 = arith.subf %max3A_373, %get3A_382 : vector<16xf32>
        %swap3A_384 = arith.index_cast %scan3A_134 : i32 to index
        %swap3A_385 = arith.constant 32 : index
        %swap3A_386 = tpu.vector_load %arg8[%swap3A_384, %swap3A_385] {strides = array<i32>} : memref<4x768xf32, #tpu.memory_space<vmem>>, vector<1x16xf32>,
        %swap3A_387 = vector.shape_cast %swap3A_386 : vector<1x16xf32> to vector<16xf32>
        %swap3A_388 = vector.shape_cast %sub3A_383 : vector<16xf32> to vector<1x16xf32>
        tpu.vector_store %arg8[%swap3A_384, %swap3A_385], %swap3A_388 {strides = array<i32>} : memref<4x768xf32, #tpu.memory_space<vmem>>, vector<1x16xf32>,
        %get3A_389 = arith.constant 0 : i32
        %get3A_390 = arith.index_cast %rem3A_69 : i32 to index
        %get3A_391 = arith.index_cast %scan3A_134 : i32 to index
        %get3A_392 = arith.index_cast %get3A_389 : i32 to index
        %get3A_393 = arith.constant 48 : index
        %get3A_394 = tpu.vector_load %arg7[%get3A_390, %get3A_391, %get3A_392, %get3A_393] {strides = array<i32>} : memref<2x4x64x128xf32, #tpu.memory_space<vmem>>, vector<1x1x1x16xf32>,
        %get3A_395 = vector.shape_cast %get3A_394 : vector<1x1x1x16xf32> to vector<16xf32>
        %get3A_396 = arith.constant 6 : i32
        %get3A_397 = arith.index_cast %rem3A_69 : i32 to index
        %get3A_398 = arith.index_cast %scan3A_134 : i32 to index
        %get3A_399 = arith.index_cast %get3A_396 : i32 to index
        %get3A_400 = arith.constant 48 : index
        %get3A_401 = tpu.vector_load %arg7[%get3A_397, %get3A_398, %get3A_399, %get3A_400] {strides = array<i32>} : memref<2x4x64x128xf32, #tpu.memory_space<vmem>>, vector<1x1x1x16xf32>,
        %get3A_402 = vector.shape_cast %get3A_401 : vector<1x1x1x16xf32> to vector<16xf32>
        %max3A_403 = arith.maximumf %get3A_395, %get3A_402 : vector<16xf32>
        %get3A_404 = arith.constant 12 : i32
        %get3A_405 = arith.index_cast %rem3A_69 : i32 to index
        %get3A_406 = arith.index_cast %scan3A_134 : i32 to index
        %get3A_407 = arith.index_cast %get3A_404 : i32 to index
        %get3A_408 = arith.constant 48 : index
        %get3A_409 = tpu.vector_load %arg7[%get3A_405, %get3A_406, %get3A_407, %get3A_408] {strides = array<i32>} : memref<2x4x64x128xf32, #tpu.memory_space<vmem>>, vector<1x1x1x16xf32>,
        %get3A_410 = vector.shape_cast %get3A_409 : vector<1x1x1x16xf32> to vector<16xf32>
        %max3A_411 = arith.maximumf %max3A_403, %get3A_410 : vector<16xf32>
        %get3A_412 = arith.constant 18 : i32
        %get3A_413 = arith.index_cast %rem3A_69 : i32 to index
        %get3A_414 = arith.index_cast %scan3A_134 : i32 to index
        %get3A_415 = arith.index_cast %get3A_412 : i32 to index
        %get3A_416 = arith.constant 48 : index
        %get3A_417 = tpu.vector_load %arg7[%get3A_413, %get3A_414, %get3A_415, %get3A_416] {strides = array<i32>} : memref<2x4x64x128xf32, #tpu.memory_space<vmem>>, vector<1x1x1x16xf32>,
        %get3A_418 = vector.shape_cast %get3A_417 : vector<1x1x1x16xf32> to vector<16xf32>
        %max3A_419 = arith.maximumf %max3A_411, %get3A_418 : vector<16xf32>
        %get3A_420 = arith.constant 24 : i32
        %get3A_421 = arith.index_cast %rem3A_69 : i32 to index
        %get3A_422 = arith.index_cast %scan3A_134 : i32 to index
        %get3A_423 = arith.index_cast %get3A_420 : i32 to index
        %get3A_424 = arith.constant 48 : index
        %get3A_425 = tpu.vector_load %arg7[%get3A_421, %get3A_422, %get3A_423, %get3A_424] {strides = array<i32>} : memref<2x4x64x128xf32, #tpu.memory_space<vmem>>, vector<1x1x1x16xf32>,
        %get3A_426 = vector.shape_cast %get3A_425 : vector<1x1x1x16xf32> to vector<16xf32>
        %max3A_427 = arith.maximumf %max3A_419, %get3A_426 : vector<16xf32>
        %get3A_428 = arith.constant 30 : i32
        %get3A_429 = arith.index_cast %rem3A_69 : i32 to index
        %get3A_430 = arith.index_cast %scan3A_134 : i32 to index
        %get3A_431 = arith.index_cast %get3A_428 : i32 to index
        %get3A_432 = arith.constant 48 : index
        %get3A_433 = tpu.vector_load %arg7[%get3A_429, %get3A_430, %get3A_431, %get3A_432] {strides = array<i32>} : memref<2x4x64x128xf32, #tpu.memory_space<vmem>>, vector<1x1x1x16xf32>,
        %get3A_434 = vector.shape_cast %get3A_433 : vector<1x1x1x16xf32> to vector<16xf32>
        %max3A_435 = arith.maximumf %max3A_427, %get3A_434 : vector<16xf32>
        %get3A_436 = arith.constant 36 : i32
        %get3A_437 = arith.index_cast %rem3A_69 : i32 to index
        %get3A_438 = arith.index_cast %scan3A_134 : i32 to index
        %get3A_439 = arith.index_cast %get3A_436 : i32 to index
        %get3A_440 = arith.constant 48 : index
        %get3A_441 = tpu.vector_load %arg7[%get3A_437, %get3A_438, %get3A_439, %get3A_440] {strides = array<i32>} : memref<2x4x64x128xf32, #tpu.memory_space<vmem>>, vector<1x1x1x16xf32>,
        %get3A_442 = vector.shape_cast %get3A_441 : vector<1x1x1x16xf32> to vector<16xf32>
        %max3A_443 = arith.maximumf %max3A_435, %get3A_442 : vector<16xf32>
        %get3A_444 = arith.constant 42 : i32
        %get3A_445 = arith.index_cast %rem3A_69 : i32 to index
        %get3A_446 = arith.index_cast %scan3A_134 : i32 to index
        %get3A_447 = arith.index_cast %get3A_444 : i32 to index
        %get3A_448 = arith.constant 48 : index
        %get3A_449 = tpu.vector_load %arg7[%get3A_445, %get3A_446, %get3A_447, %get3A_448] {strides = array<i32>} : memref<2x4x64x128xf32, #tpu.memory_space<vmem>>, vector<1x1x1x16xf32>,
        %get3A_450 = vector.shape_cast %get3A_449 : vector<1x1x1x16xf32> to vector<16xf32>
        %max3A_451 = arith.maximumf %max3A_443, %get3A_450 : vector<16xf32>
        %get3A_452 = arith.constant 48 : i32
        %get3A_453 = arith.index_cast %rem3A_69 : i32 to index
        %get3A_454 = arith.index_cast %scan3A_134 : i32 to index
        %get3A_455 = arith.index_cast %get3A_452 : i32 to index
        %get3A_456 = arith.constant 48 : index
        %get3A_457 = tpu.vector_load %arg7[%get3A_453, %get3A_454, %get3A_455, %get3A_456] {strides = array<i32>} : memref<2x4x64x128xf32, #tpu.memory_space<vmem>>, vector<1x1x1x16xf32>,
        %get3A_458 = vector.shape_cast %get3A_457 : vector<1x1x1x16xf32> to vector<16xf32>
        %max3A_459 = arith.maximumf %max3A_451, %get3A_458 : vector<16xf32>
        %mul3A_460 = arith.constant 6 : i32
        %mul3A_461 = arith.muli %scan3A_134, %mul3A_460 : i32
        %add3A_462 = arith.constant 0 : i32
        %add3A_463 = arith.addi %mul3A_461, %add3A_462 : i32
        %get3A_464 = arith.index_cast %rem3A_69 : i32 to index
        %get3A_465 = arith.index_cast %add3A_463 : i32 to index
        %get3A_466 = arith.constant 48 : index
        %get3A_467 = tpu.vector_load %arg6[%get3A_464, %get3A_465, %get3A_466] {strides = array<i32>} : memref<2x24x128xf32, #tpu.memory_space<vmem>>, vector<1x1x16xf32>,
        %get3A_468 = vector.shape_cast %get3A_467 : vector<1x1x16xf32> to vector<16xf32>
        %sub3A_469 = arith.subf %max3A_459, %get3A_468 : vector<16xf32>
        %swap3A_470 = arith.index_cast %scan3A_134 : i32 to index
        %swap3A_471 = arith.constant 48 : index
        %swap3A_472 = tpu.vector_load %arg8[%swap3A_470, %swap3A_471] {strides = array<i32>} : memref<4x768xf32, #tpu.memory_space<vmem>>, vector<1x16xf32>,
        %swap3A_473 = vector.shape_cast %swap3A_472 : vector<1x16xf32> to vector<16xf32>
        %swap3A_474 = vector.shape_cast %sub3A_469 : vector<16xf32> to vector<1x16xf32>
        tpu.vector_store %arg8[%swap3A_470, %swap3A_471], %swap3A_474 {strides = array<i32>} : memref<4x768xf32, #tpu.memory_space<vmem>>, vector<1x16xf32>,
        %get3A_475 = arith.constant 0 : i32
        %get3A_476 = arith.index_cast %rem3A_69 : i32 to index
        %get3A_477 = arith.index_cast %scan3A_134 : i32 to index
        %get3A_478 = arith.index_cast %get3A_475 : i32 to index
        %get3A_479 = arith.constant 64 : index
        %get3A_480 = tpu.vector_load %arg7[%get3A_476, %get3A_477, %get3A_478, %get3A_479] {strides = array<i32>} : memref<2x4x64x128xf32, #tpu.memory_space<vmem>>, vector<1x1x1x16xf32>,
        %get3A_481 = vector.shape_cast %get3A_480 : vector<1x1x1x16xf32> to vector<16xf32>
        %get3A_482 = arith.constant 6 : i32
        %get3A_483 = arith.index_cast %rem3A_69 : i32 to index
        %get3A_484 = arith.index_cast %scan3A_134 : i32 to index
        %get3A_485 = arith.index_cast %get3A_482 : i32 to index
        %get3A_486 = arith.constant 64 : index
        %get3A_487 = tpu.vector_load %arg7[%get3A_483, %get3A_484, %get3A_485, %get3A_486] {strides = array<i32>} : memref<2x4x64x128xf32, #tpu.memory_space<vmem>>, vector<1x1x1x16xf32>,
        %get3A_488 = vector.shape_cast %get3A_487 : vector<1x1x1x16xf32> to vector<16xf32>
        %max3A_489 = arith.maximumf %get3A_481, %get3A_488 : vector<16xf32>
        %get3A_490 = arith.constant 12 : i32
        %get3A_491 = arith.index_cast %rem3A_69 : i32 to index
        %get3A_492 = arith.index_cast %scan3A_134 : i32 to index
        %get3A_493 = arith.index_cast %get3A_490 : i32 to index
        %get3A_494 = arith.constant 64 : index
        %get3A_495 = tpu.vector_load %arg7[%get3A_491, %get3A_492, %get3A_493, %get3A_494] {strides = array<i32>} : memref<2x4x64x128xf32, #tpu.memory_space<vmem>>, vector<1x1x1x16xf32>,
        %get3A_496 = vector.shape_cast %get3A_495 : vector<1x1x1x16xf32> to vector<16xf32>
        %max3A_497 = arith.maximumf %max3A_489, %get3A_496 : vector<16xf32>
        %get3A_498 = arith.constant 18 : i32
        %get3A_499 = arith.index_cast %rem3A_69 : i32 to index
        %get3A_500 = arith.index_cast %scan3A_134 : i32 to index
        %get3A_501 = arith.index_cast %get3A_498 : i32 to index
        %get3A_502 = arith.constant 64 : index
        %get3A_503 = tpu.vector_load %arg7[%get3A_499, %get3A_500, %get3A_501, %get3A_502] {strides = array<i32>} : memref<2x4x64x128xf32, #tpu.memory_space<vmem>>, vector<1x1x1x16xf32>,
        %get3A_504 = vector.shape_cast %get3A_503 : vector<1x1x1x16xf32> to vector<16xf32>
        %max3A_505 = arith.maximumf %max3A_497, %get3A_504 : vector<16xf32>
        %get3A_506 = arith.constant 24 : i32
        %get3A_507 = arith.index_cast %rem3A_69 : i32 to index
        %get3A_508 = arith.index_cast %scan3A_134 : i32 to index
        %get3A_509 = arith.index_cast %get3A_506 : i32 to index
        %get3A_510 = arith.constant 64 : index
        %get3A_511 = tpu.vector_load %arg7[%get3A_507, %get3A_508, %get3A_509, %get3A_510] {strides = array<i32>} : memref<2x4x64x128xf32, #tpu.memory_space<vmem>>, vector<1x1x1x16xf32>,
        %get3A_512 = vector.shape_cast %get3A_511 : vector<1x1x1x16xf32> to vector<16xf32>
        %max3A_513 = arith.maximumf %max3A_505, %get3A_512 : vector<16xf32>
        %get3A_514 = arith.constant 30 : i32
        %get3A_515 = arith.index_cast %rem3A_69 : i32 to index
        %get3A_516 = arith.index_cast %scan3A_134 : i32 to index
        %get3A_517 = arith.index_cast %get3A_514 : i32 to index
        %get3A_518 = arith.constant 64 : index
        %get3A_519 = tpu.vector_load %arg7[%get3A_515, %get3A_516, %get3A_517, %get3A_518] {strides = array<i32>} : memref<2x4x64x128xf32, #tpu.memory_space<vmem>>, vector<1x1x1x16xf32>,
        %get3A_520 = vector.shape_cast %get3A_519 : vector<1x1x1x16xf32> to vector<16xf32>
        %max3A_521 = arith.maximumf %max3A_513, %get3A_520 : vector<16xf32>
        %get3A_522 = arith.constant 36 : i32
        %get3A_523 = arith.index_cast %rem3A_69 : i32 to index
        %get3A_524 = arith.index_cast %scan3A_134 : i32 to index
        %get3A_525 = arith.index_cast %get3A_522 : i32 to index
        %get3A_526 = arith.constant 64 : index
        %get3A_527 = tpu.vector_load %arg7[%get3A_523, %get3A_524, %get3A_525, %get3A_526] {strides = array<i32>} : memref<2x4x64x128xf32, #tpu.memory_space<vmem>>, vector<1x1x1x16xf32>,
        %get3A_528 = vector.shape_cast %get3A_527 : vector<1x1x1x16xf32> to vector<16xf32>
        %max3A_529 = arith.maximumf %max3A_521, %get3A_528 : vector<16xf32>
        %get3A_530 = arith.constant 42 : i32
        %get3A_531 = arith.index_cast %rem3A_69 : i32 to index
        %get3A_532 = arith.index_cast %scan3A_134 : i32 to index
        %get3A_533 = arith.index_cast %get3A_530 : i32 to index
        %get3A_534 = arith.constant 64 : index
        %get3A_535 = tpu.vector_load %arg7[%get3A_531, %get3A_532, %get3A_533, %get3A_534] {strides = array<i32>} : memref<2x4x64x128xf32, #tpu.memory_space<vmem>>, vector<1x1x1x16xf32>,
        %get3A_536 = vector.shape_cast %get3A_535 : vector<1x1x1x16xf32> to vector<16xf32>
        %max3A_537 = arith.maximumf %max3A_529, %get3A_536 : vector<16xf32>
        %get3A_538 = arith.constant 48 : i32
        %get3A_539 = arith.index_cast %rem3A_69 : i32 to index
        %get3A_540 = arith.index_cast %scan3A_134 : i32 to index
        %get3A_541 = arith.index_cast %get3A_538 : i32 to index
        %get3A_542 = arith.constant 64 : index
        %get3A_543 = tpu.vector_load %arg7[%get3A_539, %get3A_540, %get3A_541, %get3A_542] {strides = array<i32>} : memref<2x4x64x128xf32, #tpu.memory_space<vmem>>, vector<1x1x1x16xf32>,
        %get3A_544 = vector.shape_cast %get3A_543 : vector<1x1x1x16xf32> to vector<16xf32>
        %max3A_545 = arith.maximumf %max3A_537, %get3A_544 : vector<16xf32>
        %mul3A_546 = arith.constant 6 : i32
        %mul3A_547 = arith.muli %scan3A_134, %mul3A_546 : i32
        %add3A_548 = arith.constant 0 : i32
        %add3A_549 = arith.addi %mul3A_547, %add3A_548 : i32
        %get3A_550 = arith.index_cast %rem3A_69 : i32 to index
        %get3A_551 = arith.index_cast %add3A_549 : i32 to index
        %get3A_552 = arith.constant 64 : index
        %get3A_553 = tpu.vector_load %arg6[%get3A_550, %get3A_551, %get3A_552] {strides = array<i32>} : memref<2x24x128xf32, #tpu.memory_space<vmem>>, vector<1x1x16xf32>,
        %get3A_554 = vector.shape_cast %get3A_553 : vector<1x1x16xf32> to vector<16xf32>
        %sub3A_555 = arith.subf %max3A_545, %get3A_554 : vector<16xf32>
        %swap3A_556 = arith.index_cast %scan3A_134 : i32 to index
        %swap3A_557 = arith.constant 64 : index
        %swap3A_558 = tpu.vector_load %arg8[%swap3A_556, %swap3A_557] {strides = array<i32>} : memref<4x768xf32, #tpu.memory_space<vmem>>, vector<1x16xf32>,
        %swap3A_559 = vector.shape_cast %swap3A_558 : vector<1x16xf32> to vector<16xf32>
        %swap3A_560 = vector.shape_cast %sub3A_555 : vector<16xf32> to vector<1x16xf32>
        tpu.vector_store %arg8[%swap3A_556, %swap3A_557], %swap3A_560 {strides = array<i32>} : memref<4x768xf32, #tpu.memory_space<vmem>>, vector<1x16xf32>,
        %get3A_561 = arith.constant 0 : i32
        %get3A_562 = arith.index_cast %rem3A_69 : i32 to index
        %get3A_563 = arith.index_cast %scan3A_134 : i32 to index
        %get3A_564 = arith.index_cast %get3A_561 : i32 to index
        %get3A_565 = arith.constant 80 : index
        %get3A_566 = tpu.vector_load %arg7[%get3A_562, %get3A_563, %get3A_564, %get3A_565] {strides = array<i32>} : memref<2x4x64x128xf32, #tpu.memory_space<vmem>>, vector<1x1x1x16xf32>,
        %get3A_567 = vector.shape_cast %get3A_566 : vector<1x1x1x16xf32> to vector<16xf32>
        %get3A_568 = arith.constant 6 : i32
        %get3A_569 = arith.index_cast %rem3A_69 : i32 to index
        %get3A_570 = arith.index_cast %scan3A_134 : i32 to index
        %get3A_571 = arith.index_cast %get3A_568 : i32 to index
        %get3A_572 = arith.constant 80 : index
        %get3A_573 = tpu.vector_load %arg7[%get3A_569, %get3A_570, %get3A_571, %get3A_572] {strides = array<i32>} : memref<2x4x64x128xf32, #tpu.memory_space<vmem>>, vector<1x1x1x16xf32>,
        %get3A_574 = vector.shape_cast %get3A_573 : vector<1x1x1x16xf32> to vector<16xf32>
        %max3A_575 = arith.maximumf %get3A_567, %get3A_574 : vector<16xf32>
        %get3A_576 = arith.constant 12 : i32
        %get3A_577 = arith.index_cast %rem3A_69 : i32 to index
        %get3A_578 = arith.index_cast %scan3A_134 : i32 to index
        %get3A_579 = arith.index_cast %get3A_576 : i32 to index
        %get3A_580 = arith.constant 80 : index
        %get3A_581 = tpu.vector_load %arg7[%get3A_577, %get3A_578, %get3A_579, %get3A_580] {strides = array<i32>} : memref<2x4x64x128xf32, #tpu.memory_space<vmem>>, vector<1x1x1x16xf32>,
        %get3A_582 = vector.shape_cast %get3A_581 : vector<1x1x1x16xf32> to vector<16xf32>
        %max3A_583 = arith.maximumf %max3A_575, %get3A_582 : vector<16xf32>
        %get3A_584 = arith.constant 18 : i32
        %get3A_585 = arith.index_cast %rem3A_69 : i32 to index
        %get3A_586 = arith.index_cast %scan3A_134 : i32 to index
        %get3A_587 = arith.index_cast %get3A_584 : i32 to index
        %get3A_588 = arith.constant 80 : index
        %get3A_589 = tpu.vector_load %arg7[%get3A_585, %get3A_586, %get3A_587, %get3A_588] {strides = array<i32>} : memref<2x4x64x128xf32, #tpu.memory_space<vmem>>, vector<1x1x1x16xf32>,
        %get3A_590 = vector.shape_cast %get3A_589 : vector<1x1x1x16xf32> to vector<16xf32>
        %max3A_591 = arith.maximumf %max3A_583, %get3A_590 : vector<16xf32>
        %get3A_592 = arith.constant 24 : i32
        %get3A_593 = arith.index_cast %rem3A_69 : i32 to index
        %get3A_594 = arith.index_cast %scan3A_134 : i32 to index
        %get3A_595 = arith.index_cast %get3A_592 : i32 to index
        %get3A_596 = arith.constant 80 : index
        %get3A_597 = tpu.vector_load %arg7[%get3A_593, %get3A_594, %get3A_595, %get3A_596] {strides = array<i32>} : memref<2x4x64x128xf32, #tpu.memory_space<vmem>>, vector<1x1x1x16xf32>,
        %get3A_598 = vector.shape_cast %get3A_597 : vector<1x1x1x16xf32> to vector<16xf32>
        %max3A_599 = arith.maximumf %max3A_591, %get3A_598 : vector<16xf32>
        %get3A_600 = arith.constant 30 : i32
        %get3A_601 = arith.index_cast %rem3A_69 : i32 to index
        %get3A_602 = arith.index_cast %scan3A_134 : i32 to index
        %get3A_603 = arith.index_cast %get3A_600 : i32 to index
        %get3A_604 = arith.constant 80 : index
        %get3A_605 = tpu.vector_load %arg7[%get3A_601, %get3A_602, %get3A_603, %get3A_604] {strides = array<i32>} : memref<2x4x64x128xf32, #tpu.memory_space<vmem>>, vector<1x1x1x16xf32>,
        %get3A_606 = vector.shape_cast %get3A_605 : vector<1x1x1x16xf32> to vector<16xf32>
        %max3A_607 = arith.maximumf %max3A_599, %get3A_606 : vector<16xf32>
        %get3A_608 = arith.constant 36 : i32
        %get3A_609 = arith.index_cast %rem3A_69 : i32 to index
        %get3A_610 = arith.index_cast %scan3A_134 : i32 to index
        %get3A_611 = arith.index_cast %get3A_608 : i32 to index
        %get3A_612 = arith.constant 80 : index
        %get3A_613 = tpu.vector_load %arg7[%get3A_609, %get3A_610, %get3A_611, %get3A_612] {strides = array<i32>} : memref<2x4x64x128xf32, #tpu.memory_space<vmem>>, vector<1x1x1x16xf32>,
        %get3A_614 = vector.shape_cast %get3A_613 : vector<1x1x1x16xf32> to vector<16xf32>
        %max3A_615 = arith.maximumf %max3A_607, %get3A_614 : vector<16xf32>
        %get3A_616 = arith.constant 42 : i32
        %get3A_617 = arith.index_cast %rem3A_69 : i32 to index
        %get3A_618 = arith.index_cast %scan3A_134 : i32 to index
        %get3A_619 = arith.index_cast %get3A_616 : i32 to index
        %get3A_620 = arith.constant 80 : index
        %get3A_621 = tpu.vector_load %arg7[%get3A_617, %get3A_618, %get3A_619, %get3A_620] {strides = array<i32>} : memref<2x4x64x128xf32, #tpu.memory_space<vmem>>, vector<1x1x1x16xf32>,
        %get3A_622 = vector.shape_cast %get3A_621 : vector<1x1x1x16xf32> to vector<16xf32>
        %max3A_623 = arith.maximumf %max3A_615, %get3A_622 : vector<16xf32>
        %get3A_624 = arith.constant 48 : i32
        %get3A_625 = arith.index_cast %rem3A_69 : i32 to index
        %get3A_626 = arith.index_cast %scan3A_134 : i32 to index
        %get3A_627 = arith.index_cast %get3A_624 : i32 to index
        %get3A_628 = arith.constant 80 : index
        %get3A_629 = tpu.vector_load %arg7[%get3A_625, %get3A_626, %get3A_627, %get3A_628] {strides = array<i32>} : memref<2x4x64x128xf32, #tpu.memory_space<vmem>>, vector<1x1x1x16xf32>,
        %get3A_630 = vector.shape_cast %get3A_629 : vector<1x1x1x16xf32> to vector<16xf32>
        %max3A_631 = arith.maximumf %max3A_623, %get3A_630 : vector<16xf32>
        %mul3A_632 = arith.constant 6 : i32
        %mul3A_633 = arith.muli %scan3A_134, %mul3A_632 : i32
        %add3A_634 = arith.constant 0 : i32
        %add3A_635 = arith.addi %mul3A_633, %add3A_634 : i32
        %get3A_636 = arith.index_cast %rem3A_69 : i32 to index
        %get3A_637 = arith.index_cast %add3A_635 : i32 to index
        %get3A_638 = arith.constant 80 : index
        %get3A_639 = tpu.vector_load %arg6[%get3A_636, %get3A_637, %get3A_638] {strides = array<i32>} : memref<2x24x128xf32, #tpu.memory_space<vmem>>, vector<1x1x16xf32>,
        %get3A_640 = vector.shape_cast %get3A_639 : vector<1x1x16xf32> to vector<16xf32>
        %sub3A_641 = arith.subf %max3A_631, %get3A_640 : vector<16xf32>
        %swap3A_642 = arith.index_cast %scan3A_134 : i32 to index
        %swap3A_643 = arith.constant 80 : index
        %swap3A_644 = tpu.vector_load %arg8[%swap3A_642, %swap3A_643] {strides = array<i32>} : memref<4x768xf32, #tpu.memory_space<vmem>>, vector<1x16xf32>,
        %swap3A_645 = vector.shape_cast %swap3A_644 : vector<1x16xf32> to vector<16xf32>
        %swap3A_646 = vector.shape_cast %sub3A_641 : vector<16xf32> to vector<1x16xf32>
        tpu.vector_store %arg8[%swap3A_642, %swap3A_643], %swap3A_646 {strides = array<i32>} : memref<4x768xf32, #tpu.memory_space<vmem>>, vector<1x16xf32>,
        %get3A_647 = arith.constant 0 : i32
        %get3A_648 = arith.index_cast %rem3A_69 : i32 to index
        %get3A_649 = arith.index_cast %scan3A_134 : i32 to index
        %get3A_650 = arith.index_cast %get3A_647 : i32 to index
        %get3A_651 = arith.constant 96 : index
        %get3A_652 = tpu.vector_load %arg7[%get3A_648, %get3A_649, %get3A_650, %get3A_651] {strides = array<i32>} : memref<2x4x64x128xf32, #tpu.memory_space<vmem>>, vector<1x1x1x16xf32>,
        %get3A_653 = vector.shape_cast %get3A_652 : vector<1x1x1x16xf32> to vector<16xf32>
        %get3A_654 = arith.constant 6 : i32
        %get3A_655 = arith.index_cast %rem3A_69 : i32 to index
        %get3A_656 = arith.index_cast %scan3A_134 : i32 to index
        %get3A_657 = arith.index_cast %get3A_654 : i32 to index
        %get3A_658 = arith.constant 96 : index
        %get3A_659 = tpu.vector_load %arg7[%get3A_655, %get3A_656, %get3A_657, %get3A_658] {strides = array<i32>} : memref<2x4x64x128xf32, #tpu.memory_space<vmem>>, vector<1x1x1x16xf32>,
        %get3A_660 = vector.shape_cast %get3A_659 : vector<1x1x1x16xf32> to vector<16xf32>
        %max3A_661 = arith.maximumf %get3A_653, %get3A_660 : vector<16xf32>
        %get3A_662 = arith.constant 12 : i32
        %get3A_663 = arith.index_cast %rem3A_69 : i32 to index
        %get3A_664 = arith.index_cast %scan3A_134 : i32 to index
        %get3A_665 = arith.index_cast %get3A_662 : i32 to index
        %get3A_666 = arith.constant 96 : index
        %get3A_667 = tpu.vector_load %arg7[%get3A_663, %get3A_664, %get3A_665, %get3A_666] {strides = array<i32>} : memref<2x4x64x128xf32, #tpu.memory_space<vmem>>, vector<1x1x1x16xf32>,
        %get3A_668 = vector.shape_cast %get3A_667 : vector<1x1x1x16xf32> to vector<16xf32>
        %max3A_669 = arith.maximumf %max3A_661, %get3A_668 : vector<16xf32>
        %get3A_670 = arith.constant 18 : i32
        %get3A_671 = arith.index_cast %rem3A_69 : i32 to index
        %get3A_672 = arith.index_cast %scan3A_134 : i32 to index
        %get3A_673 = arith.index_cast %get3A_670 : i32 to index
        %get3A_674 = arith.constant 96 : index
        %get3A_675 = tpu.vector_load %arg7[%get3A_671, %get3A_672, %get3A_673, %get3A_674] {strides = array<i32>} : memref<2x4x64x128xf32, #tpu.memory_space<vmem>>, vector<1x1x1x16xf32>,
        %get3A_676 = vector.shape_cast %get3A_675 : vector<1x1x1x16xf32> to vector<16xf32>
        %max3A_677 = arith.maximumf %max3A_669, %get3A_676 : vector<16xf32>
        %get3A_678 = arith.constant 24 : i32
        %get3A_679 = arith.index_cast %rem3A_69 : i32 to index
        %get3A_680 = arith.index_cast %scan3A_134 : i32 to index
        %get3A_681 = arith.index_cast %get3A_678 : i32 to index
        %get3A_682 = arith.constant 96 : index
        %get3A_683 = tpu.vector_load %arg7[%get3A_679, %get3A_680, %get3A_681, %get3A_682] {strides = array<i32>} : memref<2x4x64x128xf32, #tpu.memory_space<vmem>>, vector<1x1x1x16xf32>,
        %get3A_684 = vector.shape_cast %get3A_683 : vector<1x1x1x16xf32> to vector<16xf32>
        %max3A_685 = arith.maximumf %max3A_677, %get3A_684 : vector<16xf32>
        %get3A_686 = arith.constant 30 : i32
        %get3A_687 = arith.index_cast %rem3A_69 : i32 to index
        %get3A_688 = arith.index_cast %scan3A_134 : i32 to index
        %get3A_689 = arith.index_cast %get3A_686 : i32 to index
        %get3A_690 = arith.constant 96 : index
        %get3A_691 = tpu.vector_load %arg7[%get3A_687, %get3A_688, %get3A_689, %get3A_690] {strides = array<i32>} : memref<2x4x64x128xf32, #tpu.memory_space<vmem>>, vector<1x1x1x16xf32>,
        %get3A_692 = vector.shape_cast %get3A_691 : vector<1x1x1x16xf32> to vector<16xf32>
        %max3A_693 = arith.maximumf %max3A_685, %get3A_692 : vector<16xf32>
        %get3A_694 = arith.constant 36 : i32
        %get3A_695 = arith.index_cast %rem3A_69 : i32 to index
        %get3A_696 = arith.index_cast %scan3A_134 : i32 to index
        %get3A_697 = arith.index_cast %get3A_694 : i32 to index
        %get3A_698 = arith.constant 96 : index
        %get3A_699 = tpu.vector_load %arg7[%get3A_695, %get3A_696, %get3A_697, %get3A_698] {strides = array<i32>} : memref<2x4x64x128xf32, #tpu.memory_space<vmem>>, vector<1x1x1x16xf32>,
        %get3A_700 = vector.shape_cast %get3A_699 : vector<1x1x1x16xf32> to vector<16xf32>
        %max3A_701 = arith.maximumf %max3A_693, %get3A_700 : vector<16xf32>
        %get3A_702 = arith.constant 42 : i32
        %get3A_703 = arith.index_cast %rem3A_69 : i32 to index
        %get3A_704 = arith.index_cast %scan3A_134 : i32 to index
        %get3A_705 = arith.index_cast %get3A_702 : i32 to index
        %get3A_706 = arith.constant 96 : index
        %get3A_707 = tpu.vector_load %arg7[%get3A_703, %get3A_704, %get3A_705, %get3A_706] {strides = array<i32>} : memref<2x4x64x128xf32, #tpu.memory_space<vmem>>, vector<1x1x1x16xf32>,
        %get3A_708 = vector.shape_cast %get3A_707 : vector<1x1x1x16xf32> to vector<16xf32>
        %max3A_709 = arith.maximumf %max3A_701, %get3A_708 : vector<16xf32>
        %get3A_710 = arith.constant 48 : i32
        %get3A_711 = arith.index_cast %rem3A_69 : i32 to index
        %get3A_712 = arith.index_cast %scan3A_134 : i32 to index
        %get3A_713 = arith.index_cast %get3A_710 : i32 to index
        %get3A_714 = arith.constant 96 : index
        %get3A_715 = tpu.vector_load %arg7[%get3A_711, %get3A_712, %get3A_713, %get3A_714] {strides = array<i32>} : memref<2x4x64x128xf32, #tpu.memory_space<vmem>>, vector<1x1x1x16xf32>,
        %get3A_716 = vector.shape_cast %get3A_715 : vector<1x1x1x16xf32> to vector<16xf32>
        %max3A_717 = arith.maximumf %max3A_709, %get3A_716 : vector<16xf32>
        %mul3A_718 = arith.constant 6 : i32
        %mul3A_719 = arith.muli %scan3A_134, %mul3A_718 : i32
        %add3A_720 = arith.constant 0 : i32
        %add3A_721 = arith.addi %mul3A_719, %add3A_720 : i32
        %get3A_722 = arith.index_cast %rem3A_69 : i32 to index
        %get3A_723 = arith.index_cast %add3A_721 : i32 to index
        %get3A_724 = arith.constant 96 : index
        %get3A_725 = tpu.vector_load %arg6[%get3A_722, %get3A_723, %get3A_724] {strides = array<i32>} : memref<2x24x128xf32, #tpu.memory_space<vmem>>, vector<1x1x16xf32>,
        %get3A_726 = vector.shape_cast %get3A_725 : vector<1x1x16xf32> to vector<16xf32>
        %sub3A_727 = arith.subf %max3A_717, %get3A_726 : vector<16xf32>
        %swap3A_728 = arith.index_cast %scan3A_134 : i32 to index
        %swap3A_729 = arith.constant 96 : index
        %swap3A_730 = tpu.vector_load %arg8[%swap3A_728, %swap3A_729] {strides = array<i32>} : memref<4x768xf32, #tpu.memory_space<vmem>>, vector<1x16xf32>,
        %swap3A_731 = vector.shape_cast %swap3A_730 : vector<1x16xf32> to vector<16xf32>
        %swap3A_732 = vector.shape_cast %sub3A_727 : vector<16xf32> to vector<1x16xf32>
        tpu.vector_store %arg8[%swap3A_728, %swap3A_729], %swap3A_732 {strides = array<i32>} : memref<4x768xf32, #tpu.memory_space<vmem>>, vector<1x16xf32>,
        %get3A_733 = arith.constant 0 : i32
        %get3A_734 = arith.index_cast %rem3A_69 : i32 to index
        %get3A_735 = arith.index_cast %scan3A_134 : i32 to index
        %get3A_736 = arith.index_cast %get3A_733 : i32 to index
        %get3A_737 = arith.constant 112 : index
        %get3A_738 = tpu.vector_load %arg7[%get3A_734, %get3A_735, %get3A_736, %get3A_737] {strides = array<i32>} : memref<2x4x64x128xf32, #tpu.memory_space<vmem>>, vector<1x1x1x16xf32>,
        %get3A_739 = vector.shape_cast %get3A_738 : vector<1x1x1x16xf32> to vector<16xf32>
        %get3A_740 = arith.constant 6 : i32
        %get3A_741 = arith.index_cast %rem3A_69 : i32 to index
        %get3A_742 = arith.index_cast %scan3A_134 : i32 to index
        %get3A_743 = arith.index_cast %get3A_740 : i32 to index
        %get3A_744 = arith.constant 112 : index
        %get3A_745 = tpu.vector_load %arg7[%get3A_741, %get3A_742, %get3A_743, %get3A_744] {strides = array<i32>} : memref<2x4x64x128xf32, #tpu.memory_space<vmem>>, vector<1x1x1x16xf32>,
        %get3A_746 = vector.shape_cast %get3A_745 : vector<1x1x1x16xf32> to vector<16xf32>
        %max3A_747 = arith.maximumf %get3A_739, %get3A_746 : vector<16xf32>
        %get3A_748 = arith.constant 12 : i32
        %get3A_749 = arith.index_cast %rem3A_69 : i32 to index
        %get3A_750 = arith.index_cast %scan3A_134 : i32 to index
        %get3A_751 = arith.index_cast %get3A_748 : i32 to index
        %get3A_752 = arith.constant 112 : index
        %get3A_753 = tpu.vector_load %arg7[%get3A_749, %get3A_750, %get3A_751, %get3A_752] {strides = array<i32>} : memref<2x4x64x128xf32, #tpu.memory_space<vmem>>, vector<1x1x1x16xf32>,
        %get3A_754 = vector.shape_cast %get3A_753 : vector<1x1x1x16xf32> to vector<16xf32>
        %max3A_755 = arith.maximumf %max3A_747, %get3A_754 : vector<16xf32>
        %get3A_756 = arith.constant 18 : i32
        %get3A_757 = arith.index_cast %rem3A_69 : i32 to index
        %get3A_758 = arith.index_cast %scan3A_134 : i32 to index
        %get3A_759 = arith.index_cast %get3A_756 : i32 to index
        %get3A_760 = arith.constant 112 : index
        %get3A_761 = tpu.vector_load %arg7[%get3A_757, %get3A_758, %get3A_759, %get3A_760] {strides = array<i32>} : memref<2x4x64x128xf32, #tpu.memory_space<vmem>>, vector<1x1x1x16xf32>,
        %get3A_762 = vector.shape_cast %get3A_761 : vector<1x1x1x16xf32> to vector<16xf32>
        %max3A_763 = arith.maximumf %max3A_755, %get3A_762 : vector<16xf32>
        %get3A_764 = arith.constant 24 : i32
        %get3A_765 = arith.index_cast %rem3A_69 : i32 to index
        %get3A_766 = arith.index_cast %scan3A_134 : i32 to index
        %get3A_767 = arith.index_cast %get3A_764 : i32 to index
        %get3A_768 = arith.constant 112 : index
        %get3A_769 = tpu.vector_load %arg7[%get3A_765, %get3A_766, %get3A_767, %get3A_768] {strides = array<i32>} : memref<2x4x64x128xf32, #tpu.memory_space<vmem>>, vector<1x1x1x16xf32>,
        %get3A_770 = vector.shape_cast %get3A_769 : vector<1x1x1x16xf32> to vector<16xf32>
        %max3A_771 = arith.maximumf %max3A_763, %get3A_770 : vector<16xf32>
        %get3A_772 = arith.constant 30 : i32
        %get3A_773 = arith.index_cast %rem3A_69 : i32 to index
        %get3A_774 = arith.index_cast %scan3A_134 : i32 to index
        %get3A_775 = arith.index_cast %get3A_772 : i32 to index
        %get3A_776 = arith.constant 112 : index
        %get3A_777 = tpu.vector_load %arg7[%get3A_773, %get3A_774, %get3A_775, %get3A_776] {strides = array<i32>} : memref<2x4x64x128xf32, #tpu.memory_space<vmem>>, vector<1x1x1x16xf32>,
        %get3A_778 = vector.shape_cast %get3A_777 : vector<1x1x1x16xf32> to vector<16xf32>
        %max3A_779 = arith.maximumf %max3A_771, %get3A_778 : vector<16xf32>
        %get3A_780 = arith.constant 36 : i32
        %get3A_781 = arith.index_cast %rem3A_69 : i32 to index
        %get3A_782 = arith.index_cast %scan3A_134 : i32 to index
        %get3A_783 = arith.index_cast %get3A_780 : i32 to index
        %get3A_784 = arith.constant 112 : index
        %get3A_785 = tpu.vector_load %arg7[%get3A_781, %get3A_782, %get3A_783, %get3A_784] {strides = array<i32>} : memref<2x4x64x128xf32, #tpu.memory_space<vmem>>, vector<1x1x1x16xf32>,
        %get3A_786 = vector.shape_cast %get3A_785 : vector<1x1x1x16xf32> to vector<16xf32>
        %max3A_787 = arith.maximumf %max3A_779, %get3A_786 : vector<16xf32>
        %get3A_788 = arith.constant 42 : i32
        %get3A_789 = arith.index_cast %rem3A_69 : i32 to index
        %get3A_790 = arith.index_cast %scan3A_134 : i32 to index
        %get3A_791 = arith.index_cast %get3A_788 : i32 to index
        %get3A_792 = arith.constant 112 : index
        %get3A_793 = tpu.vector_load %arg7[%get3A_789, %get3A_790, %get3A_791, %get3A_792] {strides = array<i32>} : memref<2x4x64x128xf32, #tpu.memory_space<vmem>>, vector<1x1x1x16xf32>,
        %get3A_794 = vector.shape_cast %get3A_793 : vector<1x1x1x16xf32> to vector<16xf32>
        %max3A_795 = arith.maximumf %max3A_787, %get3A_794 : vector<16xf32>
        %get3A_796 = arith.constant 48 : i32
        %get3A_797 = arith.index_cast %rem3A_69 : i32 to index
        %get3A_798 = arith.index_cast %scan3A_134 : i32 to index
        %get3A_799 = arith.index_cast %get3A_796 : i32 to index
        %get3A_800 = arith.constant 112 : index
        %get3A_801 = tpu.vector_load %arg7[%get3A_797, %get3A_798, %get3A_799, %get3A_800] {strides = array<i32>} : memref<2x4x64x128xf32, #tpu.memory_space<vmem>>, vector<1x1x1x16xf32>,
        %get3A_802 = vector.shape_cast %get3A_801 : vector<1x1x1x16xf32> to vector<16xf32>
        %max3A_803 = arith.maximumf %max3A_795, %get3A_802 : vector<16xf32>
        %mul3A_804 = arith.constant 6 : i32
        %mul3A_805 = arith.muli %scan3A_134, %mul3A_804 : i32
        %add3A_806 = arith.constant 0 : i32
        %add3A_807 = arith.addi %mul3A_805, %add3A_806 : i32
        %get3A_808 = arith.index_cast %rem3A_69 : i32 to index
        %get3A_809 = arith.index_cast %add3A_807 : i32 to index
        %get3A_810 = arith.constant 112 : index
        %get3A_811 = tpu.vector_load %arg6[%get3A_808, %get3A_809, %get3A_810] {strides = array<i32>} : memref<2x24x128xf32, #tpu.memory_space<vmem>>, vector<1x1x16xf32>,
        %get3A_812 = vector.shape_cast %get3A_811 : vector<1x1x16xf32> to vector<16xf32>
        %sub3A_813 = arith.subf %max3A_803, %get3A_812 : vector<16xf32>
        %swap3A_814 = arith.index_cast %scan3A_134 : i32 to index
        %swap3A_815 = arith.constant 112 : index
        %swap3A_816 = tpu.vector_load %arg8[%swap3A_814, %swap3A_815] {strides = array<i32>} : memref<4x768xf32, #tpu.memory_space<vmem>>, vector<1x16xf32>,
        %swap3A_817 = vector.shape_cast %swap3A_816 : vector<1x16xf32> to vector<16xf32>
        %swap3A_818 = vector.shape_cast %sub3A_813 : vector<16xf32> to vector<1x16xf32>
        tpu.vector_store %arg8[%swap3A_814, %swap3A_815], %swap3A_818 {strides = array<i32>} : memref<4x768xf32, #tpu.memory_space<vmem>>, vector<1x16xf32>,
        %get3A_819 = arith.constant 1 : i32
        %get3A_820 = arith.index_cast %rem3A_69 : i32 to index
        %get3A_821 = arith.index_cast %scan3A_134 : i32 to index
        %get3A_822 = arith.index_cast %get3A_819 : i32 to index
        %get3A_823 = arith.constant 0 : index
        %get3A_824 = tpu.vector_load %arg7[%get3A_820, %get3A_821, %get3A_822, %get3A_823] {strides = array<i32>} : memref<2x4x64x128xf32, #tpu.memory_space<vmem>>, vector<1x1x1x16xf32>,
        %get3A_825 = vector.shape_cast %get3A_824 : vector<1x1x1x16xf32> to vector<16xf32>
        %get3A_826 = arith.constant 7 : i32
        %get3A_827 = arith.index_cast %rem3A_69 : i32 to index
        %get3A_828 = arith.index_cast %scan3A_134 : i32 to index
        %get3A_829 = arith.index_cast %get3A_826 : i32 to index
        %get3A_830 = arith.constant 0 : index
        %get3A_831 = tpu.vector_load %arg7[%get3A_827, %get3A_828, %get3A_829, %get3A_830] {strides = array<i32>} : memref<2x4x64x128xf32, #tpu.memory_space<vmem>>, vector<1x1x1x16xf32>,
        %get3A_832 = vector.shape_cast %get3A_831 : vector<1x1x1x16xf32> to vector<16xf32>
        %max3A_833 = arith.maximumf %get3A_825, %get3A_832 : vector<16xf32>
        %get3A_834 = arith.constant 13 : i32
        %get3A_835 = arith.index_cast %rem3A_69 : i32 to index
        %get3A_836 = arith.index_cast %scan3A_134 : i32 to index
        %get3A_837 = arith.index_cast %get3A_834 : i32 to index
        %get3A_838 = arith.constant 0 : index
        %get3A_839 = tpu.vector_load %arg7[%get3A_835, %get3A_836, %get3A_837, %get3A_838] {strides = array<i32>} : memref<2x4x64x128xf32, #tpu.memory_space<vmem>>, vector<1x1x1x16xf32>,
        %get3A_840 = vector.shape_cast %get3A_839 : vector<1x1x1x16xf32> to vector<16xf32>
        %max3A_841 = arith.maximumf %max3A_833, %get3A_840 : vector<16xf32>
        %get3A_842 = arith.constant 19 : i32
        %get3A_843 = arith.index_cast %rem3A_69 : i32 to index
        %get3A_844 = arith.index_cast %scan3A_134 : i32 to index
        %get3A_845 = arith.index_cast %get3A_842 : i32 to index
        %get3A_846 = arith.constant 0 : index
        %get3A_847 = tpu.vector_load %arg7[%get3A_843, %get3A_844, %get3A_845, %get3A_846] {strides = array<i32>} : memref<2x4x64x128xf32, #tpu.memory_space<vmem>>, vector<1x1x1x16xf32>,
        %get3A_848 = vector.shape_cast %get3A_847 : vector<1x1x1x16xf32> to vector<16xf32>
        %max3A_849 = arith.maximumf %max3A_841, %get3A_848 : vector<16xf32>
        %get3A_850 = arith.constant 25 : i32
        %get3A_851 = arith.index_cast %rem3A_69 : i32 to index
        %get3A_852 = arith.index_cast %scan3A_134 : i32 to index
        %get3A_853 = arith.index_cast %get3A_850 : i32 to index
        %get3A_854 = arith.constant 0 : index
        %get3A_855 = tpu.vector_load %arg7[%get3A_851, %get3A_852, %get3A_853, %get3A_854] {strides = array<i32>} : memref<2x4x64x128xf32, #tpu.memory_space<vmem>>, vector<1x1x1x16xf32>,
        %get3A_856 = vector.shape_cast %get3A_855 : vector<1x1x1x16xf32> to vector<16xf32>
        %max3A_857 = arith.maximumf %max3A_849, %get3A_856 : vector<16xf32>
        %get3A_858 = arith.constant 31 : i32
        %get3A_859 = arith.index_cast %rem3A_69 : i32 to index
        %get3A_860 = arith.index_cast %scan3A_134 : i32 to index
        %get3A_861 = arith.index_cast %get3A_858 : i32 to index
        %get3A_862 = arith.constant 0 : index
        %get3A_863 = tpu.vector_load %arg7[%get3A_859, %get3A_860, %get3A_861, %get3A_862] {strides = array<i32>} : memref<2x4x64x128xf32, #tpu.memory_space<vmem>>, vector<1x1x1x16xf32>,
        %get3A_864 = vector.shape_cast %get3A_863 : vector<1x1x1x16xf32> to vector<16xf32>
        %max3A_865 = arith.maximumf %max3A_857, %get3A_864 : vector<16xf32>
        %get3A_866 = arith.constant 37 : i32
        %get3A_867 = arith.index_cast %rem3A_69 : i32 to index
        %get3A_868 = arith.index_cast %scan3A_134 : i32 to index
        %get3A_869 = arith.index_cast %get3A_866 : i32 to index
        %get3A_870 = arith.constant 0 : index
        %get3A_871 = tpu.vector_load %arg7[%get3A_867, %get3A_868, %get3A_869, %get3A_870] {strides = array<i32>} : memref<2x4x64x128xf32, #tpu.memory_space<vmem>>, vector<1x1x1x16xf32>,
        %get3A_872 = vector.shape_cast %get3A_871 : vector<1x1x1x16xf32> to vector<16xf32>
        %max3A_873 = arith.maximumf %max3A_865, %get3A_872 : vector<16xf32>
        %get3A_874 = arith.constant 43 : i32
        %get3A_875 = arith.index_cast %rem3A_69 : i32 to index
        %get3A_876 = arith.index_cast %scan3A_134 : i32 to index
        %get3A_877 = arith.index_cast %get3A_874 : i32 to index
        %get3A_878 = arith.constant 0 : index
        %get3A_879 = tpu.vector_load %arg7[%get3A_875, %get3A_876, %get3A_877, %get3A_878] {strides = array<i32>} : memref<2x4x64x128xf32, #tpu.memory_space<vmem>>, vector<1x1x1x16xf32>,
        %get3A_880 = vector.shape_cast %get3A_879 : vector<1x1x1x16xf32> to vector<16xf32>
        %max3A_881 = arith.maximumf %max3A_873, %get3A_880 : vector<16xf32>
        %get3A_882 = arith.constant 49 : i32
        %get3A_883 = arith.index_cast %rem3A_69 : i32 to index
        %get3A_884 = arith.index_cast %scan3A_134 : i32 to index
        %get3A_885 = arith.index_cast %get3A_882 : i32 to index
        %get3A_886 = arith.constant 0 : index
        %get3A_887 = tpu.vector_load %arg7[%get3A_883, %get3A_884, %get3A_885, %get3A_886] {strides = array<i32>} : memref<2x4x64x128xf32, #tpu.memory_space<vmem>>, vector<1x1x1x16xf32>,
        %get3A_888 = vector.shape_cast %get3A_887 : vector<1x1x1x16xf32> to vector<16xf32>
        %max3A_889 = arith.maximumf %max3A_881, %get3A_888 : vector<16xf32>
        %mul3A_890 = arith.constant 6 : i32
        %mul3A_891 = arith.muli %scan3A_134, %mul3A_890 : i32
        %add3A_892 = arith.constant 1 : i32
        %add3A_893 = arith.addi %mul3A_891, %add3A_892 : i32
        %get3A_894 = arith.index_cast %rem3A_69 : i32 to index
        %get3A_895 = arith.index_cast %add3A_893 : i32 to index
        %get3A_896 = arith.constant 0 : index
        %get3A_897 = tpu.vector_load %arg6[%get3A_894, %get3A_895, %get3A_896] {strides = array<i32>} : memref<2x24x128xf32, #tpu.memory_space<vmem>>, vector<1x1x16xf32>,
        %get3A_898 = vector.shape_cast %get3A_897 : vector<1x1x16xf32> to vector<16xf32>
        %sub3A_899 = arith.subf %max3A_889, %get3A_898 : vector<16xf32>
        %swap3A_900 = arith.index_cast %scan3A_134 : i32 to index
        %swap3A_901 = arith.constant 128 : index
        %swap3A_902 = tpu.vector_load %arg8[%swap3A_900, %swap3A_901] {strides = array<i32>} : memref<4x768xf32, #tpu.memory_space<vmem>>, vector<1x16xf32>,
        %swap3A_903 = vector.shape_cast %swap3A_902 : vector<1x16xf32> to vector<16xf32>
        %swap3A_904 = vector.shape_cast %sub3A_899 : vector<16xf32> to vector<1x16xf32>
        tpu.vector_store %arg8[%swap3A_900, %swap3A_901], %swap3A_904 {strides = array<i32>} : memref<4x768xf32, #tpu.memory_space<vmem>>, vector<1x16xf32>,
        %get3A_905 = arith.constant 1 : i32
        %get3A_906 = arith.index_cast %rem3A_69 : i32 to index
        %get3A_907 = arith.index_cast %scan3A_134 : i32 to index
        %get3A_908 = arith.index_cast %get3A_905 : i32 to index
        %get3A_909 = arith.constant 16 : index
        %get3A_910 = tpu.vector_load %arg7[%get3A_906, %get3A_907, %get3A_908, %get3A_909] {strides = array<i32>} : memref<2x4x64x128xf32, #tpu.memory_space<vmem>>, vector<1x1x1x16xf32>,
        %get3A_911 = vector.shape_cast %get3A_910 : vector<1x1x1x16xf32> to vector<16xf32>
        %get3A_912 = arith.constant 7 : i32
        %get3A_913 = arith.index_cast %rem3A_69 : i32 to index
        %get3A_914 = arith.index_cast %scan3A_134 : i32 to index
        %get3A_915 = arith.index_cast %get3A_912 : i32 to index
        %get3A_916 = arith.constant 16 : index
        %get3A_917 = tpu.vector_load %arg7[%get3A_913, %get3A_914, %get3A_915, %get3A_916] {strides = array<i32>} : memref<2x4x64x128xf32, #tpu.memory_space<vmem>>, vector<1x1x1x16xf32>,
        %get3A_918 = vector.shape_cast %get3A_917 : vector<1x1x1x16xf32> to vector<16xf32>
        %max3A_919 = arith.maximumf %get3A_911, %get3A_918 : vector<16xf32>
        %get3A_920 = arith.constant 13 : i32
        %get3A_921 = arith.index_cast %rem3A_69 : i32 to index
        %get3A_922 = arith.index_cast %scan3A_134 : i32 to index
        %get3A_923 = arith.index_cast %get3A_920 : i32 to index
        %get3A_924 = arith.constant 16 : index
        %get3A_925 = tpu.vector_load %arg7[%get3A_921, %get3A_922, %get3A_923, %get3A_924] {strides = array<i32>} : memref<2x4x64x128xf32, #tpu.memory_space<vmem>>, vector<1x1x1x16xf32>,
        %get3A_926 = vector.shape_cast %get3A_925 : vector<1x1x1x16xf32> to vector<16xf32>
        %max3A_927 = arith.maximumf %max3A_919, %get3A_926 : vector<16xf32>
        %get3A_928 = arith.constant 19 : i32
        %get3A_929 = arith.index_cast %rem3A_69 : i32 to index
        %get3A_930 = arith.index_cast %scan3A_134 : i32 to index
        %get3A_931 = arith.index_cast %get3A_928 : i32 to index
        %get3A_932 = arith.constant 16 : index
        %get3A_933 = tpu.vector_load %arg7[%get3A_929, %get3A_930, %get3A_931, %get3A_932] {strides = array<i32>} : memref<2x4x64x128xf32, #tpu.memory_space<vmem>>, vector<1x1x1x16xf32>,
        %get3A_934 = vector.shape_cast %get3A_933 : vector<1x1x1x16xf32> to vector<16xf32>
        %max3A_935 = arith.maximumf %max3A_927, %get3A_934 : vector<16xf32>
        %get3A_936 = arith.constant 25 : i32
        %get3A_937 = arith.index_cast %rem3A_69 : i32 to index
        %get3A_938 = arith.index_cast %scan3A_134 : i32 to index
        %get3A_939 = arith.index_cast %get3A_936 : i32 to index
        %get3A_940 = arith.constant 16 : index
        %get3A_941 = tpu.vector_load %arg7[%get3A_937, %get3A_938, %get3A_939, %get3A_940] {strides = array<i32>} : memref<2x4x64x128xf32, #tpu.memory_space<vmem>>, vector<1x1x1x16xf32>,
        %get3A_942 = vector.shape_cast %get3A_941 : vector<1x1x1x16xf32> to vector<16xf32>
        %max3A_943 = arith.maximumf %max3A_935, %get3A_942 : vector<16xf32>
        %get3A_944 = arith.constant 31 : i32
        %get3A_945 = arith.index_cast %rem3A_69 : i32 to index
        %get3A_946 = arith.index_cast %scan3A_134 : i32 to index
        %get3A_947 = arith.index_cast %get3A_944 : i32 to index
        %get3A_948 = arith.constant 16 : index
        %get3A_949 = tpu.vector_load %arg7[%get3A_945, %get3A_946, %get3A_947, %get3A_948] {strides = array<i32>} : memref<2x4x64x128xf32, #tpu.memory_space<vmem>>, vector<1x1x1x16xf32>,
        %get3A_950 = vector.shape_cast %get3A_949 : vector<1x1x1x16xf32> to vector<16xf32>
        %max3A_951 = arith.maximumf %max3A_943, %get3A_950 : vector<16xf32>
        %get3A_952 = arith.constant 37 : i32
        %get3A_953 = arith.index_cast %rem3A_69 : i32 to index
        %get3A_954 = arith.index_cast %scan3A_134 : i32 to index
        %get3A_955 = arith.index_cast %get3A_952 : i32 to index
        %get3A_956 = arith.constant 16 : index
        %get3A_957 = tpu.vector_load %arg7[%get3A_953, %get3A_954, %get3A_955, %get3A_956] {strides = array<i32>} : memref<2x4x64x128xf32, #tpu.memory_space<vmem>>, vector<1x1x1x16xf32>,
        %get3A_958 = vector.shape_cast %get3A_957 : vector<1x1x1x16xf32> to vector<16xf32>
        %max3A_959 = arith.maximumf %max3A_951, %get3A_958 : vector<16xf32>
        %get3A_960 = arith.constant 43 : i32
        %get3A_961 = arith.index_cast %rem3A_69 : i32 to index
        %get3A_962 = arith.index_cast %scan3A_134 : i32 to index
        %get3A_963 = arith.index_cast %get3A_960 : i32 to index
        %get3A_964 = arith.constant 16 : index
        %get3A_965 = tpu.vector_load %arg7[%get3A_961, %get3A_962, %get3A_963, %get3A_964] {strides = array<i32>} : memref<2x4x64x128xf32, #tpu.memory_space<vmem>>, vector<1x1x1x16xf32>,
        %get3A_966 = vector.shape_cast %get3A_965 : vector<1x1x1x16xf32> to vector<16xf32>
        %max3A_967 = arith.maximumf %max3A_959, %get3A_966 : vector<16xf32>
        %get3A_968 = arith.constant 49 : i32
        %get3A_969 = arith.index_cast %rem3A_69 : i32 to index
        %get3A_970 = arith.index_cast %scan3A_134 : i32 to index
        %get3A_971 = arith.index_cast %get3A_968 : i32 to index
        %get3A_972 = arith.constant 16 : index
        %get3A_973 = tpu.vector_load %arg7[%get3A_969, %get3A_970, %get3A_971, %get3A_972] {strides = array<i32>} : memref<2x4x64x128xf32, #tpu.memory_space<vmem>>, vector<1x1x1x16xf32>,
        %get3A_974 = vector.shape_cast %get3A_973 : vector<1x1x1x16xf32> to vector<16xf32>
        %max3A_975 = arith.maximumf %max3A_967, %get3A_974 : vector<16xf32>
        %mul3A_976 = arith.constant 6 : i32
        %mul3A_977 = arith.muli %scan3A_134, %mul3A_976 : i32
        %add3A_978 = arith.constant 1 : i32
        %add3A_979 = arith.addi %mul3A_977, %add3A_978 : i32
        %get3A_980 = arith.index_cast %rem3A_69 : i32 to index
        %get3A_981 = arith.index_cast %add3A_979 : i32 to index
        %get3A_982 = arith.constant 16 : index
        %get3A_983 = tpu.vector_load %arg6[%get3A_980, %get3A_981, %get3A_982] {strides = array<i32>} : memref<2x24x128xf32, #tpu.memory_space<vmem>>, vector<1x1x16xf32>,
        %get3A_984 = vector.shape_cast %get3A_983 : vector<1x1x16xf32> to vector<16xf32>
        %sub3A_985 = arith.subf %max3A_975, %get3A_984 : vector<16xf32>
        %swap3A_986 = arith.index_cast %scan3A_134 : i32 to index
        %swap3A_987 = arith.constant 144 : index
        %swap3A_988 = tpu.vector_load %arg8[%swap3A_986, %swap3A_987] {strides = array<i32>} : memref<4x768xf32, #tpu.memory_space<vmem>>, vector<1x16xf32>,
        %swap3A_989 = vector.shape_cast %swap3A_988 : vector<1x16xf32> to vector<16xf32>
        %swap3A_990 = vector.shape_cast %sub3A_985 : vector<16xf32> to vector<1x16xf32>
        tpu.vector_store %arg8[%swap3A_986, %swap3A_987], %swap3A_990 {strides = array<i32>} : memref<4x768xf32, #tpu.memory_space<vmem>>, vector<1x16xf32>,
        %get3A_991 = arith.constant 1 : i32
        %get3A_992 = arith.index_cast %rem3A_69 : i32 to index
        %get3A_993 = arith.index_cast %scan3A_134 : i32 to index
        %get3A_994 = arith.index_cast %get3A_991 : i32 to index
        %get3A_995 = arith.constant 32 : index
        %get3A_996 = tpu.vector_load %arg7[%get3A_992, %get3A_993, %get3A_994, %get3A_995] {strides = array<i32>} : memref<2x4x64x128xf32, #tpu.memory_space<vmem>>, vector<1x1x1x16xf32>,
        %get3A_997 = vector.shape_cast %get3A_996 : vector<1x1x1x16xf32> to vector<16xf32>
        %get3A_998 = arith.constant 7 : i32
        %get3A_999 = arith.index_cast %rem3A_69 : i32 to index
        %get3A_1000 = arith.index_cast %scan3A_134 : i32 to index
        %get3A_1001 = arith.index_cast %get3A_998 : i32 to index
        %get3A_1002 = arith.constant 32 : index
        %get3A_1003 = tpu.vector_load %arg7[%get3A_999, %get3A_1000, %get3A_1001, %get3A_1002] {strides = array<i32>} : memref<2x4x64x128xf32, #tpu.memory_space<vmem>>, vector<1x1x1x16xf32>,
        %get3A_1004 = vector.shape_cast %get3A_1003 : vector<1x1x1x16xf32> to vector<16xf32>
        %max3A_1005 = arith.maximumf %get3A_997, %get3A_1004 : vector<16xf32>
        %get3A_1006 = arith.constant 13 : i32
        %get3A_1007 = arith.index_cast %rem3A_69 : i32 to index
        %get3A_1008 = arith.index_cast %scan3A_134 : i32 to index
        %get3A_1009 = arith.index_cast %get3A_1006 : i32 to index
        %get3A_1010 = arith.constant 32 : index
        %get3A_1011 = tpu.vector_load %arg7[%get3A_1007, %get3A_1008, %get3A_1009, %get3A_1010] {strides = array<i32>} : memref<2x4x64x128xf32, #tpu.memory_space<vmem>>, vector<1x1x1x16xf32>,
        %get3A_1012 = vector.shape_cast %get3A_1011 : vector<1x1x1x16xf32> to vector<16xf32>
        %max3A_1013 = arith.maximumf %max3A_1005, %get3A_1012 : vector<16xf32>
        %get3A_1014 = arith.constant 19 : i32
        %get3A_1015 = arith.index_cast %rem3A_69 : i32 to index
        %get3A_1016 = arith.index_cast %scan3A_134 : i32 to index
        %get3A_1017 = arith.index_cast %get3A_1014 : i32 to index
        %get3A_1018 = arith.constant 32 : index
        %get3A_1019 = tpu.vector_load %arg7[%get3A_1015, %get3A_1016, %get3A_1017, %get3A_1018] {strides = array<i32>} : memref<2x4x64x128xf32, #tpu.memory_space<vmem>>, vector<1x1x1x16xf32>,
        %get3A_1020 = vector.shape_cast %get3A_1019 : vector<1x1x1x16xf32> to vector<16xf32>
        %max3A_1021 = arith.maximumf %max3A_1013, %get3A_1020 : vector<16xf32>
        %get3A_1022 = arith.constant 25 : i32
        %get3A_1023 = arith.index_cast %rem3A_69 : i32 to index
        %get3A_1024 = arith.index_cast %scan3A_134 : i32 to index
        %get3A_1025 = arith.index_cast %get3A_1022 : i32 to index
        %get3A_1026 = arith.constant 32 : index
        %get3A_1027 = tpu.vector_load %arg7[%get3A_1023, %get3A_1024, %get3A_1025, %get3A_1026] {strides = array<i32>} : memref<2x4x64x128xf32, #tpu.memory_space<vmem>>, vector<1x1x1x16xf32>,
        %get3A_1028 = vector.shape_cast %get3A_1027 : vector<1x1x1x16xf32> to vector<16xf32>
        %max3A_1029 = arith.maximumf %max3A_1021, %get3A_1028 : vector<16xf32>
        %get3A_1030 = arith.constant 31 : i32
        %get3A_1031 = arith.index_cast %rem3A_69 : i32 to index
        %get3A_1032 = arith.index_cast %scan3A_134 : i32 to index
        %get3A_1033 = arith.index_cast %get3A_1030 : i32 to index
        %get3A_1034 = arith.constant 32 : index
        %get3A_1035 = tpu.vector_load %arg7[%get3A_1031, %get3A_1032, %get3A_1033, %get3A_1034] {strides = array<i32>} : memref<2x4x64x128xf32, #tpu.memory_space<vmem>>, vector<1x1x1x16xf32>,
        %get3A_1036 = vector.shape_cast %get3A_1035 : vector<1x1x1x16xf32> to vector<16xf32>
        %max3A_1037 = arith.maximumf %max3A_1029, %get3A_1036 : vector<16xf32>
        %get3A_1038 = arith.constant 37 : i32
        %get3A_1039 = arith.index_cast %rem3A_69 : i32 to index
        %get3A_1040 = arith.index_cast %scan3A_134 : i32 to index
        %get3A_1041 = arith.index_cast %get3A_1038 : i32 to index
        %get3A_1042 = arith.constant 32 : index
        %get3A_1043 = tpu.vector_load %arg7[%get3A_1039, %get3A_1040, %get3A_1041, %get3A_1042] {strides = array<i32>} : memref<2x4x64x128xf32, #tpu.memory_space<vmem>>, vector<1x1x1x16xf32>,
        %get3A_1044 = vector.shape_cast %get3A_1043 : vector<1x1x1x16xf32> to vector<16xf32>
        %max3A_1045 = arith.maximumf %max3A_1037, %get3A_1044 : vector<16xf32>
        %get3A_1046 = arith.constant 43 : i32
        %get3A_1047 = arith.index_cast %rem3A_69 : i32 to index
        %get3A_1048 = arith.index_cast %scan3A_134 : i32 to index
        %get3A_1049 = arith.index_cast %get3A_1046 : i32 to index
        %get3A_1050 = arith.constant 32 : index
        %get3A_1051 = tpu.vector_load %arg7[%get3A_1047, %get3A_1048, %get3A_1049, %get3A_1050] {strides = array<i32>} : memref<2x4x64x128xf32, #tpu.memory_space<vmem>>, vector<1x1x1x16xf32>,
        %get3A_1052 = vector.shape_cast %get3A_1051 : vector<1x1x1x16xf32> to vector<16xf32>
        %max3A_1053 = arith.maximumf %max3A_1045, %get3A_1052 : vector<16xf32>
        %get3A_1054 = arith.constant 49 : i32
        %get3A_1055 = arith.index_cast %rem3A_69 : i32 to index
        %get3A_1056 = arith.index_cast %scan3A_134 : i32 to index
        %get3A_1057 = arith.index_cast %get3A_1054 : i32 to index
        %get3A_1058 = arith.constant 32 : index
        %get3A_1059 = tpu.vector_load %arg7[%get3A_1055, %get3A_1056, %get3A_1057, %get3A_1058] {strides = array<i32>} : memref<2x4x64x128xf32, #tpu.memory_space<vmem>>, vector<1x1x1x16xf32>,
        %get3A_1060 = vector.shape_cast %get3A_1059 : vector<1x1x1x16xf32> to vector<16xf32>
        %max3A_1061 = arith.maximumf %max3A_1053, %get3A_1060 : vector<16xf32>
        %mul3A_1062 = arith.constant 6 : i32
        %mul3A_1063 = arith.muli %scan3A_134, %mul3A_1062 : i32
        %add3A_1064 = arith.constant 1 : i32
        %add3A_1065 = arith.addi %mul3A_1063, %add3A_1064 : i32
        %get3A_1066 = arith.index_cast %rem3A_69 : i32 to index
        %get3A_1067 = arith.index_cast %add3A_1065 : i32 to index
        %get3A_1068 = arith.constant 32 : index
        %get3A_1069 = tpu.vector_load %arg6[%get3A_1066, %get3A_1067, %get3A_1068] {strides = array<i32>} : memref<2x24x128xf32, #tpu.memory_space<vmem>>, vector<1x1x16xf32>,
        %get3A_1070 = vector.shape_cast %get3A_1069 : vector<1x1x16xf32> to vector<16xf32>
        %sub3A_1071 = arith.subf %max3A_1061, %get3A_1070 : vector<16xf32>
        %swap3A_1072 = arith.index_cast %scan3A_134 : i32 to index
        %swap3A_1073 = arith.constant 160 : index
        %swap3A_1074 = tpu.vector_load %arg8[%swap3A_1072, %swap3A_1073] {strides = array<i32>} : memref<4x768xf32, #tpu.memory_space<vmem>>, vector<1x16xf32>,
        %swap3A_1075 = vector.shape_cast %swap3A_1074 : vector<1x16xf32> to vector<16xf32>
        %swap3A_1076 = vector.shape_cast %sub3A_1071 : vector<16xf32> to vector<1x16xf32>
        tpu.vector_store %arg8[%swap3A_1072, %swap3A_1073], %swap3A_1076 {strides = array<i32>} : memref<4x768xf32, #tpu.memory_space<vmem>>, vector<1x16xf32>,
        %get3A_1077 = arith.constant 1 : i32
        %get3A_1078 = arith.index_cast %rem3A_69 : i32 to index
        %get3A_1079 = arith.index_cast %scan3A_134 : i32 to index
        %get3A_1080 = arith.index_cast %get3A_1077 : i32 to index
        %get3A_1081 = arith.constant 48 : index
        %get3A_1082 = tpu.vector_load %arg7[%get3A_1078, %get3A_1079, %get3A_1080, %get3A_1081] {strides = array<i32>} : memref<2x4x64x128xf32, #tpu.memory_space<vmem>>, vector<1x1x1x16xf32>,
        %get3A_1083 = vector.shape_cast %get3A_1082 : vector<1x1x1x16xf32> to vector<16xf32>
        %get3A_1084 = arith.constant 7 : i32
        %get3A_1085 = arith.index_cast %rem3A_69 : i32 to index
        %get3A_1086 = arith.index_cast %scan3A_134 : i32 to index
        %get3A_1087 = arith.index_cast %get3A_1084 : i32 to index
        %get3A_1088 = arith.constant 48 : index
        %get3A_1089 = tpu.vector_load %arg7[%get3A_1085, %get3A_1086, %get3A_1087, %get3A_1088] {strides = array<i32>} : memref<2x4x64x128xf32, #tpu.memory_space<vmem>>, vector<1x1x1x16xf32>,
        %get3A_1090 = vector.shape_cast %get3A_1089 : vector<1x1x1x16xf32> to vector<16xf32>
        %max3A_1091 = arith.maximumf %get3A_1083, %get3A_1090 : vector<16xf32>
        %get3A_1092 = arith.constant 13 : i32
        %get3A_1093 = arith.index_cast %rem3A_69 : i32 to index
        %get3A_1094 = arith.index_cast %scan3A_134 : i32 to index
        %get3A_1095 = arith.index_cast %get3A_1092 : i32 to index
        %get3A_1096 = arith.constant 48 : index
        %get3A_1097 = tpu.vector_load %arg7[%get3A_1093, %get3A_1094, %get3A_1095, %get3A_1096] {strides = array<i32>} : memref<2x4x64x128xf32, #tpu.memory_space<vmem>>, vector<1x1x1x16xf32>,
        %get3A_1098 = vector.shape_cast %get3A_1097 : vector<1x1x1x16xf32> to vector<16xf32>
        %max3A_1099 = arith.maximumf %max3A_1091, %get3A_1098 : vector<16xf32>
        %get3A_1100 = arith.constant 19 : i32
        %get3A_1101 = arith.index_cast %rem3A_69 : i32 to index
        %get3A_1102 = arith.index_cast %scan3A_134 : i32 to index
        %get3A_1103 = arith.index_cast %get3A_1100 : i32 to index
        %get3A_1104 = arith.constant 48 : index
        %get3A_1105 = tpu.vector_load %arg7[%get3A_1101, %get3A_1102, %get3A_1103, %get3A_1104] {strides = array<i32>} : memref<2x4x64x128xf32, #tpu.memory_space<vmem>>, vector<1x1x1x16xf32>,
        %get3A_1106 = vector.shape_cast %get3A_1105 : vector<1x1x1x16xf32> to vector<16xf32>
        %max3A_1107 = arith.maximumf %max3A_1099, %get3A_1106 : vector<16xf32>
        %get3A_1108 = arith.constant 25 : i32
        %get3A_1109 = arith.index_cast %rem3A_69 : i32 to index
        %get3A_1110 = arith.index_cast %scan3A_134 : i32 to index
        %get3A_1111 = arith.index_cast %get3A_1108 : i32 to index
        %get3A_1112 = arith.constant 48 : index
        %get3A_1113 = tpu.vector_load %arg7[%get3A_1109, %get3A_1110, %get3A_1111, %get3A_1112] {strides = array<i32>} : memref<2x4x64x128xf32, #tpu.memory_space<vmem>>, vector<1x1x1x16xf32>,
        %get3A_1114 = vector.shape_cast %get3A_1113 : vector<1x1x1x16xf32> to vector<16xf32>
        %max3A_1115 = arith.maximumf %max3A_1107, %get3A_1114 : vector<16xf32>
        %get3A_1116 = arith.constant 31 : i32
        %get3A_1117 = arith.index_cast %rem3A_69 : i32 to index
        %get3A_1118 = arith.index_cast %scan3A_134 : i32 to index
        %get3A_1119 = arith.index_cast %get3A_1116 : i32 to index
        %get3A_1120 = arith.constant 48 : index
        %get3A_1121 = tpu.vector_load %arg7[%get3A_1117, %get3A_1118, %get3A_1119, %get3A_1120] {strides = array<i32>} : memref<2x4x64x128xf32, #tpu.memory_space<vmem>>, vector<1x1x1x16xf32>,
        %get3A_1122 = vector.shape_cast %get3A_1121 : vector<1x1x1x16xf32> to vector<16xf32>
        %max3A_1123 = arith.maximumf %max3A_1115, %get3A_1122 : vector<16xf32>
        %get3A_1124 = arith.constant 37 : i32
        %get3A_1125 = arith.index_cast %rem3A_69 : i32 to index
        %get3A_1126 = arith.index_cast %scan3A_134 : i32 to index
        %get3A_1127 = arith.index_cast %get3A_1124 : i32 to index
        %get3A_1128 = arith.constant 48 : index
        %get3A_1129 = tpu.vector_load %arg7[%get3A_1125, %get3A_1126, %get3A_1127, %get3A_1128] {strides = array<i32>} : memref<2x4x64x128xf32, #tpu.memory_space<vmem>>, vector<1x1x1x16xf32>,
        %get3A_1130 = vector.shape_cast %get3A_1129 : vector<1x1x1x16xf32> to vector<16xf32>
        %max3A_1131 = arith.maximumf %max3A_1123, %get3A_1130 : vector<16xf32>
        %get3A_1132 = arith.constant 43 : i32
        %get3A_1133 = arith.index_cast %rem3A_69 : i32 to index
        %get3A_1134 = arith.index_cast %scan3A_134 : i32 to index
        %get3A_1135 = arith.index_cast %get3A_1132 : i32 to index
        %get3A_1136 = arith.constant 48 : index
        %get3A_1137 = tpu.vector_load %arg7[%get3A_1133, %get3A_1134, %get3A_1135, %get3A_1136] {strides = array<i32>} : memref<2x4x64x128xf32, #tpu.memory_space<vmem>>, vector<1x1x1x16xf32>,
        %get3A_1138 = vector.shape_cast %get3A_1137 : vector<1x1x1x16xf32> to vector<16xf32>
        %max3A_1139 = arith.maximumf %max3A_1131, %get3A_1138 : vector<16xf32>
        %get3A_1140 = arith.constant 49 : i32
        %get3A_1141 = arith.index_cast %rem3A_69 : i32 to index
        %get3A_1142 = arith.index_cast %scan3A_134 : i32 to index
        %get3A_1143 = arith.index_cast %get3A_1140 : i32 to index
        %get3A_1144 = arith.constant 48 : index
        %get3A_1145 = tpu.vector_load %arg7[%get3A_1141, %get3A_1142, %get3A_1143, %get3A_1144] {strides = array<i32>} : memref<2x4x64x128xf32, #tpu.memory_space<vmem>>, vector<1x1x1x16xf32>,
        %get3A_1146 = vector.shape_cast %get3A_1145 : vector<1x1x1x16xf32> to vector<16xf32>
        %max3A_1147 = arith.maximumf %max3A_1139, %get3A_1146 : vector<16xf32>
        %mul3A_1148 = arith.constant 6 : i32
        %mul3A_1149 = arith.muli %scan3A_134, %mul3A_1148 : i32
        %add3A_1150 = arith.constant 1 : i32
        %add3A_1151 = arith.addi %mul3A_1149, %add3A_1150 : i32
        %get3A_1152 = arith.index_cast %rem3A_69 : i32 to index
        %get3A_1153 = arith.index_cast %add3A_1151 : i32 to index
        %get3A_1154 = arith.constant 48 : index
        %get3A_1155 = tpu.vector_load %arg6[%get3A_1152, %get3A_1153, %get3A_1154] {strides = array<i32>} : memref<2x24x128xf32, #tpu.memory_space<vmem>>, vector<1x1x16xf32>,
        %get3A_1156 = vector.shape_cast %get3A_1155 : vector<1x1x16xf32> to vector<16xf32>
        %sub3A_1157 = arith.subf %max3A_1147, %get3A_1156 : vector<16xf32>
        %swap3A_1158 = arith.index_cast %scan3A_134 : i32 to index
        %swap3A_1159 = arith.constant 176 : index
        %swap3A_1160 = tpu.vector_load %arg8[%swap3A_1158, %swap3A_1159] {strides = array<i32>} : memref<4x768xf32, #tpu.memory_space<vmem>>, vector<1x16xf32>,
        %swap3A_1161 = vector.shape_cast %swap3A_1160 : vector<1x16xf32> to vector<16xf32>
        %swap3A_1162 = vector.shape_cast %sub3A_1157 : vector<16xf32> to vector<1x16xf32>
        tpu.vector_store %arg8[%swap3A_1158, %swap3A_1159], %swap3A_1162 {strides = array<i32>} : memref<4x768xf32, #tpu.memory_space<vmem>>, vector<1x16xf32>,
        %get3A_1163 = arith.constant 1 : i32
        %get3A_1164 = arith.index_cast %rem3A_69 : i32 to index
        %get3A_1165 = arith.index_cast %scan3A_134 : i32 to index
        %get3A_1166 = arith.index_cast %get3A_1163 : i32 to index
        %get3A_1167 = arith.constant 64 : index
        %get3A_1168 = tpu.vector_load %arg7[%get3A_1164, %get3A_1165, %get3A_1166, %get3A_1167] {strides = array<i32>} : memref<2x4x64x128xf32, #tpu.memory_space<vmem>>, vector<1x1x1x16xf32>,
        %get3A_1169 = vector.shape_cast %get3A_1168 : vector<1x1x1x16xf32> to vector<16xf32>
        %get3A_1170 = arith.constant 7 : i32
        %get3A_1171 = arith.index_cast %rem3A_69 : i32 to index
        %get3A_1172 = arith.index_cast %scan3A_134 : i32 to index
        %get3A_1173 = arith.index_cast %get3A_1170 : i32 to index
        %get3A_1174 = arith.constant 64 : index
        %get3A_1175 = tpu.vector_load %arg7[%get3A_1171, %get3A_1172, %get3A_1173, %get3A_1174] {strides = array<i32>} : memref<2x4x64x128xf32, #tpu.memory_space<vmem>>, vector<1x1x1x16xf32>,
        %get3A_1176 = vector.shape_cast %get3A_1175 : vector<1x1x1x16xf32> to vector<16xf32>
        %max3A_1177 = arith.maximumf %get3A_1169, %get3A_1176 : vector<16xf32>
        %get3A_1178 = arith.constant 13 : i32
        %get3A_1179 = arith.index_cast %rem3A_69 : i32 to index
        %get3A_1180 = arith.index_cast %scan3A_134 : i32 to index
        %get3A_1181 = arith.index_cast %get3A_1178 : i32 to index
        %get3A_1182 = arith.constant 64 : index
        %get3A_1183 = tpu.vector_load %arg7[%get3A_1179, %get3A_1180, %get3A_1181, %get3A_1182] {strides = array<i32>} : memref<2x4x64x128xf32, #tpu.memory_space<vmem>>, vector<1x1x1x16xf32>,
        %get3A_1184 = vector.shape_cast %get3A_1183 : vector<1x1x1x16xf32> to vector<16xf32>
        %max3A_1185 = arith.maximumf %max3A_1177, %get3A_1184 : vector<16xf32>
        %get3A_1186 = arith.constant 19 : i32
        %get3A_1187 = arith.index_cast %rem3A_69 : i32 to index
        %get3A_1188 = arith.index_cast %scan3A_134 : i32 to index
        %get3A_1189 = arith.index_cast %get3A_1186 : i32 to index
        %get3A_1190 = arith.constant 64 : index
        %get3A_1191 = tpu.vector_load %arg7[%get3A_1187, %get3A_1188, %get3A_1189, %get3A_1190] {strides = array<i32>} : memref<2x4x64x128xf32, #tpu.memory_space<vmem>>, vector<1x1x1x16xf32>,
        %get3A_1192 = vector.shape_cast %get3A_1191 : vector<1x1x1x16xf32> to vector<16xf32>
        %max3A_1193 = arith.maximumf %max3A_1185, %get3A_1192 : vector<16xf32>
        %get3A_1194 = arith.constant 25 : i32
        %get3A_1195 = arith.index_cast %rem3A_69 : i32 to index
        %get3A_1196 = arith.index_cast %scan3A_134 : i32 to index
        %get3A_1197 = arith.index_cast %get3A_1194 : i32 to index
        %get3A_1198 = arith.constant 64 : index
        %get3A_1199 = tpu.vector_load %arg7[%get3A_1195, %get3A_1196, %get3A_1197, %get3A_1198] {strides = array<i32>} : memref<2x4x64x128xf32, #tpu.memory_space<vmem>>, vector<1x1x1x16xf32>,
        %get3A_1200 = vector.shape_cast %get3A_1199 : vector<1x1x1x16xf32> to vector<16xf32>
        %max3A_1201 = arith.maximumf %max3A_1193, %get3A_1200 : vector<16xf32>
        %get3A_1202 = arith.constant 31 : i32
        %get3A_1203 = arith.index_cast %rem3A_69 : i32 to index
        %get3A_1204 = arith.index_cast %scan3A_134 : i32 to index
        %get3A_1205 = arith.index_cast %get3A_1202 : i32 to index
        %get3A_1206 = arith.constant 64 : index
        %get3A_1207 = tpu.vector_load %arg7[%get3A_1203, %get3A_1204, %get3A_1205, %get3A_1206] {strides = array<i32>} : memref<2x4x64x128xf32, #tpu.memory_space<vmem>>, vector<1x1x1x16xf32>,
        %get3A_1208 = vector.shape_cast %get3A_1207 : vector<1x1x1x16xf32> to vector<16xf32>
        %max3A_1209 = arith.maximumf %max3A_1201, %get3A_1208 : vector<16xf32>
        %get3A_1210 = arith.constant 37 : i32
        %get3A_1211 = arith.index_cast %rem3A_69 : i32 to index
        %get3A_1212 = arith.index_cast %scan3A_134 : i32 to index
        %get3A_1213 = arith.index_cast %get3A_1210 : i32 to index
        %get3A_1214 = arith.constant 64 : index
        %get3A_1215 = tpu.vector_load %arg7[%get3A_1211, %get3A_1212, %get3A_1213, %get3A_1214] {strides = array<i32>} : memref<2x4x64x128xf32, #tpu.memory_space<vmem>>, vector<1x1x1x16xf32>,
        %get3A_1216 = vector.shape_cast %get3A_1215 : vector<1x1x1x16xf32> to vector<16xf32>
        %max3A_1217 = arith.maximumf %max3A_1209, %get3A_1216 : vector<16xf32>
        %get3A_1218 = arith.constant 43 : i32
        %get3A_1219 = arith.index_cast %rem3A_69 : i32 to index
        %get3A_1220 = arith.index_cast %scan3A_134 : i32 to index
        %get3A_1221 = arith.index_cast %get3A_1218 : i32 to index
        %get3A_1222 = arith.constant 64 : index
        %get3A_1223 = tpu.vector_load %arg7[%get3A_1219, %get3A_1220, %get3A_1221, %get3A_1222] {strides = array<i32>} : memref<2x4x64x128xf32, #tpu.memory_space<vmem>>, vector<1x1x1x16xf32>,
        %get3A_1224 = vector.shape_cast %get3A_1223 : vector<1x1x1x16xf32> to vector<16xf32>
        %max3A_1225 = arith.maximumf %max3A_1217, %get3A_1224 : vector<16xf32>
        %get3A_1226 = arith.constant 49 : i32
        %get3A_1227 = arith.index_cast %rem3A_69 : i32 to index
        %get3A_1228 = arith.index_cast %scan3A_134 : i32 to index
        %get3A_1229 = arith.index_cast %get3A_1226 : i32 to index
        %get3A_1230 = arith.constant 64 : index
        %get3A_1231 = tpu.vector_load %arg7[%get3A_1227, %get3A_1228, %get3A_1229, %get3A_1230] {strides = array<i32>} : memref<2x4x64x128xf32, #tpu.memory_space<vmem>>, vector<1x1x1x16xf32>,
        %get3A_1232 = vector.shape_cast %get3A_1231 : vector<1x1x1x16xf32> to vector<16xf32>
        %max3A_1233 = arith.maximumf %max3A_1225, %get3A_1232 : vector<16xf32>
        %mul3A_1234 = arith.constant 6 : i32
        %mul3A_1235 = arith.muli %scan3A_134, %mul3A_1234 : i32
        %add3A_1236 = arith.constant 1 : i32
        %add3A_1237 = arith.addi %mul3A_1235, %add3A_1236 : i32
        %get3A_1238 = arith.index_cast %rem3A_69 : i32 to index
        %get3A_1239 = arith.index_cast %add3A_1237 : i32 to index
        %get3A_1240 = arith.constant 64 : index
        %get3A_1241 = tpu.vector_load %arg6[%get3A_1238, %get3A_1239, %get3A_1240] {strides = array<i32>} : memref<2x24x128xf32, #tpu.memory_space<vmem>>, vector<1x1x16xf32>,
        %get3A_1242 = vector.shape_cast %get3A_1241 : vector<1x1x16xf32> to vector<16xf32>
        %sub3A_1243 = arith.subf %max3A_1233, %get3A_1242 : vector<16xf32>
        %swap3A_1244 = arith.index_cast %scan3A_134 : i32 to index
        %swap3A_1245 = arith.constant 192 : index
        %swap3A_1246 = tpu.vector_load %arg8[%swap3A_1244, %swap3A_1245] {strides = array<i32>} : memref<4x768xf32, #tpu.memory_space<vmem>>, vector<1x16xf32>,
        %swap3A_1247 = vector.shape_cast %swap3A_1246 : vector<1x16xf32> to vector<16xf32>
        %swap3A_1248 = vector.shape_cast %sub3A_1243 : vector<16xf32> to vector<1x16xf32>
        tpu.vector_store %arg8[%swap3A_1244, %swap3A_1245], %swap3A_1248 {strides = array<i32>} : memref<4x768xf32, #tpu.memory_space<vmem>>, vector<1x16xf32>,
        %get3A_1249 = arith.constant 1 : i32
        %get3A_1250 = arith.index_cast %rem3A_69 : i32 to index
        %get3A_1251 = arith.index_cast %scan3A_134 : i32 to index
        %get3A_1252 = arith.index_cast %get3A_1249 : i32 to index
        %get3A_1253 = arith.constant 80 : index
        %get3A_1254 = tpu.vector_load %arg7[%get3A_1250, %get3A_1251, %get3A_1252, %get3A_1253] {strides = array<i32>} : memref<2x4x64x128xf32, #tpu.memory_space<vmem>>, vector<1x1x1x16xf32>,
        %get3A_1255 = vector.shape_cast %get3A_1254 : vector<1x1x1x16xf32> to vector<16xf32>
        %get3A_1256 = arith.constant 7 : i32
        %get3A_1257 = arith.index_cast %rem3A_69 : i32 to index
        %get3A_1258 = arith.index_cast %scan3A_134 : i32 to index
        %get3A_1259 = arith.index_cast %get3A_1256 : i32 to index
        %get3A_1260 = arith.constant 80 : index
        %get3A_1261 = tpu.vector_load %arg7[%get3A_1257, %get3A_1258, %get3A_1259, %get3A_1260] {strides = array<i32>} : memref<2x4x64x128xf32, #tpu.memory_space<vmem>>, vector<1x1x1x16xf32>,
        %get3A_1262 = vector.shape_cast %get3A_1261 : vector<1x1x1x16xf32> to vector<16xf32>
        %max3A_1263 = arith.maximumf %get3A_1255, %get3A_1262 : vector<16xf32>
        %get3A_1264 = arith.constant 13 : i32
        %get3A_1265 = arith.index_cast %rem3A_69 : i32 to index
        %get3A_1266 = arith.index_cast %scan3A_134 : i32 to index
        %get3A_1267 = arith.index_cast %get3A_1264 : i32 to index
        %get3A_1268 = arith.constant 80 : index
        %get3A_1269 = tpu.vector_load %arg7[%get3A_1265, %get3A_1266, %get3A_1267, %get3A_1268] {strides = array<i32>} : memref<2x4x64x128xf32, #tpu.memory_space<vmem>>, vector<1x1x1x16xf32>,
        %get3A_1270 = vector.shape_cast %get3A_1269 : vector<1x1x1x16xf32> to vector<16xf32>
        %max3A_1271 = arith.maximumf %max3A_1263, %get3A_1270 : vector<16xf32>
        %get3A_1272 = arith.constant 19 : i32
        %get3A_1273 = arith.index_cast %rem3A_69 : i32 to index
        %get3A_1274 = arith.index_cast %scan3A_134 : i32 to index
        %get3A_1275 = arith.index_cast %get3A_1272 : i32 to index
        %get3A_1276 = arith.constant 80 : index
        %get3A_1277 = tpu.vector_load %arg7[%get3A_1273, %get3A_1274, %get3A_1275, %get3A_1276] {strides = array<i32>} : memref<2x4x64x128xf32, #tpu.memory_space<vmem>>, vector<1x1x1x16xf32>,
        %get3A_1278 = vector.shape_cast %get3A_1277 : vector<1x1x1x16xf32> to vector<16xf32>
        %max3A_1279 = arith.maximumf %max3A_1271, %get3A_1278 : vector<16xf32>
        %get3A_1280 = arith.constant 25 : i32
        %get3A_1281 = arith.index_cast %rem3A_69 : i32 to index
        %get3A_1282 = arith.index_cast %scan3A_134 : i32 to index
        %get3A_1283 = arith.index_cast %get3A_1280 : i32 to index
        %get3A_1284 = arith.constant 80 : index
        %get3A_1285 = tpu.vector_load %arg7[%get3A_1281, %get3A_1282, %get3A_1283, %get3A_1284] {strides = array<i32>} : memref<2x4x64x128xf32, #tpu.memory_space<vmem>>, vector<1x1x1x16xf32>,
        %get3A_1286 = vector.shape_cast %get3A_1285 : vector<1x1x1x16xf32> to vector<16xf32>
        %max3A_1287 = arith.maximumf %max3A_1279, %get3A_1286 : vector<16xf32>
        %get3A_1288 = arith.constant 31 : i32
        %get3A_1289 = arith.index_cast %rem3A_69 : i32 to index
        %get3A_1290 = arith.index_cast %scan3A_134 : i32 to index
        %get3A_1291 = arith.index_cast %get3A_1288 : i32 to index
        %get3A_1292 = arith.constant 80 : index
        %get3A_1293 = tpu.vector_load %arg7[%get3A_1289, %get3A_1290, %get3A_1291, %get3A_1292] {strides = array<i32>} : memref<2x4x64x128xf32, #tpu.memory_space<vmem>>, vector<1x1x1x16xf32>,
        %get3A_1294 = vector.shape_cast %get3A_1293 : vector<1x1x1x16xf32> to vector<16xf32>
        %max3A_1295 = arith.maximumf %max3A_1287, %get3A_1294 : vector<16xf32>
        %get3A_1296 = arith.constant 37 : i32
        %get3A_1297 = arith.index_cast %rem3A_69 : i32 to index
        %get3A_1298 = arith.index_cast %scan3A_134 : i32 to index
        %get3A_1299 = arith.index_cast %get3A_1296 : i32 to index
        %get3A_1300 = arith.constant 80 : index
        %get3A_1301 = tpu.vector_load %arg7[%get3A_1297, %get3A_1298, %get3A_1299, %get3A_1300] {strides = array<i32>} : memref<2x4x64x128xf32, #tpu.memory_space<vmem>>, vector<1x1x1x16xf32>,
        %get3A_1302 = vector.shape_cast %get3A_1301 : vector<1x1x1x16xf32> to vector<16xf32>
        %max3A_1303 = arith.maximumf %max3A_1295, %get3A_1302 : vector<16xf32>
        %get3A_1304 = arith.constant 43 : i32
        %get3A_1305 = arith.index_cast %rem3A_69 : i32 to index
        %get3A_1306 = arith.index_cast %scan3A_134 : i32 to index
        %get3A_1307 = arith.index_cast %get3A_1304 : i32 to index
        %get3A_1308 = arith.constant 80 : index
        %get3A_1309 = tpu.vector_load %arg7[%get3A_1305, %get3A_1306, %get3A_1307, %get3A_1308] {strides = array<i32>} : memref<2x4x64x128xf32, #tpu.memory_space<vmem>>, vector<1x1x1x16xf32>,
        %get3A_1310 = vector.shape_cast %get3A_1309 : vector<1x1x1x16xf32> to vector<16xf32>
        %max3A_1311 = arith.maximumf %max3A_1303, %get3A_1310 : vector<16xf32>
        %get3A_1312 = arith.constant 49 : i32
        %get3A_1313 = arith.index_cast %rem3A_69 : i32 to index
        %get3A_1314 = arith.index_cast %scan3A_134 : i32 to index
        %get3A_1315 = arith.index_cast %get3A_1312 : i32 to index
        %get3A_1316 = arith.constant 80 : index
        %get3A_1317 = tpu.vector_load %arg7[%get3A_1313, %get3A_1314, %get3A_1315, %get3A_1316] {strides = array<i32>} : memref<2x4x64x128xf32, #tpu.memory_space<vmem>>, vector<1x1x1x16xf32>,
        %get3A_1318 = vector.shape_cast %get3A_1317 : vector<1x1x1x16xf32> to vector<16xf32>
        %max3A_1319 = arith.maximumf %max3A_1311, %get3A_1318 : vector<16xf32>
        %mul3A_1320 = arith.constant 6 : i32
        %mul3A_1321 = arith.muli %scan3A_134, %mul3A_1320 : i32
        %add3A_1322 = arith.constant 1 : i32
        %add3A_1323 = arith.addi %mul3A_1321, %add3A_1322 : i32
        %get3A_1324 = arith.index_cast %rem3A_69 : i32 to index
        %get3A_1325 = arith.index_cast %add3A_1323 : i32 to index
        %get3A_1326 = arith.constant 80 : index
        %get3A_1327 = tpu.vector_load %arg6[%get3A_1324, %get3A_1325, %get3A_1326] {strides = array<i32>} : memref<2x24x128xf32, #tpu.memory_space<vmem>>, vector<1x1x16xf32>,
        %get3A_1328 = vector.shape_cast %get3A_1327 : vector<1x1x16xf32> to vector<16xf32>
        %sub3A_1329 = arith.subf %max3A_1319, %get3A_1328 : vector<16xf32>
        %swap3A_1330 = arith.index_cast %scan3A_134 : i32 to index
        %swap3A_1331 = arith.constant 208 : index
        %swap3A_1332 = tpu.vector_load %arg8[%swap3A_1330, %swap3A_1331] {strides = array<i32>} : memref<4x768xf32, #tpu.memory_space<vmem>>, vector<1x16xf32>,
        %swap3A_1333 = vector.shape_cast %swap3A_1332 : vector<1x16xf32> to vector<16xf32>
        %swap3A_1334 = vector.shape_cast %sub3A_1329 : vector<16xf32> to vector<1x16xf32>
        tpu.vector_store %arg8[%swap3A_1330, %swap3A_1331], %swap3A_1334 {strides = array<i32>} : memref<4x768xf32, #tpu.memory_space<vmem>>, vector<1x16xf32>,
        %get3A_1335 = arith.constant 1 : i32
        %get3A_1336 = arith.index_cast %rem3A_69 : i32 to index
        %get3A_1337 = arith.index_cast %scan3A_134 : i32 to index
        %get3A_1338 = arith.index_cast %get3A_1335 : i32 to index
        %get3A_1339 = arith.constant 96 : index
        %get3A_1340 = tpu.vector_load %arg7[%get3A_1336, %get3A_1337, %get3A_1338, %get3A_1339] {strides = array<i32>} : memref<2x4x64x128xf32, #tpu.memory_space<vmem>>, vector<1x1x1x16xf32>,
        %get3A_1341 = vector.shape_cast %get3A_1340 : vector<1x1x1x16xf32> to vector<16xf32>
        %get3A_1342 = arith.constant 7 : i32
        %get3A_1343 = arith.index_cast %rem3A_69 : i32 to index
        %get3A_1344 = arith.index_cast %scan3A_134 : i32 to index
        %get3A_1345 = arith.index_cast %get3A_1342 : i32 to index
        %get3A_1346 = arith.constant 96 : index
        %get3A_1347 = tpu.vector_load %arg7[%get3A_1343, %get3A_1344, %get3A_1345, %get3A_1346] {strides = array<i32>} : memref<2x4x64x128xf32, #tpu.memory_space<vmem>>, vector<1x1x1x16xf32>,
        %get3A_1348 = vector.shape_cast %get3A_1347 : vector<1x1x1x16xf32> to vector<16xf32>
        %max3A_1349 = arith.maximumf %get3A_1341, %get3A_1348 : vector<16xf32>
        %get3A_1350 = arith.constant 13 : i32
        %get3A_1351 = arith.index_cast %rem3A_69 : i32 to index
        %get3A_1352 = arith.index_cast %scan3A_134 : i32 to index
        %get3A_1353 = arith.index_cast %get3A_1350 : i32 to index
        %get3A_1354 = arith.constant 96 : index
        %get3A_1355 = tpu.vector_load %arg7[%get3A_1351, %get3A_1352, %get3A_1353, %get3A_1354] {strides = array<i32>} : memref<2x4x64x128xf32, #tpu.memory_space<vmem>>, vector<1x1x1x16xf32>,
        %get3A_1356 = vector.shape_cast %get3A_1355 : vector<1x1x1x16xf32> to vector<16xf32>
        %max3A_1357 = arith.maximumf %max3A_1349, %get3A_1356 : vector<16xf32>
        %get3A_1358 = arith.constant 19 : i32
        %get3A_1359 = arith.index_cast %rem3A_69 : i32 to index
        %get3A_1360 = arith.index_cast %scan3A_134 : i32 to index
        %get3A_1361 = arith.index_cast %get3A_1358 : i32 to index
        %get3A_1362 = arith.constant 96 : index
        %get3A_1363 = tpu.vector_load %arg7[%get3A_1359, %get3A_1360, %get3A_1361, %get3A_1362] {strides = array<i32>} : memref<2x4x64x128xf32, #tpu.memory_space<vmem>>, vector<1x1x1x16xf32>,
        %get3A_1364 = vector.shape_cast %get3A_1363 : vector<1x1x1x16xf32> to vector<16xf32>
        %max3A_1365 = arith.maximumf %max3A_1357, %get3A_1364 : vector<16xf32>
        %get3A_1366 = arith.constant 25 : i32
        %get3A_1367 = arith.index_cast %rem3A_69 : i32 to index
        %get3A_1368 = arith.index_cast %scan3A_134 : i32 to index
        %get3A_1369 = arith.index_cast %get3A_1366 : i32 to index
        %get3A_1370 = arith.constant 96 : index
        %get3A_1371 = tpu.vector_load %arg7[%get3A_1367, %get3A_1368, %get3A_1369, %get3A_1370] {strides = array<i32>} : memref<2x4x64x128xf32, #tpu.memory_space<vmem>>, vector<1x1x1x16xf32>,
        %get3A_1372 = vector.shape_cast %get3A_1371 : vector<1x1x1x16xf32> to vector<16xf32>
        %max3A_1373 = arith.maximumf %max3A_1365, %get3A_1372 : vector<16xf32>
        %get3A_1374 = arith.constant 31 : i32
        %get3A_1375 = arith.index_cast %rem3A_69 : i32 to index
        %get3A_1376 = arith.index_cast %scan3A_134 : i32 to index
        %get3A_1377 = arith.index_cast %get3A_1374 : i32 to index
        %get3A_1378 = arith.constant 96 : index
        %get3A_1379 = tpu.vector_load %arg7[%get3A_1375, %get3A_1376, %get3A_1377, %get3A_1378] {strides = array<i32>} : memref<2x4x64x128xf32, #tpu.memory_space<vmem>>, vector<1x1x1x16xf32>,
        %get3A_1380 = vector.shape_cast %get3A_1379 : vector<1x1x1x16xf32> to vector<16xf32>
        %max3A_1381 = arith.maximumf %max3A_1373, %get3A_1380 : vector<16xf32>
        %get3A_1382 = arith.constant 37 : i32
        %get3A_1383 = arith.index_cast %rem3A_69 : i32 to index
        %get3A_1384 = arith.index_cast %scan3A_134 : i32 to index
        %get3A_1385 = arith.index_cast %get3A_1382 : i32 to index
        %get3A_1386 = arith.constant 96 : index
        %get3A_1387 = tpu.vector_load %arg7[%get3A_1383, %get3A_1384, %get3A_1385, %get3A_1386] {strides = array<i32>} : memref<2x4x64x128xf32, #tpu.memory_space<vmem>>, vector<1x1x1x16xf32>,
        %get3A_1388 = vector.shape_cast %get3A_1387 : vector<1x1x1x16xf32> to vector<16xf32>
        %max3A_1389 = arith.maximumf %max3A_1381, %get3A_1388 : vector<16xf32>
        %get3A_1390 = arith.constant 43 : i32
        %get3A_1391 = arith.index_cast %rem3A_69 : i32 to index
        %get3A_1392 = arith.index_cast %scan3A_134 : i32 to index
        %get3A_1393 = arith.index_cast %get3A_1390 : i32 to index
        %get3A_1394 = arith.constant 96 : index
        %get3A_1395 = tpu.vector_load %arg7[%get3A_1391, %get3A_1392, %get3A_1393, %get3A_1394] {strides = array<i32>} : memref<2x4x64x128xf32, #tpu.memory_space<vmem>>, vector<1x1x1x16xf32>,
        %get3A_1396 = vector.shape_cast %get3A_1395 : vector<1x1x1x16xf32> to vector<16xf32>
        %max3A_1397 = arith.maximumf %max3A_1389, %get3A_1396 : vector<16xf32>
        %get3A_1398 = arith.constant 49 : i32
        %get3A_1399 = arith.index_cast %rem3A_69 : i32 to index
        %get3A_1400 = arith.index_cast %scan3A_134 : i32 to index
        %get3A_1401 = arith.index_cast %get3A_1398 : i32 to index
        %get3A_1402 = arith.constant 96 : index
        %get3A_1403 = tpu.vector_load %arg7[%get3A_1399, %get3A_1400, %get3A_1401, %get3A_1402] {strides = array<i32>} : memref<2x4x64x128xf32, #tpu.memory_space<vmem>>, vector<1x1x1x16xf32>,
        %get3A_1404 = vector.shape_cast %get3A_1403 : vector<1x1x1x16xf32> to vector<16xf32>
        %max3A_1405 = arith.maximumf %max3A_1397, %get3A_1404 : vector<16xf32>
        %mul3A_1406 = arith.constant 6 : i32
        %mul3A_1407 = arith.muli %scan3A_134, %mul3A_1406 : i32
        %add3A_1408 = arith.constant 1 : i32
        %add3A_1409 = arith.addi %mul3A_1407, %add3A_1408 : i32
        %get3A_1410 = arith.index_cast %rem3A_69 : i32 to index
        %get3A_1411 = arith.index_cast %add3A_1409 : i32 to index
        %get3A_1412 = arith.constant 96 : index
        %get3A_1413 = tpu.vector_load %arg6[%get3A_1410, %get3A_1411, %get3A_1412] {strides = array<i32>} : memref<2x24x128xf32, #tpu.memory_space<vmem>>, vector<1x1x16xf32>,
        %get3A_1414 = vector.shape_cast %get3A_1413 : vector<1x1x16xf32> to vector<16xf32>
        %sub3A_1415 = arith.subf %max3A_1405, %get3A_1414 : vector<16xf32>
        %swap3A_1416 = arith.index_cast %scan3A_134 : i32 to index
        %swap3A_1417 = arith.constant 224 : index
        %swap3A_1418 = tpu.vector_load %arg8[%swap3A_1416, %swap3A_1417] {strides = array<i32>} : memref<4x768xf32, #tpu.memory_space<vmem>>, vector<1x16xf32>,
        %swap3A_1419 = vector.shape_cast %swap3A_1418 : vector<1x16xf32> to vector<16xf32>
        %swap3A_1420 = vector.shape_cast %sub3A_1415 : vector<16xf32> to vector<1x16xf32>
        tpu.vector_store %arg8[%swap3A_1416, %swap3A_1417], %swap3A_1420 {strides = array<i32>} : memref<4x768xf32, #tpu.memory_space<vmem>>, vector<1x16xf32>,
        %get3A_1421 = arith.constant 1 : i32
        %get3A_1422 = arith.index_cast %rem3A_69 : i32 to index
        %get3A_1423 = arith.index_cast %scan3A_134 : i32 to index
        %get3A_1424 = arith.index_cast %get3A_1421 : i32 to index
        %get3A_1425 = arith.constant 112 : index
        %get3A_1426 = tpu.vector_load %arg7[%get3A_1422, %get3A_1423, %get3A_1424, %get3A_1425] {strides = array<i32>} : memref<2x4x64x128xf32, #tpu.memory_space<vmem>>, vector<1x1x1x16xf32>,
        %get3A_1427 = vector.shape_cast %get3A_1426 : vector<1x1x1x16xf32> to vector<16xf32>
        %get3A_1428 = arith.constant 7 : i32
        %get3A_1429 = arith.index_cast %rem3A_69 : i32 to index
        %get3A_1430 = arith.index_cast %scan3A_134 : i32 to index
        %get3A_1431 = arith.index_cast %get3A_1428 : i32 to index
        %get3A_1432 = arith.constant 112 : index
        %get3A_1433 = tpu.vector_load %arg7[%get3A_1429, %get3A_1430, %get3A_1431, %get3A_1432] {strides = array<i32>} : memref<2x4x64x128xf32, #tpu.memory_space<vmem>>, vector<1x1x1x16xf32>,
        %get3A_1434 = vector.shape_cast %get3A_1433 : vector<1x1x1x16xf32> to vector<16xf32>
        %max3A_1435 = arith.maximumf %get3A_1427, %get3A_1434 : vector<16xf32>
        %get3A_1436 = arith.constant 13 : i32
        %get3A_1437 = arith.index_cast %rem3A_69 : i32 to index
        %get3A_1438 = arith.index_cast %scan3A_134 : i32 to index
        %get3A_1439 = arith.index_cast %get3A_1436 : i32 to index
        %get3A_1440 = arith.constant 112 : index
        %get3A_1441 = tpu.vector_load %arg7[%get3A_1437, %get3A_1438, %get3A_1439, %get3A_1440] {strides = array<i32>} : memref<2x4x64x128xf32, #tpu.memory_space<vmem>>, vector<1x1x1x16xf32>,
        %get3A_1442 = vector.shape_cast %get3A_1441 : vector<1x1x1x16xf32> to vector<16xf32>
        %max3A_1443 = arith.maximumf %max3A_1435, %get3A_1442 : vector<16xf32>
        %get3A_1444 = arith.constant 19 : i32
        %get3A_1445 = arith.index_cast %rem3A_69 : i32 to index
        %get3A_1446 = arith.index_cast %scan3A_134 : i32 to index
        %get3A_1447 = arith.index_cast %get3A_1444 : i32 to index
        %get3A_1448 = arith.constant 112 : index
        %get3A_1449 = tpu.vector_load %arg7[%get3A_1445, %get3A_1446, %get3A_1447, %get3A_1448] {strides = array<i32>} : memref<2x4x64x128xf32, #tpu.memory_space<vmem>>, vector<1x1x1x16xf32>,
        %get3A_1450 = vector.shape_cast %get3A_1449 : vector<1x1x1x16xf32> to vector<16xf32>
        %max3A_1451 = arith.maximumf %max3A_1443, %get3A_1450 : vector<16xf32>
        %get3A_1452 = arith.constant 25 : i32
        %get3A_1453 = arith.index_cast %rem3A_69 : i32 to index
        %get3A_1454 = arith.index_cast %scan3A_134 : i32 to index
        %get3A_1455 = arith.index_cast %get3A_1452 : i32 to index
        %get3A_1456 = arith.constant 112 : index
        %get3A_1457 = tpu.vector_load %arg7[%get3A_1453, %get3A_1454, %get3A_1455, %get3A_1456] {strides = array<i32>} : memref<2x4x64x128xf32, #tpu.memory_space<vmem>>, vector<1x1x1x16xf32>,
        %get3A_1458 = vector.shape_cast %get3A_1457 : vector<1x1x1x16xf32> to vector<16xf32>
        %max3A_1459 = arith.maximumf %max3A_1451, %get3A_1458 : vector<16xf32>
        %get3A_1460 = arith.constant 31 : i32
        %get3A_1461 = arith.index_cast %rem3A_69 : i32 to index
        %get3A_1462 = arith.index_cast %scan3A_134 : i32 to index
        %get3A_1463 = arith.index_cast %get3A_1460 : i32 to index
        %get3A_1464 = arith.constant 112 : index
        %get3A_1465 = tpu.vector_load %arg7[%get3A_1461, %get3A_1462, %get3A_1463, %get3A_1464] {strides = array<i32>} : memref<2x4x64x128xf32, #tpu.memory_space<vmem>>, vector<1x1x1x16xf32>,
        %get3A_1466 = vector.shape_cast %get3A_1465 : vector<1x1x1x16xf32> to vector<16xf32>
        %max3A_1467 = arith.maximumf %max3A_1459, %get3A_1466 : vector<16xf32>
        %get3A_1468 = arith.constant 37 : i32
        %get3A_1469 = arith.index_cast %rem3A_69 : i32 to index
        %get3A_1470 = arith.index_cast %scan3A_134 : i32 to index
        %get3A_1471 = arith.index_cast %get3A_1468 : i32 to index
        %get3A_1472 = arith.constant 112 : index
        %get3A_1473 = tpu.vector_load %arg7[%get3A_1469, %get3A_1470, %get3A_1471, %get3A_1472] {strides = array<i32>} : memref<2x4x64x128xf32, #tpu.memory_space<vmem>>, vector<1x1x1x16xf32>,
        %get3A_1474 = vector.shape_cast %get3A_1473 : vector<1x1x1x16xf32> to vector<16xf32>
        %max3A_1475 = arith.maximumf %max3A_1467, %get3A_1474 : vector<16xf32>
        %get3A_1476 = arith.constant 43 : i32
        %get3A_1477 = arith.index_cast %rem3A_69 : i32 to index
        %get3A_1478 = arith.index_cast %scan3A_134 : i32 to index
        %get3A_1479 = arith.index_cast %get3A_1476 : i32 to index
        %get3A_1480 = arith.constant 112 : index
        %get3A_1481 = tpu.vector_load %arg7[%get3A_1477, %get3A_1478, %get3A_1479, %get3A_1480] {strides = array<i32>} : memref<2x4x64x128xf32, #tpu.memory_space<vmem>>, vector<1x1x1x16xf32>,
        %get3A_1482 = vector.shape_cast %get3A_1481 : vector<1x1x1x16xf32> to vector<16xf32>
        %max3A_1483 = arith.maximumf %max3A_1475, %get3A_1482 : vector<16xf32>
        %get3A_1484 = arith.constant 49 : i32
        %get3A_1485 = arith.index_cast %rem3A_69 : i32 to index
        %get3A_1486 = arith.index_cast %scan3A_134 : i32 to index
        %get3A_1487 = arith.index_cast %get3A_1484 : i32 to index
        %get3A_1488 = arith.constant 112 : index
        %get3A_1489 = tpu.vector_load %arg7[%get3A_1485, %get3A_1486, %get3A_1487, %get3A_1488] {strides = array<i32>} : memref<2x4x64x128xf32, #tpu.memory_space<vmem>>, vector<1x1x1x16xf32>,
        %get3A_1490 = vector.shape_cast %get3A_1489 : vector<1x1x1x16xf32> to vector<16xf32>
        %max3A_1491 = arith.maximumf %max3A_1483, %get3A_1490 : vector<16xf32>
        %mul3A_1492 = arith.constant 6 : i32
        %mul3A_1493 = arith.muli %scan3A_134, %mul3A_1492 : i32
        %add3A_1494 = arith.constant 1 : i32
        %add3A_1495 = arith.addi %mul3A_1493, %add3A_1494 : i32
        %get3A_1496 = arith.index_cast %rem3A_69 : i32 to index
        %get3A_1497 = arith.index_cast %add3A_1495 : i32 to index
        %get3A_1498 = arith.constant 112 : index
        %get3A_1499 = tpu.vector_load %arg6[%get3A_1496, %get3A_1497, %get3A_1498] {strides = array<i32>} : memref<2x24x128xf32, #tpu.memory_space<vmem>>, vector<1x1x16xf32>,
        %get3A_1500 = vector.shape_cast %get3A_1499 : vector<1x1x16xf32> to vector<16xf32>
        %sub3A_1501 = arith.subf %max3A_1491, %get3A_1500 : vector<16xf32>
        %swap3A_1502 = arith.index_cast %scan3A_134 : i32 to index
        %swap3A_1503 = arith.constant 240 : index
        %swap3A_1504 = tpu.vector_load %arg8[%swap3A_1502, %swap3A_1503] {strides = array<i32>} : memref<4x768xf32, #tpu.memory_space<vmem>>, vector<1x16xf32>,
        %swap3A_1505 = vector.shape_cast %swap3A_1504 : vector<1x16xf32> to vector<16xf32>
        %swap3A_1506 = vector.shape_cast %sub3A_1501 : vector<16xf32> to vector<1x16xf32>
        tpu.vector_store %arg8[%swap3A_1502, %swap3A_1503], %swap3A_1506 {strides = array<i32>} : memref<4x768xf32, #tpu.memory_space<vmem>>, vector<1x16xf32>,
        %get3A_1507 = arith.constant 2 : i32
        %get3A_1508 = arith.index_cast %rem3A_69 : i32 to index
        %get3A_1509 = arith.index_cast %scan3A_134 : i32 to index
        %get3A_1510 = arith.index_cast %get3A_1507 : i32 to index
        %get3A_1511 = arith.constant 0 : index
        %get3A_1512 = tpu.vector_load %arg7[%get3A_1508, %get3A_1509, %get3A_1510, %get3A_1511] {strides = array<i32>} : memref<2x4x64x128xf32, #tpu.memory_space<vmem>>, vector<1x1x1x16xf32>,
        %get3A_1513 = vector.shape_cast %get3A_1512 : vector<1x1x1x16xf32> to vector<16xf32>
        %get3A_1514 = arith.constant 8 : i32
        %get3A_1515 = arith.index_cast %rem3A_69 : i32 to index
        %get3A_1516 = arith.index_cast %scan3A_134 : i32 to index
        %get3A_1517 = arith.index_cast %get3A_1514 : i32 to index
        %get3A_1518 = arith.constant 0 : index
        %get3A_1519 = tpu.vector_load %arg7[%get3A_1515, %get3A_1516, %get3A_1517, %get3A_1518] {strides = array<i32>} : memref<2x4x64x128xf32, #tpu.memory_space<vmem>>, vector<1x1x1x16xf32>,
        %get3A_1520 = vector.shape_cast %get3A_1519 : vector<1x1x1x16xf32> to vector<16xf32>
        %max3A_1521 = arith.maximumf %get3A_1513, %get3A_1520 : vector<16xf32>
        %get3A_1522 = arith.constant 14 : i32
        %get3A_1523 = arith.index_cast %rem3A_69 : i32 to index
        %get3A_1524 = arith.index_cast %scan3A_134 : i32 to index
        %get3A_1525 = arith.index_cast %get3A_1522 : i32 to index
        %get3A_1526 = arith.constant 0 : index
        %get3A_1527 = tpu.vector_load %arg7[%get3A_1523, %get3A_1524, %get3A_1525, %get3A_1526] {strides = array<i32>} : memref<2x4x64x128xf32, #tpu.memory_space<vmem>>, vector<1x1x1x16xf32>,
        %get3A_1528 = vector.shape_cast %get3A_1527 : vector<1x1x1x16xf32> to vector<16xf32>
        %max3A_1529 = arith.maximumf %max3A_1521, %get3A_1528 : vector<16xf32>
        %get3A_1530 = arith.constant 20 : i32
        %get3A_1531 = arith.index_cast %rem3A_69 : i32 to index
        %get3A_1532 = arith.index_cast %scan3A_134 : i32 to index
        %get3A_1533 = arith.index_cast %get3A_1530 : i32 to index
        %get3A_1534 = arith.constant 0 : index
        %get3A_1535 = tpu.vector_load %arg7[%get3A_1531, %get3A_1532, %get3A_1533, %get3A_1534] {strides = array<i32>} : memref<2x4x64x128xf32, #tpu.memory_space<vmem>>, vector<1x1x1x16xf32>,
        %get3A_1536 = vector.shape_cast %get3A_1535 : vector<1x1x1x16xf32> to vector<16xf32>
        %max3A_1537 = arith.maximumf %max3A_1529, %get3A_1536 : vector<16xf32>
        %get3A_1538 = arith.constant 26 : i32
        %get3A_1539 = arith.index_cast %rem3A_69 : i32 to index
        %get3A_1540 = arith.index_cast %scan3A_134 : i32 to index
        %get3A_1541 = arith.index_cast %get3A_1538 : i32 to index
        %get3A_1542 = arith.constant 0 : index
        %get3A_1543 = tpu.vector_load %arg7[%get3A_1539, %get3A_1540, %get3A_1541, %get3A_1542] {strides = array<i32>} : memref<2x4x64x128xf32, #tpu.memory_space<vmem>>, vector<1x1x1x16xf32>,
        %get3A_1544 = vector.shape_cast %get3A_1543 : vector<1x1x1x16xf32> to vector<16xf32>
        %max3A_1545 = arith.maximumf %max3A_1537, %get3A_1544 : vector<16xf32>
        %get3A_1546 = arith.constant 32 : i32
        %get3A_1547 = arith.index_cast %rem3A_69 : i32 to index
        %get3A_1548 = arith.index_cast %scan3A_134 : i32 to index
        %get3A_1549 = arith.index_cast %get3A_1546 : i32 to index
        %get3A_1550 = arith.constant 0 : index
        %get3A_1551 = tpu.vector_load %arg7[%get3A_1547, %get3A_1548, %get3A_1549, %get3A_1550] {strides = array<i32>} : memref<2x4x64x128xf32, #tpu.memory_space<vmem>>, vector<1x1x1x16xf32>,
        %get3A_1552 = vector.shape_cast %get3A_1551 : vector<1x1x1x16xf32> to vector<16xf32>
        %max3A_1553 = arith.maximumf %max3A_1545, %get3A_1552 : vector<16xf32>
        %get3A_1554 = arith.constant 38 : i32
        %get3A_1555 = arith.index_cast %rem3A_69 : i32 to index
        %get3A_1556 = arith.index_cast %scan3A_134 : i32 to index
        %get3A_1557 = arith.index_cast %get3A_1554 : i32 to index
        %get3A_1558 = arith.constant 0 : index
        %get3A_1559 = tpu.vector_load %arg7[%get3A_1555, %get3A_1556, %get3A_1557, %get3A_1558] {strides = array<i32>} : memref<2x4x64x128xf32, #tpu.memory_space<vmem>>, vector<1x1x1x16xf32>,
        %get3A_1560 = vector.shape_cast %get3A_1559 : vector<1x1x1x16xf32> to vector<16xf32>
        %max3A_1561 = arith.maximumf %max3A_1553, %get3A_1560 : vector<16xf32>
        %get3A_1562 = arith.constant 44 : i32
        %get3A_1563 = arith.index_cast %rem3A_69 : i32 to index
        %get3A_1564 = arith.index_cast %scan3A_134 : i32 to index
        %get3A_1565 = arith.index_cast %get3A_1562 : i32 to index
        %get3A_1566 = arith.constant 0 : index
        %get3A_1567 = tpu.vector_load %arg7[%get3A_1563, %get3A_1564, %get3A_1565, %get3A_1566] {strides = array<i32>} : memref<2x4x64x128xf32, #tpu.memory_space<vmem>>, vector<1x1x1x16xf32>,
        %get3A_1568 = vector.shape_cast %get3A_1567 : vector<1x1x1x16xf32> to vector<16xf32>
        %max3A_1569 = arith.maximumf %max3A_1561, %get3A_1568 : vector<16xf32>
        %get3A_1570 = arith.constant 50 : i32
        %get3A_1571 = arith.index_cast %rem3A_69 : i32 to index
        %get3A_1572 = arith.index_cast %scan3A_134 : i32 to index
        %get3A_1573 = arith.index_cast %get3A_1570 : i32 to index
        %get3A_1574 = arith.constant 0 : index
        %get3A_1575 = tpu.vector_load %arg7[%get3A_1571, %get3A_1572, %get3A_1573, %get3A_1574] {strides = array<i32>} : memref<2x4x64x128xf32, #tpu.memory_space<vmem>>, vector<1x1x1x16xf32>,
        %get3A_1576 = vector.shape_cast %get3A_1575 : vector<1x1x1x16xf32> to vector<16xf32>
        %max3A_1577 = arith.maximumf %max3A_1569, %get3A_1576 : vector<16xf32>
        %mul3A_1578 = arith.constant 6 : i32
        %mul3A_1579 = arith.muli %scan3A_134, %mul3A_1578 : i32
        %add3A_1580 = arith.constant 2 : i32
        %add3A_1581 = arith.addi %mul3A_1579, %add3A_1580 : i32
        %get3A_1582 = arith.index_cast %rem3A_69 : i32 to index
        %get3A_1583 = arith.index_cast %add3A_1581 : i32 to index
        %get3A_1584 = arith.constant 0 : index
        %get3A_1585 = tpu.vector_load %arg6[%get3A_1582, %get3A_1583, %get3A_1584] {strides = array<i32>} : memref<2x24x128xf32, #tpu.memory_space<vmem>>, vector<1x1x16xf32>,
        %get3A_1586 = vector.shape_cast %get3A_1585 : vector<1x1x16xf32> to vector<16xf32>
        %sub3A_1587 = arith.subf %max3A_1577, %get3A_1586 : vector<16xf32>
        %swap3A_1588 = arith.index_cast %scan3A_134 : i32 to index
        %swap3A_1589 = arith.constant 256 : index
        %swap3A_1590 = tpu.vector_load %arg8[%swap3A_1588, %swap3A_1589] {strides = array<i32>} : memref<4x768xf32, #tpu.memory_space<vmem>>, vector<1x16xf32>,
        %swap3A_1591 = vector.shape_cast %swap3A_1590 : vector<1x16xf32> to vector<16xf32>
        %swap3A_1592 = vector.shape_cast %sub3A_1587 : vector<16xf32> to vector<1x16xf32>
        tpu.vector_store %arg8[%swap3A_1588, %swap3A_1589], %swap3A_1592 {strides = array<i32>} : memref<4x768xf32, #tpu.memory_space<vmem>>, vector<1x16xf32>,
        %get3A_1593 = arith.constant 2 : i32
        %get3A_1594 = arith.index_cast %rem3A_69 : i32 to index
        %get3A_1595 = arith.index_cast %scan3A_134 : i32 to index
        %get3A_1596 = arith.index_cast %get3A_1593 : i32 to index
        %get3A_1597 = arith.constant 16 : index
        %get3A_1598 = tpu.vector_load %arg7[%get3A_1594, %get3A_1595, %get3A_1596, %get3A_1597] {strides = array<i32>} : memref<2x4x64x128xf32, #tpu.memory_space<vmem>>, vector<1x1x1x16xf32>,
        %get3A_1599 = vector.shape_cast %get3A_1598 : vector<1x1x1x16xf32> to vector<16xf32>
        %get3A_1600 = arith.constant 8 : i32
        %get3A_1601 = arith.index_cast %rem3A_69 : i32 to index
        %get3A_1602 = arith.index_cast %scan3A_134 : i32 to index
        %get3A_1603 = arith.index_cast %get3A_1600 : i32 to index
        %get3A_1604 = arith.constant 16 : index
        %get3A_1605 = tpu.vector_load %arg7[%get3A_1601, %get3A_1602, %get3A_1603, %get3A_1604] {strides = array<i32>} : memref<2x4x64x128xf32, #tpu.memory_space<vmem>>, vector<1x1x1x16xf32>,
        %get3A_1606 = vector.shape_cast %get3A_1605 : vector<1x1x1x16xf32> to vector<16xf32>
        %max3A_1607 = arith.maximumf %get3A_1599, %get3A_1606 : vector<16xf32>
        %get3A_1608 = arith.constant 14 : i32
        %get3A_1609 = arith.index_cast %rem3A_69 : i32 to index
        %get3A_1610 = arith.index_cast %scan3A_134 : i32 to index
        %get3A_1611 = arith.index_cast %get3A_1608 : i32 to index
        %get3A_1612 = arith.constant 16 : index
        %get3A_1613 = tpu.vector_load %arg7[%get3A_1609, %get3A_1610, %get3A_1611, %get3A_1612] {strides = array<i32>} : memref<2x4x64x128xf32, #tpu.memory_space<vmem>>, vector<1x1x1x16xf32>,
        %get3A_1614 = vector.shape_cast %get3A_1613 : vector<1x1x1x16xf32> to vector<16xf32>
        %max3A_1615 = arith.maximumf %max3A_1607, %get3A_1614 : vector<16xf32>
        %get3A_1616 = arith.constant 20 : i32
        %get3A_1617 = arith.index_cast %rem3A_69 : i32 to index
        %get3A_1618 = arith.index_cast %scan3A_134 : i32 to index
        %get3A_1619 = arith.index_cast %get3A_1616 : i32 to index
        %get3A_1620 = arith.constant 16 : index
        %get3A_1621 = tpu.vector_load %arg7[%get3A_1617, %get3A_1618, %get3A_1619, %get3A_1620] {strides = array<i32>} : memref<2x4x64x128xf32, #tpu.memory_space<vmem>>, vector<1x1x1x16xf32>,
        %get3A_1622 = vector.shape_cast %get3A_1621 : vector<1x1x1x16xf32> to vector<16xf32>
        %max3A_1623 = arith.maximumf %max3A_1615, %get3A_1622 : vector<16xf32>
        %get3A_1624 = arith.constant 26 : i32
        %get3A_1625 = arith.index_cast %rem3A_69 : i32 to index
        %get3A_1626 = arith.index_cast %scan3A_134 : i32 to index
        %get3A_1627 = arith.index_cast %get3A_1624 : i32 to index
        %get3A_1628 = arith.constant 16 : index
        %get3A_1629 = tpu.vector_load %arg7[%get3A_1625, %get3A_1626, %get3A_1627, %get3A_1628] {strides = array<i32>} : memref<2x4x64x128xf32, #tpu.memory_space<vmem>>, vector<1x1x1x16xf32>,
        %get3A_1630 = vector.shape_cast %get3A_1629 : vector<1x1x1x16xf32> to vector<16xf32>
        %max3A_1631 = arith.maximumf %max3A_1623, %get3A_1630 : vector<16xf32>
        %get3A_1632 = arith.constant 32 : i32
        %get3A_1633 = arith.index_cast %rem3A_69 : i32 to index
        %get3A_1634 = arith.index_cast %scan3A_134 : i32 to index
        %get3A_1635 = arith.index_cast %get3A_1632 : i32 to index
        %get3A_1636 = arith.constant 16 : index
        %get3A_1637 = tpu.vector_load %arg7[%get3A_1633, %get3A_1634, %get3A_1635, %get3A_1636] {strides = array<i32>} : memref<2x4x64x128xf32, #tpu.memory_space<vmem>>, vector<1x1x1x16xf32>,
        %get3A_1638 = vector.shape_cast %get3A_1637 : vector<1x1x1x16xf32> to vector<16xf32>
        %max3A_1639 = arith.maximumf %max3A_1631, %get3A_1638 : vector<16xf32>
        %get3A_1640 = arith.constant 38 : i32
        %get3A_1641 = arith.index_cast %rem3A_69 : i32 to index
        %get3A_1642 = arith.index_cast %scan3A_134 : i32 to index
        %get3A_1643 = arith.index_cast %get3A_1640 : i32 to index
        %get3A_1644 = arith.constant 16 : index
        %get3A_1645 = tpu.vector_load %arg7[%get3A_1641, %get3A_1642, %get3A_1643, %get3A_1644] {strides = array<i32>} : memref<2x4x64x128xf32, #tpu.memory_space<vmem>>, vector<1x1x1x16xf32>,
        %get3A_1646 = vector.shape_cast %get3A_1645 : vector<1x1x1x16xf32> to vector<16xf32>
        %max3A_1647 = arith.maximumf %max3A_1639, %get3A_1646 : vector<16xf32>
        %get3A_1648 = arith.constant 44 : i32
        %get3A_1649 = arith.index_cast %rem3A_69 : i32 to index
        %get3A_1650 = arith.index_cast %scan3A_134 : i32 to index
        %get3A_1651 = arith.index_cast %get3A_1648 : i32 to index
        %get3A_1652 = arith.constant 16 : index
        %get3A_1653 = tpu.vector_load %arg7[%get3A_1649, %get3A_1650, %get3A_1651, %get3A_1652] {strides = array<i32>} : memref<2x4x64x128xf32, #tpu.memory_space<vmem>>, vector<1x1x1x16xf32>,
        %get3A_1654 = vector.shape_cast %get3A_1653 : vector<1x1x1x16xf32> to vector<16xf32>
        %max3A_1655 = arith.maximumf %max3A_1647, %get3A_1654 : vector<16xf32>
        %get3A_1656 = arith.constant 50 : i32
        %get3A_1657 = arith.index_cast %rem3A_69 : i32 to index
        %get3A_1658 = arith.index_cast %scan3A_134 : i32 to index
        %get3A_1659 = arith.index_cast %get3A_1656 : i32 to index
        %get3A_1660 = arith.constant 16 : index
        %get3A_1661 = tpu.vector_load %arg7[%get3A_1657, %get3A_1658, %get3A_1659, %get3A_1660] {strides = array<i32>} : memref<2x4x64x128xf32, #tpu.memory_space<vmem>>, vector<1x1x1x16xf32>,
        %get3A_1662 = vector.shape_cast %get3A_1661 : vector<1x1x1x16xf32> to vector<16xf32>
        %max3A_1663 = arith.maximumf %max3A_1655, %get3A_1662 : vector<16xf32>
        %mul3A_1664 = arith.constant 6 : i32
        %mul3A_1665 = arith.muli %scan3A_134, %mul3A_1664 : i32
        %add3A_1666 = arith.constant 2 : i32
        %add3A_1667 = arith.addi %mul3A_1665, %add3A_1666 : i32
        %get3A_1668 = arith.index_cast %rem3A_69 : i32 to index
        %get3A_1669 = arith.index_cast %add3A_1667 : i32 to index
        %get3A_1670 = arith.constant 16 : index
        %get3A_1671 = tpu.vector_load %arg6[%get3A_1668, %get3A_1669, %get3A_1670] {strides = array<i32>} : memref<2x24x128xf32, #tpu.memory_space<vmem>>, vector<1x1x16xf32>,
        %get3A_1672 = vector.shape_cast %get3A_1671 : vector<1x1x16xf32> to vector<16xf32>
        %sub3A_1673 = arith.subf %max3A_1663, %get3A_1672 : vector<16xf32>
        %swap3A_1674 = arith.index_cast %scan3A_134 : i32 to index
        %swap3A_1675 = arith.constant 272 : index
        %swap3A_1676 = tpu.vector_load %arg8[%swap3A_1674, %swap3A_1675] {strides = array<i32>} : memref<4x768xf32, #tpu.memory_space<vmem>>, vector<1x16xf32>,
        %swap3A_1677 = vector.shape_cast %swap3A_1676 : vector<1x16xf32> to vector<16xf32>
        %swap3A_1678 = vector.shape_cast %sub3A_1673 : vector<16xf32> to vector<1x16xf32>
        tpu.vector_store %arg8[%swap3A_1674, %swap3A_1675], %swap3A_1678 {strides = array<i32>} : memref<4x768xf32, #tpu.memory_space<vmem>>, vector<1x16xf32>,
        %get3A_1679 = arith.constant 2 : i32
        %get3A_1680 = arith.index_cast %rem3A_69 : i32 to index
        %get3A_1681 = arith.index_cast %scan3A_134 : i32 to index
        %get3A_1682 = arith.index_cast %get3A_1679 : i32 to index
        %get3A_1683 = arith.constant 32 : index
        %get3A_1684 = tpu.vector_load %arg7[%get3A_1680, %get3A_1681, %get3A_1682, %get3A_1683] {strides = array<i32>} : memref<2x4x64x128xf32, #tpu.memory_space<vmem>>, vector<1x1x1x16xf32>,
        %get3A_1685 = vector.shape_cast %get3A_1684 : vector<1x1x1x16xf32> to vector<16xf32>
        %get3A_1686 = arith.constant 8 : i32
        %get3A_1687 = arith.index_cast %rem3A_69 : i32 to index
        %get3A_1688 = arith.index_cast %scan3A_134 : i32 to index
        %get3A_1689 = arith.index_cast %get3A_1686 : i32 to index
        %get3A_1690 = arith.constant 32 : index
        %get3A_1691 = tpu.vector_load %arg7[%get3A_1687, %get3A_1688, %get3A_1689, %get3A_1690] {strides = array<i32>} : memref<2x4x64x128xf32, #tpu.memory_space<vmem>>, vector<1x1x1x16xf32>,
        %get3A_1692 = vector.shape_cast %get3A_1691 : vector<1x1x1x16xf32> to vector<16xf32>
        %max3A_1693 = arith.maximumf %get3A_1685, %get3A_1692 : vector<16xf32>
        %get3A_1694 = arith.constant 14 : i32
        %get3A_1695 = arith.index_cast %rem3A_69 : i32 to index
        %get3A_1696 = arith.index_cast %scan3A_134 : i32 to index
        %get3A_1697 = arith.index_cast %get3A_1694 : i32 to index
        %get3A_1698 = arith.constant 32 : index
        %get3A_1699 = tpu.vector_load %arg7[%get3A_1695, %get3A_1696, %get3A_1697, %get3A_1698] {strides = array<i32>} : memref<2x4x64x128xf32, #tpu.memory_space<vmem>>, vector<1x1x1x16xf32>,
        %get3A_1700 = vector.shape_cast %get3A_1699 : vector<1x1x1x16xf32> to vector<16xf32>
        %max3A_1701 = arith.maximumf %max3A_1693, %get3A_1700 : vector<16xf32>
        %get3A_1702 = arith.constant 20 : i32
        %get3A_1703 = arith.index_cast %rem3A_69 : i32 to index
        %get3A_1704 = arith.index_cast %scan3A_134 : i32 to index
        %get3A_1705 = arith.index_cast %get3A_1702 : i32 to index
        %get3A_1706 = arith.constant 32 : index
        %get3A_1707 = tpu.vector_load %arg7[%get3A_1703, %get3A_1704, %get3A_1705, %get3A_1706] {strides = array<i32>} : memref<2x4x64x128xf32, #tpu.memory_space<vmem>>, vector<1x1x1x16xf32>,
        %get3A_1708 = vector.shape_cast %get3A_1707 : vector<1x1x1x16xf32> to vector<16xf32>
        %max3A_1709 = arith.maximumf %max3A_1701, %get3A_1708 : vector<16xf32>
        %get3A_1710 = arith.constant 26 : i32
        %get3A_1711 = arith.index_cast %rem3A_69 : i32 to index
        %get3A_1712 = arith.index_cast %scan3A_134 : i32 to index
        %get3A_1713 = arith.index_cast %get3A_1710 : i32 to index
        %get3A_1714 = arith.constant 32 : index
        %get3A_1715 = tpu.vector_load %arg7[%get3A_1711, %get3A_1712, %get3A_1713, %get3A_1714] {strides = array<i32>} : memref<2x4x64x128xf32, #tpu.memory_space<vmem>>, vector<1x1x1x16xf32>,
        %get3A_1716 = vector.shape_cast %get3A_1715 : vector<1x1x1x16xf32> to vector<16xf32>
        %max3A_1717 = arith.maximumf %max3A_1709, %get3A_1716 : vector<16xf32>
        %get3A_1718 = arith.constant 32 : i32
        %get3A_1719 = arith.index_cast %rem3A_69 : i32 to index
        %get3A_1720 = arith.index_cast %scan3A_134 : i32 to index
        %get3A_1721 = arith.index_cast %get3A_1718 : i32 to index
        %get3A_1722 = arith.constant 32 : index
        %get3A_1723 = tpu.vector_load %arg7[%get3A_1719, %get3A_1720, %get3A_1721, %get3A_1722] {strides = array<i32>} : memref<2x4x64x128xf32, #tpu.memory_space<vmem>>, vector<1x1x1x16xf32>,
        %get3A_1724 = vector.shape_cast %get3A_1723 : vector<1x1x1x16xf32> to vector<16xf32>
        %max3A_1725 = arith.maximumf %max3A_1717, %get3A_1724 : vector<16xf32>
        %get3A_1726 = arith.constant 38 : i32
        %get3A_1727 = arith.index_cast %rem3A_69 : i32 to index
        %get3A_1728 = arith.index_cast %scan3A_134 : i32 to index
        %get3A_1729 = arith.index_cast %get3A_1726 : i32 to index
        %get3A_1730 = arith.constant 32 : index
        %get3A_1731 = tpu.vector_load %arg7[%get3A_1727, %get3A_1728, %get3A_1729, %get3A_1730] {strides = array<i32>} : memref<2x4x64x128xf32, #tpu.memory_space<vmem>>, vector<1x1x1x16xf32>,
        %get3A_1732 = vector.shape_cast %get3A_1731 : vector<1x1x1x16xf32> to vector<16xf32>
        %max3A_1733 = arith.maximumf %max3A_1725, %get3A_1732 : vector<16xf32>
        %get3A_1734 = arith.constant 44 : i32
        %get3A_1735 = arith.index_cast %rem3A_69 : i32 to index
        %get3A_1736 = arith.index_cast %scan3A_134 : i32 to index
        %get3A_1737 = arith.index_cast %get3A_1734 : i32 to index
        %get3A_1738 = arith.constant 32 : index
        %get3A_1739 = tpu.vector_load %arg7[%get3A_1735, %get3A_1736, %get3A_1737, %get3A_1738] {strides = array<i32>} : memref<2x4x64x128xf32, #tpu.memory_space<vmem>>, vector<1x1x1x16xf32>,
        %get3A_1740 = vector.shape_cast %get3A_1739 : vector<1x1x1x16xf32> to vector<16xf32>
        %max3A_1741 = arith.maximumf %max3A_1733, %get3A_1740 : vector<16xf32>
        %get3A_1742 = arith.constant 50 : i32
        %get3A_1743 = arith.index_cast %rem3A_69 : i32 to index
        %get3A_1744 = arith.index_cast %scan3A_134 : i32 to index
        %get3A_1745 = arith.index_cast %get3A_1742 : i32 to index
        %get3A_1746 = arith.constant 32 : index
        %get3A_1747 = tpu.vector_load %arg7[%get3A_1743, %get3A_1744, %get3A_1745, %get3A_1746] {strides = array<i32>} : memref<2x4x64x128xf32, #tpu.memory_space<vmem>>, vector<1x1x1x16xf32>,
        %get3A_1748 = vector.shape_cast %get3A_1747 : vector<1x1x1x16xf32> to vector<16xf32>
        %max3A_1749 = arith.maximumf %max3A_1741, %get3A_1748 : vector<16xf32>
        %mul3A_1750 = arith.constant 6 : i32
        %mul3A_1751 = arith.muli %scan3A_134, %mul3A_1750 : i32
        %add3A_1752 = arith.constant 2 : i32
        %add3A_1753 = arith.addi %mul3A_1751, %add3A_1752 : i32
        %get3A_1754 = arith.index_cast %rem3A_69 : i32 to index
        %get3A_1755 = arith.index_cast %add3A_1753 : i32 to index
        %get3A_1756 = arith.constant 32 : index
        %get3A_1757 = tpu.vector_load %arg6[%get3A_1754, %get3A_1755, %get3A_1756] {strides = array<i32>} : memref<2x24x128xf32, #tpu.memory_space<vmem>>, vector<1x1x16xf32>,
        %get3A_1758 = vector.shape_cast %get3A_1757 : vector<1x1x16xf32> to vector<16xf32>
        %sub3A_1759 = arith.subf %max3A_1749, %get3A_1758 : vector<16xf32>
        %swap3A_1760 = arith.index_cast %scan3A_134 : i32 to index
        %swap3A_1761 = arith.constant 288 : index
        %swap3A_1762 = tpu.vector_load %arg8[%swap3A_1760, %swap3A_1761] {strides = array<i32>} : memref<4x768xf32, #tpu.memory_space<vmem>>, vector<1x16xf32>,
        %swap3A_1763 = vector.shape_cast %swap3A_1762 : vector<1x16xf32> to vector<16xf32>
        %swap3A_1764 = vector.shape_cast %sub3A_1759 : vector<16xf32> to vector<1x16xf32>
        tpu.vector_store %arg8[%swap3A_1760, %swap3A_1761], %swap3A_1764 {strides = array<i32>} : memref<4x768xf32, #tpu.memory_space<vmem>>, vector<1x16xf32>,
        %get3A_1765 = arith.constant 2 : i32
        %get3A_1766 = arith.index_cast %rem3A_69 : i32 to index
        %get3A_1767 = arith.index_cast %scan3A_134 : i32 to index
        %get3A_1768 = arith.index_cast %get3A_1765 : i32 to index
        %get3A_1769 = arith.constant 48 : index
        %get3A_1770 = tpu.vector_load %arg7[%get3A_1766, %get3A_1767, %get3A_1768, %get3A_1769] {strides = array<i32>} : memref<2x4x64x128xf32, #tpu.memory_space<vmem>>, vector<1x1x1x16xf32>,
        %get3A_1771 = vector.shape_cast %get3A_1770 : vector<1x1x1x16xf32> to vector<16xf32>
        %get3A_1772 = arith.constant 8 : i32
        %get3A_1773 = arith.index_cast %rem3A_69 : i32 to index
        %get3A_1774 = arith.index_cast %scan3A_134 : i32 to index
        %get3A_1775 = arith.index_cast %get3A_1772 : i32 to index
        %get3A_1776 = arith.constant 48 : index
        %get3A_1777 = tpu.vector_load %arg7[%get3A_1773, %get3A_1774, %get3A_1775, %get3A_1776] {strides = array<i32>} : memref<2x4x64x128xf32, #tpu.memory_space<vmem>>, vector<1x1x1x16xf32>,
        %get3A_1778 = vector.shape_cast %get3A_1777 : vector<1x1x1x16xf32> to vector<16xf32>
        %max3A_1779 = arith.maximumf %get3A_1771, %get3A_1778 : vector<16xf32>
        %get3A_1780 = arith.constant 14 : i32
        %get3A_1781 = arith.index_cast %rem3A_69 : i32 to index
        %get3A_1782 = arith.index_cast %scan3A_134 : i32 to index
        %get3A_1783 = arith.index_cast %get3A_1780 : i32 to index
        %get3A_1784 = arith.constant 48 : index
        %get3A_1785 = tpu.vector_load %arg7[%get3A_1781, %get3A_1782, %get3A_1783, %get3A_1784] {strides = array<i32>} : memref<2x4x64x128xf32, #tpu.memory_space<vmem>>, vector<1x1x1x16xf32>,
        %get3A_1786 = vector.shape_cast %get3A_1785 : vector<1x1x1x16xf32> to vector<16xf32>
        %max3A_1787 = arith.maximumf %max3A_1779, %get3A_1786 : vector<16xf32>
        %get3A_1788 = arith.constant 20 : i32
        %get3A_1789 = arith.index_cast %rem3A_69 : i32 to index
        %get3A_1790 = arith.index_cast %scan3A_134 : i32 to index
        %get3A_1791 = arith.index_cast %get3A_1788 : i32 to index
        %get3A_1792 = arith.constant 48 : index
        %get3A_1793 = tpu.vector_load %arg7[%get3A_1789, %get3A_1790, %get3A_1791, %get3A_1792] {strides = array<i32>} : memref<2x4x64x128xf32, #tpu.memory_space<vmem>>, vector<1x1x1x16xf32>,
        %get3A_1794 = vector.shape_cast %get3A_1793 : vector<1x1x1x16xf32> to vector<16xf32>
        %max3A_1795 = arith.maximumf %max3A_1787, %get3A_1794 : vector<16xf32>
        %get3A_1796 = arith.constant 26 : i32
        %get3A_1797 = arith.index_cast %rem3A_69 : i32 to index
        %get3A_1798 = arith.index_cast %scan3A_134 : i32 to index
        %get3A_1799 = arith.index_cast %get3A_1796 : i32 to index
        %get3A_1800 = arith.constant 48 : index
        %get3A_1801 = tpu.vector_load %arg7[%get3A_1797, %get3A_1798, %get3A_1799, %get3A_1800] {strides = array<i32>} : memref<2x4x64x128xf32, #tpu.memory_space<vmem>>, vector<1x1x1x16xf32>,
        %get3A_1802 = vector.shape_cast %get3A_1801 : vector<1x1x1x16xf32> to vector<16xf32>
        %max3A_1803 = arith.maximumf %max3A_1795, %get3A_1802 : vector<16xf32>
        %get3A_1804 = arith.constant 32 : i32
        %get3A_1805 = arith.index_cast %rem3A_69 : i32 to index
        %get3A_1806 = arith.index_cast %scan3A_134 : i32 to index
        %get3A_1807 = arith.index_cast %get3A_1804 : i32 to index
        %get3A_1808 = arith.constant 48 : index
        %get3A_1809 = tpu.vector_load %arg7[%get3A_1805, %get3A_1806, %get3A_1807, %get3A_1808] {strides = array<i32>} : memref<2x4x64x128xf32, #tpu.memory_space<vmem>>, vector<1x1x1x16xf32>,
        %get3A_1810 = vector.shape_cast %get3A_1809 : vector<1x1x1x16xf32> to vector<16xf32>
        %max3A_1811 = arith.maximumf %max3A_1803, %get3A_1810 : vector<16xf32>
        %get3A_1812 = arith.constant 38 : i32
        %get3A_1813 = arith.index_cast %rem3A_69 : i32 to index
        %get3A_1814 = arith.index_cast %scan3A_134 : i32 to index
        %get3A_1815 = arith.index_cast %get3A_1812 : i32 to index
        %get3A_1816 = arith.constant 48 : index
        %get3A_1817 = tpu.vector_load %arg7[%get3A_1813, %get3A_1814, %get3A_1815, %get3A_1816] {strides = array<i32>} : memref<2x4x64x128xf32, #tpu.memory_space<vmem>>, vector<1x1x1x16xf32>,
        %get3A_1818 = vector.shape_cast %get3A_1817 : vector<1x1x1x16xf32> to vector<16xf32>
        %max3A_1819 = arith.maximumf %max3A_1811, %get3A_1818 : vector<16xf32>
        %get3A_1820 = arith.constant 44 : i32
        %get3A_1821 = arith.index_cast %rem3A_69 : i32 to index
        %get3A_1822 = arith.index_cast %scan3A_134 : i32 to index
        %get3A_1823 = arith.index_cast %get3A_1820 : i32 to index
        %get3A_1824 = arith.constant 48 : index
        %get3A_1825 = tpu.vector_load %arg7[%get3A_1821, %get3A_1822, %get3A_1823, %get3A_1824] {strides = array<i32>} : memref<2x4x64x128xf32, #tpu.memory_space<vmem>>, vector<1x1x1x16xf32>,
        %get3A_1826 = vector.shape_cast %get3A_1825 : vector<1x1x1x16xf32> to vector<16xf32>
        %max3A_1827 = arith.maximumf %max3A_1819, %get3A_1826 : vector<16xf32>
        %get3A_1828 = arith.constant 50 : i32
        %get3A_1829 = arith.index_cast %rem3A_69 : i32 to index
        %get3A_1830 = arith.index_cast %scan3A_134 : i32 to index
        %get3A_1831 = arith.index_cast %get3A_1828 : i32 to index
        %get3A_1832 = arith.constant 48 : index
        %get3A_1833 = tpu.vector_load %arg7[%get3A_1829, %get3A_1830, %get3A_1831, %get3A_1832] {strides = array<i32>} : memref<2x4x64x128xf32, #tpu.memory_space<vmem>>, vector<1x1x1x16xf32>,
        %get3A_1834 = vector.shape_cast %get3A_1833 : vector<1x1x1x16xf32> to vector<16xf32>
        %max3A_1835 = arith.maximumf %max3A_1827, %get3A_1834 : vector<16xf32>
        %mul3A_1836 = arith.constant 6 : i32
        %mul3A_1837 = arith.muli %scan3A_134, %mul3A_1836 : i32
        %add3A_1838 = arith.constant 2 : i32
        %add3A_1839 = arith.addi %mul3A_1837, %add3A_1838 : i32
        %get3A_1840 = arith.index_cast %rem3A_69 : i32 to index
        %get3A_1841 = arith.index_cast %add3A_1839 : i32 to index
        %get3A_1842 = arith.constant 48 : index
        %get3A_1843 = tpu.vector_load %arg6[%get3A_1840, %get3A_1841, %get3A_1842] {strides = array<i32>} : memref<2x24x128xf32, #tpu.memory_space<vmem>>, vector<1x1x16xf32>,
        %get3A_1844 = vector.shape_cast %get3A_1843 : vector<1x1x16xf32> to vector<16xf32>
        %sub3A_1845 = arith.subf %max3A_1835, %get3A_1844 : vector<16xf32>
        %swap3A_1846 = arith.index_cast %scan3A_134 : i32 to index
        %swap3A_1847 = arith.constant 304 : index
        %swap3A_1848 = tpu.vector_load %arg8[%swap3A_1846, %swap3A_1847] {strides = array<i32>} : memref<4x768xf32, #tpu.memory_space<vmem>>, vector<1x16xf32>,
        %swap3A_1849 = vector.shape_cast %swap3A_1848 : vector<1x16xf32> to vector<16xf32>
        %swap3A_1850 = vector.shape_cast %sub3A_1845 : vector<16xf32> to vector<1x16xf32>
        tpu.vector_store %arg8[%swap3A_1846, %swap3A_1847], %swap3A_1850 {strides = array<i32>} : memref<4x768xf32, #tpu.memory_space<vmem>>, vector<1x16xf32>,
        %get3A_1851 = arith.constant 2 : i32
        %get3A_1852 = arith.index_cast %rem3A_69 : i32 to index
        %get3A_1853 = arith.index_cast %scan3A_134 : i32 to index
        %get3A_1854 = arith.index_cast %get3A_1851 : i32 to index
        %get3A_1855 = arith.constant 64 : index
        %get3A_1856 = tpu.vector_load %arg7[%get3A_1852, %get3A_1853, %get3A_1854, %get3A_1855] {strides = array<i32>} : memref<2x4x64x128xf32, #tpu.memory_space<vmem>>, vector<1x1x1x16xf32>,
        %get3A_1857 = vector.shape_cast %get3A_1856 : vector<1x1x1x16xf32> to vector<16xf32>
        %get3A_1858 = arith.constant 8 : i32
        %get3A_1859 = arith.index_cast %rem3A_69 : i32 to index
        %get3A_1860 = arith.index_cast %scan3A_134 : i32 to index
        %get3A_1861 = arith.index_cast %get3A_1858 : i32 to index
        %get3A_1862 = arith.constant 64 : index
        %get3A_1863 = tpu.vector_load %arg7[%get3A_1859, %get3A_1860, %get3A_1861, %get3A_1862] {strides = array<i32>} : memref<2x4x64x128xf32, #tpu.memory_space<vmem>>, vector<1x1x1x16xf32>,
        %get3A_1864 = vector.shape_cast %get3A_1863 : vector<1x1x1x16xf32> to vector<16xf32>
        %max3A_1865 = arith.maximumf %get3A_1857, %get3A_1864 : vector<16xf32>
        %get3A_1866 = arith.constant 14 : i32
        %get3A_1867 = arith.index_cast %rem3A_69 : i32 to index
        %get3A_1868 = arith.index_cast %scan3A_134 : i32 to index
        %get3A_1869 = arith.index_cast %get3A_1866 : i32 to index
        %get3A_1870 = arith.constant 64 : index
        %get3A_1871 = tpu.vector_load %arg7[%get3A_1867, %get3A_1868, %get3A_1869, %get3A_1870] {strides = array<i32>} : memref<2x4x64x128xf32, #tpu.memory_space<vmem>>, vector<1x1x1x16xf32>,
        %get3A_1872 = vector.shape_cast %get3A_1871 : vector<1x1x1x16xf32> to vector<16xf32>
        %max3A_1873 = arith.maximumf %max3A_1865, %get3A_1872 : vector<16xf32>
        %get3A_1874 = arith.constant 20 : i32
        %get3A_1875 = arith.index_cast %rem3A_69 : i32 to index
        %get3A_1876 = arith.index_cast %scan3A_134 : i32 to index
        %get3A_1877 = arith.index_cast %get3A_1874 : i32 to index
        %get3A_1878 = arith.constant 64 : index
        %get3A_1879 = tpu.vector_load %arg7[%get3A_1875, %get3A_1876, %get3A_1877, %get3A_1878] {strides = array<i32>} : memref<2x4x64x128xf32, #tpu.memory_space<vmem>>, vector<1x1x1x16xf32>,
        %get3A_1880 = vector.shape_cast %get3A_1879 : vector<1x1x1x16xf32> to vector<16xf32>
        %max3A_1881 = arith.maximumf %max3A_1873, %get3A_1880 : vector<16xf32>
        %get3A_1882 = arith.constant 26 : i32
        %get3A_1883 = arith.index_cast %rem3A_69 : i32 to index
        %get3A_1884 = arith.index_cast %scan3A_134 : i32 to index
        %get3A_1885 = arith.index_cast %get3A_1882 : i32 to index
        %get3A_1886 = arith.constant 64 : index
        %get3A_1887 = tpu.vector_load %arg7[%get3A_1883, %get3A_1884, %get3A_1885, %get3A_1886] {strides = array<i32>} : memref<2x4x64x128xf32, #tpu.memory_space<vmem>>, vector<1x1x1x16xf32>,
        %get3A_1888 = vector.shape_cast %get3A_1887 : vector<1x1x1x16xf32> to vector<16xf32>
        %max3A_1889 = arith.maximumf %max3A_1881, %get3A_1888 : vector<16xf32>
        %get3A_1890 = arith.constant 32 : i32
        %get3A_1891 = arith.index_cast %rem3A_69 : i32 to index
        %get3A_1892 = arith.index_cast %scan3A_134 : i32 to index
        %get3A_1893 = arith.index_cast %get3A_1890 : i32 to index
        %get3A_1894 = arith.constant 64 : index
        %get3A_1895 = tpu.vector_load %arg7[%get3A_1891, %get3A_1892, %get3A_1893, %get3A_1894] {strides = array<i32>} : memref<2x4x64x128xf32, #tpu.memory_space<vmem>>, vector<1x1x1x16xf32>,
        %get3A_1896 = vector.shape_cast %get3A_1895 : vector<1x1x1x16xf32> to vector<16xf32>
        %max3A_1897 = arith.maximumf %max3A_1889, %get3A_1896 : vector<16xf32>
        %get3A_1898 = arith.constant 38 : i32
        %get3A_1899 = arith.index_cast %rem3A_69 : i32 to index
        %get3A_1900 = arith.index_cast %scan3A_134 : i32 to index
        %get3A_1901 = arith.index_cast %get3A_1898 : i32 to index
        %get3A_1902 = arith.constant 64 : index
        %get3A_1903 = tpu.vector_load %arg7[%get3A_1899, %get3A_1900, %get3A_1901, %get3A_1902] {strides = array<i32>} : memref<2x4x64x128xf32, #tpu.memory_space<vmem>>, vector<1x1x1x16xf32>,
        %get3A_1904 = vector.shape_cast %get3A_1903 : vector<1x1x1x16xf32> to vector<16xf32>
        %max3A_1905 = arith.maximumf %max3A_1897, %get3A_1904 : vector<16xf32>
        %get3A_1906 = arith.constant 44 : i32
        %get3A_1907 = arith.index_cast %rem3A_69 : i32 to index
        %get3A_1908 = arith.index_cast %scan3A_134 : i32 to index
        %get3A_1909 = arith.index_cast %get3A_1906 : i32 to index
        %get3A_1910 = arith.constant 64 : index
        %get3A_1911 = tpu.vector_load %arg7[%get3A_1907, %get3A_1908, %get3A_1909, %get3A_1910] {strides = array<i32>} : memref<2x4x64x128xf32, #tpu.memory_space<vmem>>, vector<1x1x1x16xf32>,
        %get3A_1912 = vector.shape_cast %get3A_1911 : vector<1x1x1x16xf32> to vector<16xf32>
        %max3A_1913 = arith.maximumf %max3A_1905, %get3A_1912 : vector<16xf32>
        %get3A_1914 = arith.constant 50 : i32
        %get3A_1915 = arith.index_cast %rem3A_69 : i32 to index
        %get3A_1916 = arith.index_cast %scan3A_134 : i32 to index
        %get3A_1917 = arith.index_cast %get3A_1914 : i32 to index
        %get3A_1918 = arith.constant 64 : index
        %get3A_1919 = tpu.vector_load %arg7[%get3A_1915, %get3A_1916, %get3A_1917, %get3A_1918] {strides = array<i32>} : memref<2x4x64x128xf32, #tpu.memory_space<vmem>>, vector<1x1x1x16xf32>,
        %get3A_1920 = vector.shape_cast %get3A_1919 : vector<1x1x1x16xf32> to vector<16xf32>
        %max3A_1921 = arith.maximumf %max3A_1913, %get3A_1920 : vector<16xf32>
        %mul3A_1922 = arith.constant 6 : i32
        %mul3A_1923 = arith.muli %scan3A_134, %mul3A_1922 : i32
        %add3A_1924 = arith.constant 2 : i32
        %add3A_1925 = arith.addi %mul3A_1923, %add3A_1924 : i32
        %get3A_1926 = arith.index_cast %rem3A_69 : i32 to index
        %get3A_1927 = arith.index_cast %add3A_1925 : i32 to index
        %get3A_1928 = arith.constant 64 : index
        %get3A_1929 = tpu.vector_load %arg6[%get3A_1926, %get3A_1927, %get3A_1928] {strides = array<i32>} : memref<2x24x128xf32, #tpu.memory_space<vmem>>, vector<1x1x16xf32>,
        %get3A_1930 = vector.shape_cast %get3A_1929 : vector<1x1x16xf32> to vector<16xf32>
        %sub3A_1931 = arith.subf %max3A_1921, %get3A_1930 : vector<16xf32>
        %swap3A_1932 = arith.index_cast %scan3A_134 : i32 to index
        %swap3A_1933 = arith.constant 320 : index
        %swap3A_1934 = tpu.vector_load %arg8[%swap3A_1932, %swap3A_1933] {strides = array<i32>} : memref<4x768xf32, #tpu.memory_space<vmem>>, vector<1x16xf32>,
        %swap3A_1935 = vector.shape_cast %swap3A_1934 : vector<1x16xf32> to vector<16xf32>
        %swap3A_1936 = vector.shape_cast %sub3A_1931 : vector<16xf32> to vector<1x16xf32>
        tpu.vector_store %arg8[%swap3A_1932, %swap3A_1933], %swap3A_1936 {strides = array<i32>} : memref<4x768xf32, #tpu.memory_space<vmem>>, vector<1x16xf32>,
        %get3A_1937 = arith.constant 2 : i32
        %get3A_1938 = arith.index_cast %rem3A_69 : i32 to index
        %get3A_1939 = arith.index_cast %scan3A_134 : i32 to index
        %get3A_1940 = arith.index_cast %get3A_1937 : i32 to index
        %get3A_1941 = arith.constant 80 : index
        %get3A_1942 = tpu.vector_load %arg7[%get3A_1938, %get3A_1939, %get3A_1940, %get3A_1941] {strides = array<i32>} : memref<2x4x64x128xf32, #tpu.memory_space<vmem>>, vector<1x1x1x16xf32>,
        %get3A_1943 = vector.shape_cast %get3A_1942 : vector<1x1x1x16xf32> to vector<16xf32>
        %get3A_1944 = arith.constant 8 : i32
        %get3A_1945 = arith.index_cast %rem3A_69 : i32 to index
        %get3A_1946 = arith.index_cast %scan3A_134 : i32 to index
        %get3A_1947 = arith.index_cast %get3A_1944 : i32 to index
        %get3A_1948 = arith.constant 80 : index
        %get3A_1949 = tpu.vector_load %arg7[%get3A_1945, %get3A_1946, %get3A_1947, %get3A_1948] {strides = array<i32>} : memref<2x4x64x128xf32, #tpu.memory_space<vmem>>, vector<1x1x1x16xf32>,
        %get3A_1950 = vector.shape_cast %get3A_1949 : vector<1x1x1x16xf32> to vector<16xf32>
        %max3A_1951 = arith.maximumf %get3A_1943, %get3A_1950 : vector<16xf32>
        %get3A_1952 = arith.constant 14 : i32
        %get3A_1953 = arith.index_cast %rem3A_69 : i32 to index
        %get3A_1954 = arith.index_cast %scan3A_134 : i32 to index
        %get3A_1955 = arith.index_cast %get3A_1952 : i32 to index
        %get3A_1956 = arith.constant 80 : index
        %get3A_1957 = tpu.vector_load %arg7[%get3A_1953, %get3A_1954, %get3A_1955, %get3A_1956] {strides = array<i32>} : memref<2x4x64x128xf32, #tpu.memory_space<vmem>>, vector<1x1x1x16xf32>,
        %get3A_1958 = vector.shape_cast %get3A_1957 : vector<1x1x1x16xf32> to vector<16xf32>
        %max3A_1959 = arith.maximumf %max3A_1951, %get3A_1958 : vector<16xf32>
        %get3A_1960 = arith.constant 20 : i32
        %get3A_1961 = arith.index_cast %rem3A_69 : i32 to index
        %get3A_1962 = arith.index_cast %scan3A_134 : i32 to index
        %get3A_1963 = arith.index_cast %get3A_1960 : i32 to index
        %get3A_1964 = arith.constant 80 : index
        %get3A_1965 = tpu.vector_load %arg7[%get3A_1961, %get3A_1962, %get3A_1963, %get3A_1964] {strides = array<i32>} : memref<2x4x64x128xf32, #tpu.memory_space<vmem>>, vector<1x1x1x16xf32>,
        %get3A_1966 = vector.shape_cast %get3A_1965 : vector<1x1x1x16xf32> to vector<16xf32>
        %max3A_1967 = arith.maximumf %max3A_1959, %get3A_1966 : vector<16xf32>
        %get3A_1968 = arith.constant 26 : i32
        %get3A_1969 = arith.index_cast %rem3A_69 : i32 to index
        %get3A_1970 = arith.index_cast %scan3A_134 : i32 to index
        %get3A_1971 = arith.index_cast %get3A_1968 : i32 to index
        %get3A_1972 = arith.constant 80 : index
        %get3A_1973 = tpu.vector_load %arg7[%get3A_1969, %get3A_1970, %get3A_1971, %get3A_1972] {strides = array<i32>} : memref<2x4x64x128xf32, #tpu.memory_space<vmem>>, vector<1x1x1x16xf32>,
        %get3A_1974 = vector.shape_cast %get3A_1973 : vector<1x1x1x16xf32> to vector<16xf32>
        %max3A_1975 = arith.maximumf %max3A_1967, %get3A_1974 : vector<16xf32>
        %get3A_1976 = arith.constant 32 : i32
        %get3A_1977 = arith.index_cast %rem3A_69 : i32 to index
        %get3A_1978 = arith.index_cast %scan3A_134 : i32 to index
        %get3A_1979 = arith.index_cast %get3A_1976 : i32 to index
        %get3A_1980 = arith.constant 80 : index
        %get3A_1981 = tpu.vector_load %arg7[%get3A_1977, %get3A_1978, %get3A_1979, %get3A_1980] {strides = array<i32>} : memref<2x4x64x128xf32, #tpu.memory_space<vmem>>, vector<1x1x1x16xf32>,
        %get3A_1982 = vector.shape_cast %get3A_1981 : vector<1x1x1x16xf32> to vector<16xf32>
        %max3A_1983 = arith.maximumf %max3A_1975, %get3A_1982 : vector<16xf32>
        %get3A_1984 = arith.constant 38 : i32
        %get3A_1985 = arith.index_cast %rem3A_69 : i32 to index
        %get3A_1986 = arith.index_cast %scan3A_134 : i32 to index
        %get3A_1987 = arith.index_cast %get3A_1984 : i32 to index
        %get3A_1988 = arith.constant 80 : index
        %get3A_1989 = tpu.vector_load %arg7[%get3A_1985, %get3A_1986, %get3A_1987, %get3A_1988] {strides = array<i32>} : memref<2x4x64x128xf32, #tpu.memory_space<vmem>>, vector<1x1x1x16xf32>,
        %get3A_1990 = vector.shape_cast %get3A_1989 : vector<1x1x1x16xf32> to vector<16xf32>
        %max3A_1991 = arith.maximumf %max3A_1983, %get3A_1990 : vector<16xf32>
        %get3A_1992 = arith.constant 44 : i32
        %get3A_1993 = arith.index_cast %rem3A_69 : i32 to index
        %get3A_1994 = arith.index_cast %scan3A_134 : i32 to index
        %get3A_1995 = arith.index_cast %get3A_1992 : i32 to index
        %get3A_1996 = arith.constant 80 : index
        %get3A_1997 = tpu.vector_load %arg7[%get3A_1993, %get3A_1994, %get3A_1995, %get3A_1996] {strides = array<i32>} : memref<2x4x64x128xf32, #tpu.memory_space<vmem>>, vector<1x1x1x16xf32>,
        %get3A_1998 = vector.shape_cast %get3A_1997 : vector<1x1x1x16xf32> to vector<16xf32>
        %max3A_1999 = arith.maximumf %max3A_1991, %get3A_1998 : vector<16xf32>
        %get3A_2000 = arith.constant 50 : i32
        %get3A_2001 = arith.index_cast %rem3A_69 : i32 to index
        %get3A_2002 = arith.index_cast %scan3A_134 : i32 to index
        %get3A_2003 = arith.index_cast %get3A_2000 : i32 to index
        %get3A_2004 = arith.constant 80 : index
        %get3A_2005 = tpu.vector_load %arg7[%get3A_2001, %get3A_2002, %get3A_2003, %get3A_2004] {strides = array<i32>} : memref<2x4x64x128xf32, #tpu.memory_space<vmem>>, vector<1x1x1x16xf32>,
        %get3A_2006 = vector.shape_cast %get3A_2005 : vector<1x1x1x16xf32> to vector<16xf32>
        %max3A_2007 = arith.maximumf %max3A_1999, %get3A_2006 : vector<16xf32>
        %mul3A_2008 = arith.constant 6 : i32
        %mul3A_2009 = arith.muli %scan3A_134, %mul3A_2008 : i32
        %add3A_2010 = arith.constant 2 : i32
        %add3A_2011 = arith.addi %mul3A_2009, %add3A_2010 : i32
        %get3A_2012 = arith.index_cast %rem3A_69 : i32 to index
        %get3A_2013 = arith.index_cast %add3A_2011 : i32 to index
        %get3A_2014 = arith.constant 80 : index
        %get3A_2015 = tpu.vector_load %arg6[%get3A_2012, %get3A_2013, %get3A_2014] {strides = array<i32>} : memref<2x24x128xf32, #tpu.memory_space<vmem>>, vector<1x1x16xf32>,
        %get3A_2016 = vector.shape_cast %get3A_2015 : vector<1x1x16xf32> to vector<16xf32>
        %sub3A_2017 = arith.subf %max3A_2007, %get3A_2016 : vector<16xf32>
        %swap3A_2018 = arith.index_cast %scan3A_134 : i32 to index
        %swap3A_2019 = arith.constant 336 : index
        %swap3A_2020 = tpu.vector_load %arg8[%swap3A_2018, %swap3A_2019] {strides = array<i32>} : memref<4x768xf32, #tpu.memory_space<vmem>>, vector<1x16xf32>,
        %swap3A_2021 = vector.shape_cast %swap3A_2020 : vector<1x16xf32> to vector<16xf32>
        %swap3A_2022 = vector.shape_cast %sub3A_2017 : vector<16xf32> to vector<1x16xf32>
        tpu.vector_store %arg8[%swap3A_2018, %swap3A_2019], %swap3A_2022 {strides = array<i32>} : memref<4x768xf32, #tpu.memory_space<vmem>>, vector<1x16xf32>,
        %get3A_2023 = arith.constant 2 : i32
        %get3A_2024 = arith.index_cast %rem3A_69 : i32 to index
        %get3A_2025 = arith.index_cast %scan3A_134 : i32 to index
        %get3A_2026 = arith.index_cast %get3A_2023 : i32 to index
        %get3A_2027 = arith.constant 96 : index
        %get3A_2028 = tpu.vector_load %arg7[%get3A_2024, %get3A_2025, %get3A_2026, %get3A_2027] {strides = array<i32>} : memref<2x4x64x128xf32, #tpu.memory_space<vmem>>, vector<1x1x1x16xf32>,
        %get3A_2029 = vector.shape_cast %get3A_2028 : vector<1x1x1x16xf32> to vector<16xf32>
        %get3A_2030 = arith.constant 8 : i32
        %get3A_2031 = arith.index_cast %rem3A_69 : i32 to index
        %get3A_2032 = arith.index_cast %scan3A_134 : i32 to index
        %get3A_2033 = arith.index_cast %get3A_2030 : i32 to index
        %get3A_2034 = arith.constant 96 : index
        %get3A_2035 = tpu.vector_load %arg7[%get3A_2031, %get3A_2032, %get3A_2033, %get3A_2034] {strides = array<i32>} : memref<2x4x64x128xf32, #tpu.memory_space<vmem>>, vector<1x1x1x16xf32>,
        %get3A_2036 = vector.shape_cast %get3A_2035 : vector<1x1x1x16xf32> to vector<16xf32>
        %max3A_2037 = arith.maximumf %get3A_2029, %get3A_2036 : vector<16xf32>
        %get3A_2038 = arith.constant 14 : i32
        %get3A_2039 = arith.index_cast %rem3A_69 : i32 to index
        %get3A_2040 = arith.index_cast %scan3A_134 : i32 to index
        %get3A_2041 = arith.index_cast %get3A_2038 : i32 to index
        %get3A_2042 = arith.constant 96 : index
        %get3A_2043 = tpu.vector_load %arg7[%get3A_2039, %get3A_2040, %get3A_2041, %get3A_2042] {strides = array<i32>} : memref<2x4x64x128xf32, #tpu.memory_space<vmem>>, vector<1x1x1x16xf32>,
        %get3A_2044 = vector.shape_cast %get3A_2043 : vector<1x1x1x16xf32> to vector<16xf32>
        %max3A_2045 = arith.maximumf %max3A_2037, %get3A_2044 : vector<16xf32>
        %get3A_2046 = arith.constant 20 : i32
        %get3A_2047 = arith.index_cast %rem3A_69 : i32 to index
        %get3A_2048 = arith.index_cast %scan3A_134 : i32 to index
        %get3A_2049 = arith.index_cast %get3A_2046 : i32 to index
        %get3A_2050 = arith.constant 96 : index
        %get3A_2051 = tpu.vector_load %arg7[%get3A_2047, %get3A_2048, %get3A_2049, %get3A_2050] {strides = array<i32>} : memref<2x4x64x128xf32, #tpu.memory_space<vmem>>, vector<1x1x1x16xf32>,
        %get3A_2052 = vector.shape_cast %get3A_2051 : vector<1x1x1x16xf32> to vector<16xf32>
        %max3A_2053 = arith.maximumf %max3A_2045, %get3A_2052 : vector<16xf32>
        %get3A_2054 = arith.constant 26 : i32
        %get3A_2055 = arith.index_cast %rem3A_69 : i32 to index
        %get3A_2056 = arith.index_cast %scan3A_134 : i32 to index
        %get3A_2057 = arith.index_cast %get3A_2054 : i32 to index
        %get3A_2058 = arith.constant 96 : index
        %get3A_2059 = tpu.vector_load %arg7[%get3A_2055, %get3A_2056, %get3A_2057, %get3A_2058] {strides = array<i32>} : memref<2x4x64x128xf32, #tpu.memory_space<vmem>>, vector<1x1x1x16xf32>,
        %get3A_2060 = vector.shape_cast %get3A_2059 : vector<1x1x1x16xf32> to vector<16xf32>
        %max3A_2061 = arith.maximumf %max3A_2053, %get3A_2060 : vector<16xf32>
        %get3A_2062 = arith.constant 32 : i32
        %get3A_2063 = arith.index_cast %rem3A_69 : i32 to index
        %get3A_2064 = arith.index_cast %scan3A_134 : i32 to index
        %get3A_2065 = arith.index_cast %get3A_2062 : i32 to index
        %get3A_2066 = arith.constant 96 : index
        %get3A_2067 = tpu.vector_load %arg7[%get3A_2063, %get3A_2064, %get3A_2065, %get3A_2066] {strides = array<i32>} : memref<2x4x64x128xf32, #tpu.memory_space<vmem>>, vector<1x1x1x16xf32>,
        %get3A_2068 = vector.shape_cast %get3A_2067 : vector<1x1x1x16xf32> to vector<16xf32>
        %max3A_2069 = arith.maximumf %max3A_2061, %get3A_2068 : vector<16xf32>
        %get3A_2070 = arith.constant 38 : i32
        %get3A_2071 = arith.index_cast %rem3A_69 : i32 to index
        %get3A_2072 = arith.index_cast %scan3A_134 : i32 to index
        %get3A_2073 = arith.index_cast %get3A_2070 : i32 to index
        %get3A_2074 = arith.constant 96 : index
        %get3A_2075 = tpu.vector_load %arg7[%get3A_2071, %get3A_2072, %get3A_2073, %get3A_2074] {strides = array<i32>} : memref<2x4x64x128xf32, #tpu.memory_space<vmem>>, vector<1x1x1x16xf32>,
        %get3A_2076 = vector.shape_cast %get3A_2075 : vector<1x1x1x16xf32> to vector<16xf32>
        %max3A_2077 = arith.maximumf %max3A_2069, %get3A_2076 : vector<16xf32>
        %get3A_2078 = arith.constant 44 : i32
        %get3A_2079 = arith.index_cast %rem3A_69 : i32 to index
        %get3A_2080 = arith.index_cast %scan3A_134 : i32 to index
        %get3A_2081 = arith.index_cast %get3A_2078 : i32 to index
        %get3A_2082 = arith.constant 96 : index
        %get3A_2083 = tpu.vector_load %arg7[%get3A_2079, %get3A_2080, %get3A_2081, %get3A_2082] {strides = array<i32>} : memref<2x4x64x128xf32, #tpu.memory_space<vmem>>, vector<1x1x1x16xf32>,
        %get3A_2084 = vector.shape_cast %get3A_2083 : vector<1x1x1x16xf32> to vector<16xf32>
        %max3A_2085 = arith.maximumf %max3A_2077, %get3A_2084 : vector<16xf32>
        %get3A_2086 = arith.constant 50 : i32
        %get3A_2087 = arith.index_cast %rem3A_69 : i32 to index
        %get3A_2088 = arith.index_cast %scan3A_134 : i32 to index
        %get3A_2089 = arith.index_cast %get3A_2086 : i32 to index
        %get3A_2090 = arith.constant 96 : index
        %get3A_2091 = tpu.vector_load %arg7[%get3A_2087, %get3A_2088, %get3A_2089, %get3A_2090] {strides = array<i32>} : memref<2x4x64x128xf32, #tpu.memory_space<vmem>>, vector<1x1x1x16xf32>,
        %get3A_2092 = vector.shape_cast %get3A_2091 : vector<1x1x1x16xf32> to vector<16xf32>
        %max3A_2093 = arith.maximumf %max3A_2085, %get3A_2092 : vector<16xf32>
        %mul3A_2094 = arith.constant 6 : i32
        %mul3A_2095 = arith.muli %scan3A_134, %mul3A_2094 : i32
        %add3A_2096 = arith.constant 2 : i32
        %add3A_2097 = arith.addi %mul3A_2095, %add3A_2096 : i32
        %get3A_2098 = arith.index_cast %rem3A_69 : i32 to index
        %get3A_2099 = arith.index_cast %add3A_2097 : i32 to index
        %get3A_2100 = arith.constant 96 : index
        %get3A_2101 = tpu.vector_load %arg6[%get3A_2098, %get3A_2099, %get3A_2100] {strides = array<i32>} : memref<2x24x128xf32, #tpu.memory_space<vmem>>, vector<1x1x16xf32>,
        %get3A_2102 = vector.shape_cast %get3A_2101 : vector<1x1x16xf32> to vector<16xf32>
        %sub3A_2103 = arith.subf %max3A_2093, %get3A_2102 : vector<16xf32>
        %swap3A_2104 = arith.index_cast %scan3A_134 : i32 to index
        %swap3A_2105 = arith.constant 352 : index
        %swap3A_2106 = tpu.vector_load %arg8[%swap3A_2104, %swap3A_2105] {strides = array<i32>} : memref<4x768xf32, #tpu.memory_space<vmem>>, vector<1x16xf32>,
        %swap3A_2107 = vector.shape_cast %swap3A_2106 : vector<1x16xf32> to vector<16xf32>
        %swap3A_2108 = vector.shape_cast %sub3A_2103 : vector<16xf32> to vector<1x16xf32>
        tpu.vector_store %arg8[%swap3A_2104, %swap3A_2105], %swap3A_2108 {strides = array<i32>} : memref<4x768xf32, #tpu.memory_space<vmem>>, vector<1x16xf32>,
        %get3A_2109 = arith.constant 2 : i32
        %get3A_2110 = arith.index_cast %rem3A_69 : i32 to index
        %get3A_2111 = arith.index_cast %scan3A_134 : i32 to index
        %get3A_2112 = arith.index_cast %get3A_2109 : i32 to index
        %get3A_2113 = arith.constant 112 : index
        %get3A_2114 = tpu.vector_load %arg7[%get3A_2110, %get3A_2111, %get3A_2112, %get3A_2113] {strides = array<i32>} : memref<2x4x64x128xf32, #tpu.memory_space<vmem>>, vector<1x1x1x16xf32>,
        %get3A_2115 = vector.shape_cast %get3A_2114 : vector<1x1x1x16xf32> to vector<16xf32>
        %get3A_2116 = arith.constant 8 : i32
        %get3A_2117 = arith.index_cast %rem3A_69 : i32 to index
        %get3A_2118 = arith.index_cast %scan3A_134 : i32 to index
        %get3A_2119 = arith.index_cast %get3A_2116 : i32 to index
        %get3A_2120 = arith.constant 112 : index
        %get3A_2121 = tpu.vector_load %arg7[%get3A_2117, %get3A_2118, %get3A_2119, %get3A_2120] {strides = array<i32>} : memref<2x4x64x128xf32, #tpu.memory_space<vmem>>, vector<1x1x1x16xf32>,
        %get3A_2122 = vector.shape_cast %get3A_2121 : vector<1x1x1x16xf32> to vector<16xf32>
        %max3A_2123 = arith.maximumf %get3A_2115, %get3A_2122 : vector<16xf32>
        %get3A_2124 = arith.constant 14 : i32
        %get3A_2125 = arith.index_cast %rem3A_69 : i32 to index
        %get3A_2126 = arith.index_cast %scan3A_134 : i32 to index
        %get3A_2127 = arith.index_cast %get3A_2124 : i32 to index
        %get3A_2128 = arith.constant 112 : index
        %get3A_2129 = tpu.vector_load %arg7[%get3A_2125, %get3A_2126, %get3A_2127, %get3A_2128] {strides = array<i32>} : memref<2x4x64x128xf32, #tpu.memory_space<vmem>>, vector<1x1x1x16xf32>,
        %get3A_2130 = vector.shape_cast %get3A_2129 : vector<1x1x1x16xf32> to vector<16xf32>
        %max3A_2131 = arith.maximumf %max3A_2123, %get3A_2130 : vector<16xf32>
        %get3A_2132 = arith.constant 20 : i32
        %get3A_2133 = arith.index_cast %rem3A_69 : i32 to index
        %get3A_2134 = arith.index_cast %scan3A_134 : i32 to index
        %get3A_2135 = arith.index_cast %get3A_2132 : i32 to index
        %get3A_2136 = arith.constant 112 : index
        %get3A_2137 = tpu.vector_load %arg7[%get3A_2133, %get3A_2134, %get3A_2135, %get3A_2136] {strides = array<i32>} : memref<2x4x64x128xf32, #tpu.memory_space<vmem>>, vector<1x1x1x16xf32>,
        %get3A_2138 = vector.shape_cast %get3A_2137 : vector<1x1x1x16xf32> to vector<16xf32>
        %max3A_2139 = arith.maximumf %max3A_2131, %get3A_2138 : vector<16xf32>
        %get3A_2140 = arith.constant 26 : i32
        %get3A_2141 = arith.index_cast %rem3A_69 : i32 to index
        %get3A_2142 = arith.index_cast %scan3A_134 : i32 to index
        %get3A_2143 = arith.index_cast %get3A_2140 : i32 to index
        %get3A_2144 = arith.constant 112 : index
        %get3A_2145 = tpu.vector_load %arg7[%get3A_2141, %get3A_2142, %get3A_2143, %get3A_2144] {strides = array<i32>} : memref<2x4x64x128xf32, #tpu.memory_space<vmem>>, vector<1x1x1x16xf32>,
        %get3A_2146 = vector.shape_cast %get3A_2145 : vector<1x1x1x16xf32> to vector<16xf32>
        %max3A_2147 = arith.maximumf %max3A_2139, %get3A_2146 : vector<16xf32>
        %get3A_2148 = arith.constant 32 : i32
        %get3A_2149 = arith.index_cast %rem3A_69 : i32 to index
        %get3A_2150 = arith.index_cast %scan3A_134 : i32 to index
        %get3A_2151 = arith.index_cast %get3A_2148 : i32 to index
        %get3A_2152 = arith.constant 112 : index
        %get3A_2153 = tpu.vector_load %arg7[%get3A_2149, %get3A_2150, %get3A_2151, %get3A_2152] {strides = array<i32>} : memref<2x4x64x128xf32, #tpu.memory_space<vmem>>, vector<1x1x1x16xf32>,
        %get3A_2154 = vector.shape_cast %get3A_2153 : vector<1x1x1x16xf32> to vector<16xf32>
        %max3A_2155 = arith.maximumf %max3A_2147, %get3A_2154 : vector<16xf32>
        %get3A_2156 = arith.constant 38 : i32
        %get3A_2157 = arith.index_cast %rem3A_69 : i32 to index
        %get3A_2158 = arith.index_cast %scan3A_134 : i32 to index
        %get3A_2159 = arith.index_cast %get3A_2156 : i32 to index
        %get3A_2160 = arith.constant 112 : index
        %get3A_2161 = tpu.vector_load %arg7[%get3A_2157, %get3A_2158, %get3A_2159, %get3A_2160] {strides = array<i32>} : memref<2x4x64x128xf32, #tpu.memory_space<vmem>>, vector<1x1x1x16xf32>,
        %get3A_2162 = vector.shape_cast %get3A_2161 : vector<1x1x1x16xf32> to vector<16xf32>
        %max3A_2163 = arith.maximumf %max3A_2155, %get3A_2162 : vector<16xf32>
        %get3A_2164 = arith.constant 44 : i32
        %get3A_2165 = arith.index_cast %rem3A_69 : i32 to index
        %get3A_2166 = arith.index_cast %scan3A_134 : i32 to index
        %get3A_2167 = arith.index_cast %get3A_2164 : i32 to index
        %get3A_2168 = arith.constant 112 : index
        %get3A_2169 = tpu.vector_load %arg7[%get3A_2165, %get3A_2166, %get3A_2167, %get3A_2168] {strides = array<i32>} : memref<2x4x64x128xf32, #tpu.memory_space<vmem>>, vector<1x1x1x16xf32>,
        %get3A_2170 = vector.shape_cast %get3A_2169 : vector<1x1x1x16xf32> to vector<16xf32>
        %max3A_2171 = arith.maximumf %max3A_2163, %get3A_2170 : vector<16xf32>
        %get3A_2172 = arith.constant 50 : i32
        %get3A_2173 = arith.index_cast %rem3A_69 : i32 to index
        %get3A_2174 = arith.index_cast %scan3A_134 : i32 to index
        %get3A_2175 = arith.index_cast %get3A_2172 : i32 to index
        %get3A_2176 = arith.constant 112 : index
        %get3A_2177 = tpu.vector_load %arg7[%get3A_2173, %get3A_2174, %get3A_2175, %get3A_2176] {strides = array<i32>} : memref<2x4x64x128xf32, #tpu.memory_space<vmem>>, vector<1x1x1x16xf32>,
        %get3A_2178 = vector.shape_cast %get3A_2177 : vector<1x1x1x16xf32> to vector<16xf32>
        %max3A_2179 = arith.maximumf %max3A_2171, %get3A_2178 : vector<16xf32>
        %mul3A_2180 = arith.constant 6 : i32
        %mul3A_2181 = arith.muli %scan3A_134, %mul3A_2180 : i32
        %add3A_2182 = arith.constant 2 : i32
        %add3A_2183 = arith.addi %mul3A_2181, %add3A_2182 : i32
        %get3A_2184 = arith.index_cast %rem3A_69 : i32 to index
        %get3A_2185 = arith.index_cast %add3A_2183 : i32 to index
        %get3A_2186 = arith.constant 112 : index
        %get3A_2187 = tpu.vector_load %arg6[%get3A_2184, %get3A_2185, %get3A_2186] {strides = array<i32>} : memref<2x24x128xf32, #tpu.memory_space<vmem>>, vector<1x1x16xf32>,
        %get3A_2188 = vector.shape_cast %get3A_2187 : vector<1x1x16xf32> to vector<16xf32>
        %sub3A_2189 = arith.subf %max3A_2179, %get3A_2188 : vector<16xf32>
        %swap3A_2190 = arith.index_cast %scan3A_134 : i32 to index
        %swap3A_2191 = arith.constant 368 : index
        %swap3A_2192 = tpu.vector_load %arg8[%swap3A_2190, %swap3A_2191] {strides = array<i32>} : memref<4x768xf32, #tpu.memory_space<vmem>>, vector<1x16xf32>,
        %swap3A_2193 = vector.shape_cast %swap3A_2192 : vector<1x16xf32> to vector<16xf32>
        %swap3A_2194 = vector.shape_cast %sub3A_2189 : vector<16xf32> to vector<1x16xf32>
        tpu.vector_store %arg8[%swap3A_2190, %swap3A_2191], %swap3A_2194 {strides = array<i32>} : memref<4x768xf32, #tpu.memory_space<vmem>>, vector<1x16xf32>,
        %get3A_2195 = arith.constant 3 : i32
        %get3A_2196 = arith.index_cast %rem3A_69 : i32 to index
        %get3A_2197 = arith.index_cast %scan3A_134 : i32 to index
        %get3A_2198 = arith.index_cast %get3A_2195 : i32 to index
        %get3A_2199 = arith.constant 0 : index
        %get3A_2200 = tpu.vector_load %arg7[%get3A_2196, %get3A_2197, %get3A_2198, %get3A_2199] {strides = array<i32>} : memref<2x4x64x128xf32, #tpu.memory_space<vmem>>, vector<1x1x1x16xf32>,
        %get3A_2201 = vector.shape_cast %get3A_2200 : vector<1x1x1x16xf32> to vector<16xf32>
        %get3A_2202 = arith.constant 9 : i32
        %get3A_2203 = arith.index_cast %rem3A_69 : i32 to index
        %get3A_2204 = arith.index_cast %scan3A_134 : i32 to index
        %get3A_2205 = arith.index_cast %get3A_2202 : i32 to index
        %get3A_2206 = arith.constant 0 : index
        %get3A_2207 = tpu.vector_load %arg7[%get3A_2203, %get3A_2204, %get3A_2205, %get3A_2206] {strides = array<i32>} : memref<2x4x64x128xf32, #tpu.memory_space<vmem>>, vector<1x1x1x16xf32>,
        %get3A_2208 = vector.shape_cast %get3A_2207 : vector<1x1x1x16xf32> to vector<16xf32>
        %max3A_2209 = arith.maximumf %get3A_2201, %get3A_2208 : vector<16xf32>
        %get3A_2210 = arith.constant 15 : i32
        %get3A_2211 = arith.index_cast %rem3A_69 : i32 to index
        %get3A_2212 = arith.index_cast %scan3A_134 : i32 to index
        %get3A_2213 = arith.index_cast %get3A_2210 : i32 to index
        %get3A_2214 = arith.constant 0 : index
        %get3A_2215 = tpu.vector_load %arg7[%get3A_2211, %get3A_2212, %get3A_2213, %get3A_2214] {strides = array<i32>} : memref<2x4x64x128xf32, #tpu.memory_space<vmem>>, vector<1x1x1x16xf32>,
        %get3A_2216 = vector.shape_cast %get3A_2215 : vector<1x1x1x16xf32> to vector<16xf32>
        %max3A_2217 = arith.maximumf %max3A_2209, %get3A_2216 : vector<16xf32>
        %get3A_2218 = arith.constant 21 : i32
        %get3A_2219 = arith.index_cast %rem3A_69 : i32 to index
        %get3A_2220 = arith.index_cast %scan3A_134 : i32 to index
        %get3A_2221 = arith.index_cast %get3A_2218 : i32 to index
        %get3A_2222 = arith.constant 0 : index
        %get3A_2223 = tpu.vector_load %arg7[%get3A_2219, %get3A_2220, %get3A_2221, %get3A_2222] {strides = array<i32>} : memref<2x4x64x128xf32, #tpu.memory_space<vmem>>, vector<1x1x1x16xf32>,
        %get3A_2224 = vector.shape_cast %get3A_2223 : vector<1x1x1x16xf32> to vector<16xf32>
        %max3A_2225 = arith.maximumf %max3A_2217, %get3A_2224 : vector<16xf32>
        %get3A_2226 = arith.constant 27 : i32
        %get3A_2227 = arith.index_cast %rem3A_69 : i32 to index
        %get3A_2228 = arith.index_cast %scan3A_134 : i32 to index
        %get3A_2229 = arith.index_cast %get3A_2226 : i32 to index
        %get3A_2230 = arith.constant 0 : index
        %get3A_2231 = tpu.vector_load %arg7[%get3A_2227, %get3A_2228, %get3A_2229, %get3A_2230] {strides = array<i32>} : memref<2x4x64x128xf32, #tpu.memory_space<vmem>>, vector<1x1x1x16xf32>,
        %get3A_2232 = vector.shape_cast %get3A_2231 : vector<1x1x1x16xf32> to vector<16xf32>
        %max3A_2233 = arith.maximumf %max3A_2225, %get3A_2232 : vector<16xf32>
        %get3A_2234 = arith.constant 33 : i32
        %get3A_2235 = arith.index_cast %rem3A_69 : i32 to index
        %get3A_2236 = arith.index_cast %scan3A_134 : i32 to index
        %get3A_2237 = arith.index_cast %get3A_2234 : i32 to index
        %get3A_2238 = arith.constant 0 : index
        %get3A_2239 = tpu.vector_load %arg7[%get3A_2235, %get3A_2236, %get3A_2237, %get3A_2238] {strides = array<i32>} : memref<2x4x64x128xf32, #tpu.memory_space<vmem>>, vector<1x1x1x16xf32>,
        %get3A_2240 = vector.shape_cast %get3A_2239 : vector<1x1x1x16xf32> to vector<16xf32>
        %max3A_2241 = arith.maximumf %max3A_2233, %get3A_2240 : vector<16xf32>
        %get3A_2242 = arith.constant 39 : i32
        %get3A_2243 = arith.index_cast %rem3A_69 : i32 to index
        %get3A_2244 = arith.index_cast %scan3A_134 : i32 to index
        %get3A_2245 = arith.index_cast %get3A_2242 : i32 to index
        %get3A_2246 = arith.constant 0 : index
        %get3A_2247 = tpu.vector_load %arg7[%get3A_2243, %get3A_2244, %get3A_2245, %get3A_2246] {strides = array<i32>} : memref<2x4x64x128xf32, #tpu.memory_space<vmem>>, vector<1x1x1x16xf32>,
        %get3A_2248 = vector.shape_cast %get3A_2247 : vector<1x1x1x16xf32> to vector<16xf32>
        %max3A_2249 = arith.maximumf %max3A_2241, %get3A_2248 : vector<16xf32>
        %get3A_2250 = arith.constant 45 : i32
        %get3A_2251 = arith.index_cast %rem3A_69 : i32 to index
        %get3A_2252 = arith.index_cast %scan3A_134 : i32 to index
        %get3A_2253 = arith.index_cast %get3A_2250 : i32 to index
        %get3A_2254 = arith.constant 0 : index
        %get3A_2255 = tpu.vector_load %arg7[%get3A_2251, %get3A_2252, %get3A_2253, %get3A_2254] {strides = array<i32>} : memref<2x4x64x128xf32, #tpu.memory_space<vmem>>, vector<1x1x1x16xf32>,
        %get3A_2256 = vector.shape_cast %get3A_2255 : vector<1x1x1x16xf32> to vector<16xf32>
        %max3A_2257 = arith.maximumf %max3A_2249, %get3A_2256 : vector<16xf32>
        %get3A_2258 = arith.constant 51 : i32
        %get3A_2259 = arith.index_cast %rem3A_69 : i32 to index
        %get3A_2260 = arith.index_cast %scan3A_134 : i32 to index
        %get3A_2261 = arith.index_cast %get3A_2258 : i32 to index
        %get3A_2262 = arith.constant 0 : index
        %get3A_2263 = tpu.vector_load %arg7[%get3A_2259, %get3A_2260, %get3A_2261, %get3A_2262] {strides = array<i32>} : memref<2x4x64x128xf32, #tpu.memory_space<vmem>>, vector<1x1x1x16xf32>,
        %get3A_2264 = vector.shape_cast %get3A_2263 : vector<1x1x1x16xf32> to vector<16xf32>
        %max3A_2265 = arith.maximumf %max3A_2257, %get3A_2264 : vector<16xf32>
        %mul3A_2266 = arith.constant 6 : i32
        %mul3A_2267 = arith.muli %scan3A_134, %mul3A_2266 : i32
        %add3A_2268 = arith.constant 3 : i32
        %add3A_2269 = arith.addi %mul3A_2267, %add3A_2268 : i32
        %get3A_2270 = arith.index_cast %rem3A_69 : i32 to index
        %get3A_2271 = arith.index_cast %add3A_2269 : i32 to index
        %get3A_2272 = arith.constant 0 : index
        %get3A_2273 = tpu.vector_load %arg6[%get3A_2270, %get3A_2271, %get3A_2272] {strides = array<i32>} : memref<2x24x128xf32, #tpu.memory_space<vmem>>, vector<1x1x16xf32>,
        %get3A_2274 = vector.shape_cast %get3A_2273 : vector<1x1x16xf32> to vector<16xf32>
        %sub3A_2275 = arith.subf %max3A_2265, %get3A_2274 : vector<16xf32>
        %swap3A_2276 = arith.index_cast %scan3A_134 : i32 to index
        %swap3A_2277 = arith.constant 384 : index
        %swap3A_2278 = tpu.vector_load %arg8[%swap3A_2276, %swap3A_2277] {strides = array<i32>} : memref<4x768xf32, #tpu.memory_space<vmem>>, vector<1x16xf32>,
        %swap3A_2279 = vector.shape_cast %swap3A_2278 : vector<1x16xf32> to vector<16xf32>
        %swap3A_2280 = vector.shape_cast %sub3A_2275 : vector<16xf32> to vector<1x16xf32>
        tpu.vector_store %arg8[%swap3A_2276, %swap3A_2277], %swap3A_2280 {strides = array<i32>} : memref<4x768xf32, #tpu.memory_space<vmem>>, vector<1x16xf32>,
        %get3A_2281 = arith.constant 3 : i32
        %get3A_2282 = arith.index_cast %rem3A_69 : i32 to index
        %get3A_2283 = arith.index_cast %scan3A_134 : i32 to index
        %get3A_2284 = arith.index_cast %get3A_2281 : i32 to index
        %get3A_2285 = arith.constant 16 : index
        %get3A_2286 = tpu.vector_load %arg7[%get3A_2282, %get3A_2283, %get3A_2284, %get3A_2285] {strides = array<i32>} : memref<2x4x64x128xf32, #tpu.memory_space<vmem>>, vector<1x1x1x16xf32>,
        %get3A_2287 = vector.shape_cast %get3A_2286 : vector<1x1x1x16xf32> to vector<16xf32>
        %get3A_2288 = arith.constant 9 : i32
        %get3A_2289 = arith.index_cast %rem3A_69 : i32 to index
        %get3A_2290 = arith.index_cast %scan3A_134 : i32 to index
        %get3A_2291 = arith.index_cast %get3A_2288 : i32 to index
        %get3A_2292 = arith.constant 16 : index
        %get3A_2293 = tpu.vector_load %arg7[%get3A_2289, %get3A_2290, %get3A_2291, %get3A_2292] {strides = array<i32>} : memref<2x4x64x128xf32, #tpu.memory_space<vmem>>, vector<1x1x1x16xf32>,
        %get3A_2294 = vector.shape_cast %get3A_2293 : vector<1x1x1x16xf32> to vector<16xf32>
        %max3A_2295 = arith.maximumf %get3A_2287, %get3A_2294 : vector<16xf32>
        %get3A_2296 = arith.constant 15 : i32
        %get3A_2297 = arith.index_cast %rem3A_69 : i32 to index
        %get3A_2298 = arith.index_cast %scan3A_134 : i32 to index
        %get3A_2299 = arith.index_cast %get3A_2296 : i32 to index
        %get3A_2300 = arith.constant 16 : index
        %get3A_2301 = tpu.vector_load %arg7[%get3A_2297, %get3A_2298, %get3A_2299, %get3A_2300] {strides = array<i32>} : memref<2x4x64x128xf32, #tpu.memory_space<vmem>>, vector<1x1x1x16xf32>,
        %get3A_2302 = vector.shape_cast %get3A_2301 : vector<1x1x1x16xf32> to vector<16xf32>
        %max3A_2303 = arith.maximumf %max3A_2295, %get3A_2302 : vector<16xf32>
        %get3A_2304 = arith.constant 21 : i32
        %get3A_2305 = arith.index_cast %rem3A_69 : i32 to index
        %get3A_2306 = arith.index_cast %scan3A_134 : i32 to index
        %get3A_2307 = arith.index_cast %get3A_2304 : i32 to index
        %get3A_2308 = arith.constant 16 : index
        %get3A_2309 = tpu.vector_load %arg7[%get3A_2305, %get3A_2306, %get3A_2307, %get3A_2308] {strides = array<i32>} : memref<2x4x64x128xf32, #tpu.memory_space<vmem>>, vector<1x1x1x16xf32>,
        %get3A_2310 = vector.shape_cast %get3A_2309 : vector<1x1x1x16xf32> to vector<16xf32>
        %max3A_2311 = arith.maximumf %max3A_2303, %get3A_2310 : vector<16xf32>
        %get3A_2312 = arith.constant 27 : i32
        %get3A_2313 = arith.index_cast %rem3A_69 : i32 to index
        %get3A_2314 = arith.index_cast %scan3A_134 : i32 to index
        %get3A_2315 = arith.index_cast %get3A_2312 : i32 to index
        %get3A_2316 = arith.constant 16 : index
        %get3A_2317 = tpu.vector_load %arg7[%get3A_2313, %get3A_2314, %get3A_2315, %get3A_2316] {strides = array<i32>} : memref<2x4x64x128xf32, #tpu.memory_space<vmem>>, vector<1x1x1x16xf32>,
        %get3A_2318 = vector.shape_cast %get3A_2317 : vector<1x1x1x16xf32> to vector<16xf32>
        %max3A_2319 = arith.maximumf %max3A_2311, %get3A_2318 : vector<16xf32>
        %get3A_2320 = arith.constant 33 : i32
        %get3A_2321 = arith.index_cast %rem3A_69 : i32 to index
        %get3A_2322 = arith.index_cast %scan3A_134 : i32 to index
        %get3A_2323 = arith.index_cast %get3A_2320 : i32 to index
        %get3A_2324 = arith.constant 16 : index
        %get3A_2325 = tpu.vector_load %arg7[%get3A_2321, %get3A_2322, %get3A_2323, %get3A_2324] {strides = array<i32>} : memref<2x4x64x128xf32, #tpu.memory_space<vmem>>, vector<1x1x1x16xf32>,
        %get3A_2326 = vector.shape_cast %get3A_2325 : vector<1x1x1x16xf32> to vector<16xf32>
        %max3A_2327 = arith.maximumf %max3A_2319, %get3A_2326 : vector<16xf32>
        %get3A_2328 = arith.constant 39 : i32
        %get3A_2329 = arith.index_cast %rem3A_69 : i32 to index
        %get3A_2330 = arith.index_cast %scan3A_134 : i32 to index
        %get3A_2331 = arith.index_cast %get3A_2328 : i32 to index
        %get3A_2332 = arith.constant 16 : index
        %get3A_2333 = tpu.vector_load %arg7[%get3A_2329, %get3A_2330, %get3A_2331, %get3A_2332] {strides = array<i32>} : memref<2x4x64x128xf32, #tpu.memory_space<vmem>>, vector<1x1x1x16xf32>,
        %get3A_2334 = vector.shape_cast %get3A_2333 : vector<1x1x1x16xf32> to vector<16xf32>
        %max3A_2335 = arith.maximumf %max3A_2327, %get3A_2334 : vector<16xf32>
        %get3A_2336 = arith.constant 45 : i32
        %get3A_2337 = arith.index_cast %rem3A_69 : i32 to index
        %get3A_2338 = arith.index_cast %scan3A_134 : i32 to index
        %get3A_2339 = arith.index_cast %get3A_2336 : i32 to index
        %get3A_2340 = arith.constant 16 : index
        %get3A_2341 = tpu.vector_load %arg7[%get3A_2337, %get3A_2338, %get3A_2339, %get3A_2340] {strides = array<i32>} : memref<2x4x64x128xf32, #tpu.memory_space<vmem>>, vector<1x1x1x16xf32>,
        %get3A_2342 = vector.shape_cast %get3A_2341 : vector<1x1x1x16xf32> to vector<16xf32>
        %max3A_2343 = arith.maximumf %max3A_2335, %get3A_2342 : vector<16xf32>
        %get3A_2344 = arith.constant 51 : i32
        %get3A_2345 = arith.index_cast %rem3A_69 : i32 to index
        %get3A_2346 = arith.index_cast %scan3A_134 : i32 to index
        %get3A_2347 = arith.index_cast %get3A_2344 : i32 to index
        %get3A_2348 = arith.constant 16 : index
        %get3A_2349 = tpu.vector_load %arg7[%get3A_2345, %get3A_2346, %get3A_2347, %get3A_2348] {strides = array<i32>} : memref<2x4x64x128xf32, #tpu.memory_space<vmem>>, vector<1x1x1x16xf32>,
        %get3A_2350 = vector.shape_cast %get3A_2349 : vector<1x1x1x16xf32> to vector<16xf32>
        %max3A_2351 = arith.maximumf %max3A_2343, %get3A_2350 : vector<16xf32>
        %mul3A_2352 = arith.constant 6 : i32
        %mul3A_2353 = arith.muli %scan3A_134, %mul3A_2352 : i32
        %add3A_2354 = arith.constant 3 : i32
        %add3A_2355 = arith.addi %mul3A_2353, %add3A_2354 : i32
        %get3A_2356 = arith.index_cast %rem3A_69 : i32 to index
        %get3A_2357 = arith.index_cast %add3A_2355 : i32 to index
        %get3A_2358 = arith.constant 16 : index
        %get3A_2359 = tpu.vector_load %arg6[%get3A_2356, %get3A_2357, %get3A_2358] {strides = array<i32>} : memref<2x24x128xf32, #tpu.memory_space<vmem>>, vector<1x1x16xf32>,
        %get3A_2360 = vector.shape_cast %get3A_2359 : vector<1x1x16xf32> to vector<16xf32>
        %sub3A_2361 = arith.subf %max3A_2351, %get3A_2360 : vector<16xf32>
        %swap3A_2362 = arith.index_cast %scan3A_134 : i32 to index
        %swap3A_2363 = arith.constant 400 : index
        %swap3A_2364 = tpu.vector_load %arg8[%swap3A_2362, %swap3A_2363] {strides = array<i32>} : memref<4x768xf32, #tpu.memory_space<vmem>>, vector<1x16xf32>,
        %swap3A_2365 = vector.shape_cast %swap3A_2364 : vector<1x16xf32> to vector<16xf32>
        %swap3A_2366 = vector.shape_cast %sub3A_2361 : vector<16xf32> to vector<1x16xf32>
        tpu.vector_store %arg8[%swap3A_2362, %swap3A_2363], %swap3A_2366 {strides = array<i32>} : memref<4x768xf32, #tpu.memory_space<vmem>>, vector<1x16xf32>,
        %get3A_2367 = arith.constant 3 : i32
        %get3A_2368 = arith.index_cast %rem3A_69 : i32 to index
        %get3A_2369 = arith.index_cast %scan3A_134 : i32 to index
        %get3A_2370 = arith.index_cast %get3A_2367 : i32 to index
        %get3A_2371 = arith.constant 32 : index
        %get3A_2372 = tpu.vector_load %arg7[%get3A_2368, %get3A_2369, %get3A_2370, %get3A_2371] {strides = array<i32>} : memref<2x4x64x128xf32, #tpu.memory_space<vmem>>, vector<1x1x1x16xf32>,
        %get3A_2373 = vector.shape_cast %get3A_2372 : vector<1x1x1x16xf32> to vector<16xf32>
        %get3A_2374 = arith.constant 9 : i32
        %get3A_2375 = arith.index_cast %rem3A_69 : i32 to index
        %get3A_2376 = arith.index_cast %scan3A_134 : i32 to index
        %get3A_2377 = arith.index_cast %get3A_2374 : i32 to index
        %get3A_2378 = arith.constant 32 : index
        %get3A_2379 = tpu.vector_load %arg7[%get3A_2375, %get3A_2376, %get3A_2377, %get3A_2378] {strides = array<i32>} : memref<2x4x64x128xf32, #tpu.memory_space<vmem>>, vector<1x1x1x16xf32>,
        %get3A_2380 = vector.shape_cast %get3A_2379 : vector<1x1x1x16xf32> to vector<16xf32>
        %max3A_2381 = arith.maximumf %get3A_2373, %get3A_2380 : vector<16xf32>
        %get3A_2382 = arith.constant 15 : i32
        %get3A_2383 = arith.index_cast %rem3A_69 : i32 to index
        %get3A_2384 = arith.index_cast %scan3A_134 : i32 to index
        %get3A_2385 = arith.index_cast %get3A_2382 : i32 to index
        %get3A_2386 = arith.constant 32 : index
        %get3A_2387 = tpu.vector_load %arg7[%get3A_2383, %get3A_2384, %get3A_2385, %get3A_2386] {strides = array<i32>} : memref<2x4x64x128xf32, #tpu.memory_space<vmem>>, vector<1x1x1x16xf32>,
        %get3A_2388 = vector.shape_cast %get3A_2387 : vector<1x1x1x16xf32> to vector<16xf32>
        %max3A_2389 = arith.maximumf %max3A_2381, %get3A_2388 : vector<16xf32>
        %get3A_2390 = arith.constant 21 : i32
        %get3A_2391 = arith.index_cast %rem3A_69 : i32 to index
        %get3A_2392 = arith.index_cast %scan3A_134 : i32 to index
        %get3A_2393 = arith.index_cast %get3A_2390 : i32 to index
        %get3A_2394 = arith.constant 32 : index
        %get3A_2395 = tpu.vector_load %arg7[%get3A_2391, %get3A_2392, %get3A_2393, %get3A_2394] {strides = array<i32>} : memref<2x4x64x128xf32, #tpu.memory_space<vmem>>, vector<1x1x1x16xf32>,
        %get3A_2396 = vector.shape_cast %get3A_2395 : vector<1x1x1x16xf32> to vector<16xf32>
        %max3A_2397 = arith.maximumf %max3A_2389, %get3A_2396 : vector<16xf32>
        %get3A_2398 = arith.constant 27 : i32
        %get3A_2399 = arith.index_cast %rem3A_69 : i32 to index
        %get3A_2400 = arith.index_cast %scan3A_134 : i32 to index
        %get3A_2401 = arith.index_cast %get3A_2398 : i32 to index
        %get3A_2402 = arith.constant 32 : index
        %get3A_2403 = tpu.vector_load %arg7[%get3A_2399, %get3A_2400, %get3A_2401, %get3A_2402] {strides = array<i32>} : memref<2x4x64x128xf32, #tpu.memory_space<vmem>>, vector<1x1x1x16xf32>,
        %get3A_2404 = vector.shape_cast %get3A_2403 : vector<1x1x1x16xf32> to vector<16xf32>
        %max3A_2405 = arith.maximumf %max3A_2397, %get3A_2404 : vector<16xf32>
        %get3A_2406 = arith.constant 33 : i32
        %get3A_2407 = arith.index_cast %rem3A_69 : i32 to index
        %get3A_2408 = arith.index_cast %scan3A_134 : i32 to index
        %get3A_2409 = arith.index_cast %get3A_2406 : i32 to index
        %get3A_2410 = arith.constant 32 : index
        %get3A_2411 = tpu.vector_load %arg7[%get3A_2407, %get3A_2408, %get3A_2409, %get3A_2410] {strides = array<i32>} : memref<2x4x64x128xf32, #tpu.memory_space<vmem>>, vector<1x1x1x16xf32>,
        %get3A_2412 = vector.shape_cast %get3A_2411 : vector<1x1x1x16xf32> to vector<16xf32>
        %max3A_2413 = arith.maximumf %max3A_2405, %get3A_2412 : vector<16xf32>
        %get3A_2414 = arith.constant 39 : i32
        %get3A_2415 = arith.index_cast %rem3A_69 : i32 to index
        %get3A_2416 = arith.index_cast %scan3A_134 : i32 to index
        %get3A_2417 = arith.index_cast %get3A_2414 : i32 to index
        %get3A_2418 = arith.constant 32 : index
        %get3A_2419 = tpu.vector_load %arg7[%get3A_2415, %get3A_2416, %get3A_2417, %get3A_2418] {strides = array<i32>} : memref<2x4x64x128xf32, #tpu.memory_space<vmem>>, vector<1x1x1x16xf32>,
        %get3A_2420 = vector.shape_cast %get3A_2419 : vector<1x1x1x16xf32> to vector<16xf32>
        %max3A_2421 = arith.maximumf %max3A_2413, %get3A_2420 : vector<16xf32>
        %get3A_2422 = arith.constant 45 : i32
        %get3A_2423 = arith.index_cast %rem3A_69 : i32 to index
        %get3A_2424 = arith.index_cast %scan3A_134 : i32 to index
        %get3A_2425 = arith.index_cast %get3A_2422 : i32 to index
        %get3A_2426 = arith.constant 32 : index
        %get3A_2427 = tpu.vector_load %arg7[%get3A_2423, %get3A_2424, %get3A_2425, %get3A_2426] {strides = array<i32>} : memref<2x4x64x128xf32, #tpu.memory_space<vmem>>, vector<1x1x1x16xf32>,
        %get3A_2428 = vector.shape_cast %get3A_2427 : vector<1x1x1x16xf32> to vector<16xf32>
        %max3A_2429 = arith.maximumf %max3A_2421, %get3A_2428 : vector<16xf32>
        %get3A_2430 = arith.constant 51 : i32
        %get3A_2431 = arith.index_cast %rem3A_69 : i32 to index
        %get3A_2432 = arith.index_cast %scan3A_134 : i32 to index
        %get3A_2433 = arith.index_cast %get3A_2430 : i32 to index
        %get3A_2434 = arith.constant 32 : index
        %get3A_2435 = tpu.vector_load %arg7[%get3A_2431, %get3A_2432, %get3A_2433, %get3A_2434] {strides = array<i32>} : memref<2x4x64x128xf32, #tpu.memory_space<vmem>>, vector<1x1x1x16xf32>,
        %get3A_2436 = vector.shape_cast %get3A_2435 : vector<1x1x1x16xf32> to vector<16xf32>
        %max3A_2437 = arith.maximumf %max3A_2429, %get3A_2436 : vector<16xf32>
        %mul3A_2438 = arith.constant 6 : i32
        %mul3A_2439 = arith.muli %scan3A_134, %mul3A_2438 : i32
        %add3A_2440 = arith.constant 3 : i32
        %add3A_2441 = arith.addi %mul3A_2439, %add3A_2440 : i32
        %get3A_2442 = arith.index_cast %rem3A_69 : i32 to index
        %get3A_2443 = arith.index_cast %add3A_2441 : i32 to index
        %get3A_2444 = arith.constant 32 : index
        %get3A_2445 = tpu.vector_load %arg6[%get3A_2442, %get3A_2443, %get3A_2444] {strides = array<i32>} : memref<2x24x128xf32, #tpu.memory_space<vmem>>, vector<1x1x16xf32>,
        %get3A_2446 = vector.shape_cast %get3A_2445 : vector<1x1x16xf32> to vector<16xf32>
        %sub3A_2447 = arith.subf %max3A_2437, %get3A_2446 : vector<16xf32>
        %swap3A_2448 = arith.index_cast %scan3A_134 : i32 to index
        %swap3A_2449 = arith.constant 416 : index
        %swap3A_2450 = tpu.vector_load %arg8[%swap3A_2448, %swap3A_2449] {strides = array<i32>} : memref<4x768xf32, #tpu.memory_space<vmem>>, vector<1x16xf32>,
        %swap3A_2451 = vector.shape_cast %swap3A_2450 : vector<1x16xf32> to vector<16xf32>
        %swap3A_2452 = vector.shape_cast %sub3A_2447 : vector<16xf32> to vector<1x16xf32>
        tpu.vector_store %arg8[%swap3A_2448, %swap3A_2449], %swap3A_2452 {strides = array<i32>} : memref<4x768xf32, #tpu.memory_space<vmem>>, vector<1x16xf32>,
        %get3A_2453 = arith.constant 3 : i32
        %get3A_2454 = arith.index_cast %rem3A_69 : i32 to index
        %get3A_2455 = arith.index_cast %scan3A_134 : i32 to index
        %get3A_2456 = arith.index_cast %get3A_2453 : i32 to index
        %get3A_2457 = arith.constant 48 : index
        %get3A_2458 = tpu.vector_load %arg7[%get3A_2454, %get3A_2455, %get3A_2456, %get3A_2457] {strides = array<i32>} : memref<2x4x64x128xf32, #tpu.memory_space<vmem>>, vector<1x1x1x16xf32>,
        %get3A_2459 = vector.shape_cast %get3A_2458 : vector<1x1x1x16xf32> to vector<16xf32>
        %get3A_2460 = arith.constant 9 : i32
        %get3A_2461 = arith.index_cast %rem3A_69 : i32 to index
        %get3A_2462 = arith.index_cast %scan3A_134 : i32 to index
        %get3A_2463 = arith.index_cast %get3A_2460 : i32 to index
        %get3A_2464 = arith.constant 48 : index
        %get3A_2465 = tpu.vector_load %arg7[%get3A_2461, %get3A_2462, %get3A_2463, %get3A_2464] {strides = array<i32>} : memref<2x4x64x128xf32, #tpu.memory_space<vmem>>, vector<1x1x1x16xf32>,
        %get3A_2466 = vector.shape_cast %get3A_2465 : vector<1x1x1x16xf32> to vector<16xf32>
        %max3A_2467 = arith.maximumf %get3A_2459, %get3A_2466 : vector<16xf32>
        %get3A_2468 = arith.constant 15 : i32
        %get3A_2469 = arith.index_cast %rem3A_69 : i32 to index
        %get3A_2470 = arith.index_cast %scan3A_134 : i32 to index
        %get3A_2471 = arith.index_cast %get3A_2468 : i32 to index
        %get3A_2472 = arith.constant 48 : index
        %get3A_2473 = tpu.vector_load %arg7[%get3A_2469, %get3A_2470, %get3A_2471, %get3A_2472] {strides = array<i32>} : memref<2x4x64x128xf32, #tpu.memory_space<vmem>>, vector<1x1x1x16xf32>,
        %get3A_2474 = vector.shape_cast %get3A_2473 : vector<1x1x1x16xf32> to vector<16xf32>
        %max3A_2475 = arith.maximumf %max3A_2467, %get3A_2474 : vector<16xf32>
        %get3A_2476 = arith.constant 21 : i32
        %get3A_2477 = arith.index_cast %rem3A_69 : i32 to index
        %get3A_2478 = arith.index_cast %scan3A_134 : i32 to index
        %get3A_2479 = arith.index_cast %get3A_2476 : i32 to index
        %get3A_2480 = arith.constant 48 : index
        %get3A_2481 = tpu.vector_load %arg7[%get3A_2477, %get3A_2478, %get3A_2479, %get3A_2480] {strides = array<i32>} : memref<2x4x64x128xf32, #tpu.memory_space<vmem>>, vector<1x1x1x16xf32>,
        %get3A_2482 = vector.shape_cast %get3A_2481 : vector<1x1x1x16xf32> to vector<16xf32>
        %max3A_2483 = arith.maximumf %max3A_2475, %get3A_2482 : vector<16xf32>
        %get3A_2484 = arith.constant 27 : i32
        %get3A_2485 = arith.index_cast %rem3A_69 : i32 to index
        %get3A_2486 = arith.index_cast %scan3A_134 : i32 to index
        %get3A_2487 = arith.index_cast %get3A_2484 : i32 to index
        %get3A_2488 = arith.constant 48 : index
        %get3A_2489 = tpu.vector_load %arg7[%get3A_2485, %get3A_2486, %get3A_2487, %get3A_2488] {strides = array<i32>} : memref<2x4x64x128xf32, #tpu.memory_space<vmem>>, vector<1x1x1x16xf32>,
        %get3A_2490 = vector.shape_cast %get3A_2489 : vector<1x1x1x16xf32> to vector<16xf32>
        %max3A_2491 = arith.maximumf %max3A_2483, %get3A_2490 : vector<16xf32>
        %get3A_2492 = arith.constant 33 : i32
        %get3A_2493 = arith.index_cast %rem3A_69 : i32 to index
        %get3A_2494 = arith.index_cast %scan3A_134 : i32 to index
        %get3A_2495 = arith.index_cast %get3A_2492 : i32 to index
        %get3A_2496 = arith.constant 48 : index
        %get3A_2497 = tpu.vector_load %arg7[%get3A_2493, %get3A_2494, %get3A_2495, %get3A_2496] {strides = array<i32>} : memref<2x4x64x128xf32, #tpu.memory_space<vmem>>, vector<1x1x1x16xf32>,
        %get3A_2498 = vector.shape_cast %get3A_2497 : vector<1x1x1x16xf32> to vector<16xf32>
        %max3A_2499 = arith.maximumf %max3A_2491, %get3A_2498 : vector<16xf32>
        %get3A_2500 = arith.constant 39 : i32
        %get3A_2501 = arith.index_cast %rem3A_69 : i32 to index
        %get3A_2502 = arith.index_cast %scan3A_134 : i32 to index
        %get3A_2503 = arith.index_cast %get3A_2500 : i32 to index
        %get3A_2504 = arith.constant 48 : index
        %get3A_2505 = tpu.vector_load %arg7[%get3A_2501, %get3A_2502, %get3A_2503, %get3A_2504] {strides = array<i32>} : memref<2x4x64x128xf32, #tpu.memory_space<vmem>>, vector<1x1x1x16xf32>,
        %get3A_2506 = vector.shape_cast %get3A_2505 : vector<1x1x1x16xf32> to vector<16xf32>
        %max3A_2507 = arith.maximumf %max3A_2499, %get3A_2506 : vector<16xf32>
        %get3A_2508 = arith.constant 45 : i32
        %get3A_2509 = arith.index_cast %rem3A_69 : i32 to index
        %get3A_2510 = arith.index_cast %scan3A_134 : i32 to index
        %get3A_2511 = arith.index_cast %get3A_2508 : i32 to index
        %get3A_2512 = arith.constant 48 : index
        %get3A_2513 = tpu.vector_load %arg7[%get3A_2509, %get3A_2510, %get3A_2511, %get3A_2512] {strides = array<i32>} : memref<2x4x64x128xf32, #tpu.memory_space<vmem>>, vector<1x1x1x16xf32>,
        %get3A_2514 = vector.shape_cast %get3A_2513 : vector<1x1x1x16xf32> to vector<16xf32>
        %max3A_2515 = arith.maximumf %max3A_2507, %get3A_2514 : vector<16xf32>
        %get3A_2516 = arith.constant 51 : i32
        %get3A_2517 = arith.index_cast %rem3A_69 : i32 to index
        %get3A_2518 = arith.index_cast %scan3A_134 : i32 to index
        %get3A_2519 = arith.index_cast %get3A_2516 : i32 to index
        %get3A_2520 = arith.constant 48 : index
        %get3A_2521 = tpu.vector_load %arg7[%get3A_2517, %get3A_2518, %get3A_2519, %get3A_2520] {strides = array<i32>} : memref<2x4x64x128xf32, #tpu.memory_space<vmem>>, vector<1x1x1x16xf32>,
        %get3A_2522 = vector.shape_cast %get3A_2521 : vector<1x1x1x16xf32> to vector<16xf32>
        %max3A_2523 = arith.maximumf %max3A_2515, %get3A_2522 : vector<16xf32>
        %mul3A_2524 = arith.constant 6 : i32
        %mul3A_2525 = arith.muli %scan3A_134, %mul3A_2524 : i32
        %add3A_2526 = arith.constant 3 : i32
        %add3A_2527 = arith.addi %mul3A_2525, %add3A_2526 : i32
        %get3A_2528 = arith.index_cast %rem3A_69 : i32 to index
        %get3A_2529 = arith.index_cast %add3A_2527 : i32 to index
        %get3A_2530 = arith.constant 48 : index
        %get3A_2531 = tpu.vector_load %arg6[%get3A_2528, %get3A_2529, %get3A_2530] {strides = array<i32>} : memref<2x24x128xf32, #tpu.memory_space<vmem>>, vector<1x1x16xf32>,
        %get3A_2532 = vector.shape_cast %get3A_2531 : vector<1x1x16xf32> to vector<16xf32>
        %sub3A_2533 = arith.subf %max3A_2523, %get3A_2532 : vector<16xf32>
        %swap3A_2534 = arith.index_cast %scan3A_134 : i32 to index
        %swap3A_2535 = arith.constant 432 : index
        %swap3A_2536 = tpu.vector_load %arg8[%swap3A_2534, %swap3A_2535] {strides = array<i32>} : memref<4x768xf32, #tpu.memory_space<vmem>>, vector<1x16xf32>,
        %swap3A_2537 = vector.shape_cast %swap3A_2536 : vector<1x16xf32> to vector<16xf32>
        %swap3A_2538 = vector.shape_cast %sub3A_2533 : vector<16xf32> to vector<1x16xf32>
        tpu.vector_store %arg8[%swap3A_2534, %swap3A_2535], %swap3A_2538 {strides = array<i32>} : memref<4x768xf32, #tpu.memory_space<vmem>>, vector<1x16xf32>,
        %get3A_2539 = arith.constant 3 : i32
        %get3A_2540 = arith.index_cast %rem3A_69 : i32 to index
        %get3A_2541 = arith.index_cast %scan3A_134 : i32 to index
        %get3A_2542 = arith.index_cast %get3A_2539 : i32 to index
        %get3A_2543 = arith.constant 64 : index
        %get3A_2544 = tpu.vector_load %arg7[%get3A_2540, %get3A_2541, %get3A_2542, %get3A_2543] {strides = array<i32>} : memref<2x4x64x128xf32, #tpu.memory_space<vmem>>, vector<1x1x1x16xf32>,
        %get3A_2545 = vector.shape_cast %get3A_2544 : vector<1x1x1x16xf32> to vector<16xf32>
        %get3A_2546 = arith.constant 9 : i32
        %get3A_2547 = arith.index_cast %rem3A_69 : i32 to index
        %get3A_2548 = arith.index_cast %scan3A_134 : i32 to index
        %get3A_2549 = arith.index_cast %get3A_2546 : i32 to index
        %get3A_2550 = arith.constant 64 : index
        %get3A_2551 = tpu.vector_load %arg7[%get3A_2547, %get3A_2548, %get3A_2549, %get3A_2550] {strides = array<i32>} : memref<2x4x64x128xf32, #tpu.memory_space<vmem>>, vector<1x1x1x16xf32>,
        %get3A_2552 = vector.shape_cast %get3A_2551 : vector<1x1x1x16xf32> to vector<16xf32>
        %max3A_2553 = arith.maximumf %get3A_2545, %get3A_2552 : vector<16xf32>
        %get3A_2554 = arith.constant 15 : i32
        %get3A_2555 = arith.index_cast %rem3A_69 : i32 to index
        %get3A_2556 = arith.index_cast %scan3A_134 : i32 to index
        %get3A_2557 = arith.index_cast %get3A_2554 : i32 to index
        %get3A_2558 = arith.constant 64 : index
        %get3A_2559 = tpu.vector_load %arg7[%get3A_2555, %get3A_2556, %get3A_2557, %get3A_2558] {strides = array<i32>} : memref<2x4x64x128xf32, #tpu.memory_space<vmem>>, vector<1x1x1x16xf32>,
        %get3A_2560 = vector.shape_cast %get3A_2559 : vector<1x1x1x16xf32> to vector<16xf32>
        %max3A_2561 = arith.maximumf %max3A_2553, %get3A_2560 : vector<16xf32>
        %get3A_2562 = arith.constant 21 : i32
        %get3A_2563 = arith.index_cast %rem3A_69 : i32 to index
        %get3A_2564 = arith.index_cast %scan3A_134 : i32 to index
        %get3A_2565 = arith.index_cast %get3A_2562 : i32 to index
        %get3A_2566 = arith.constant 64 : index
        %get3A_2567 = tpu.vector_load %arg7[%get3A_2563, %get3A_2564, %get3A_2565, %get3A_2566] {strides = array<i32>} : memref<2x4x64x128xf32, #tpu.memory_space<vmem>>, vector<1x1x1x16xf32>,
        %get3A_2568 = vector.shape_cast %get3A_2567 : vector<1x1x1x16xf32> to vector<16xf32>
        %max3A_2569 = arith.maximumf %max3A_2561, %get3A_2568 : vector<16xf32>
        %get3A_2570 = arith.constant 27 : i32
        %get3A_2571 = arith.index_cast %rem3A_69 : i32 to index
        %get3A_2572 = arith.index_cast %scan3A_134 : i32 to index
        %get3A_2573 = arith.index_cast %get3A_2570 : i32 to index
        %get3A_2574 = arith.constant 64 : index
        %get3A_2575 = tpu.vector_load %arg7[%get3A_2571, %get3A_2572, %get3A_2573, %get3A_2574] {strides = array<i32>} : memref<2x4x64x128xf32, #tpu.memory_space<vmem>>, vector<1x1x1x16xf32>,
        %get3A_2576 = vector.shape_cast %get3A_2575 : vector<1x1x1x16xf32> to vector<16xf32>
        %max3A_2577 = arith.maximumf %max3A_2569, %get3A_2576 : vector<16xf32>
        %get3A_2578 = arith.constant 33 : i32
        %get3A_2579 = arith.index_cast %rem3A_69 : i32 to index
        %get3A_2580 = arith.index_cast %scan3A_134 : i32 to index
        %get3A_2581 = arith.index_cast %get3A_2578 : i32 to index
        %get3A_2582 = arith.constant 64 : index
        %get3A_2583 = tpu.vector_load %arg7[%get3A_2579, %get3A_2580, %get3A_2581, %get3A_2582] {strides = array<i32>} : memref<2x4x64x128xf32, #tpu.memory_space<vmem>>, vector<1x1x1x16xf32>,
        %get3A_2584 = vector.shape_cast %get3A_2583 : vector<1x1x1x16xf32> to vector<16xf32>
        %max3A_2585 = arith.maximumf %max3A_2577, %get3A_2584 : vector<16xf32>
        %get3A_2586 = arith.constant 39 : i32
        %get3A_2587 = arith.index_cast %rem3A_69 : i32 to index
        %get3A_2588 = arith.index_cast %scan3A_134 : i32 to index
        %get3A_2589 = arith.index_cast %get3A_2586 : i32 to index
        %get3A_2590 = arith.constant 64 : index
        %get3A_2591 = tpu.vector_load %arg7[%get3A_2587, %get3A_2588, %get3A_2589, %get3A_2590] {strides = array<i32>} : memref<2x4x64x128xf32, #tpu.memory_space<vmem>>, vector<1x1x1x16xf32>,
        %get3A_2592 = vector.shape_cast %get3A_2591 : vector<1x1x1x16xf32> to vector<16xf32>
        %max3A_2593 = arith.maximumf %max3A_2585, %get3A_2592 : vector<16xf32>
        %get3A_2594 = arith.constant 45 : i32
        %get3A_2595 = arith.index_cast %rem3A_69 : i32 to index
        %get3A_2596 = arith.index_cast %scan3A_134 : i32 to index
        %get3A_2597 = arith.index_cast %get3A_2594 : i32 to index
        %get3A_2598 = arith.constant 64 : index
        %get3A_2599 = tpu.vector_load %arg7[%get3A_2595, %get3A_2596, %get3A_2597, %get3A_2598] {strides = array<i32>} : memref<2x4x64x128xf32, #tpu.memory_space<vmem>>, vector<1x1x1x16xf32>,
        %get3A_2600 = vector.shape_cast %get3A_2599 : vector<1x1x1x16xf32> to vector<16xf32>
        %max3A_2601 = arith.maximumf %max3A_2593, %get3A_2600 : vector<16xf32>
        %get3A_2602 = arith.constant 51 : i32
        %get3A_2603 = arith.index_cast %rem3A_69 : i32 to index
        %get3A_2604 = arith.index_cast %scan3A_134 : i32 to index
        %get3A_2605 = arith.index_cast %get3A_2602 : i32 to index
        %get3A_2606 = arith.constant 64 : index
        %get3A_2607 = tpu.vector_load %arg7[%get3A_2603, %get3A_2604, %get3A_2605, %get3A_2606] {strides = array<i32>} : memref<2x4x64x128xf32, #tpu.memory_space<vmem>>, vector<1x1x1x16xf32>,
        %get3A_2608 = vector.shape_cast %get3A_2607 : vector<1x1x1x16xf32> to vector<16xf32>
        %max3A_2609 = arith.maximumf %max3A_2601, %get3A_2608 : vector<16xf32>
        %mul3A_2610 = arith.constant 6 : i32
        %mul3A_2611 = arith.muli %scan3A_134, %mul3A_2610 : i32
        %add3A_2612 = arith.constant 3 : i32
        %add3A_2613 = arith.addi %mul3A_2611, %add3A_2612 : i32
        %get3A_2614 = arith.index_cast %rem3A_69 : i32 to index
        %get3A_2615 = arith.index_cast %add3A_2613 : i32 to index
        %get3A_2616 = arith.constant 64 : index
        %get3A_2617 = tpu.vector_load %arg6[%get3A_2614, %get3A_2615, %get3A_2616] {strides = array<i32>} : memref<2x24x128xf32, #tpu.memory_space<vmem>>, vector<1x1x16xf32>,
        %get3A_2618 = vector.shape_cast %get3A_2617 : vector<1x1x16xf32> to vector<16xf32>
        %sub3A_2619 = arith.subf %max3A_2609, %get3A_2618 : vector<16xf32>
        %swap3A_2620 = arith.index_cast %scan3A_134 : i32 to index
        %swap3A_2621 = arith.constant 448 : index
        %swap3A_2622 = tpu.vector_load %arg8[%swap3A_2620, %swap3A_2621] {strides = array<i32>} : memref<4x768xf32, #tpu.memory_space<vmem>>, vector<1x16xf32>,
        %swap3A_2623 = vector.shape_cast %swap3A_2622 : vector<1x16xf32> to vector<16xf32>
        %swap3A_2624 = vector.shape_cast %sub3A_2619 : vector<16xf32> to vector<1x16xf32>
        tpu.vector_store %arg8[%swap3A_2620, %swap3A_2621], %swap3A_2624 {strides = array<i32>} : memref<4x768xf32, #tpu.memory_space<vmem>>, vector<1x16xf32>,
        %get3A_2625 = arith.constant 3 : i32
        %get3A_2626 = arith.index_cast %rem3A_69 : i32 to index
        %get3A_2627 = arith.index_cast %scan3A_134 : i32 to index
        %get3A_2628 = arith.index_cast %get3A_2625 : i32 to index
        %get3A_2629 = arith.constant 80 : index
        %get3A_2630 = tpu.vector_load %arg7[%get3A_2626, %get3A_2627, %get3A_2628, %get3A_2629] {strides = array<i32>} : memref<2x4x64x128xf32, #tpu.memory_space<vmem>>, vector<1x1x1x16xf32>,
        %get3A_2631 = vector.shape_cast %get3A_2630 : vector<1x1x1x16xf32> to vector<16xf32>
        %get3A_2632 = arith.constant 9 : i32
        %get3A_2633 = arith.index_cast %rem3A_69 : i32 to index
        %get3A_2634 = arith.index_cast %scan3A_134 : i32 to index
        %get3A_2635 = arith.index_cast %get3A_2632 : i32 to index
        %get3A_2636 = arith.constant 80 : index
        %get3A_2637 = tpu.vector_load %arg7[%get3A_2633, %get3A_2634, %get3A_2635, %get3A_2636] {strides = array<i32>} : memref<2x4x64x128xf32, #tpu.memory_space<vmem>>, vector<1x1x1x16xf32>,
        %get3A_2638 = vector.shape_cast %get3A_2637 : vector<1x1x1x16xf32> to vector<16xf32>
        %max3A_2639 = arith.maximumf %get3A_2631, %get3A_2638 : vector<16xf32>
        %get3A_2640 = arith.constant 15 : i32
        %get3A_2641 = arith.index_cast %rem3A_69 : i32 to index
        %get3A_2642 = arith.index_cast %scan3A_134 : i32 to index
        %get3A_2643 = arith.index_cast %get3A_2640 : i32 to index
        %get3A_2644 = arith.constant 80 : index
        %get3A_2645 = tpu.vector_load %arg7[%get3A_2641, %get3A_2642, %get3A_2643, %get3A_2644] {strides = array<i32>} : memref<2x4x64x128xf32, #tpu.memory_space<vmem>>, vector<1x1x1x16xf32>,
        %get3A_2646 = vector.shape_cast %get3A_2645 : vector<1x1x1x16xf32> to vector<16xf32>
        %max3A_2647 = arith.maximumf %max3A_2639, %get3A_2646 : vector<16xf32>
        %get3A_2648 = arith.constant 21 : i32
        %get3A_2649 = arith.index_cast %rem3A_69 : i32 to index
        %get3A_2650 = arith.index_cast %scan3A_134 : i32 to index
        %get3A_2651 = arith.index_cast %get3A_2648 : i32 to index
        %get3A_2652 = arith.constant 80 : index
        %get3A_2653 = tpu.vector_load %arg7[%get3A_2649, %get3A_2650, %get3A_2651, %get3A_2652] {strides = array<i32>} : memref<2x4x64x128xf32, #tpu.memory_space<vmem>>, vector<1x1x1x16xf32>,
        %get3A_2654 = vector.shape_cast %get3A_2653 : vector<1x1x1x16xf32> to vector<16xf32>
        %max3A_2655 = arith.maximumf %max3A_2647, %get3A_2654 : vector<16xf32>
        %get3A_2656 = arith.constant 27 : i32
        %get3A_2657 = arith.index_cast %rem3A_69 : i32 to index
        %get3A_2658 = arith.index_cast %scan3A_134 : i32 to index
        %get3A_2659 = arith.index_cast %get3A_2656 : i32 to index
        %get3A_2660 = arith.constant 80 : index
        %get3A_2661 = tpu.vector_load %arg7[%get3A_2657, %get3A_2658, %get3A_2659, %get3A_2660] {strides = array<i32>} : memref<2x4x64x128xf32, #tpu.memory_space<vmem>>, vector<1x1x1x16xf32>,
        %get3A_2662 = vector.shape_cast %get3A_2661 : vector<1x1x1x16xf32> to vector<16xf32>
        %max3A_2663 = arith.maximumf %max3A_2655, %get3A_2662 : vector<16xf32>
        %get3A_2664 = arith.constant 33 : i32
        %get3A_2665 = arith.index_cast %rem3A_69 : i32 to index
        %get3A_2666 = arith.index_cast %scan3A_134 : i32 to index
        %get3A_2667 = arith.index_cast %get3A_2664 : i32 to index
        %get3A_2668 = arith.constant 80 : index
        %get3A_2669 = tpu.vector_load %arg7[%get3A_2665, %get3A_2666, %get3A_2667, %get3A_2668] {strides = array<i32>} : memref<2x4x64x128xf32, #tpu.memory_space<vmem>>, vector<1x1x1x16xf32>,
        %get3A_2670 = vector.shape_cast %get3A_2669 : vector<1x1x1x16xf32> to vector<16xf32>
        %max3A_2671 = arith.maximumf %max3A_2663, %get3A_2670 : vector<16xf32>
        %get3A_2672 = arith.constant 39 : i32
        %get3A_2673 = arith.index_cast %rem3A_69 : i32 to index
        %get3A_2674 = arith.index_cast %scan3A_134 : i32 to index
        %get3A_2675 = arith.index_cast %get3A_2672 : i32 to index
        %get3A_2676 = arith.constant 80 : index
        %get3A_2677 = tpu.vector_load %arg7[%get3A_2673, %get3A_2674, %get3A_2675, %get3A_2676] {strides = array<i32>} : memref<2x4x64x128xf32, #tpu.memory_space<vmem>>, vector<1x1x1x16xf32>,
        %get3A_2678 = vector.shape_cast %get3A_2677 : vector<1x1x1x16xf32> to vector<16xf32>
        %max3A_2679 = arith.maximumf %max3A_2671, %get3A_2678 : vector<16xf32>
        %get3A_2680 = arith.constant 45 : i32
        %get3A_2681 = arith.index_cast %rem3A_69 : i32 to index
        %get3A_2682 = arith.index_cast %scan3A_134 : i32 to index
        %get3A_2683 = arith.index_cast %get3A_2680 : i32 to index
        %get3A_2684 = arith.constant 80 : index
        %get3A_2685 = tpu.vector_load %arg7[%get3A_2681, %get3A_2682, %get3A_2683, %get3A_2684] {strides = array<i32>} : memref<2x4x64x128xf32, #tpu.memory_space<vmem>>, vector<1x1x1x16xf32>,
        %get3A_2686 = vector.shape_cast %get3A_2685 : vector<1x1x1x16xf32> to vector<16xf32>
        %max3A_2687 = arith.maximumf %max3A_2679, %get3A_2686 : vector<16xf32>
        %get3A_2688 = arith.constant 51 : i32
        %get3A_2689 = arith.index_cast %rem3A_69 : i32 to index
        %get3A_2690 = arith.index_cast %scan3A_134 : i32 to index
        %get3A_2691 = arith.index_cast %get3A_2688 : i32 to index
        %get3A_2692 = arith.constant 80 : index
        %get3A_2693 = tpu.vector_load %arg7[%get3A_2689, %get3A_2690, %get3A_2691, %get3A_2692] {strides = array<i32>} : memref<2x4x64x128xf32, #tpu.memory_space<vmem>>, vector<1x1x1x16xf32>,
        %get3A_2694 = vector.shape_cast %get3A_2693 : vector<1x1x1x16xf32> to vector<16xf32>
        %max3A_2695 = arith.maximumf %max3A_2687, %get3A_2694 : vector<16xf32>
        %mul3A_2696 = arith.constant 6 : i32
        %mul3A_2697 = arith.muli %scan3A_134, %mul3A_2696 : i32
        %add3A_2698 = arith.constant 3 : i32
        %add3A_2699 = arith.addi %mul3A_2697, %add3A_2698 : i32
        %get3A_2700 = arith.index_cast %rem3A_69 : i32 to index
        %get3A_2701 = arith.index_cast %add3A_2699 : i32 to index
        %get3A_2702 = arith.constant 80 : index
        %get3A_2703 = tpu.vector_load %arg6[%get3A_2700, %get3A_2701, %get3A_2702] {strides = array<i32>} : memref<2x24x128xf32, #tpu.memory_space<vmem>>, vector<1x1x16xf32>,
        %get3A_2704 = vector.shape_cast %get3A_2703 : vector<1x1x16xf32> to vector<16xf32>
        %sub3A_2705 = arith.subf %max3A_2695, %get3A_2704 : vector<16xf32>
        %swap3A_2706 = arith.index_cast %scan3A_134 : i32 to index
        %swap3A_2707 = arith.constant 464 : index
        %swap3A_2708 = tpu.vector_load %arg8[%swap3A_2706, %swap3A_2707] {strides = array<i32>} : memref<4x768xf32, #tpu.memory_space<vmem>>, vector<1x16xf32>,
        %swap3A_2709 = vector.shape_cast %swap3A_2708 : vector<1x16xf32> to vector<16xf32>
        %swap3A_2710 = vector.shape_cast %sub3A_2705 : vector<16xf32> to vector<1x16xf32>
        tpu.vector_store %arg8[%swap3A_2706, %swap3A_2707], %swap3A_2710 {strides = array<i32>} : memref<4x768xf32, #tpu.memory_space<vmem>>, vector<1x16xf32>,
        %get3A_2711 = arith.constant 3 : i32
        %get3A_2712 = arith.index_cast %rem3A_69 : i32 to index
        %get3A_2713 = arith.index_cast %scan3A_134 : i32 to index
        %get3A_2714 = arith.index_cast %get3A_2711 : i32 to index
        %get3A_2715 = arith.constant 96 : index
        %get3A_2716 = tpu.vector_load %arg7[%get3A_2712, %get3A_2713, %get3A_2714, %get3A_2715] {strides = array<i32>} : memref<2x4x64x128xf32, #tpu.memory_space<vmem>>, vector<1x1x1x16xf32>,
        %get3A_2717 = vector.shape_cast %get3A_2716 : vector<1x1x1x16xf32> to vector<16xf32>
        %get3A_2718 = arith.constant 9 : i32
        %get3A_2719 = arith.index_cast %rem3A_69 : i32 to index
        %get3A_2720 = arith.index_cast %scan3A_134 : i32 to index
        %get3A_2721 = arith.index_cast %get3A_2718 : i32 to index
        %get3A_2722 = arith.constant 96 : index
        %get3A_2723 = tpu.vector_load %arg7[%get3A_2719, %get3A_2720, %get3A_2721, %get3A_2722] {strides = array<i32>} : memref<2x4x64x128xf32, #tpu.memory_space<vmem>>, vector<1x1x1x16xf32>,
        %get3A_2724 = vector.shape_cast %get3A_2723 : vector<1x1x1x16xf32> to vector<16xf32>
        %max3A_2725 = arith.maximumf %get3A_2717, %get3A_2724 : vector<16xf32>
        %get3A_2726 = arith.constant 15 : i32
        %get3A_2727 = arith.index_cast %rem3A_69 : i32 to index
        %get3A_2728 = arith.index_cast %scan3A_134 : i32 to index
        %get3A_2729 = arith.index_cast %get3A_2726 : i32 to index
        %get3A_2730 = arith.constant 96 : index
        %get3A_2731 = tpu.vector_load %arg7[%get3A_2727, %get3A_2728, %get3A_2729, %get3A_2730] {strides = array<i32>} : memref<2x4x64x128xf32, #tpu.memory_space<vmem>>, vector<1x1x1x16xf32>,
        %get3A_2732 = vector.shape_cast %get3A_2731 : vector<1x1x1x16xf32> to vector<16xf32>
        %max3A_2733 = arith.maximumf %max3A_2725, %get3A_2732 : vector<16xf32>
        %get3A_2734 = arith.constant 21 : i32
        %get3A_2735 = arith.index_cast %rem3A_69 : i32 to index
        %get3A_2736 = arith.index_cast %scan3A_134 : i32 to index
        %get3A_2737 = arith.index_cast %get3A_2734 : i32 to index
        %get3A_2738 = arith.constant 96 : index
        %get3A_2739 = tpu.vector_load %arg7[%get3A_2735, %get3A_2736, %get3A_2737, %get3A_2738] {strides = array<i32>} : memref<2x4x64x128xf32, #tpu.memory_space<vmem>>, vector<1x1x1x16xf32>,
        %get3A_2740 = vector.shape_cast %get3A_2739 : vector<1x1x1x16xf32> to vector<16xf32>
        %max3A_2741 = arith.maximumf %max3A_2733, %get3A_2740 : vector<16xf32>
        %get3A_2742 = arith.constant 27 : i32
        %get3A_2743 = arith.index_cast %rem3A_69 : i32 to index
        %get3A_2744 = arith.index_cast %scan3A_134 : i32 to index
        %get3A_2745 = arith.index_cast %get3A_2742 : i32 to index
        %get3A_2746 = arith.constant 96 : index
        %get3A_2747 = tpu.vector_load %arg7[%get3A_2743, %get3A_2744, %get3A_2745, %get3A_2746] {strides = array<i32>} : memref<2x4x64x128xf32, #tpu.memory_space<vmem>>, vector<1x1x1x16xf32>,
        %get3A_2748 = vector.shape_cast %get3A_2747 : vector<1x1x1x16xf32> to vector<16xf32>
        %max3A_2749 = arith.maximumf %max3A_2741, %get3A_2748 : vector<16xf32>
        %get3A_2750 = arith.constant 33 : i32
        %get3A_2751 = arith.index_cast %rem3A_69 : i32 to index
        %get3A_2752 = arith.index_cast %scan3A_134 : i32 to index
        %get3A_2753 = arith.index_cast %get3A_2750 : i32 to index
        %get3A_2754 = arith.constant 96 : index
        %get3A_2755 = tpu.vector_load %arg7[%get3A_2751, %get3A_2752, %get3A_2753, %get3A_2754] {strides = array<i32>} : memref<2x4x64x128xf32, #tpu.memory_space<vmem>>, vector<1x1x1x16xf32>,
        %get3A_2756 = vector.shape_cast %get3A_2755 : vector<1x1x1x16xf32> to vector<16xf32>
        %max3A_2757 = arith.maximumf %max3A_2749, %get3A_2756 : vector<16xf32>
        %get3A_2758 = arith.constant 39 : i32
        %get3A_2759 = arith.index_cast %rem3A_69 : i32 to index
        %get3A_2760 = arith.index_cast %scan3A_134 : i32 to index
        %get3A_2761 = arith.index_cast %get3A_2758 : i32 to index
        %get3A_2762 = arith.constant 96 : index
        %get3A_2763 = tpu.vector_load %arg7[%get3A_2759, %get3A_2760, %get3A_2761, %get3A_2762] {strides = array<i32>} : memref<2x4x64x128xf32, #tpu.memory_space<vmem>>, vector<1x1x1x16xf32>,
        %get3A_2764 = vector.shape_cast %get3A_2763 : vector<1x1x1x16xf32> to vector<16xf32>
        %max3A_2765 = arith.maximumf %max3A_2757, %get3A_2764 : vector<16xf32>
        %get3A_2766 = arith.constant 45 : i32
        %get3A_2767 = arith.index_cast %rem3A_69 : i32 to index
        %get3A_2768 = arith.index_cast %scan3A_134 : i32 to index
        %get3A_2769 = arith.index_cast %get3A_2766 : i32 to index
        %get3A_2770 = arith.constant 96 : index
        %get3A_2771 = tpu.vector_load %arg7[%get3A_2767, %get3A_2768, %get3A_2769, %get3A_2770] {strides = array<i32>} : memref<2x4x64x128xf32, #tpu.memory_space<vmem>>, vector<1x1x1x16xf32>,
        %get3A_2772 = vector.shape_cast %get3A_2771 : vector<1x1x1x16xf32> to vector<16xf32>
        %max3A_2773 = arith.maximumf %max3A_2765, %get3A_2772 : vector<16xf32>
        %get3A_2774 = arith.constant 51 : i32
        %get3A_2775 = arith.index_cast %rem3A_69 : i32 to index
        %get3A_2776 = arith.index_cast %scan3A_134 : i32 to index
        %get3A_2777 = arith.index_cast %get3A_2774 : i32 to index
        %get3A_2778 = arith.constant 96 : index
        %get3A_2779 = tpu.vector_load %arg7[%get3A_2775, %get3A_2776, %get3A_2777, %get3A_2778] {strides = array<i32>} : memref<2x4x64x128xf32, #tpu.memory_space<vmem>>, vector<1x1x1x16xf32>,
        %get3A_2780 = vector.shape_cast %get3A_2779 : vector<1x1x1x16xf32> to vector<16xf32>
        %max3A_2781 = arith.maximumf %max3A_2773, %get3A_2780 : vector<16xf32>
        %mul3A_2782 = arith.constant 6 : i32
        %mul3A_2783 = arith.muli %scan3A_134, %mul3A_2782 : i32
        %add3A_2784 = arith.constant 3 : i32
        %add3A_2785 = arith.addi %mul3A_2783, %add3A_2784 : i32
        %get3A_2786 = arith.index_cast %rem3A_69 : i32 to index
        %get3A_2787 = arith.index_cast %add3A_2785 : i32 to index
        %get3A_2788 = arith.constant 96 : index
        %get3A_2789 = tpu.vector_load %arg6[%get3A_2786, %get3A_2787, %get3A_2788] {strides = array<i32>} : memref<2x24x128xf32, #tpu.memory_space<vmem>>, vector<1x1x16xf32>,
        %get3A_2790 = vector.shape_cast %get3A_2789 : vector<1x1x16xf32> to vector<16xf32>
        %sub3A_2791 = arith.subf %max3A_2781, %get3A_2790 : vector<16xf32>
        %swap3A_2792 = arith.index_cast %scan3A_134 : i32 to index
        %swap3A_2793 = arith.constant 480 : index
        %swap3A_2794 = tpu.vector_load %arg8[%swap3A_2792, %swap3A_2793] {strides = array<i32>} : memref<4x768xf32, #tpu.memory_space<vmem>>, vector<1x16xf32>,
        %swap3A_2795 = vector.shape_cast %swap3A_2794 : vector<1x16xf32> to vector<16xf32>
        %swap3A_2796 = vector.shape_cast %sub3A_2791 : vector<16xf32> to vector<1x16xf32>
        tpu.vector_store %arg8[%swap3A_2792, %swap3A_2793], %swap3A_2796 {strides = array<i32>} : memref<4x768xf32, #tpu.memory_space<vmem>>, vector<1x16xf32>,
        %get3A_2797 = arith.constant 3 : i32
        %get3A_2798 = arith.index_cast %rem3A_69 : i32 to index
        %get3A_2799 = arith.index_cast %scan3A_134 : i32 to index
        %get3A_2800 = arith.index_cast %get3A_2797 : i32 to index
        %get3A_2801 = arith.constant 112 : index
        %get3A_2802 = tpu.vector_load %arg7[%get3A_2798, %get3A_2799, %get3A_2800, %get3A_2801] {strides = array<i32>} : memref<2x4x64x128xf32, #tpu.memory_space<vmem>>, vector<1x1x1x16xf32>,
        %get3A_2803 = vector.shape_cast %get3A_2802 : vector<1x1x1x16xf32> to vector<16xf32>
        %get3A_2804 = arith.constant 9 : i32
        %get3A_2805 = arith.index_cast %rem3A_69 : i32 to index
        %get3A_2806 = arith.index_cast %scan3A_134 : i32 to index
        %get3A_2807 = arith.index_cast %get3A_2804 : i32 to index
        %get3A_2808 = arith.constant 112 : index
        %get3A_2809 = tpu.vector_load %arg7[%get3A_2805, %get3A_2806, %get3A_2807, %get3A_2808] {strides = array<i32>} : memref<2x4x64x128xf32, #tpu.memory_space<vmem>>, vector<1x1x1x16xf32>,
        %get3A_2810 = vector.shape_cast %get3A_2809 : vector<1x1x1x16xf32> to vector<16xf32>
        %max3A_2811 = arith.maximumf %get3A_2803, %get3A_2810 : vector<16xf32>
        %get3A_2812 = arith.constant 15 : i32
        %get3A_2813 = arith.index_cast %rem3A_69 : i32 to index
        %get3A_2814 = arith.index_cast %scan3A_134 : i32 to index
        %get3A_2815 = arith.index_cast %get3A_2812 : i32 to index
        %get3A_2816 = arith.constant 112 : index
        %get3A_2817 = tpu.vector_load %arg7[%get3A_2813, %get3A_2814, %get3A_2815, %get3A_2816] {strides = array<i32>} : memref<2x4x64x128xf32, #tpu.memory_space<vmem>>, vector<1x1x1x16xf32>,
        %get3A_2818 = vector.shape_cast %get3A_2817 : vector<1x1x1x16xf32> to vector<16xf32>
        %max3A_2819 = arith.maximumf %max3A_2811, %get3A_2818 : vector<16xf32>
        %get3A_2820 = arith.constant 21 : i32
        %get3A_2821 = arith.index_cast %rem3A_69 : i32 to index
        %get3A_2822 = arith.index_cast %scan3A_134 : i32 to index
        %get3A_2823 = arith.index_cast %get3A_2820 : i32 to index
        %get3A_2824 = arith.constant 112 : index
        %get3A_2825 = tpu.vector_load %arg7[%get3A_2821, %get3A_2822, %get3A_2823, %get3A_2824] {strides = array<i32>} : memref<2x4x64x128xf32, #tpu.memory_space<vmem>>, vector<1x1x1x16xf32>,
        %get3A_2826 = vector.shape_cast %get3A_2825 : vector<1x1x1x16xf32> to vector<16xf32>
        %max3A_2827 = arith.maximumf %max3A_2819, %get3A_2826 : vector<16xf32>
        %get3A_2828 = arith.constant 27 : i32
        %get3A_2829 = arith.index_cast %rem3A_69 : i32 to index
        %get3A_2830 = arith.index_cast %scan3A_134 : i32 to index
        %get3A_2831 = arith.index_cast %get3A_2828 : i32 to index
        %get3A_2832 = arith.constant 112 : index
        %get3A_2833 = tpu.vector_load %arg7[%get3A_2829, %get3A_2830, %get3A_2831, %get3A_2832] {strides = array<i32>} : memref<2x4x64x128xf32, #tpu.memory_space<vmem>>, vector<1x1x1x16xf32>,
        %get3A_2834 = vector.shape_cast %get3A_2833 : vector<1x1x1x16xf32> to vector<16xf32>
        %max3A_2835 = arith.maximumf %max3A_2827, %get3A_2834 : vector<16xf32>
        %get3A_2836 = arith.constant 33 : i32
        %get3A_2837 = arith.index_cast %rem3A_69 : i32 to index
        %get3A_2838 = arith.index_cast %scan3A_134 : i32 to index
        %get3A_2839 = arith.index_cast %get3A_2836 : i32 to index
        %get3A_2840 = arith.constant 112 : index
        %get3A_2841 = tpu.vector_load %arg7[%get3A_2837, %get3A_2838, %get3A_2839, %get3A_2840] {strides = array<i32>} : memref<2x4x64x128xf32, #tpu.memory_space<vmem>>, vector<1x1x1x16xf32>,
        %get3A_2842 = vector.shape_cast %get3A_2841 : vector<1x1x1x16xf32> to vector<16xf32>
        %max3A_2843 = arith.maximumf %max3A_2835, %get3A_2842 : vector<16xf32>
        %get3A_2844 = arith.constant 39 : i32
        %get3A_2845 = arith.index_cast %rem3A_69 : i32 to index
        %get3A_2846 = arith.index_cast %scan3A_134 : i32 to index
        %get3A_2847 = arith.index_cast %get3A_2844 : i32 to index
        %get3A_2848 = arith.constant 112 : index
        %get3A_2849 = tpu.vector_load %arg7[%get3A_2845, %get3A_2846, %get3A_2847, %get3A_2848] {strides = array<i32>} : memref<2x4x64x128xf32, #tpu.memory_space<vmem>>, vector<1x1x1x16xf32>,
        %get3A_2850 = vector.shape_cast %get3A_2849 : vector<1x1x1x16xf32> to vector<16xf32>
        %max3A_2851 = arith.maximumf %max3A_2843, %get3A_2850 : vector<16xf32>
        %get3A_2852 = arith.constant 45 : i32
        %get3A_2853 = arith.index_cast %rem3A_69 : i32 to index
        %get3A_2854 = arith.index_cast %scan3A_134 : i32 to index
        %get3A_2855 = arith.index_cast %get3A_2852 : i32 to index
        %get3A_2856 = arith.constant 112 : index
        %get3A_2857 = tpu.vector_load %arg7[%get3A_2853, %get3A_2854, %get3A_2855, %get3A_2856] {strides = array<i32>} : memref<2x4x64x128xf32, #tpu.memory_space<vmem>>, vector<1x1x1x16xf32>,
        %get3A_2858 = vector.shape_cast %get3A_2857 : vector<1x1x1x16xf32> to vector<16xf32>
        %max3A_2859 = arith.maximumf %max3A_2851, %get3A_2858 : vector<16xf32>
        %get3A_2860 = arith.constant 51 : i32
        %get3A_2861 = arith.index_cast %rem3A_69 : i32 to index
        %get3A_2862 = arith.index_cast %scan3A_134 : i32 to index
        %get3A_2863 = arith.index_cast %get3A_2860 : i32 to index
        %get3A_2864 = arith.constant 112 : index
        %get3A_2865 = tpu.vector_load %arg7[%get3A_2861, %get3A_2862, %get3A_2863, %get3A_2864] {strides = array<i32>} : memref<2x4x64x128xf32, #tpu.memory_space<vmem>>, vector<1x1x1x16xf32>,
        %get3A_2866 = vector.shape_cast %get3A_2865 : vector<1x1x1x16xf32> to vector<16xf32>
        %max3A_2867 = arith.maximumf %max3A_2859, %get3A_2866 : vector<16xf32>
        %mul3A_2868 = arith.constant 6 : i32
        %mul3A_2869 = arith.muli %scan3A_134, %mul3A_2868 : i32
        %add3A_2870 = arith.constant 3 : i32
        %add3A_2871 = arith.addi %mul3A_2869, %add3A_2870 : i32
        %get3A_2872 = arith.index_cast %rem3A_69 : i32 to index
        %get3A_2873 = arith.index_cast %add3A_2871 : i32 to index
        %get3A_2874 = arith.constant 112 : index
        %get3A_2875 = tpu.vector_load %arg6[%get3A_2872, %get3A_2873, %get3A_2874] {strides = array<i32>} : memref<2x24x128xf32, #tpu.memory_space<vmem>>, vector<1x1x16xf32>,
        %get3A_2876 = vector.shape_cast %get3A_2875 : vector<1x1x16xf32> to vector<16xf32>
        %sub3A_2877 = arith.subf %max3A_2867, %get3A_2876 : vector<16xf32>
        %swap3A_2878 = arith.index_cast %scan3A_134 : i32 to index
        %swap3A_2879 = arith.constant 496 : index
        %swap3A_2880 = tpu.vector_load %arg8[%swap3A_2878, %swap3A_2879] {strides = array<i32>} : memref<4x768xf32, #tpu.memory_space<vmem>>, vector<1x16xf32>,
        %swap3A_2881 = vector.shape_cast %swap3A_2880 : vector<1x16xf32> to vector<16xf32>
        %swap3A_2882 = vector.shape_cast %sub3A_2877 : vector<16xf32> to vector<1x16xf32>
        tpu.vector_store %arg8[%swap3A_2878, %swap3A_2879], %swap3A_2882 {strides = array<i32>} : memref<4x768xf32, #tpu.memory_space<vmem>>, vector<1x16xf32>,
        %get3A_2883 = arith.constant 4 : i32
        %get3A_2884 = arith.index_cast %rem3A_69 : i32 to index
        %get3A_2885 = arith.index_cast %scan3A_134 : i32 to index
        %get3A_2886 = arith.index_cast %get3A_2883 : i32 to index
        %get3A_2887 = arith.constant 0 : index
        %get3A_2888 = tpu.vector_load %arg7[%get3A_2884, %get3A_2885, %get3A_2886, %get3A_2887] {strides = array<i32>} : memref<2x4x64x128xf32, #tpu.memory_space<vmem>>, vector<1x1x1x16xf32>,
        %get3A_2889 = vector.shape_cast %get3A_2888 : vector<1x1x1x16xf32> to vector<16xf32>
        %get3A_2890 = arith.constant 10 : i32
        %get3A_2891 = arith.index_cast %rem3A_69 : i32 to index
        %get3A_2892 = arith.index_cast %scan3A_134 : i32 to index
        %get3A_2893 = arith.index_cast %get3A_2890 : i32 to index
        %get3A_2894 = arith.constant 0 : index
        %get3A_2895 = tpu.vector_load %arg7[%get3A_2891, %get3A_2892, %get3A_2893, %get3A_2894] {strides = array<i32>} : memref<2x4x64x128xf32, #tpu.memory_space<vmem>>, vector<1x1x1x16xf32>,
        %get3A_2896 = vector.shape_cast %get3A_2895 : vector<1x1x1x16xf32> to vector<16xf32>
        %max3A_2897 = arith.maximumf %get3A_2889, %get3A_2896 : vector<16xf32>
        %get3A_2898 = arith.constant 16 : i32
        %get3A_2899 = arith.index_cast %rem3A_69 : i32 to index
        %get3A_2900 = arith.index_cast %scan3A_134 : i32 to index
        %get3A_2901 = arith.index_cast %get3A_2898 : i32 to index
        %get3A_2902 = arith.constant 0 : index
        %get3A_2903 = tpu.vector_load %arg7[%get3A_2899, %get3A_2900, %get3A_2901, %get3A_2902] {strides = array<i32>} : memref<2x4x64x128xf32, #tpu.memory_space<vmem>>, vector<1x1x1x16xf32>,
        %get3A_2904 = vector.shape_cast %get3A_2903 : vector<1x1x1x16xf32> to vector<16xf32>
        %max3A_2905 = arith.maximumf %max3A_2897, %get3A_2904 : vector<16xf32>
        %get3A_2906 = arith.constant 22 : i32
        %get3A_2907 = arith.index_cast %rem3A_69 : i32 to index
        %get3A_2908 = arith.index_cast %scan3A_134 : i32 to index
        %get3A_2909 = arith.index_cast %get3A_2906 : i32 to index
        %get3A_2910 = arith.constant 0 : index
        %get3A_2911 = tpu.vector_load %arg7[%get3A_2907, %get3A_2908, %get3A_2909, %get3A_2910] {strides = array<i32>} : memref<2x4x64x128xf32, #tpu.memory_space<vmem>>, vector<1x1x1x16xf32>,
        %get3A_2912 = vector.shape_cast %get3A_2911 : vector<1x1x1x16xf32> to vector<16xf32>
        %max3A_2913 = arith.maximumf %max3A_2905, %get3A_2912 : vector<16xf32>
        %get3A_2914 = arith.constant 28 : i32
        %get3A_2915 = arith.index_cast %rem3A_69 : i32 to index
        %get3A_2916 = arith.index_cast %scan3A_134 : i32 to index
        %get3A_2917 = arith.index_cast %get3A_2914 : i32 to index
        %get3A_2918 = arith.constant 0 : index
        %get3A_2919 = tpu.vector_load %arg7[%get3A_2915, %get3A_2916, %get3A_2917, %get3A_2918] {strides = array<i32>} : memref<2x4x64x128xf32, #tpu.memory_space<vmem>>, vector<1x1x1x16xf32>,
        %get3A_2920 = vector.shape_cast %get3A_2919 : vector<1x1x1x16xf32> to vector<16xf32>
        %max3A_2921 = arith.maximumf %max3A_2913, %get3A_2920 : vector<16xf32>
        %get3A_2922 = arith.constant 34 : i32
        %get3A_2923 = arith.index_cast %rem3A_69 : i32 to index
        %get3A_2924 = arith.index_cast %scan3A_134 : i32 to index
        %get3A_2925 = arith.index_cast %get3A_2922 : i32 to index
        %get3A_2926 = arith.constant 0 : index
        %get3A_2927 = tpu.vector_load %arg7[%get3A_2923, %get3A_2924, %get3A_2925, %get3A_2926] {strides = array<i32>} : memref<2x4x64x128xf32, #tpu.memory_space<vmem>>, vector<1x1x1x16xf32>,
        %get3A_2928 = vector.shape_cast %get3A_2927 : vector<1x1x1x16xf32> to vector<16xf32>
        %max3A_2929 = arith.maximumf %max3A_2921, %get3A_2928 : vector<16xf32>
        %get3A_2930 = arith.constant 40 : i32
        %get3A_2931 = arith.index_cast %rem3A_69 : i32 to index
        %get3A_2932 = arith.index_cast %scan3A_134 : i32 to index
        %get3A_2933 = arith.index_cast %get3A_2930 : i32 to index
        %get3A_2934 = arith.constant 0 : index
        %get3A_2935 = tpu.vector_load %arg7[%get3A_2931, %get3A_2932, %get3A_2933, %get3A_2934] {strides = array<i32>} : memref<2x4x64x128xf32, #tpu.memory_space<vmem>>, vector<1x1x1x16xf32>,
        %get3A_2936 = vector.shape_cast %get3A_2935 : vector<1x1x1x16xf32> to vector<16xf32>
        %max3A_2937 = arith.maximumf %max3A_2929, %get3A_2936 : vector<16xf32>
        %get3A_2938 = arith.constant 46 : i32
        %get3A_2939 = arith.index_cast %rem3A_69 : i32 to index
        %get3A_2940 = arith.index_cast %scan3A_134 : i32 to index
        %get3A_2941 = arith.index_cast %get3A_2938 : i32 to index
        %get3A_2942 = arith.constant 0 : index
        %get3A_2943 = tpu.vector_load %arg7[%get3A_2939, %get3A_2940, %get3A_2941, %get3A_2942] {strides = array<i32>} : memref<2x4x64x128xf32, #tpu.memory_space<vmem>>, vector<1x1x1x16xf32>,
        %get3A_2944 = vector.shape_cast %get3A_2943 : vector<1x1x1x16xf32> to vector<16xf32>
        %max3A_2945 = arith.maximumf %max3A_2937, %get3A_2944 : vector<16xf32>
        %get3A_2946 = arith.constant 52 : i32
        %get3A_2947 = arith.index_cast %rem3A_69 : i32 to index
        %get3A_2948 = arith.index_cast %scan3A_134 : i32 to index
        %get3A_2949 = arith.index_cast %get3A_2946 : i32 to index
        %get3A_2950 = arith.constant 0 : index
        %get3A_2951 = tpu.vector_load %arg7[%get3A_2947, %get3A_2948, %get3A_2949, %get3A_2950] {strides = array<i32>} : memref<2x4x64x128xf32, #tpu.memory_space<vmem>>, vector<1x1x1x16xf32>,
        %get3A_2952 = vector.shape_cast %get3A_2951 : vector<1x1x1x16xf32> to vector<16xf32>
        %max3A_2953 = arith.maximumf %max3A_2945, %get3A_2952 : vector<16xf32>
        %mul3A_2954 = arith.constant 6 : i32
        %mul3A_2955 = arith.muli %scan3A_134, %mul3A_2954 : i32
        %add3A_2956 = arith.constant 4 : i32
        %add3A_2957 = arith.addi %mul3A_2955, %add3A_2956 : i32
        %get3A_2958 = arith.index_cast %rem3A_69 : i32 to index
        %get3A_2959 = arith.index_cast %add3A_2957 : i32 to index
        %get3A_2960 = arith.constant 0 : index
        %get3A_2961 = tpu.vector_load %arg6[%get3A_2958, %get3A_2959, %get3A_2960] {strides = array<i32>} : memref<2x24x128xf32, #tpu.memory_space<vmem>>, vector<1x1x16xf32>,
        %get3A_2962 = vector.shape_cast %get3A_2961 : vector<1x1x16xf32> to vector<16xf32>
        %sub3A_2963 = arith.subf %max3A_2953, %get3A_2962 : vector<16xf32>
        %swap3A_2964 = arith.index_cast %scan3A_134 : i32 to index
        %swap3A_2965 = arith.constant 512 : index
        %swap3A_2966 = tpu.vector_load %arg8[%swap3A_2964, %swap3A_2965] {strides = array<i32>} : memref<4x768xf32, #tpu.memory_space<vmem>>, vector<1x16xf32>,
        %swap3A_2967 = vector.shape_cast %swap3A_2966 : vector<1x16xf32> to vector<16xf32>
        %swap3A_2968 = vector.shape_cast %sub3A_2963 : vector<16xf32> to vector<1x16xf32>
        tpu.vector_store %arg8[%swap3A_2964, %swap3A_2965], %swap3A_2968 {strides = array<i32>} : memref<4x768xf32, #tpu.memory_space<vmem>>, vector<1x16xf32>,
        %get3A_2969 = arith.constant 4 : i32
        %get3A_2970 = arith.index_cast %rem3A_69 : i32 to index
        %get3A_2971 = arith.index_cast %scan3A_134 : i32 to index
        %get3A_2972 = arith.index_cast %get3A_2969 : i32 to index
        %get3A_2973 = arith.constant 16 : index
        %get3A_2974 = tpu.vector_load %arg7[%get3A_2970, %get3A_2971, %get3A_2972, %get3A_2973] {strides = array<i32>} : memref<2x4x64x128xf32, #tpu.memory_space<vmem>>, vector<1x1x1x16xf32>,
        %get3A_2975 = vector.shape_cast %get3A_2974 : vector<1x1x1x16xf32> to vector<16xf32>
        %get3A_2976 = arith.constant 10 : i32
        %get3A_2977 = arith.index_cast %rem3A_69 : i32 to index
        %get3A_2978 = arith.index_cast %scan3A_134 : i32 to index
        %get3A_2979 = arith.index_cast %get3A_2976 : i32 to index
        %get3A_2980 = arith.constant 16 : index
        %get3A_2981 = tpu.vector_load %arg7[%get3A_2977, %get3A_2978, %get3A_2979, %get3A_2980] {strides = array<i32>} : memref<2x4x64x128xf32, #tpu.memory_space<vmem>>, vector<1x1x1x16xf32>,
        %get3A_2982 = vector.shape_cast %get3A_2981 : vector<1x1x1x16xf32> to vector<16xf32>
        %max3A_2983 = arith.maximumf %get3A_2975, %get3A_2982 : vector<16xf32>
        %get3A_2984 = arith.constant 16 : i32
        %get3A_2985 = arith.index_cast %rem3A_69 : i32 to index
        %get3A_2986 = arith.index_cast %scan3A_134 : i32 to index
        %get3A_2987 = arith.index_cast %get3A_2984 : i32 to index
        %get3A_2988 = arith.constant 16 : index
        %get3A_2989 = tpu.vector_load %arg7[%get3A_2985, %get3A_2986, %get3A_2987, %get3A_2988] {strides = array<i32>} : memref<2x4x64x128xf32, #tpu.memory_space<vmem>>, vector<1x1x1x16xf32>,
        %get3A_2990 = vector.shape_cast %get3A_2989 : vector<1x1x1x16xf32> to vector<16xf32>
        %max3A_2991 = arith.maximumf %max3A_2983, %get3A_2990 : vector<16xf32>
        %get3A_2992 = arith.constant 22 : i32
        %get3A_2993 = arith.index_cast %rem3A_69 : i32 to index
        %get3A_2994 = arith.index_cast %scan3A_134 : i32 to index
        %get3A_2995 = arith.index_cast %get3A_2992 : i32 to index
        %get3A_2996 = arith.constant 16 : index
        %get3A_2997 = tpu.vector_load %arg7[%get3A_2993, %get3A_2994, %get3A_2995, %get3A_2996] {strides = array<i32>} : memref<2x4x64x128xf32, #tpu.memory_space<vmem>>, vector<1x1x1x16xf32>,
        %get3A_2998 = vector.shape_cast %get3A_2997 : vector<1x1x1x16xf32> to vector<16xf32>
        %max3A_2999 = arith.maximumf %max3A_2991, %get3A_2998 : vector<16xf32>
        %get3A_3000 = arith.constant 28 : i32
        %get3A_3001 = arith.index_cast %rem3A_69 : i32 to index
        %get3A_3002 = arith.index_cast %scan3A_134 : i32 to index
        %get3A_3003 = arith.index_cast %get3A_3000 : i32 to index
        %get3A_3004 = arith.constant 16 : index
        %get3A_3005 = tpu.vector_load %arg7[%get3A_3001, %get3A_3002, %get3A_3003, %get3A_3004] {strides = array<i32>} : memref<2x4x64x128xf32, #tpu.memory_space<vmem>>, vector<1x1x1x16xf32>,
        %get3A_3006 = vector.shape_cast %get3A_3005 : vector<1x1x1x16xf32> to vector<16xf32>
        %max3A_3007 = arith.maximumf %max3A_2999, %get3A_3006 : vector<16xf32>
        %get3A_3008 = arith.constant 34 : i32
        %get3A_3009 = arith.index_cast %rem3A_69 : i32 to index
        %get3A_3010 = arith.index_cast %scan3A_134 : i32 to index
        %get3A_3011 = arith.index_cast %get3A_3008 : i32 to index
        %get3A_3012 = arith.constant 16 : index
        %get3A_3013 = tpu.vector_load %arg7[%get3A_3009, %get3A_3010, %get3A_3011, %get3A_3012] {strides = array<i32>} : memref<2x4x64x128xf32, #tpu.memory_space<vmem>>, vector<1x1x1x16xf32>,
        %get3A_3014 = vector.shape_cast %get3A_3013 : vector<1x1x1x16xf32> to vector<16xf32>
        %max3A_3015 = arith.maximumf %max3A_3007, %get3A_3014 : vector<16xf32>
        %get3A_3016 = arith.constant 40 : i32
        %get3A_3017 = arith.index_cast %rem3A_69 : i32 to index
        %get3A_3018 = arith.index_cast %scan3A_134 : i32 to index
        %get3A_3019 = arith.index_cast %get3A_3016 : i32 to index
        %get3A_3020 = arith.constant 16 : index
        %get3A_3021 = tpu.vector_load %arg7[%get3A_3017, %get3A_3018, %get3A_3019, %get3A_3020] {strides = array<i32>} : memref<2x4x64x128xf32, #tpu.memory_space<vmem>>, vector<1x1x1x16xf32>,
        %get3A_3022 = vector.shape_cast %get3A_3021 : vector<1x1x1x16xf32> to vector<16xf32>
        %max3A_3023 = arith.maximumf %max3A_3015, %get3A_3022 : vector<16xf32>
        %get3A_3024 = arith.constant 46 : i32
        %get3A_3025 = arith.index_cast %rem3A_69 : i32 to index
        %get3A_3026 = arith.index_cast %scan3A_134 : i32 to index
        %get3A_3027 = arith.index_cast %get3A_3024 : i32 to index
        %get3A_3028 = arith.constant 16 : index
        %get3A_3029 = tpu.vector_load %arg7[%get3A_3025, %get3A_3026, %get3A_3027, %get3A_3028] {strides = array<i32>} : memref<2x4x64x128xf32, #tpu.memory_space<vmem>>, vector<1x1x1x16xf32>,
        %get3A_3030 = vector.shape_cast %get3A_3029 : vector<1x1x1x16xf32> to vector<16xf32>
        %max3A_3031 = arith.maximumf %max3A_3023, %get3A_3030 : vector<16xf32>
        %get3A_3032 = arith.constant 52 : i32
        %get3A_3033 = arith.index_cast %rem3A_69 : i32 to index
        %get3A_3034 = arith.index_cast %scan3A_134 : i32 to index
        %get3A_3035 = arith.index_cast %get3A_3032 : i32 to index
        %get3A_3036 = arith.constant 16 : index
        %get3A_3037 = tpu.vector_load %arg7[%get3A_3033, %get3A_3034, %get3A_3035, %get3A_3036] {strides = array<i32>} : memref<2x4x64x128xf32, #tpu.memory_space<vmem>>, vector<1x1x1x16xf32>,
        %get3A_3038 = vector.shape_cast %get3A_3037 : vector<1x1x1x16xf32> to vector<16xf32>
        %max3A_3039 = arith.maximumf %max3A_3031, %get3A_3038 : vector<16xf32>
        %mul3A_3040 = arith.constant 6 : i32
        %mul3A_3041 = arith.muli %scan3A_134, %mul3A_3040 : i32
        %add3A_3042 = arith.constant 4 : i32
        %add3A_3043 = arith.addi %mul3A_3041, %add3A_3042 : i32
        %get3A_3044 = arith.index_cast %rem3A_69 : i32 to index
        %get3A_3045 = arith.index_cast %add3A_3043 : i32 to index
        %get3A_3046 = arith.constant 16 : index
        %get3A_3047 = tpu.vector_load %arg6[%get3A_3044, %get3A_3045, %get3A_3046] {strides = array<i32>} : memref<2x24x128xf32, #tpu.memory_space<vmem>>, vector<1x1x16xf32>,
        %get3A_3048 = vector.shape_cast %get3A_3047 : vector<1x1x16xf32> to vector<16xf32>
        %sub3A_3049 = arith.subf %max3A_3039, %get3A_3048 : vector<16xf32>
        %swap3A_3050 = arith.index_cast %scan3A_134 : i32 to index
        %swap3A_3051 = arith.constant 528 : index
        %swap3A_3052 = tpu.vector_load %arg8[%swap3A_3050, %swap3A_3051] {strides = array<i32>} : memref<4x768xf32, #tpu.memory_space<vmem>>, vector<1x16xf32>,
        %swap3A_3053 = vector.shape_cast %swap3A_3052 : vector<1x16xf32> to vector<16xf32>
        %swap3A_3054 = vector.shape_cast %sub3A_3049 : vector<16xf32> to vector<1x16xf32>
        tpu.vector_store %arg8[%swap3A_3050, %swap3A_3051], %swap3A_3054 {strides = array<i32>} : memref<4x768xf32, #tpu.memory_space<vmem>>, vector<1x16xf32>,
        %get3A_3055 = arith.constant 4 : i32
        %get3A_3056 = arith.index_cast %rem3A_69 : i32 to index
        %get3A_3057 = arith.index_cast %scan3A_134 : i32 to index
        %get3A_3058 = arith.index_cast %get3A_3055 : i32 to index
        %get3A_3059 = arith.constant 32 : index
        %get3A_3060 = tpu.vector_load %arg7[%get3A_3056, %get3A_3057, %get3A_3058, %get3A_3059] {strides = array<i32>} : memref<2x4x64x128xf32, #tpu.memory_space<vmem>>, vector<1x1x1x16xf32>,
        %get3A_3061 = vector.shape_cast %get3A_3060 : vector<1x1x1x16xf32> to vector<16xf32>
        %get3A_3062 = arith.constant 10 : i32
        %get3A_3063 = arith.index_cast %rem3A_69 : i32 to index
        %get3A_3064 = arith.index_cast %scan3A_134 : i32 to index
        %get3A_3065 = arith.index_cast %get3A_3062 : i32 to index
        %get3A_3066 = arith.constant 32 : index
        %get3A_3067 = tpu.vector_load %arg7[%get3A_3063, %get3A_3064, %get3A_3065, %get3A_3066] {strides = array<i32>} : memref<2x4x64x128xf32, #tpu.memory_space<vmem>>, vector<1x1x1x16xf32>,
        %get3A_3068 = vector.shape_cast %get3A_3067 : vector<1x1x1x16xf32> to vector<16xf32>
        %max3A_3069 = arith.maximumf %get3A_3061, %get3A_3068 : vector<16xf32>
        %get3A_3070 = arith.constant 16 : i32
        %get3A_3071 = arith.index_cast %rem3A_69 : i32 to index
        %get3A_3072 = arith.index_cast %scan3A_134 : i32 to index
        %get3A_3073 = arith.index_cast %get3A_3070 : i32 to index
        %get3A_3074 = arith.constant 32 : index
        %get3A_3075 = tpu.vector_load %arg7[%get3A_3071, %get3A_3072, %get3A_3073, %get3A_3074] {strides = array<i32>} : memref<2x4x64x128xf32, #tpu.memory_space<vmem>>, vector<1x1x1x16xf32>,
        %get3A_3076 = vector.shape_cast %get3A_3075 : vector<1x1x1x16xf32> to vector<16xf32>
        %max3A_3077 = arith.maximumf %max3A_3069, %get3A_3076 : vector<16xf32>
        %get3A_3078 = arith.constant 22 : i32
        %get3A_3079 = arith.index_cast %rem3A_69 : i32 to index
        %get3A_3080 = arith.index_cast %scan3A_134 : i32 to index
        %get3A_3081 = arith.index_cast %get3A_3078 : i32 to index
        %get3A_3082 = arith.constant 32 : index
        %get3A_3083 = tpu.vector_load %arg7[%get3A_3079, %get3A_3080, %get3A_3081, %get3A_3082] {strides = array<i32>} : memref<2x4x64x128xf32, #tpu.memory_space<vmem>>, vector<1x1x1x16xf32>,
        %get3A_3084 = vector.shape_cast %get3A_3083 : vector<1x1x1x16xf32> to vector<16xf32>
        %max3A_3085 = arith.maximumf %max3A_3077, %get3A_3084 : vector<16xf32>
        %get3A_3086 = arith.constant 28 : i32
        %get3A_3087 = arith.index_cast %rem3A_69 : i32 to index
        %get3A_3088 = arith.index_cast %scan3A_134 : i32 to index
        %get3A_3089 = arith.index_cast %get3A_3086 : i32 to index
        %get3A_3090 = arith.constant 32 : index
        %get3A_3091 = tpu.vector_load %arg7[%get3A_3087, %get3A_3088, %get3A_3089, %get3A_3090] {strides = array<i32>} : memref<2x4x64x128xf32, #tpu.memory_space<vmem>>, vector<1x1x1x16xf32>,
        %get3A_3092 = vector.shape_cast %get3A_3091 : vector<1x1x1x16xf32> to vector<16xf32>
        %max3A_3093 = arith.maximumf %max3A_3085, %get3A_3092 : vector<16xf32>
        %get3A_3094 = arith.constant 34 : i32
        %get3A_3095 = arith.index_cast %rem3A_69 : i32 to index
        %get3A_3096 = arith.index_cast %scan3A_134 : i32 to index
        %get3A_3097 = arith.index_cast %get3A_3094 : i32 to index
        %get3A_3098 = arith.constant 32 : index
        %get3A_3099 = tpu.vector_load %arg7[%get3A_3095, %get3A_3096, %get3A_3097, %get3A_3098] {strides = array<i32>} : memref<2x4x64x128xf32, #tpu.memory_space<vmem>>, vector<1x1x1x16xf32>,
        %get3A_3100 = vector.shape_cast %get3A_3099 : vector<1x1x1x16xf32> to vector<16xf32>
        %max3A_3101 = arith.maximumf %max3A_3093, %get3A_3100 : vector<16xf32>
        %get3A_3102 = arith.constant 40 : i32
        %get3A_3103 = arith.index_cast %rem3A_69 : i32 to index
        %get3A_3104 = arith.index_cast %scan3A_134 : i32 to index
        %get3A_3105 = arith.index_cast %get3A_3102 : i32 to index
        %get3A_3106 = arith.constant 32 : index
        %get3A_3107 = tpu.vector_load %arg7[%get3A_3103, %get3A_3104, %get3A_3105, %get3A_3106] {strides = array<i32>} : memref<2x4x64x128xf32, #tpu.memory_space<vmem>>, vector<1x1x1x16xf32>,
        %get3A_3108 = vector.shape_cast %get3A_3107 : vector<1x1x1x16xf32> to vector<16xf32>
        %max3A_3109 = arith.maximumf %max3A_3101, %get3A_3108 : vector<16xf32>
        %get3A_3110 = arith.constant 46 : i32
        %get3A_3111 = arith.index_cast %rem3A_69 : i32 to index
        %get3A_3112 = arith.index_cast %scan3A_134 : i32 to index
        %get3A_3113 = arith.index_cast %get3A_3110 : i32 to index
        %get3A_3114 = arith.constant 32 : index
        %get3A_3115 = tpu.vector_load %arg7[%get3A_3111, %get3A_3112, %get3A_3113, %get3A_3114] {strides = array<i32>} : memref<2x4x64x128xf32, #tpu.memory_space<vmem>>, vector<1x1x1x16xf32>,
        %get3A_3116 = vector.shape_cast %get3A_3115 : vector<1x1x1x16xf32> to vector<16xf32>
        %max3A_3117 = arith.maximumf %max3A_3109, %get3A_3116 : vector<16xf32>
        %get3A_3118 = arith.constant 52 : i32
        %get3A_3119 = arith.index_cast %rem3A_69 : i32 to index
        %get3A_3120 = arith.index_cast %scan3A_134 : i32 to index
        %get3A_3121 = arith.index_cast %get3A_3118 : i32 to index
        %get3A_3122 = arith.constant 32 : index
        %get3A_3123 = tpu.vector_load %arg7[%get3A_3119, %get3A_3120, %get3A_3121, %get3A_3122] {strides = array<i32>} : memref<2x4x64x128xf32, #tpu.memory_space<vmem>>, vector<1x1x1x16xf32>,
        %get3A_3124 = vector.shape_cast %get3A_3123 : vector<1x1x1x16xf32> to vector<16xf32>
        %max3A_3125 = arith.maximumf %max3A_3117, %get3A_3124 : vector<16xf32>
        %mul3A_3126 = arith.constant 6 : i32
        %mul3A_3127 = arith.muli %scan3A_134, %mul3A_3126 : i32
        %add3A_3128 = arith.constant 4 : i32
        %add3A_3129 = arith.addi %mul3A_3127, %add3A_3128 : i32
        %get3A_3130 = arith.index_cast %rem3A_69 : i32 to index
        %get3A_3131 = arith.index_cast %add3A_3129 : i32 to index
        %get3A_3132 = arith.constant 32 : index
        %get3A_3133 = tpu.vector_load %arg6[%get3A_3130, %get3A_3131, %get3A_3132] {strides = array<i32>} : memref<2x24x128xf32, #tpu.memory_space<vmem>>, vector<1x1x16xf32>,
        %get3A_3134 = vector.shape_cast %get3A_3133 : vector<1x1x16xf32> to vector<16xf32>
        %sub3A_3135 = arith.subf %max3A_3125, %get3A_3134 : vector<16xf32>
        %swap3A_3136 = arith.index_cast %scan3A_134 : i32 to index
        %swap3A_3137 = arith.constant 544 : index
        %swap3A_3138 = tpu.vector_load %arg8[%swap3A_3136, %swap3A_3137] {strides = array<i32>} : memref<4x768xf32, #tpu.memory_space<vmem>>, vector<1x16xf32>,
        %swap3A_3139 = vector.shape_cast %swap3A_3138 : vector<1x16xf32> to vector<16xf32>
        %swap3A_3140 = vector.shape_cast %sub3A_3135 : vector<16xf32> to vector<1x16xf32>
        tpu.vector_store %arg8[%swap3A_3136, %swap3A_3137], %swap3A_3140 {strides = array<i32>} : memref<4x768xf32, #tpu.memory_space<vmem>>, vector<1x16xf32>,
        %get3A_3141 = arith.constant 4 : i32
        %get3A_3142 = arith.index_cast %rem3A_69 : i32 to index
        %get3A_3143 = arith.index_cast %scan3A_134 : i32 to index
        %get3A_3144 = arith.index_cast %get3A_3141 : i32 to index
        %get3A_3145 = arith.constant 48 : index
        %get3A_3146 = tpu.vector_load %arg7[%get3A_3142, %get3A_3143, %get3A_3144, %get3A_3145] {strides = array<i32>} : memref<2x4x64x128xf32, #tpu.memory_space<vmem>>, vector<1x1x1x16xf32>,
        %get3A_3147 = vector.shape_cast %get3A_3146 : vector<1x1x1x16xf32> to vector<16xf32>
        %get3A_3148 = arith.constant 10 : i32
        %get3A_3149 = arith.index_cast %rem3A_69 : i32 to index
        %get3A_3150 = arith.index_cast %scan3A_134 : i32 to index
        %get3A_3151 = arith.index_cast %get3A_3148 : i32 to index
        %get3A_3152 = arith.constant 48 : index
        %get3A_3153 = tpu.vector_load %arg7[%get3A_3149, %get3A_3150, %get3A_3151, %get3A_3152] {strides = array<i32>} : memref<2x4x64x128xf32, #tpu.memory_space<vmem>>, vector<1x1x1x16xf32>,
        %get3A_3154 = vector.shape_cast %get3A_3153 : vector<1x1x1x16xf32> to vector<16xf32>
        %max3A_3155 = arith.maximumf %get3A_3147, %get3A_3154 : vector<16xf32>
        %get3A_3156 = arith.constant 16 : i32
        %get3A_3157 = arith.index_cast %rem3A_69 : i32 to index
        %get3A_3158 = arith.index_cast %scan3A_134 : i32 to index
        %get3A_3159 = arith.index_cast %get3A_3156 : i32 to index
        %get3A_3160 = arith.constant 48 : index
        %get3A_3161 = tpu.vector_load %arg7[%get3A_3157, %get3A_3158, %get3A_3159, %get3A_3160] {strides = array<i32>} : memref<2x4x64x128xf32, #tpu.memory_space<vmem>>, vector<1x1x1x16xf32>,
        %get3A_3162 = vector.shape_cast %get3A_3161 : vector<1x1x1x16xf32> to vector<16xf32>
        %max3A_3163 = arith.maximumf %max3A_3155, %get3A_3162 : vector<16xf32>
        %get3A_3164 = arith.constant 22 : i32
        %get3A_3165 = arith.index_cast %rem3A_69 : i32 to index
        %get3A_3166 = arith.index_cast %scan3A_134 : i32 to index
        %get3A_3167 = arith.index_cast %get3A_3164 : i32 to index
        %get3A_3168 = arith.constant 48 : index
        %get3A_3169 = tpu.vector_load %arg7[%get3A_3165, %get3A_3166, %get3A_3167, %get3A_3168] {strides = array<i32>} : memref<2x4x64x128xf32, #tpu.memory_space<vmem>>, vector<1x1x1x16xf32>,
        %get3A_3170 = vector.shape_cast %get3A_3169 : vector<1x1x1x16xf32> to vector<16xf32>
        %max3A_3171 = arith.maximumf %max3A_3163, %get3A_3170 : vector<16xf32>
        %get3A_3172 = arith.constant 28 : i32
        %get3A_3173 = arith.index_cast %rem3A_69 : i32 to index
        %get3A_3174 = arith.index_cast %scan3A_134 : i32 to index
        %get3A_3175 = arith.index_cast %get3A_3172 : i32 to index
        %get3A_3176 = arith.constant 48 : index
        %get3A_3177 = tpu.vector_load %arg7[%get3A_3173, %get3A_3174, %get3A_3175, %get3A_3176] {strides = array<i32>} : memref<2x4x64x128xf32, #tpu.memory_space<vmem>>, vector<1x1x1x16xf32>,
        %get3A_3178 = vector.shape_cast %get3A_3177 : vector<1x1x1x16xf32> to vector<16xf32>
        %max3A_3179 = arith.maximumf %max3A_3171, %get3A_3178 : vector<16xf32>
        %get3A_3180 = arith.constant 34 : i32
        %get3A_3181 = arith.index_cast %rem3A_69 : i32 to index
        %get3A_3182 = arith.index_cast %scan3A_134 : i32 to index
        %get3A_3183 = arith.index_cast %get3A_3180 : i32 to index
        %get3A_3184 = arith.constant 48 : index
        %get3A_3185 = tpu.vector_load %arg7[%get3A_3181, %get3A_3182, %get3A_3183, %get3A_3184] {strides = array<i32>} : memref<2x4x64x128xf32, #tpu.memory_space<vmem>>, vector<1x1x1x16xf32>,
        %get3A_3186 = vector.shape_cast %get3A_3185 : vector<1x1x1x16xf32> to vector<16xf32>
        %max3A_3187 = arith.maximumf %max3A_3179, %get3A_3186 : vector<16xf32>
        %get3A_3188 = arith.constant 40 : i32
        %get3A_3189 = arith.index_cast %rem3A_69 : i32 to index
        %get3A_3190 = arith.index_cast %scan3A_134 : i32 to index
        %get3A_3191 = arith.index_cast %get3A_3188 : i32 to index
        %get3A_3192 = arith.constant 48 : index
        %get3A_3193 = tpu.vector_load %arg7[%get3A_3189, %get3A_3190, %get3A_3191, %get3A_3192] {strides = array<i32>} : memref<2x4x64x128xf32, #tpu.memory_space<vmem>>, vector<1x1x1x16xf32>,
        %get3A_3194 = vector.shape_cast %get3A_3193 : vector<1x1x1x16xf32> to vector<16xf32>
        %max3A_3195 = arith.maximumf %max3A_3187, %get3A_3194 : vector<16xf32>
        %get3A_3196 = arith.constant 46 : i32
        %get3A_3197 = arith.index_cast %rem3A_69 : i32 to index
        %get3A_3198 = arith.index_cast %scan3A_134 : i32 to index
        %get3A_3199 = arith.index_cast %get3A_3196 : i32 to index
        %get3A_3200 = arith.constant 48 : index
        %get3A_3201 = tpu.vector_load %arg7[%get3A_3197, %get3A_3198, %get3A_3199, %get3A_3200] {strides = array<i32>} : memref<2x4x64x128xf32, #tpu.memory_space<vmem>>, vector<1x1x1x16xf32>,
        %get3A_3202 = vector.shape_cast %get3A_3201 : vector<1x1x1x16xf32> to vector<16xf32>
        %max3A_3203 = arith.maximumf %max3A_3195, %get3A_3202 : vector<16xf32>
        %get3A_3204 = arith.constant 52 : i32
        %get3A_3205 = arith.index_cast %rem3A_69 : i32 to index
        %get3A_3206 = arith.index_cast %scan3A_134 : i32 to index
        %get3A_3207 = arith.index_cast %get3A_3204 : i32 to index
        %get3A_3208 = arith.constant 48 : index
        %get3A_3209 = tpu.vector_load %arg7[%get3A_3205, %get3A_3206, %get3A_3207, %get3A_3208] {strides = array<i32>} : memref<2x4x64x128xf32, #tpu.memory_space<vmem>>, vector<1x1x1x16xf32>,
        %get3A_3210 = vector.shape_cast %get3A_3209 : vector<1x1x1x16xf32> to vector<16xf32>
        %max3A_3211 = arith.maximumf %max3A_3203, %get3A_3210 : vector<16xf32>
        %mul3A_3212 = arith.constant 6 : i32
        %mul3A_3213 = arith.muli %scan3A_134, %mul3A_3212 : i32
        %add3A_3214 = arith.constant 4 : i32
        %add3A_3215 = arith.addi %mul3A_3213, %add3A_3214 : i32
        %get3A_3216 = arith.index_cast %rem3A_69 : i32 to index
        %get3A_3217 = arith.index_cast %add3A_3215 : i32 to index
        %get3A_3218 = arith.constant 48 : index
        %get3A_3219 = tpu.vector_load %arg6[%get3A_3216, %get3A_3217, %get3A_3218] {strides = array<i32>} : memref<2x24x128xf32, #tpu.memory_space<vmem>>, vector<1x1x16xf32>,
        %get3A_3220 = vector.shape_cast %get3A_3219 : vector<1x1x16xf32> to vector<16xf32>
        %sub3A_3221 = arith.subf %max3A_3211, %get3A_3220 : vector<16xf32>
        %swap3A_3222 = arith.index_cast %scan3A_134 : i32 to index
        %swap3A_3223 = arith.constant 560 : index
        %swap3A_3224 = tpu.vector_load %arg8[%swap3A_3222, %swap3A_3223] {strides = array<i32>} : memref<4x768xf32, #tpu.memory_space<vmem>>, vector<1x16xf32>,
        %swap3A_3225 = vector.shape_cast %swap3A_3224 : vector<1x16xf32> to vector<16xf32>
        %swap3A_3226 = vector.shape_cast %sub3A_3221 : vector<16xf32> to vector<1x16xf32>
        tpu.vector_store %arg8[%swap3A_3222, %swap3A_3223], %swap3A_3226 {strides = array<i32>} : memref<4x768xf32, #tpu.memory_space<vmem>>, vector<1x16xf32>,
        %get3A_3227 = arith.constant 4 : i32
        %get3A_3228 = arith.index_cast %rem3A_69 : i32 to index
        %get3A_3229 = arith.index_cast %scan3A_134 : i32 to index
        %get3A_3230 = arith.index_cast %get3A_3227 : i32 to index
        %get3A_3231 = arith.constant 64 : index
        %get3A_3232 = tpu.vector_load %arg7[%get3A_3228, %get3A_3229, %get3A_3230, %get3A_3231] {strides = array<i32>} : memref<2x4x64x128xf32, #tpu.memory_space<vmem>>, vector<1x1x1x16xf32>,
        %get3A_3233 = vector.shape_cast %get3A_3232 : vector<1x1x1x16xf32> to vector<16xf32>
        %get3A_3234 = arith.constant 10 : i32
        %get3A_3235 = arith.index_cast %rem3A_69 : i32 to index
        %get3A_3236 = arith.index_cast %scan3A_134 : i32 to index
        %get3A_3237 = arith.index_cast %get3A_3234 : i32 to index
        %get3A_3238 = arith.constant 64 : index
        %get3A_3239 = tpu.vector_load %arg7[%get3A_3235, %get3A_3236, %get3A_3237, %get3A_3238] {strides = array<i32>} : memref<2x4x64x128xf32, #tpu.memory_space<vmem>>, vector<1x1x1x16xf32>,
        %get3A_3240 = vector.shape_cast %get3A_3239 : vector<1x1x1x16xf32> to vector<16xf32>
        %max3A_3241 = arith.maximumf %get3A_3233, %get3A_3240 : vector<16xf32>
        %get3A_3242 = arith.constant 16 : i32
        %get3A_3243 = arith.index_cast %rem3A_69 : i32 to index
        %get3A_3244 = arith.index_cast %scan3A_134 : i32 to index
        %get3A_3245 = arith.index_cast %get3A_3242 : i32 to index
        %get3A_3246 = arith.constant 64 : index
        %get3A_3247 = tpu.vector_load %arg7[%get3A_3243, %get3A_3244, %get3A_3245, %get3A_3246] {strides = array<i32>} : memref<2x4x64x128xf32, #tpu.memory_space<vmem>>, vector<1x1x1x16xf32>,
        %get3A_3248 = vector.shape_cast %get3A_3247 : vector<1x1x1x16xf32> to vector<16xf32>
        %max3A_3249 = arith.maximumf %max3A_3241, %get3A_3248 : vector<16xf32>
        %get3A_3250 = arith.constant 22 : i32
        %get3A_3251 = arith.index_cast %rem3A_69 : i32 to index
        %get3A_3252 = arith.index_cast %scan3A_134 : i32 to index
        %get3A_3253 = arith.index_cast %get3A_3250 : i32 to index
        %get3A_3254 = arith.constant 64 : index
        %get3A_3255 = tpu.vector_load %arg7[%get3A_3251, %get3A_3252, %get3A_3253, %get3A_3254] {strides = array<i32>} : memref<2x4x64x128xf32, #tpu.memory_space<vmem>>, vector<1x1x1x16xf32>,
        %get3A_3256 = vector.shape_cast %get3A_3255 : vector<1x1x1x16xf32> to vector<16xf32>
        %max3A_3257 = arith.maximumf %max3A_3249, %get3A_3256 : vector<16xf32>
        %get3A_3258 = arith.constant 28 : i32
        %get3A_3259 = arith.index_cast %rem3A_69 : i32 to index
        %get3A_3260 = arith.index_cast %scan3A_134 : i32 to index
        %get3A_3261 = arith.index_cast %get3A_3258 : i32 to index
        %get3A_3262 = arith.constant 64 : index
        %get3A_3263 = tpu.vector_load %arg7[%get3A_3259, %get3A_3260, %get3A_3261, %get3A_3262] {strides = array<i32>} : memref<2x4x64x128xf32, #tpu.memory_space<vmem>>, vector<1x1x1x16xf32>,
        %get3A_3264 = vector.shape_cast %get3A_3263 : vector<1x1x1x16xf32> to vector<16xf32>
        %max3A_3265 = arith.maximumf %max3A_3257, %get3A_3264 : vector<16xf32>
        %get3A_3266 = arith.constant 34 : i32
        %get3A_3267 = arith.index_cast %rem3A_69 : i32 to index
        %get3A_3268 = arith.index_cast %scan3A_134 : i32 to index
        %get3A_3269 = arith.index_cast %get3A_3266 : i32 to index
        %get3A_3270 = arith.constant 64 : index
        %get3A_3271 = tpu.vector_load %arg7[%get3A_3267, %get3A_3268, %get3A_3269, %get3A_3270] {strides = array<i32>} : memref<2x4x64x128xf32, #tpu.memory_space<vmem>>, vector<1x1x1x16xf32>,
        %get3A_3272 = vector.shape_cast %get3A_3271 : vector<1x1x1x16xf32> to vector<16xf32>
        %max3A_3273 = arith.maximumf %max3A_3265, %get3A_3272 : vector<16xf32>
        %get3A_3274 = arith.constant 40 : i32
        %get3A_3275 = arith.index_cast %rem3A_69 : i32 to index
        %get3A_3276 = arith.index_cast %scan3A_134 : i32 to index
        %get3A_3277 = arith.index_cast %get3A_3274 : i32 to index
        %get3A_3278 = arith.constant 64 : index
        %get3A_3279 = tpu.vector_load %arg7[%get3A_3275, %get3A_3276, %get3A_3277, %get3A_3278] {strides = array<i32>} : memref<2x4x64x128xf32, #tpu.memory_space<vmem>>, vector<1x1x1x16xf32>,
        %get3A_3280 = vector.shape_cast %get3A_3279 : vector<1x1x1x16xf32> to vector<16xf32>
        %max3A_3281 = arith.maximumf %max3A_3273, %get3A_3280 : vector<16xf32>
        %get3A_3282 = arith.constant 46 : i32
        %get3A_3283 = arith.index_cast %rem3A_69 : i32 to index
        %get3A_3284 = arith.index_cast %scan3A_134 : i32 to index
        %get3A_3285 = arith.index_cast %get3A_3282 : i32 to index
        %get3A_3286 = arith.constant 64 : index
        %get3A_3287 = tpu.vector_load %arg7[%get3A_3283, %get3A_3284, %get3A_3285, %get3A_3286] {strides = array<i32>} : memref<2x4x64x128xf32, #tpu.memory_space<vmem>>, vector<1x1x1x16xf32>,
        %get3A_3288 = vector.shape_cast %get3A_3287 : vector<1x1x1x16xf32> to vector<16xf32>
        %max3A_3289 = arith.maximumf %max3A_3281, %get3A_3288 : vector<16xf32>
        %get3A_3290 = arith.constant 52 : i32
        %get3A_3291 = arith.index_cast %rem3A_69 : i32 to index
        %get3A_3292 = arith.index_cast %scan3A_134 : i32 to index
        %get3A_3293 = arith.index_cast %get3A_3290 : i32 to index
        %get3A_3294 = arith.constant 64 : index
        %get3A_3295 = tpu.vector_load %arg7[%get3A_3291, %get3A_3292, %get3A_3293, %get3A_3294] {strides = array<i32>} : memref<2x4x64x128xf32, #tpu.memory_space<vmem>>, vector<1x1x1x16xf32>,
        %get3A_3296 = vector.shape_cast %get3A_3295 : vector<1x1x1x16xf32> to vector<16xf32>
        %max3A_3297 = arith.maximumf %max3A_3289, %get3A_3296 : vector<16xf32>
        %mul3A_3298 = arith.constant 6 : i32
        %mul3A_3299 = arith.muli %scan3A_134, %mul3A_3298 : i32
        %add3A_3300 = arith.constant 4 : i32
        %add3A_3301 = arith.addi %mul3A_3299, %add3A_3300 : i32
        %get3A_3302 = arith.index_cast %rem3A_69 : i32 to index
        %get3A_3303 = arith.index_cast %add3A_3301 : i32 to index
        %get3A_3304 = arith.constant 64 : index
        %get3A_3305 = tpu.vector_load %arg6[%get3A_3302, %get3A_3303, %get3A_3304] {strides = array<i32>} : memref<2x24x128xf32, #tpu.memory_space<vmem>>, vector<1x1x16xf32>,
        %get3A_3306 = vector.shape_cast %get3A_3305 : vector<1x1x16xf32> to vector<16xf32>
        %sub3A_3307 = arith.subf %max3A_3297, %get3A_3306 : vector<16xf32>
        %swap3A_3308 = arith.index_cast %scan3A_134 : i32 to index
        %swap3A_3309 = arith.constant 576 : index
        %swap3A_3310 = tpu.vector_load %arg8[%swap3A_3308, %swap3A_3309] {strides = array<i32>} : memref<4x768xf32, #tpu.memory_space<vmem>>, vector<1x16xf32>,
        %swap3A_3311 = vector.shape_cast %swap3A_3310 : vector<1x16xf32> to vector<16xf32>
        %swap3A_3312 = vector.shape_cast %sub3A_3307 : vector<16xf32> to vector<1x16xf32>
        tpu.vector_store %arg8[%swap3A_3308, %swap3A_3309], %swap3A_3312 {strides = array<i32>} : memref<4x768xf32, #tpu.memory_space<vmem>>, vector<1x16xf32>,
        %get3A_3313 = arith.constant 4 : i32
        %get3A_3314 = arith.index_cast %rem3A_69 : i32 to index
        %get3A_3315 = arith.index_cast %scan3A_134 : i32 to index
        %get3A_3316 = arith.index_cast %get3A_3313 : i32 to index
        %get3A_3317 = arith.constant 80 : index
        %get3A_3318 = tpu.vector_load %arg7[%get3A_3314, %get3A_3315, %get3A_3316, %get3A_3317] {strides = array<i32>} : memref<2x4x64x128xf32, #tpu.memory_space<vmem>>, vector<1x1x1x16xf32>,
        %get3A_3319 = vector.shape_cast %get3A_3318 : vector<1x1x1x16xf32> to vector<16xf32>
        %get3A_3320 = arith.constant 10 : i32
        %get3A_3321 = arith.index_cast %rem3A_69 : i32 to index
        %get3A_3322 = arith.index_cast %scan3A_134 : i32 to index
        %get3A_3323 = arith.index_cast %get3A_3320 : i32 to index
        %get3A_3324 = arith.constant 80 : index
        %get3A_3325 = tpu.vector_load %arg7[%get3A_3321, %get3A_3322, %get3A_3323, %get3A_3324] {strides = array<i32>} : memref<2x4x64x128xf32, #tpu.memory_space<vmem>>, vector<1x1x1x16xf32>,
        %get3A_3326 = vector.shape_cast %get3A_3325 : vector<1x1x1x16xf32> to vector<16xf32>
        %max3A_3327 = arith.maximumf %get3A_3319, %get3A_3326 : vector<16xf32>
        %get3A_3328 = arith.constant 16 : i32
        %get3A_3329 = arith.index_cast %rem3A_69 : i32 to index
        %get3A_3330 = arith.index_cast %scan3A_134 : i32 to index
        %get3A_3331 = arith.index_cast %get3A_3328 : i32 to index
        %get3A_3332 = arith.constant 80 : index
        %get3A_3333 = tpu.vector_load %arg7[%get3A_3329, %get3A_3330, %get3A_3331, %get3A_3332] {strides = array<i32>} : memref<2x4x64x128xf32, #tpu.memory_space<vmem>>, vector<1x1x1x16xf32>,
        %get3A_3334 = vector.shape_cast %get3A_3333 : vector<1x1x1x16xf32> to vector<16xf32>
        %max3A_3335 = arith.maximumf %max3A_3327, %get3A_3334 : vector<16xf32>
        %get3A_3336 = arith.constant 22 : i32
        %get3A_3337 = arith.index_cast %rem3A_69 : i32 to index
        %get3A_3338 = arith.index_cast %scan3A_134 : i32 to index
        %get3A_3339 = arith.index_cast %get3A_3336 : i32 to index
        %get3A_3340 = arith.constant 80 : index
        %get3A_3341 = tpu.vector_load %arg7[%get3A_3337, %get3A_3338, %get3A_3339, %get3A_3340] {strides = array<i32>} : memref<2x4x64x128xf32, #tpu.memory_space<vmem>>, vector<1x1x1x16xf32>,
        %get3A_3342 = vector.shape_cast %get3A_3341 : vector<1x1x1x16xf32> to vector<16xf32>
        %max3A_3343 = arith.maximumf %max3A_3335, %get3A_3342 : vector<16xf32>
        %get3A_3344 = arith.constant 28 : i32
        %get3A_3345 = arith.index_cast %rem3A_69 : i32 to index
        %get3A_3346 = arith.index_cast %scan3A_134 : i32 to index
        %get3A_3347 = arith.index_cast %get3A_3344 : i32 to index
        %get3A_3348 = arith.constant 80 : index
        %get3A_3349 = tpu.vector_load %arg7[%get3A_3345, %get3A_3346, %get3A_3347, %get3A_3348] {strides = array<i32>} : memref<2x4x64x128xf32, #tpu.memory_space<vmem>>, vector<1x1x1x16xf32>,
        %get3A_3350 = vector.shape_cast %get3A_3349 : vector<1x1x1x16xf32> to vector<16xf32>
        %max3A_3351 = arith.maximumf %max3A_3343, %get3A_3350 : vector<16xf32>
        %get3A_3352 = arith.constant 34 : i32
        %get3A_3353 = arith.index_cast %rem3A_69 : i32 to index
        %get3A_3354 = arith.index_cast %scan3A_134 : i32 to index
        %get3A_3355 = arith.index_cast %get3A_3352 : i32 to index
        %get3A_3356 = arith.constant 80 : index
        %get3A_3357 = tpu.vector_load %arg7[%get3A_3353, %get3A_3354, %get3A_3355, %get3A_3356] {strides = array<i32>} : memref<2x4x64x128xf32, #tpu.memory_space<vmem>>, vector<1x1x1x16xf32>,
        %get3A_3358 = vector.shape_cast %get3A_3357 : vector<1x1x1x16xf32> to vector<16xf32>
        %max3A_3359 = arith.maximumf %max3A_3351, %get3A_3358 : vector<16xf32>
        %get3A_3360 = arith.constant 40 : i32
        %get3A_3361 = arith.index_cast %rem3A_69 : i32 to index
        %get3A_3362 = arith.index_cast %scan3A_134 : i32 to index
        %get3A_3363 = arith.index_cast %get3A_3360 : i32 to index
        %get3A_3364 = arith.constant 80 : index
        %get3A_3365 = tpu.vector_load %arg7[%get3A_3361, %get3A_3362, %get3A_3363, %get3A_3364] {strides = array<i32>} : memref<2x4x64x128xf32, #tpu.memory_space<vmem>>, vector<1x1x1x16xf32>,
        %get3A_3366 = vector.shape_cast %get3A_3365 : vector<1x1x1x16xf32> to vector<16xf32>
        %max3A_3367 = arith.maximumf %max3A_3359, %get3A_3366 : vector<16xf32>
        %get3A_3368 = arith.constant 46 : i32
        %get3A_3369 = arith.index_cast %rem3A_69 : i32 to index
        %get3A_3370 = arith.index_cast %scan3A_134 : i32 to index
        %get3A_3371 = arith.index_cast %get3A_3368 : i32 to index
        %get3A_3372 = arith.constant 80 : index
        %get3A_3373 = tpu.vector_load %arg7[%get3A_3369, %get3A_3370, %get3A_3371, %get3A_3372] {strides = array<i32>} : memref<2x4x64x128xf32, #tpu.memory_space<vmem>>, vector<1x1x1x16xf32>,
        %get3A_3374 = vector.shape_cast %get3A_3373 : vector<1x1x1x16xf32> to vector<16xf32>
        %max3A_3375 = arith.maximumf %max3A_3367, %get3A_3374 : vector<16xf32>
        %get3A_3376 = arith.constant 52 : i32
        %get3A_3377 = arith.index_cast %rem3A_69 : i32 to index
        %get3A_3378 = arith.index_cast %scan3A_134 : i32 to index
        %get3A_3379 = arith.index_cast %get3A_3376 : i32 to index
        %get3A_3380 = arith.constant 80 : index
        %get3A_3381 = tpu.vector_load %arg7[%get3A_3377, %get3A_3378, %get3A_3379, %get3A_3380] {strides = array<i32>} : memref<2x4x64x128xf32, #tpu.memory_space<vmem>>, vector<1x1x1x16xf32>,
        %get3A_3382 = vector.shape_cast %get3A_3381 : vector<1x1x1x16xf32> to vector<16xf32>
        %max3A_3383 = arith.maximumf %max3A_3375, %get3A_3382 : vector<16xf32>
        %mul3A_3384 = arith.constant 6 : i32
        %mul3A_3385 = arith.muli %scan3A_134, %mul3A_3384 : i32
        %add3A_3386 = arith.constant 4 : i32
        %add3A_3387 = arith.addi %mul3A_3385, %add3A_3386 : i32
        %get3A_3388 = arith.index_cast %rem3A_69 : i32 to index
        %get3A_3389 = arith.index_cast %add3A_3387 : i32 to index
        %get3A_3390 = arith.constant 80 : index
        %get3A_3391 = tpu.vector_load %arg6[%get3A_3388, %get3A_3389, %get3A_3390] {strides = array<i32>} : memref<2x24x128xf32, #tpu.memory_space<vmem>>, vector<1x1x16xf32>,
        %get3A_3392 = vector.shape_cast %get3A_3391 : vector<1x1x16xf32> to vector<16xf32>
        %sub3A_3393 = arith.subf %max3A_3383, %get3A_3392 : vector<16xf32>
        %swap3A_3394 = arith.index_cast %scan3A_134 : i32 to index
        %swap3A_3395 = arith.constant 592 : index
        %swap3A_3396 = tpu.vector_load %arg8[%swap3A_3394, %swap3A_3395] {strides = array<i32>} : memref<4x768xf32, #tpu.memory_space<vmem>>, vector<1x16xf32>,
        %swap3A_3397 = vector.shape_cast %swap3A_3396 : vector<1x16xf32> to vector<16xf32>
        %swap3A_3398 = vector.shape_cast %sub3A_3393 : vector<16xf32> to vector<1x16xf32>
        tpu.vector_store %arg8[%swap3A_3394, %swap3A_3395], %swap3A_3398 {strides = array<i32>} : memref<4x768xf32, #tpu.memory_space<vmem>>, vector<1x16xf32>,
        %get3A_3399 = arith.constant 4 : i32
        %get3A_3400 = arith.index_cast %rem3A_69 : i32 to index
        %get3A_3401 = arith.index_cast %scan3A_134 : i32 to index
        %get3A_3402 = arith.index_cast %get3A_3399 : i32 to index
        %get3A_3403 = arith.constant 96 : index
        %get3A_3404 = tpu.vector_load %arg7[%get3A_3400, %get3A_3401, %get3A_3402, %get3A_3403] {strides = array<i32>} : memref<2x4x64x128xf32, #tpu.memory_space<vmem>>, vector<1x1x1x16xf32>,
        %get3A_3405 = vector.shape_cast %get3A_3404 : vector<1x1x1x16xf32> to vector<16xf32>
        %get3A_3406 = arith.constant 10 : i32
        %get3A_3407 = arith.index_cast %rem3A_69 : i32 to index
        %get3A_3408 = arith.index_cast %scan3A_134 : i32 to index
        %get3A_3409 = arith.index_cast %get3A_3406 : i32 to index
        %get3A_3410 = arith.constant 96 : index
        %get3A_3411 = tpu.vector_load %arg7[%get3A_3407, %get3A_3408, %get3A_3409, %get3A_3410] {strides = array<i32>} : memref<2x4x64x128xf32, #tpu.memory_space<vmem>>, vector<1x1x1x16xf32>,
        %get3A_3412 = vector.shape_cast %get3A_3411 : vector<1x1x1x16xf32> to vector<16xf32>
        %max3A_3413 = arith.maximumf %get3A_3405, %get3A_3412 : vector<16xf32>
        %get3A_3414 = arith.constant 16 : i32
        %get3A_3415 = arith.index_cast %rem3A_69 : i32 to index
        %get3A_3416 = arith.index_cast %scan3A_134 : i32 to index
        %get3A_3417 = arith.index_cast %get3A_3414 : i32 to index
        %get3A_3418 = arith.constant 96 : index
        %get3A_3419 = tpu.vector_load %arg7[%get3A_3415, %get3A_3416, %get3A_3417, %get3A_3418] {strides = array<i32>} : memref<2x4x64x128xf32, #tpu.memory_space<vmem>>, vector<1x1x1x16xf32>,
        %get3A_3420 = vector.shape_cast %get3A_3419 : vector<1x1x1x16xf32> to vector<16xf32>
        %max3A_3421 = arith.maximumf %max3A_3413, %get3A_3420 : vector<16xf32>
        %get3A_3422 = arith.constant 22 : i32
        %get3A_3423 = arith.index_cast %rem3A_69 : i32 to index
        %get3A_3424 = arith.index_cast %scan3A_134 : i32 to index
        %get3A_3425 = arith.index_cast %get3A_3422 : i32 to index
        %get3A_3426 = arith.constant 96 : index
        %get3A_3427 = tpu.vector_load %arg7[%get3A_3423, %get3A_3424, %get3A_3425, %get3A_3426] {strides = array<i32>} : memref<2x4x64x128xf32, #tpu.memory_space<vmem>>, vector<1x1x1x16xf32>,
        %get3A_3428 = vector.shape_cast %get3A_3427 : vector<1x1x1x16xf32> to vector<16xf32>
        %max3A_3429 = arith.maximumf %max3A_3421, %get3A_3428 : vector<16xf32>
        %get3A_3430 = arith.constant 28 : i32
        %get3A_3431 = arith.index_cast %rem3A_69 : i32 to index
        %get3A_3432 = arith.index_cast %scan3A_134 : i32 to index
        %get3A_3433 = arith.index_cast %get3A_3430 : i32 to index
        %get3A_3434 = arith.constant 96 : index
        %get3A_3435 = tpu.vector_load %arg7[%get3A_3431, %get3A_3432, %get3A_3433, %get3A_3434] {strides = array<i32>} : memref<2x4x64x128xf32, #tpu.memory_space<vmem>>, vector<1x1x1x16xf32>,
        %get3A_3436 = vector.shape_cast %get3A_3435 : vector<1x1x1x16xf32> to vector<16xf32>
        %max3A_3437 = arith.maximumf %max3A_3429, %get3A_3436 : vector<16xf32>
        %get3A_3438 = arith.constant 34 : i32
        %get3A_3439 = arith.index_cast %rem3A_69 : i32 to index
        %get3A_3440 = arith.index_cast %scan3A_134 : i32 to index
        %get3A_3441 = arith.index_cast %get3A_3438 : i32 to index
        %get3A_3442 = arith.constant 96 : index
        %get3A_3443 = tpu.vector_load %arg7[%get3A_3439, %get3A_3440, %get3A_3441, %get3A_3442] {strides = array<i32>} : memref<2x4x64x128xf32, #tpu.memory_space<vmem>>, vector<1x1x1x16xf32>,
        %get3A_3444 = vector.shape_cast %get3A_3443 : vector<1x1x1x16xf32> to vector<16xf32>
        %max3A_3445 = arith.maximumf %max3A_3437, %get3A_3444 : vector<16xf32>
        %get3A_3446 = arith.constant 40 : i32
        %get3A_3447 = arith.index_cast %rem3A_69 : i32 to index
        %get3A_3448 = arith.index_cast %scan3A_134 : i32 to index
        %get3A_3449 = arith.index_cast %get3A_3446 : i32 to index
        %get3A_3450 = arith.constant 96 : index
        %get3A_3451 = tpu.vector_load %arg7[%get3A_3447, %get3A_3448, %get3A_3449, %get3A_3450] {strides = array<i32>} : memref<2x4x64x128xf32, #tpu.memory_space<vmem>>, vector<1x1x1x16xf32>,
        %get3A_3452 = vector.shape_cast %get3A_3451 : vector<1x1x1x16xf32> to vector<16xf32>
        %max3A_3453 = arith.maximumf %max3A_3445, %get3A_3452 : vector<16xf32>
        %get3A_3454 = arith.constant 46 : i32
        %get3A_3455 = arith.index_cast %rem3A_69 : i32 to index
        %get3A_3456 = arith.index_cast %scan3A_134 : i32 to index
        %get3A_3457 = arith.index_cast %get3A_3454 : i32 to index
        %get3A_3458 = arith.constant 96 : index
        %get3A_3459 = tpu.vector_load %arg7[%get3A_3455, %get3A_3456, %get3A_3457, %get3A_3458] {strides = array<i32>} : memref<2x4x64x128xf32, #tpu.memory_space<vmem>>, vector<1x1x1x16xf32>,
        %get3A_3460 = vector.shape_cast %get3A_3459 : vector<1x1x1x16xf32> to vector<16xf32>
        %max3A_3461 = arith.maximumf %max3A_3453, %get3A_3460 : vector<16xf32>
        %get3A_3462 = arith.constant 52 : i32
        %get3A_3463 = arith.index_cast %rem3A_69 : i32 to index
        %get3A_3464 = arith.index_cast %scan3A_134 : i32 to index
        %get3A_3465 = arith.index_cast %get3A_3462 : i32 to index
        %get3A_3466 = arith.constant 96 : index
        %get3A_3467 = tpu.vector_load %arg7[%get3A_3463, %get3A_3464, %get3A_3465, %get3A_3466] {strides = array<i32>} : memref<2x4x64x128xf32, #tpu.memory_space<vmem>>, vector<1x1x1x16xf32>,
        %get3A_3468 = vector.shape_cast %get3A_3467 : vector<1x1x1x16xf32> to vector<16xf32>
        %max3A_3469 = arith.maximumf %max3A_3461, %get3A_3468 : vector<16xf32>
        %mul3A_3470 = arith.constant 6 : i32
        %mul3A_3471 = arith.muli %scan3A_134, %mul3A_3470 : i32
        %add3A_3472 = arith.constant 4 : i32
        %add3A_3473 = arith.addi %mul3A_3471, %add3A_3472 : i32
        %get3A_3474 = arith.index_cast %rem3A_69 : i32 to index
        %get3A_3475 = arith.index_cast %add3A_3473 : i32 to index
        %get3A_3476 = arith.constant 96 : index
        %get3A_3477 = tpu.vector_load %arg6[%get3A_3474, %get3A_3475, %get3A_3476] {strides = array<i32>} : memref<2x24x128xf32, #tpu.memory_space<vmem>>, vector<1x1x16xf32>,
        %get3A_3478 = vector.shape_cast %get3A_3477 : vector<1x1x16xf32> to vector<16xf32>
        %sub3A_3479 = arith.subf %max3A_3469, %get3A_3478 : vector<16xf32>
        %swap3A_3480 = arith.index_cast %scan3A_134 : i32 to index
        %swap3A_3481 = arith.constant 608 : index
        %swap3A_3482 = tpu.vector_load %arg8[%swap3A_3480, %swap3A_3481] {strides = array<i32>} : memref<4x768xf32, #tpu.memory_space<vmem>>, vector<1x16xf32>,
        %swap3A_3483 = vector.shape_cast %swap3A_3482 : vector<1x16xf32> to vector<16xf32>
        %swap3A_3484 = vector.shape_cast %sub3A_3479 : vector<16xf32> to vector<1x16xf32>
        tpu.vector_store %arg8[%swap3A_3480, %swap3A_3481], %swap3A_3484 {strides = array<i32>} : memref<4x768xf32, #tpu.memory_space<vmem>>, vector<1x16xf32>,
        %get3A_3485 = arith.constant 4 : i32
        %get3A_3486 = arith.index_cast %rem3A_69 : i32 to index
        %get3A_3487 = arith.index_cast %scan3A_134 : i32 to index
        %get3A_3488 = arith.index_cast %get3A_3485 : i32 to index
        %get3A_3489 = arith.constant 112 : index
        %get3A_3490 = tpu.vector_load %arg7[%get3A_3486, %get3A_3487, %get3A_3488, %get3A_3489] {strides = array<i32>} : memref<2x4x64x128xf32, #tpu.memory_space<vmem>>, vector<1x1x1x16xf32>,
        %get3A_3491 = vector.shape_cast %get3A_3490 : vector<1x1x1x16xf32> to vector<16xf32>
        %get3A_3492 = arith.constant 10 : i32
        %get3A_3493 = arith.index_cast %rem3A_69 : i32 to index
        %get3A_3494 = arith.index_cast %scan3A_134 : i32 to index
        %get3A_3495 = arith.index_cast %get3A_3492 : i32 to index
        %get3A_3496 = arith.constant 112 : index
        %get3A_3497 = tpu.vector_load %arg7[%get3A_3493, %get3A_3494, %get3A_3495, %get3A_3496] {strides = array<i32>} : memref<2x4x64x128xf32, #tpu.memory_space<vmem>>, vector<1x1x1x16xf32>,
        %get3A_3498 = vector.shape_cast %get3A_3497 : vector<1x1x1x16xf32> to vector<16xf32>
        %max3A_3499 = arith.maximumf %get3A_3491, %get3A_3498 : vector<16xf32>
        %get3A_3500 = arith.constant 16 : i32
        %get3A_3501 = arith.index_cast %rem3A_69 : i32 to index
        %get3A_3502 = arith.index_cast %scan3A_134 : i32 to index
        %get3A_3503 = arith.index_cast %get3A_3500 : i32 to index
        %get3A_3504 = arith.constant 112 : index
        %get3A_3505 = tpu.vector_load %arg7[%get3A_3501, %get3A_3502, %get3A_3503, %get3A_3504] {strides = array<i32>} : memref<2x4x64x128xf32, #tpu.memory_space<vmem>>, vector<1x1x1x16xf32>,
        %get3A_3506 = vector.shape_cast %get3A_3505 : vector<1x1x1x16xf32> to vector<16xf32>
        %max3A_3507 = arith.maximumf %max3A_3499, %get3A_3506 : vector<16xf32>
        %get3A_3508 = arith.constant 22 : i32
        %get3A_3509 = arith.index_cast %rem3A_69 : i32 to index
        %get3A_3510 = arith.index_cast %scan3A_134 : i32 to index
        %get3A_3511 = arith.index_cast %get3A_3508 : i32 to index
        %get3A_3512 = arith.constant 112 : index
        %get3A_3513 = tpu.vector_load %arg7[%get3A_3509, %get3A_3510, %get3A_3511, %get3A_3512] {strides = array<i32>} : memref<2x4x64x128xf32, #tpu.memory_space<vmem>>, vector<1x1x1x16xf32>,
        %get3A_3514 = vector.shape_cast %get3A_3513 : vector<1x1x1x16xf32> to vector<16xf32>
        %max3A_3515 = arith.maximumf %max3A_3507, %get3A_3514 : vector<16xf32>
        %get3A_3516 = arith.constant 28 : i32
        %get3A_3517 = arith.index_cast %rem3A_69 : i32 to index
        %get3A_3518 = arith.index_cast %scan3A_134 : i32 to index
        %get3A_3519 = arith.index_cast %get3A_3516 : i32 to index
        %get3A_3520 = arith.constant 112 : index
        %get3A_3521 = tpu.vector_load %arg7[%get3A_3517, %get3A_3518, %get3A_3519, %get3A_3520] {strides = array<i32>} : memref<2x4x64x128xf32, #tpu.memory_space<vmem>>, vector<1x1x1x16xf32>,
        %get3A_3522 = vector.shape_cast %get3A_3521 : vector<1x1x1x16xf32> to vector<16xf32>
        %max3A_3523 = arith.maximumf %max3A_3515, %get3A_3522 : vector<16xf32>
        %get3A_3524 = arith.constant 34 : i32
        %get3A_3525 = arith.index_cast %rem3A_69 : i32 to index
        %get3A_3526 = arith.index_cast %scan3A_134 : i32 to index
        %get3A_3527 = arith.index_cast %get3A_3524 : i32 to index
        %get3A_3528 = arith.constant 112 : index
        %get3A_3529 = tpu.vector_load %arg7[%get3A_3525, %get3A_3526, %get3A_3527, %get3A_3528] {strides = array<i32>} : memref<2x4x64x128xf32, #tpu.memory_space<vmem>>, vector<1x1x1x16xf32>,
        %get3A_3530 = vector.shape_cast %get3A_3529 : vector<1x1x1x16xf32> to vector<16xf32>
        %max3A_3531 = arith.maximumf %max3A_3523, %get3A_3530 : vector<16xf32>
        %get3A_3532 = arith.constant 40 : i32
        %get3A_3533 = arith.index_cast %rem3A_69 : i32 to index
        %get3A_3534 = arith.index_cast %scan3A_134 : i32 to index
        %get3A_3535 = arith.index_cast %get3A_3532 : i32 to index
        %get3A_3536 = arith.constant 112 : index
        %get3A_3537 = tpu.vector_load %arg7[%get3A_3533, %get3A_3534, %get3A_3535, %get3A_3536] {strides = array<i32>} : memref<2x4x64x128xf32, #tpu.memory_space<vmem>>, vector<1x1x1x16xf32>,
        %get3A_3538 = vector.shape_cast %get3A_3537 : vector<1x1x1x16xf32> to vector<16xf32>
        %max3A_3539 = arith.maximumf %max3A_3531, %get3A_3538 : vector<16xf32>
        %get3A_3540 = arith.constant 46 : i32
        %get3A_3541 = arith.index_cast %rem3A_69 : i32 to index
        %get3A_3542 = arith.index_cast %scan3A_134 : i32 to index
        %get3A_3543 = arith.index_cast %get3A_3540 : i32 to index
        %get3A_3544 = arith.constant 112 : index
        %get3A_3545 = tpu.vector_load %arg7[%get3A_3541, %get3A_3542, %get3A_3543, %get3A_3544] {strides = array<i32>} : memref<2x4x64x128xf32, #tpu.memory_space<vmem>>, vector<1x1x1x16xf32>,
        %get3A_3546 = vector.shape_cast %get3A_3545 : vector<1x1x1x16xf32> to vector<16xf32>
        %max3A_3547 = arith.maximumf %max3A_3539, %get3A_3546 : vector<16xf32>
        %get3A_3548 = arith.constant 52 : i32
        %get3A_3549 = arith.index_cast %rem3A_69 : i32 to index
        %get3A_3550 = arith.index_cast %scan3A_134 : i32 to index
        %get3A_3551 = arith.index_cast %get3A_3548 : i32 to index
        %get3A_3552 = arith.constant 112 : index
        %get3A_3553 = tpu.vector_load %arg7[%get3A_3549, %get3A_3550, %get3A_3551, %get3A_3552] {strides = array<i32>} : memref<2x4x64x128xf32, #tpu.memory_space<vmem>>, vector<1x1x1x16xf32>,
        %get3A_3554 = vector.shape_cast %get3A_3553 : vector<1x1x1x16xf32> to vector<16xf32>
        %max3A_3555 = arith.maximumf %max3A_3547, %get3A_3554 : vector<16xf32>
        %mul3A_3556 = arith.constant 6 : i32
        %mul3A_3557 = arith.muli %scan3A_134, %mul3A_3556 : i32
        %add3A_3558 = arith.constant 4 : i32
        %add3A_3559 = arith.addi %mul3A_3557, %add3A_3558 : i32
        %get3A_3560 = arith.index_cast %rem3A_69 : i32 to index
        %get3A_3561 = arith.index_cast %add3A_3559 : i32 to index
        %get3A_3562 = arith.constant 112 : index
        %get3A_3563 = tpu.vector_load %arg6[%get3A_3560, %get3A_3561, %get3A_3562] {strides = array<i32>} : memref<2x24x128xf32, #tpu.memory_space<vmem>>, vector<1x1x16xf32>,
        %get3A_3564 = vector.shape_cast %get3A_3563 : vector<1x1x16xf32> to vector<16xf32>
        %sub3A_3565 = arith.subf %max3A_3555, %get3A_3564 : vector<16xf32>
        %swap3A_3566 = arith.index_cast %scan3A_134 : i32 to index
        %swap3A_3567 = arith.constant 624 : index
        %swap3A_3568 = tpu.vector_load %arg8[%swap3A_3566, %swap3A_3567] {strides = array<i32>} : memref<4x768xf32, #tpu.memory_space<vmem>>, vector<1x16xf32>,
        %swap3A_3569 = vector.shape_cast %swap3A_3568 : vector<1x16xf32> to vector<16xf32>
        %swap3A_3570 = vector.shape_cast %sub3A_3565 : vector<16xf32> to vector<1x16xf32>
        tpu.vector_store %arg8[%swap3A_3566, %swap3A_3567], %swap3A_3570 {strides = array<i32>} : memref<4x768xf32, #tpu.memory_space<vmem>>, vector<1x16xf32>,
        %get3A_3571 = arith.constant 5 : i32
        %get3A_3572 = arith.index_cast %rem3A_69 : i32 to index
        %get3A_3573 = arith.index_cast %scan3A_134 : i32 to index
        %get3A_3574 = arith.index_cast %get3A_3571 : i32 to index
        %get3A_3575 = arith.constant 0 : index
        %get3A_3576 = tpu.vector_load %arg7[%get3A_3572, %get3A_3573, %get3A_3574, %get3A_3575] {strides = array<i32>} : memref<2x4x64x128xf32, #tpu.memory_space<vmem>>, vector<1x1x1x16xf32>,
        %get3A_3577 = vector.shape_cast %get3A_3576 : vector<1x1x1x16xf32> to vector<16xf32>
        %get3A_3578 = arith.constant 11 : i32
        %get3A_3579 = arith.index_cast %rem3A_69 : i32 to index
        %get3A_3580 = arith.index_cast %scan3A_134 : i32 to index
        %get3A_3581 = arith.index_cast %get3A_3578 : i32 to index
        %get3A_3582 = arith.constant 0 : index
        %get3A_3583 = tpu.vector_load %arg7[%get3A_3579, %get3A_3580, %get3A_3581, %get3A_3582] {strides = array<i32>} : memref<2x4x64x128xf32, #tpu.memory_space<vmem>>, vector<1x1x1x16xf32>,
        %get3A_3584 = vector.shape_cast %get3A_3583 : vector<1x1x1x16xf32> to vector<16xf32>
        %max3A_3585 = arith.maximumf %get3A_3577, %get3A_3584 : vector<16xf32>
        %get3A_3586 = arith.constant 17 : i32
        %get3A_3587 = arith.index_cast %rem3A_69 : i32 to index
        %get3A_3588 = arith.index_cast %scan3A_134 : i32 to index
        %get3A_3589 = arith.index_cast %get3A_3586 : i32 to index
        %get3A_3590 = arith.constant 0 : index
        %get3A_3591 = tpu.vector_load %arg7[%get3A_3587, %get3A_3588, %get3A_3589, %get3A_3590] {strides = array<i32>} : memref<2x4x64x128xf32, #tpu.memory_space<vmem>>, vector<1x1x1x16xf32>,
        %get3A_3592 = vector.shape_cast %get3A_3591 : vector<1x1x1x16xf32> to vector<16xf32>
        %max3A_3593 = arith.maximumf %max3A_3585, %get3A_3592 : vector<16xf32>
        %get3A_3594 = arith.constant 23 : i32
        %get3A_3595 = arith.index_cast %rem3A_69 : i32 to index
        %get3A_3596 = arith.index_cast %scan3A_134 : i32 to index
        %get3A_3597 = arith.index_cast %get3A_3594 : i32 to index
        %get3A_3598 = arith.constant 0 : index
        %get3A_3599 = tpu.vector_load %arg7[%get3A_3595, %get3A_3596, %get3A_3597, %get3A_3598] {strides = array<i32>} : memref<2x4x64x128xf32, #tpu.memory_space<vmem>>, vector<1x1x1x16xf32>,
        %get3A_3600 = vector.shape_cast %get3A_3599 : vector<1x1x1x16xf32> to vector<16xf32>
        %max3A_3601 = arith.maximumf %max3A_3593, %get3A_3600 : vector<16xf32>
        %get3A_3602 = arith.constant 29 : i32
        %get3A_3603 = arith.index_cast %rem3A_69 : i32 to index
        %get3A_3604 = arith.index_cast %scan3A_134 : i32 to index
        %get3A_3605 = arith.index_cast %get3A_3602 : i32 to index
        %get3A_3606 = arith.constant 0 : index
        %get3A_3607 = tpu.vector_load %arg7[%get3A_3603, %get3A_3604, %get3A_3605, %get3A_3606] {strides = array<i32>} : memref<2x4x64x128xf32, #tpu.memory_space<vmem>>, vector<1x1x1x16xf32>,
        %get3A_3608 = vector.shape_cast %get3A_3607 : vector<1x1x1x16xf32> to vector<16xf32>
        %max3A_3609 = arith.maximumf %max3A_3601, %get3A_3608 : vector<16xf32>
        %get3A_3610 = arith.constant 35 : i32
        %get3A_3611 = arith.index_cast %rem3A_69 : i32 to index
        %get3A_3612 = arith.index_cast %scan3A_134 : i32 to index
        %get3A_3613 = arith.index_cast %get3A_3610 : i32 to index
        %get3A_3614 = arith.constant 0 : index
        %get3A_3615 = tpu.vector_load %arg7[%get3A_3611, %get3A_3612, %get3A_3613, %get3A_3614] {strides = array<i32>} : memref<2x4x64x128xf32, #tpu.memory_space<vmem>>, vector<1x1x1x16xf32>,
        %get3A_3616 = vector.shape_cast %get3A_3615 : vector<1x1x1x16xf32> to vector<16xf32>
        %max3A_3617 = arith.maximumf %max3A_3609, %get3A_3616 : vector<16xf32>
        %get3A_3618 = arith.constant 41 : i32
        %get3A_3619 = arith.index_cast %rem3A_69 : i32 to index
        %get3A_3620 = arith.index_cast %scan3A_134 : i32 to index
        %get3A_3621 = arith.index_cast %get3A_3618 : i32 to index
        %get3A_3622 = arith.constant 0 : index
        %get3A_3623 = tpu.vector_load %arg7[%get3A_3619, %get3A_3620, %get3A_3621, %get3A_3622] {strides = array<i32>} : memref<2x4x64x128xf32, #tpu.memory_space<vmem>>, vector<1x1x1x16xf32>,
        %get3A_3624 = vector.shape_cast %get3A_3623 : vector<1x1x1x16xf32> to vector<16xf32>
        %max3A_3625 = arith.maximumf %max3A_3617, %get3A_3624 : vector<16xf32>
        %get3A_3626 = arith.constant 47 : i32
        %get3A_3627 = arith.index_cast %rem3A_69 : i32 to index
        %get3A_3628 = arith.index_cast %scan3A_134 : i32 to index
        %get3A_3629 = arith.index_cast %get3A_3626 : i32 to index
        %get3A_3630 = arith.constant 0 : index
        %get3A_3631 = tpu.vector_load %arg7[%get3A_3627, %get3A_3628, %get3A_3629, %get3A_3630] {strides = array<i32>} : memref<2x4x64x128xf32, #tpu.memory_space<vmem>>, vector<1x1x1x16xf32>,
        %get3A_3632 = vector.shape_cast %get3A_3631 : vector<1x1x1x16xf32> to vector<16xf32>
        %max3A_3633 = arith.maximumf %max3A_3625, %get3A_3632 : vector<16xf32>
        %get3A_3634 = arith.constant 53 : i32
        %get3A_3635 = arith.index_cast %rem3A_69 : i32 to index
        %get3A_3636 = arith.index_cast %scan3A_134 : i32 to index
        %get3A_3637 = arith.index_cast %get3A_3634 : i32 to index
        %get3A_3638 = arith.constant 0 : index
        %get3A_3639 = tpu.vector_load %arg7[%get3A_3635, %get3A_3636, %get3A_3637, %get3A_3638] {strides = array<i32>} : memref<2x4x64x128xf32, #tpu.memory_space<vmem>>, vector<1x1x1x16xf32>,
        %get3A_3640 = vector.shape_cast %get3A_3639 : vector<1x1x1x16xf32> to vector<16xf32>
        %max3A_3641 = arith.maximumf %max3A_3633, %get3A_3640 : vector<16xf32>
        %mul3A_3642 = arith.constant 6 : i32
        %mul3A_3643 = arith.muli %scan3A_134, %mul3A_3642 : i32
        %add3A_3644 = arith.constant 5 : i32
        %add3A_3645 = arith.addi %mul3A_3643, %add3A_3644 : i32
        %get3A_3646 = arith.index_cast %rem3A_69 : i32 to index
        %get3A_3647 = arith.index_cast %add3A_3645 : i32 to index
        %get3A_3648 = arith.constant 0 : index
        %get3A_3649 = tpu.vector_load %arg6[%get3A_3646, %get3A_3647, %get3A_3648] {strides = array<i32>} : memref<2x24x128xf32, #tpu.memory_space<vmem>>, vector<1x1x16xf32>,
        %get3A_3650 = vector.shape_cast %get3A_3649 : vector<1x1x16xf32> to vector<16xf32>
        %sub3A_3651 = arith.subf %max3A_3641, %get3A_3650 : vector<16xf32>
        %swap3A_3652 = arith.index_cast %scan3A_134 : i32 to index
        %swap3A_3653 = arith.constant 640 : index
        %swap3A_3654 = tpu.vector_load %arg8[%swap3A_3652, %swap3A_3653] {strides = array<i32>} : memref<4x768xf32, #tpu.memory_space<vmem>>, vector<1x16xf32>,
        %swap3A_3655 = vector.shape_cast %swap3A_3654 : vector<1x16xf32> to vector<16xf32>
        %swap3A_3656 = vector.shape_cast %sub3A_3651 : vector<16xf32> to vector<1x16xf32>
        tpu.vector_store %arg8[%swap3A_3652, %swap3A_3653], %swap3A_3656 {strides = array<i32>} : memref<4x768xf32, #tpu.memory_space<vmem>>, vector<1x16xf32>,
        %get3A_3657 = arith.constant 5 : i32
        %get3A_3658 = arith.index_cast %rem3A_69 : i32 to index
        %get3A_3659 = arith.index_cast %scan3A_134 : i32 to index
        %get3A_3660 = arith.index_cast %get3A_3657 : i32 to index
        %get3A_3661 = arith.constant 16 : index
        %get3A_3662 = tpu.vector_load %arg7[%get3A_3658, %get3A_3659, %get3A_3660, %get3A_3661] {strides = array<i32>} : memref<2x4x64x128xf32, #tpu.memory_space<vmem>>, vector<1x1x1x16xf32>,
        %get3A_3663 = vector.shape_cast %get3A_3662 : vector<1x1x1x16xf32> to vector<16xf32>
        %get3A_3664 = arith.constant 11 : i32
        %get3A_3665 = arith.index_cast %rem3A_69 : i32 to index
        %get3A_3666 = arith.index_cast %scan3A_134 : i32 to index
        %get3A_3667 = arith.index_cast %get3A_3664 : i32 to index
        %get3A_3668 = arith.constant 16 : index
        %get3A_3669 = tpu.vector_load %arg7[%get3A_3665, %get3A_3666, %get3A_3667, %get3A_3668] {strides = array<i32>} : memref<2x4x64x128xf32, #tpu.memory_space<vmem>>, vector<1x1x1x16xf32>,
        %get3A_3670 = vector.shape_cast %get3A_3669 : vector<1x1x1x16xf32> to vector<16xf32>
        %max3A_3671 = arith.maximumf %get3A_3663, %get3A_3670 : vector<16xf32>
        %get3A_3672 = arith.constant 17 : i32
        %get3A_3673 = arith.index_cast %rem3A_69 : i32 to index
        %get3A_3674 = arith.index_cast %scan3A_134 : i32 to index
        %get3A_3675 = arith.index_cast %get3A_3672 : i32 to index
        %get3A_3676 = arith.constant 16 : index
        %get3A_3677 = tpu.vector_load %arg7[%get3A_3673, %get3A_3674, %get3A_3675, %get3A_3676] {strides = array<i32>} : memref<2x4x64x128xf32, #tpu.memory_space<vmem>>, vector<1x1x1x16xf32>,
        %get3A_3678 = vector.shape_cast %get3A_3677 : vector<1x1x1x16xf32> to vector<16xf32>
        %max3A_3679 = arith.maximumf %max3A_3671, %get3A_3678 : vector<16xf32>
        %get3A_3680 = arith.constant 23 : i32
        %get3A_3681 = arith.index_cast %rem3A_69 : i32 to index
        %get3A_3682 = arith.index_cast %scan3A_134 : i32 to index
        %get3A_3683 = arith.index_cast %get3A_3680 : i32 to index
        %get3A_3684 = arith.constant 16 : index
        %get3A_3685 = tpu.vector_load %arg7[%get3A_3681, %get3A_3682, %get3A_3683, %get3A_3684] {strides = array<i32>} : memref<2x4x64x128xf32, #tpu.memory_space<vmem>>, vector<1x1x1x16xf32>,
        %get3A_3686 = vector.shape_cast %get3A_3685 : vector<1x1x1x16xf32> to vector<16xf32>
        %max3A_3687 = arith.maximumf %max3A_3679, %get3A_3686 : vector<16xf32>
        %get3A_3688 = arith.constant 29 : i32
        %get3A_3689 = arith.index_cast %rem3A_69 : i32 to index
        %get3A_3690 = arith.index_cast %scan3A_134 : i32 to index
        %get3A_3691 = arith.index_cast %get3A_3688 : i32 to index
        %get3A_3692 = arith.constant 16 : index
        %get3A_3693 = tpu.vector_load %arg7[%get3A_3689, %get3A_3690, %get3A_3691, %get3A_3692] {strides = array<i32>} : memref<2x4x64x128xf32, #tpu.memory_space<vmem>>, vector<1x1x1x16xf32>,
        %get3A_3694 = vector.shape_cast %get3A_3693 : vector<1x1x1x16xf32> to vector<16xf32>
        %max3A_3695 = arith.maximumf %max3A_3687, %get3A_3694 : vector<16xf32>
        %get3A_3696 = arith.constant 35 : i32
        %get3A_3697 = arith.index_cast %rem3A_69 : i32 to index
        %get3A_3698 = arith.index_cast %scan3A_134 : i32 to index
        %get3A_3699 = arith.index_cast %get3A_3696 : i32 to index
        %get3A_3700 = arith.constant 16 : index
        %get3A_3701 = tpu.vector_load %arg7[%get3A_3697, %get3A_3698, %get3A_3699, %get3A_3700] {strides = array<i32>} : memref<2x4x64x128xf32, #tpu.memory_space<vmem>>, vector<1x1x1x16xf32>,
        %get3A_3702 = vector.shape_cast %get3A_3701 : vector<1x1x1x16xf32> to vector<16xf32>
        %max3A_3703 = arith.maximumf %max3A_3695, %get3A_3702 : vector<16xf32>
        %get3A_3704 = arith.constant 41 : i32
        %get3A_3705 = arith.index_cast %rem3A_69 : i32 to index
        %get3A_3706 = arith.index_cast %scan3A_134 : i32 to index
        %get3A_3707 = arith.index_cast %get3A_3704 : i32 to index
        %get3A_3708 = arith.constant 16 : index
        %get3A_3709 = tpu.vector_load %arg7[%get3A_3705, %get3A_3706, %get3A_3707, %get3A_3708] {strides = array<i32>} : memref<2x4x64x128xf32, #tpu.memory_space<vmem>>, vector<1x1x1x16xf32>,
        %get3A_3710 = vector.shape_cast %get3A_3709 : vector<1x1x1x16xf32> to vector<16xf32>
        %max3A_3711 = arith.maximumf %max3A_3703, %get3A_3710 : vector<16xf32>
        %get3A_3712 = arith.constant 47 : i32
        %get3A_3713 = arith.index_cast %rem3A_69 : i32 to index
        %get3A_3714 = arith.index_cast %scan3A_134 : i32 to index
        %get3A_3715 = arith.index_cast %get3A_3712 : i32 to index
        %get3A_3716 = arith.constant 16 : index
        %get3A_3717 = tpu.vector_load %arg7[%get3A_3713, %get3A_3714, %get3A_3715, %get3A_3716] {strides = array<i32>} : memref<2x4x64x128xf32, #tpu.memory_space<vmem>>, vector<1x1x1x16xf32>,
        %get3A_3718 = vector.shape_cast %get3A_3717 : vector<1x1x1x16xf32> to vector<16xf32>
        %max3A_3719 = arith.maximumf %max3A_3711, %get3A_3718 : vector<16xf32>
        %get3A_3720 = arith.constant 53 : i32
        %get3A_3721 = arith.index_cast %rem3A_69 : i32 to index
        %get3A_3722 = arith.index_cast %scan3A_134 : i32 to index
        %get3A_3723 = arith.index_cast %get3A_3720 : i32 to index
        %get3A_3724 = arith.constant 16 : index
        %get3A_3725 = tpu.vector_load %arg7[%get3A_3721, %get3A_3722, %get3A_3723, %get3A_3724] {strides = array<i32>} : memref<2x4x64x128xf32, #tpu.memory_space<vmem>>, vector<1x1x1x16xf32>,
        %get3A_3726 = vector.shape_cast %get3A_3725 : vector<1x1x1x16xf32> to vector<16xf32>
        %max3A_3727 = arith.maximumf %max3A_3719, %get3A_3726 : vector<16xf32>
        %mul3A_3728 = arith.constant 6 : i32
        %mul3A_3729 = arith.muli %scan3A_134, %mul3A_3728 : i32
        %add3A_3730 = arith.constant 5 : i32
        %add3A_3731 = arith.addi %mul3A_3729, %add3A_3730 : i32
        %get3A_3732 = arith.index_cast %rem3A_69 : i32 to index
        %get3A_3733 = arith.index_cast %add3A_3731 : i32 to index
        %get3A_3734 = arith.constant 16 : index
        %get3A_3735 = tpu.vector_load %arg6[%get3A_3732, %get3A_3733, %get3A_3734] {strides = array<i32>} : memref<2x24x128xf32, #tpu.memory_space<vmem>>, vector<1x1x16xf32>,
        %get3A_3736 = vector.shape_cast %get3A_3735 : vector<1x1x16xf32> to vector<16xf32>
        %sub3A_3737 = arith.subf %max3A_3727, %get3A_3736 : vector<16xf32>
        %swap3A_3738 = arith.index_cast %scan3A_134 : i32 to index
        %swap3A_3739 = arith.constant 656 : index
        %swap3A_3740 = tpu.vector_load %arg8[%swap3A_3738, %swap3A_3739] {strides = array<i32>} : memref<4x768xf32, #tpu.memory_space<vmem>>, vector<1x16xf32>,
        %swap3A_3741 = vector.shape_cast %swap3A_3740 : vector<1x16xf32> to vector<16xf32>
        %swap3A_3742 = vector.shape_cast %sub3A_3737 : vector<16xf32> to vector<1x16xf32>
        tpu.vector_store %arg8[%swap3A_3738, %swap3A_3739], %swap3A_3742 {strides = array<i32>} : memref<4x768xf32, #tpu.memory_space<vmem>>, vector<1x16xf32>,
        %get3A_3743 = arith.constant 5 : i32
        %get3A_3744 = arith.index_cast %rem3A_69 : i32 to index
        %get3A_3745 = arith.index_cast %scan3A_134 : i32 to index
        %get3A_3746 = arith.index_cast %get3A_3743 : i32 to index
        %get3A_3747 = arith.constant 32 : index
        %get3A_3748 = tpu.vector_load %arg7[%get3A_3744, %get3A_3745, %get3A_3746, %get3A_3747] {strides = array<i32>} : memref<2x4x64x128xf32, #tpu.memory_space<vmem>>, vector<1x1x1x16xf32>,
        %get3A_3749 = vector.shape_cast %get3A_3748 : vector<1x1x1x16xf32> to vector<16xf32>
        %get3A_3750 = arith.constant 11 : i32
        %get3A_3751 = arith.index_cast %rem3A_69 : i32 to index
        %get3A_3752 = arith.index_cast %scan3A_134 : i32 to index
        %get3A_3753 = arith.index_cast %get3A_3750 : i32 to index
        %get3A_3754 = arith.constant 32 : index
        %get3A_3755 = tpu.vector_load %arg7[%get3A_3751, %get3A_3752, %get3A_3753, %get3A_3754] {strides = array<i32>} : memref<2x4x64x128xf32, #tpu.memory_space<vmem>>, vector<1x1x1x16xf32>,
        %get3A_3756 = vector.shape_cast %get3A_3755 : vector<1x1x1x16xf32> to vector<16xf32>
        %max3A_3757 = arith.maximumf %get3A_3749, %get3A_3756 : vector<16xf32>
        %get3A_3758 = arith.constant 17 : i32
        %get3A_3759 = arith.index_cast %rem3A_69 : i32 to index
        %get3A_3760 = arith.index_cast %scan3A_134 : i32 to index
        %get3A_3761 = arith.index_cast %get3A_3758 : i32 to index
        %get3A_3762 = arith.constant 32 : index
        %get3A_3763 = tpu.vector_load %arg7[%get3A_3759, %get3A_3760, %get3A_3761, %get3A_3762] {strides = array<i32>} : memref<2x4x64x128xf32, #tpu.memory_space<vmem>>, vector<1x1x1x16xf32>,
        %get3A_3764 = vector.shape_cast %get3A_3763 : vector<1x1x1x16xf32> to vector<16xf32>
        %max3A_3765 = arith.maximumf %max3A_3757, %get3A_3764 : vector<16xf32>
        %get3A_3766 = arith.constant 23 : i32
        %get3A_3767 = arith.index_cast %rem3A_69 : i32 to index
        %get3A_3768 = arith.index_cast %scan3A_134 : i32 to index
        %get3A_3769 = arith.index_cast %get3A_3766 : i32 to index
        %get3A_3770 = arith.constant 32 : index
        %get3A_3771 = tpu.vector_load %arg7[%get3A_3767, %get3A_3768, %get3A_3769, %get3A_3770] {strides = array<i32>} : memref<2x4x64x128xf32, #tpu.memory_space<vmem>>, vector<1x1x1x16xf32>,
        %get3A_3772 = vector.shape_cast %get3A_3771 : vector<1x1x1x16xf32> to vector<16xf32>
        %max3A_3773 = arith.maximumf %max3A_3765, %get3A_3772 : vector<16xf32>
        %get3A_3774 = arith.constant 29 : i32
        %get3A_3775 = arith.index_cast %rem3A_69 : i32 to index
        %get3A_3776 = arith.index_cast %scan3A_134 : i32 to index
        %get3A_3777 = arith.index_cast %get3A_3774 : i32 to index
        %get3A_3778 = arith.constant 32 : index
        %get3A_3779 = tpu.vector_load %arg7[%get3A_3775, %get3A_3776, %get3A_3777, %get3A_3778] {strides = array<i32>} : memref<2x4x64x128xf32, #tpu.memory_space<vmem>>, vector<1x1x1x16xf32>,
        %get3A_3780 = vector.shape_cast %get3A_3779 : vector<1x1x1x16xf32> to vector<16xf32>
        %max3A_3781 = arith.maximumf %max3A_3773, %get3A_3780 : vector<16xf32>
        %get3A_3782 = arith.constant 35 : i32
        %get3A_3783 = arith.index_cast %rem3A_69 : i32 to index
        %get3A_3784 = arith.index_cast %scan3A_134 : i32 to index
        %get3A_3785 = arith.index_cast %get3A_3782 : i32 to index
        %get3A_3786 = arith.constant 32 : index
        %get3A_3787 = tpu.vector_load %arg7[%get3A_3783, %get3A_3784, %get3A_3785, %get3A_3786] {strides = array<i32>} : memref<2x4x64x128xf32, #tpu.memory_space<vmem>>, vector<1x1x1x16xf32>,
        %get3A_3788 = vector.shape_cast %get3A_3787 : vector<1x1x1x16xf32> to vector<16xf32>
        %max3A_3789 = arith.maximumf %max3A_3781, %get3A_3788 : vector<16xf32>
        %get3A_3790 = arith.constant 41 : i32
        %get3A_3791 = arith.index_cast %rem3A_69 : i32 to index
        %get3A_3792 = arith.index_cast %scan3A_134 : i32 to index
        %get3A_3793 = arith.index_cast %get3A_3790 : i32 to index
        %get3A_3794 = arith.constant 32 : index
        %get3A_3795 = tpu.vector_load %arg7[%get3A_3791, %get3A_3792, %get3A_3793, %get3A_3794] {strides = array<i32>} : memref<2x4x64x128xf32, #tpu.memory_space<vmem>>, vector<1x1x1x16xf32>,
        %get3A_3796 = vector.shape_cast %get3A_3795 : vector<1x1x1x16xf32> to vector<16xf32>
        %max3A_3797 = arith.maximumf %max3A_3789, %get3A_3796 : vector<16xf32>
        %get3A_3798 = arith.constant 47 : i32
        %get3A_3799 = arith.index_cast %rem3A_69 : i32 to index
        %get3A_3800 = arith.index_cast %scan3A_134 : i32 to index
        %get3A_3801 = arith.index_cast %get3A_3798 : i32 to index
        %get3A_3802 = arith.constant 32 : index
        %get3A_3803 = tpu.vector_load %arg7[%get3A_3799, %get3A_3800, %get3A_3801, %get3A_3802] {strides = array<i32>} : memref<2x4x64x128xf32, #tpu.memory_space<vmem>>, vector<1x1x1x16xf32>,
        %get3A_3804 = vector.shape_cast %get3A_3803 : vector<1x1x1x16xf32> to vector<16xf32>
        %max3A_3805 = arith.maximumf %max3A_3797, %get3A_3804 : vector<16xf32>
        %get3A_3806 = arith.constant 53 : i32
        %get3A_3807 = arith.index_cast %rem3A_69 : i32 to index
        %get3A_3808 = arith.index_cast %scan3A_134 : i32 to index
        %get3A_3809 = arith.index_cast %get3A_3806 : i32 to index
        %get3A_3810 = arith.constant 32 : index
        %get3A_3811 = tpu.vector_load %arg7[%get3A_3807, %get3A_3808, %get3A_3809, %get3A_3810] {strides = array<i32>} : memref<2x4x64x128xf32, #tpu.memory_space<vmem>>, vector<1x1x1x16xf32>,
        %get3A_3812 = vector.shape_cast %get3A_3811 : vector<1x1x1x16xf32> to vector<16xf32>
        %max3A_3813 = arith.maximumf %max3A_3805, %get3A_3812 : vector<16xf32>
        %mul3A_3814 = arith.constant 6 : i32
        %mul3A_3815 = arith.muli %scan3A_134, %mul3A_3814 : i32
        %add3A_3816 = arith.constant 5 : i32
        %add3A_3817 = arith.addi %mul3A_3815, %add3A_3816 : i32
        %get3A_3818 = arith.index_cast %rem3A_69 : i32 to index
        %get3A_3819 = arith.index_cast %add3A_3817 : i32 to index
        %get3A_3820 = arith.constant 32 : index
        %get3A_3821 = tpu.vector_load %arg6[%get3A_3818, %get3A_3819, %get3A_3820] {strides = array<i32>} : memref<2x24x128xf32, #tpu.memory_space<vmem>>, vector<1x1x16xf32>,
        %get3A_3822 = vector.shape_cast %get3A_3821 : vector<1x1x16xf32> to vector<16xf32>
        %sub3A_3823 = arith.subf %max3A_3813, %get3A_3822 : vector<16xf32>
        %swap3A_3824 = arith.index_cast %scan3A_134 : i32 to index
        %swap3A_3825 = arith.constant 672 : index
        %swap3A_3826 = tpu.vector_load %arg8[%swap3A_3824, %swap3A_3825] {strides = array<i32>} : memref<4x768xf32, #tpu.memory_space<vmem>>, vector<1x16xf32>,
        %swap3A_3827 = vector.shape_cast %swap3A_3826 : vector<1x16xf32> to vector<16xf32>
        %swap3A_3828 = vector.shape_cast %sub3A_3823 : vector<16xf32> to vector<1x16xf32>
        tpu.vector_store %arg8[%swap3A_3824, %swap3A_3825], %swap3A_3828 {strides = array<i32>} : memref<4x768xf32, #tpu.memory_space<vmem>>, vector<1x16xf32>,
        %get3A_3829 = arith.constant 5 : i32
        %get3A_3830 = arith.index_cast %rem3A_69 : i32 to index
        %get3A_3831 = arith.index_cast %scan3A_134 : i32 to index
        %get3A_3832 = arith.index_cast %get3A_3829 : i32 to index
        %get3A_3833 = arith.constant 48 : index
        %get3A_3834 = tpu.vector_load %arg7[%get3A_3830, %get3A_3831, %get3A_3832, %get3A_3833] {strides = array<i32>} : memref<2x4x64x128xf32, #tpu.memory_space<vmem>>, vector<1x1x1x16xf32>,
        %get3A_3835 = vector.shape_cast %get3A_3834 : vector<1x1x1x16xf32> to vector<16xf32>
        %get3A_3836 = arith.constant 11 : i32
        %get3A_3837 = arith.index_cast %rem3A_69 : i32 to index
        %get3A_3838 = arith.index_cast %scan3A_134 : i32 to index
        %get3A_3839 = arith.index_cast %get3A_3836 : i32 to index
        %get3A_3840 = arith.constant 48 : index
        %get3A_3841 = tpu.vector_load %arg7[%get3A_3837, %get3A_3838, %get3A_3839, %get3A_3840] {strides = array<i32>} : memref<2x4x64x128xf32, #tpu.memory_space<vmem>>, vector<1x1x1x16xf32>,
        %get3A_3842 = vector.shape_cast %get3A_3841 : vector<1x1x1x16xf32> to vector<16xf32>
        %max3A_3843 = arith.maximumf %get3A_3835, %get3A_3842 : vector<16xf32>
        %get3A_3844 = arith.constant 17 : i32
        %get3A_3845 = arith.index_cast %rem3A_69 : i32 to index
        %get3A_3846 = arith.index_cast %scan3A_134 : i32 to index
        %get3A_3847 = arith.index_cast %get3A_3844 : i32 to index
        %get3A_3848 = arith.constant 48 : index
        %get3A_3849 = tpu.vector_load %arg7[%get3A_3845, %get3A_3846, %get3A_3847, %get3A_3848] {strides = array<i32>} : memref<2x4x64x128xf32, #tpu.memory_space<vmem>>, vector<1x1x1x16xf32>,
        %get3A_3850 = vector.shape_cast %get3A_3849 : vector<1x1x1x16xf32> to vector<16xf32>
        %max3A_3851 = arith.maximumf %max3A_3843, %get3A_3850 : vector<16xf32>
        %get3A_3852 = arith.constant 23 : i32
        %get3A_3853 = arith.index_cast %rem3A_69 : i32 to index
        %get3A_3854 = arith.index_cast %scan3A_134 : i32 to index
        %get3A_3855 = arith.index_cast %get3A_3852 : i32 to index
        %get3A_3856 = arith.constant 48 : index
        %get3A_3857 = tpu.vector_load %arg7[%get3A_3853, %get3A_3854, %get3A_3855, %get3A_3856] {strides = array<i32>} : memref<2x4x64x128xf32, #tpu.memory_space<vmem>>, vector<1x1x1x16xf32>,
        %get3A_3858 = vector.shape_cast %get3A_3857 : vector<1x1x1x16xf32> to vector<16xf32>
        %max3A_3859 = arith.maximumf %max3A_3851, %get3A_3858 : vector<16xf32>
        %get3A_3860 = arith.constant 29 : i32
        %get3A_3861 = arith.index_cast %rem3A_69 : i32 to index
        %get3A_3862 = arith.index_cast %scan3A_134 : i32 to index
        %get3A_3863 = arith.index_cast %get3A_3860 : i32 to index
        %get3A_3864 = arith.constant 48 : index
        %get3A_3865 = tpu.vector_load %arg7[%get3A_3861, %get3A_3862, %get3A_3863, %get3A_3864] {strides = array<i32>} : memref<2x4x64x128xf32, #tpu.memory_space<vmem>>, vector<1x1x1x16xf32>,
        %get3A_3866 = vector.shape_cast %get3A_3865 : vector<1x1x1x16xf32> to vector<16xf32>
        %max3A_3867 = arith.maximumf %max3A_3859, %get3A_3866 : vector<16xf32>
        %get3A_3868 = arith.constant 35 : i32
        %get3A_3869 = arith.index_cast %rem3A_69 : i32 to index
        %get3A_3870 = arith.index_cast %scan3A_134 : i32 to index
        %get3A_3871 = arith.index_cast %get3A_3868 : i32 to index
        %get3A_3872 = arith.constant 48 : index
        %get3A_3873 = tpu.vector_load %arg7[%get3A_3869, %get3A_3870, %get3A_3871, %get3A_3872] {strides = array<i32>} : memref<2x4x64x128xf32, #tpu.memory_space<vmem>>, vector<1x1x1x16xf32>,
        %get3A_3874 = vector.shape_cast %get3A_3873 : vector<1x1x1x16xf32> to vector<16xf32>
        %max3A_3875 = arith.maximumf %max3A_3867, %get3A_3874 : vector<16xf32>
        %get3A_3876 = arith.constant 41 : i32
        %get3A_3877 = arith.index_cast %rem3A_69 : i32 to index
        %get3A_3878 = arith.index_cast %scan3A_134 : i32 to index
        %get3A_3879 = arith.index_cast %get3A_3876 : i32 to index
        %get3A_3880 = arith.constant 48 : index
        %get3A_3881 = tpu.vector_load %arg7[%get3A_3877, %get3A_3878, %get3A_3879, %get3A_3880] {strides = array<i32>} : memref<2x4x64x128xf32, #tpu.memory_space<vmem>>, vector<1x1x1x16xf32>,
        %get3A_3882 = vector.shape_cast %get3A_3881 : vector<1x1x1x16xf32> to vector<16xf32>
        %max3A_3883 = arith.maximumf %max3A_3875, %get3A_3882 : vector<16xf32>
        %get3A_3884 = arith.constant 47 : i32
        %get3A_3885 = arith.index_cast %rem3A_69 : i32 to index
        %get3A_3886 = arith.index_cast %scan3A_134 : i32 to index
        %get3A_3887 = arith.index_cast %get3A_3884 : i32 to index
        %get3A_3888 = arith.constant 48 : index
        %get3A_3889 = tpu.vector_load %arg7[%get3A_3885, %get3A_3886, %get3A_3887, %get3A_3888] {strides = array<i32>} : memref<2x4x64x128xf32, #tpu.memory_space<vmem>>, vector<1x1x1x16xf32>,
        %get3A_3890 = vector.shape_cast %get3A_3889 : vector<1x1x1x16xf32> to vector<16xf32>
        %max3A_3891 = arith.maximumf %max3A_3883, %get3A_3890 : vector<16xf32>
        %get3A_3892 = arith.constant 53 : i32
        %get3A_3893 = arith.index_cast %rem3A_69 : i32 to index
        %get3A_3894 = arith.index_cast %scan3A_134 : i32 to index
        %get3A_3895 = arith.index_cast %get3A_3892 : i32 to index
        %get3A_3896 = arith.constant 48 : index
        %get3A_3897 = tpu.vector_load %arg7[%get3A_3893, %get3A_3894, %get3A_3895, %get3A_3896] {strides = array<i32>} : memref<2x4x64x128xf32, #tpu.memory_space<vmem>>, vector<1x1x1x16xf32>,
        %get3A_3898 = vector.shape_cast %get3A_3897 : vector<1x1x1x16xf32> to vector<16xf32>
        %max3A_3899 = arith.maximumf %max3A_3891, %get3A_3898 : vector<16xf32>
        %mul3A_3900 = arith.constant 6 : i32
        %mul3A_3901 = arith.muli %scan3A_134, %mul3A_3900 : i32
        %add3A_3902 = arith.constant 5 : i32
        %add3A_3903 = arith.addi %mul3A_3901, %add3A_3902 : i32
        %get3A_3904 = arith.index_cast %rem3A_69 : i32 to index
        %get3A_3905 = arith.index_cast %add3A_3903 : i32 to index
        %get3A_3906 = arith.constant 48 : index
        %get3A_3907 = tpu.vector_load %arg6[%get3A_3904, %get3A_3905, %get3A_3906] {strides = array<i32>} : memref<2x24x128xf32, #tpu.memory_space<vmem>>, vector<1x1x16xf32>,
        %get3A_3908 = vector.shape_cast %get3A_3907 : vector<1x1x16xf32> to vector<16xf32>
        %sub3A_3909 = arith.subf %max3A_3899, %get3A_3908 : vector<16xf32>
        %swap3A_3910 = arith.index_cast %scan3A_134 : i32 to index
        %swap3A_3911 = arith.constant 688 : index
        %swap3A_3912 = tpu.vector_load %arg8[%swap3A_3910, %swap3A_3911] {strides = array<i32>} : memref<4x768xf32, #tpu.memory_space<vmem>>, vector<1x16xf32>,
        %swap3A_3913 = vector.shape_cast %swap3A_3912 : vector<1x16xf32> to vector<16xf32>
        %swap3A_3914 = vector.shape_cast %sub3A_3909 : vector<16xf32> to vector<1x16xf32>
        tpu.vector_store %arg8[%swap3A_3910, %swap3A_3911], %swap3A_3914 {strides = array<i32>} : memref<4x768xf32, #tpu.memory_space<vmem>>, vector<1x16xf32>,
        %get3A_3915 = arith.constant 5 : i32
        %get3A_3916 = arith.index_cast %rem3A_69 : i32 to index
        %get3A_3917 = arith.index_cast %scan3A_134 : i32 to index
        %get3A_3918 = arith.index_cast %get3A_3915 : i32 to index
        %get3A_3919 = arith.constant 64 : index
        %get3A_3920 = tpu.vector_load %arg7[%get3A_3916, %get3A_3917, %get3A_3918, %get3A_3919] {strides = array<i32>} : memref<2x4x64x128xf32, #tpu.memory_space<vmem>>, vector<1x1x1x16xf32>,
        %get3A_3921 = vector.shape_cast %get3A_3920 : vector<1x1x1x16xf32> to vector<16xf32>
        %get3A_3922 = arith.constant 11 : i32
        %get3A_3923 = arith.index_cast %rem3A_69 : i32 to index
        %get3A_3924 = arith.index_cast %scan3A_134 : i32 to index
        %get3A_3925 = arith.index_cast %get3A_3922 : i32 to index
        %get3A_3926 = arith.constant 64 : index
        %get3A_3927 = tpu.vector_load %arg7[%get3A_3923, %get3A_3924, %get3A_3925, %get3A_3926] {strides = array<i32>} : memref<2x4x64x128xf32, #tpu.memory_space<vmem>>, vector<1x1x1x16xf32>,
        %get3A_3928 = vector.shape_cast %get3A_3927 : vector<1x1x1x16xf32> to vector<16xf32>
        %max3A_3929 = arith.maximumf %get3A_3921, %get3A_3928 : vector<16xf32>
        %get3A_3930 = arith.constant 17 : i32
        %get3A_3931 = arith.index_cast %rem3A_69 : i32 to index
        %get3A_3932 = arith.index_cast %scan3A_134 : i32 to index
        %get3A_3933 = arith.index_cast %get3A_3930 : i32 to index
        %get3A_3934 = arith.constant 64 : index
        %get3A_3935 = tpu.vector_load %arg7[%get3A_3931, %get3A_3932, %get3A_3933, %get3A_3934] {strides = array<i32>} : memref<2x4x64x128xf32, #tpu.memory_space<vmem>>, vector<1x1x1x16xf32>,
        %get3A_3936 = vector.shape_cast %get3A_3935 : vector<1x1x1x16xf32> to vector<16xf32>
        %max3A_3937 = arith.maximumf %max3A_3929, %get3A_3936 : vector<16xf32>
        %get3A_3938 = arith.constant 23 : i32
        %get3A_3939 = arith.index_cast %rem3A_69 : i32 to index
        %get3A_3940 = arith.index_cast %scan3A_134 : i32 to index
        %get3A_3941 = arith.index_cast %get3A_3938 : i32 to index
        %get3A_3942 = arith.constant 64 : index
        %get3A_3943 = tpu.vector_load %arg7[%get3A_3939, %get3A_3940, %get3A_3941, %get3A_3942] {strides = array<i32>} : memref<2x4x64x128xf32, #tpu.memory_space<vmem>>, vector<1x1x1x16xf32>,
        %get3A_3944 = vector.shape_cast %get3A_3943 : vector<1x1x1x16xf32> to vector<16xf32>
        %max3A_3945 = arith.maximumf %max3A_3937, %get3A_3944 : vector<16xf32>
        %get3A_3946 = arith.constant 29 : i32
        %get3A_3947 = arith.index_cast %rem3A_69 : i32 to index
        %get3A_3948 = arith.index_cast %scan3A_134 : i32 to index
        %get3A_3949 = arith.index_cast %get3A_3946 : i32 to index
        %get3A_3950 = arith.constant 64 : index
        %get3A_3951 = tpu.vector_load %arg7[%get3A_3947, %get3A_3948, %get3A_3949, %get3A_3950] {strides = array<i32>} : memref<2x4x64x128xf32, #tpu.memory_space<vmem>>, vector<1x1x1x16xf32>,
        %get3A_3952 = vector.shape_cast %get3A_3951 : vector<1x1x1x16xf32> to vector<16xf32>
        %max3A_3953 = arith.maximumf %max3A_3945, %get3A_3952 : vector<16xf32>
        %get3A_3954 = arith.constant 35 : i32
        %get3A_3955 = arith.index_cast %rem3A_69 : i32 to index
        %get3A_3956 = arith.index_cast %scan3A_134 : i32 to index
        %get3A_3957 = arith.index_cast %get3A_3954 : i32 to index
        %get3A_3958 = arith.constant 64 : index
        %get3A_3959 = tpu.vector_load %arg7[%get3A_3955, %get3A_3956, %get3A_3957, %get3A_3958] {strides = array<i32>} : memref<2x4x64x128xf32, #tpu.memory_space<vmem>>, vector<1x1x1x16xf32>,
        %get3A_3960 = vector.shape_cast %get3A_3959 : vector<1x1x1x16xf32> to vector<16xf32>
        %max3A_3961 = arith.maximumf %max3A_3953, %get3A_3960 : vector<16xf32>
        %get3A_3962 = arith.constant 41 : i32
        %get3A_3963 = arith.index_cast %rem3A_69 : i32 to index
        %get3A_3964 = arith.index_cast %scan3A_134 : i32 to index
        %get3A_3965 = arith.index_cast %get3A_3962 : i32 to index
        %get3A_3966 = arith.constant 64 : index
        %get3A_3967 = tpu.vector_load %arg7[%get3A_3963, %get3A_3964, %get3A_3965, %get3A_3966] {strides = array<i32>} : memref<2x4x64x128xf32, #tpu.memory_space<vmem>>, vector<1x1x1x16xf32>,
        %get3A_3968 = vector.shape_cast %get3A_3967 : vector<1x1x1x16xf32> to vector<16xf32>
        %max3A_3969 = arith.maximumf %max3A_3961, %get3A_3968 : vector<16xf32>
        %get3A_3970 = arith.constant 47 : i32
        %get3A_3971 = arith.index_cast %rem3A_69 : i32 to index
        %get3A_3972 = arith.index_cast %scan3A_134 : i32 to index
        %get3A_3973 = arith.index_cast %get3A_3970 : i32 to index
        %get3A_3974 = arith.constant 64 : index
        %get3A_3975 = tpu.vector_load %arg7[%get3A_3971, %get3A_3972, %get3A_3973, %get3A_3974] {strides = array<i32>} : memref<2x4x64x128xf32, #tpu.memory_space<vmem>>, vector<1x1x1x16xf32>,
        %get3A_3976 = vector.shape_cast %get3A_3975 : vector<1x1x1x16xf32> to vector<16xf32>
        %max3A_3977 = arith.maximumf %max3A_3969, %get3A_3976 : vector<16xf32>
        %get3A_3978 = arith.constant 53 : i32
        %get3A_3979 = arith.index_cast %rem3A_69 : i32 to index
        %get3A_3980 = arith.index_cast %scan3A_134 : i32 to index
        %get3A_3981 = arith.index_cast %get3A_3978 : i32 to index
        %get3A_3982 = arith.constant 64 : index
        %get3A_3983 = tpu.vector_load %arg7[%get3A_3979, %get3A_3980, %get3A_3981, %get3A_3982] {strides = array<i32>} : memref<2x4x64x128xf32, #tpu.memory_space<vmem>>, vector<1x1x1x16xf32>,
        %get3A_3984 = vector.shape_cast %get3A_3983 : vector<1x1x1x16xf32> to vector<16xf32>
        %max3A_3985 = arith.maximumf %max3A_3977, %get3A_3984 : vector<16xf32>
        %mul3A_3986 = arith.constant 6 : i32
        %mul3A_3987 = arith.muli %scan3A_134, %mul3A_3986 : i32
        %add3A_3988 = arith.constant 5 : i32
        %add3A_3989 = arith.addi %mul3A_3987, %add3A_3988 : i32
        %get3A_3990 = arith.index_cast %rem3A_69 : i32 to index
        %get3A_3991 = arith.index_cast %add3A_3989 : i32 to index
        %get3A_3992 = arith.constant 64 : index
        %get3A_3993 = tpu.vector_load %arg6[%get3A_3990, %get3A_3991, %get3A_3992] {strides = array<i32>} : memref<2x24x128xf32, #tpu.memory_space<vmem>>, vector<1x1x16xf32>,
        %get3A_3994 = vector.shape_cast %get3A_3993 : vector<1x1x16xf32> to vector<16xf32>
        %sub3A_3995 = arith.subf %max3A_3985, %get3A_3994 : vector<16xf32>
        %swap3A_3996 = arith.index_cast %scan3A_134 : i32 to index
        %swap3A_3997 = arith.constant 704 : index
        %swap3A_3998 = tpu.vector_load %arg8[%swap3A_3996, %swap3A_3997] {strides = array<i32>} : memref<4x768xf32, #tpu.memory_space<vmem>>, vector<1x16xf32>,
        %swap3A_3999 = vector.shape_cast %swap3A_3998 : vector<1x16xf32> to vector<16xf32>
        %swap3A_4000 = vector.shape_cast %sub3A_3995 : vector<16xf32> to vector<1x16xf32>
        tpu.vector_store %arg8[%swap3A_3996, %swap3A_3997], %swap3A_4000 {strides = array<i32>} : memref<4x768xf32, #tpu.memory_space<vmem>>, vector<1x16xf32>,
        %get3A_4001 = arith.constant 5 : i32
        %get3A_4002 = arith.index_cast %rem3A_69 : i32 to index
        %get3A_4003 = arith.index_cast %scan3A_134 : i32 to index
        %get3A_4004 = arith.index_cast %get3A_4001 : i32 to index
        %get3A_4005 = arith.constant 80 : index
        %get3A_4006 = tpu.vector_load %arg7[%get3A_4002, %get3A_4003, %get3A_4004, %get3A_4005] {strides = array<i32>} : memref<2x4x64x128xf32, #tpu.memory_space<vmem>>, vector<1x1x1x16xf32>,
        %get3A_4007 = vector.shape_cast %get3A_4006 : vector<1x1x1x16xf32> to vector<16xf32>
        %get3A_4008 = arith.constant 11 : i32
        %get3A_4009 = arith.index_cast %rem3A_69 : i32 to index
        %get3A_4010 = arith.index_cast %scan3A_134 : i32 to index
        %get3A_4011 = arith.index_cast %get3A_4008 : i32 to index
        %get3A_4012 = arith.constant 80 : index
        %get3A_4013 = tpu.vector_load %arg7[%get3A_4009, %get3A_4010, %get3A_4011, %get3A_4012] {strides = array<i32>} : memref<2x4x64x128xf32, #tpu.memory_space<vmem>>, vector<1x1x1x16xf32>,
        %get3A_4014 = vector.shape_cast %get3A_4013 : vector<1x1x1x16xf32> to vector<16xf32>
        %max3A_4015 = arith.maximumf %get3A_4007, %get3A_4014 : vector<16xf32>
        %get3A_4016 = arith.constant 17 : i32
        %get3A_4017 = arith.index_cast %rem3A_69 : i32 to index
        %get3A_4018 = arith.index_cast %scan3A_134 : i32 to index
        %get3A_4019 = arith.index_cast %get3A_4016 : i32 to index
        %get3A_4020 = arith.constant 80 : index
        %get3A_4021 = tpu.vector_load %arg7[%get3A_4017, %get3A_4018, %get3A_4019, %get3A_4020] {strides = array<i32>} : memref<2x4x64x128xf32, #tpu.memory_space<vmem>>, vector<1x1x1x16xf32>,
        %get3A_4022 = vector.shape_cast %get3A_4021 : vector<1x1x1x16xf32> to vector<16xf32>
        %max3A_4023 = arith.maximumf %max3A_4015, %get3A_4022 : vector<16xf32>
        %get3A_4024 = arith.constant 23 : i32
        %get3A_4025 = arith.index_cast %rem3A_69 : i32 to index
        %get3A_4026 = arith.index_cast %scan3A_134 : i32 to index
        %get3A_4027 = arith.index_cast %get3A_4024 : i32 to index
        %get3A_4028 = arith.constant 80 : index
        %get3A_4029 = tpu.vector_load %arg7[%get3A_4025, %get3A_4026, %get3A_4027, %get3A_4028] {strides = array<i32>} : memref<2x4x64x128xf32, #tpu.memory_space<vmem>>, vector<1x1x1x16xf32>,
        %get3A_4030 = vector.shape_cast %get3A_4029 : vector<1x1x1x16xf32> to vector<16xf32>
        %max3A_4031 = arith.maximumf %max3A_4023, %get3A_4030 : vector<16xf32>
        %get3A_4032 = arith.constant 29 : i32
        %get3A_4033 = arith.index_cast %rem3A_69 : i32 to index
        %get3A_4034 = arith.index_cast %scan3A_134 : i32 to index
        %get3A_4035 = arith.index_cast %get3A_4032 : i32 to index
        %get3A_4036 = arith.constant 80 : index
        %get3A_4037 = tpu.vector_load %arg7[%get3A_4033, %get3A_4034, %get3A_4035, %get3A_4036] {strides = array<i32>} : memref<2x4x64x128xf32, #tpu.memory_space<vmem>>, vector<1x1x1x16xf32>,
        %get3A_4038 = vector.shape_cast %get3A_4037 : vector<1x1x1x16xf32> to vector<16xf32>
        %max3A_4039 = arith.maximumf %max3A_4031, %get3A_4038 : vector<16xf32>
        %get3A_4040 = arith.constant 35 : i32
        %get3A_4041 = arith.index_cast %rem3A_69 : i32 to index
        %get3A_4042 = arith.index_cast %scan3A_134 : i32 to index
        %get3A_4043 = arith.index_cast %get3A_4040 : i32 to index
        %get3A_4044 = arith.constant 80 : index
        %get3A_4045 = tpu.vector_load %arg7[%get3A_4041, %get3A_4042, %get3A_4043, %get3A_4044] {strides = array<i32>} : memref<2x4x64x128xf32, #tpu.memory_space<vmem>>, vector<1x1x1x16xf32>,
        %get3A_4046 = vector.shape_cast %get3A_4045 : vector<1x1x1x16xf32> to vector<16xf32>
        %max3A_4047 = arith.maximumf %max3A_4039, %get3A_4046 : vector<16xf32>
        %get3A_4048 = arith.constant 41 : i32
        %get3A_4049 = arith.index_cast %rem3A_69 : i32 to index
        %get3A_4050 = arith.index_cast %scan3A_134 : i32 to index
        %get3A_4051 = arith.index_cast %get3A_4048 : i32 to index
        %get3A_4052 = arith.constant 80 : index
        %get3A_4053 = tpu.vector_load %arg7[%get3A_4049, %get3A_4050, %get3A_4051, %get3A_4052] {strides = array<i32>} : memref<2x4x64x128xf32, #tpu.memory_space<vmem>>, vector<1x1x1x16xf32>,
        %get3A_4054 = vector.shape_cast %get3A_4053 : vector<1x1x1x16xf32> to vector<16xf32>
        %max3A_4055 = arith.maximumf %max3A_4047, %get3A_4054 : vector<16xf32>
        %get3A_4056 = arith.constant 47 : i32
        %get3A_4057 = arith.index_cast %rem3A_69 : i32 to index
        %get3A_4058 = arith.index_cast %scan3A_134 : i32 to index
        %get3A_4059 = arith.index_cast %get3A_4056 : i32 to index
        %get3A_4060 = arith.constant 80 : index
        %get3A_4061 = tpu.vector_load %arg7[%get3A_4057, %get3A_4058, %get3A_4059, %get3A_4060] {strides = array<i32>} : memref<2x4x64x128xf32, #tpu.memory_space<vmem>>, vector<1x1x1x16xf32>,
        %get3A_4062 = vector.shape_cast %get3A_4061 : vector<1x1x1x16xf32> to vector<16xf32>
        %max3A_4063 = arith.maximumf %max3A_4055, %get3A_4062 : vector<16xf32>
        %get3A_4064 = arith.constant 53 : i32
        %get3A_4065 = arith.index_cast %rem3A_69 : i32 to index
        %get3A_4066 = arith.index_cast %scan3A_134 : i32 to index
        %get3A_4067 = arith.index_cast %get3A_4064 : i32 to index
        %get3A_4068 = arith.constant 80 : index
        %get3A_4069 = tpu.vector_load %arg7[%get3A_4065, %get3A_4066, %get3A_4067, %get3A_4068] {strides = array<i32>} : memref<2x4x64x128xf32, #tpu.memory_space<vmem>>, vector<1x1x1x16xf32>,
        %get3A_4070 = vector.shape_cast %get3A_4069 : vector<1x1x1x16xf32> to vector<16xf32>
        %max3A_4071 = arith.maximumf %max3A_4063, %get3A_4070 : vector<16xf32>
        %mul3A_4072 = arith.constant 6 : i32
        %mul3A_4073 = arith.muli %scan3A_134, %mul3A_4072 : i32
        %add3A_4074 = arith.constant 5 : i32
        %add3A_4075 = arith.addi %mul3A_4073, %add3A_4074 : i32
        %get3A_4076 = arith.index_cast %rem3A_69 : i32 to index
        %get3A_4077 = arith.index_cast %add3A_4075 : i32 to index
        %get3A_4078 = arith.constant 80 : index
        %get3A_4079 = tpu.vector_load %arg6[%get3A_4076, %get3A_4077, %get3A_4078] {strides = array<i32>} : memref<2x24x128xf32, #tpu.memory_space<vmem>>, vector<1x1x16xf32>,
        %get3A_4080 = vector.shape_cast %get3A_4079 : vector<1x1x16xf32> to vector<16xf32>
        %sub3A_4081 = arith.subf %max3A_4071, %get3A_4080 : vector<16xf32>
        %swap3A_4082 = arith.index_cast %scan3A_134 : i32 to index
        %swap3A_4083 = arith.constant 720 : index
        %swap3A_4084 = tpu.vector_load %arg8[%swap3A_4082, %swap3A_4083] {strides = array<i32>} : memref<4x768xf32, #tpu.memory_space<vmem>>, vector<1x16xf32>,
        %swap3A_4085 = vector.shape_cast %swap3A_4084 : vector<1x16xf32> to vector<16xf32>
        %swap3A_4086 = vector.shape_cast %sub3A_4081 : vector<16xf32> to vector<1x16xf32>
        tpu.vector_store %arg8[%swap3A_4082, %swap3A_4083], %swap3A_4086 {strides = array<i32>} : memref<4x768xf32, #tpu.memory_space<vmem>>, vector<1x16xf32>,
        %get3A_4087 = arith.constant 5 : i32
        %get3A_4088 = arith.index_cast %rem3A_69 : i32 to index
        %get3A_4089 = arith.index_cast %scan3A_134 : i32 to index
        %get3A_4090 = arith.index_cast %get3A_4087 : i32 to index
        %get3A_4091 = arith.constant 96 : index
        %get3A_4092 = tpu.vector_load %arg7[%get3A_4088, %get3A_4089, %get3A_4090, %get3A_4091] {strides = array<i32>} : memref<2x4x64x128xf32, #tpu.memory_space<vmem>>, vector<1x1x1x16xf32>,
        %get3A_4093 = vector.shape_cast %get3A_4092 : vector<1x1x1x16xf32> to vector<16xf32>
        %get3A_4094 = arith.constant 11 : i32
        %get3A_4095 = arith.index_cast %rem3A_69 : i32 to index
        %get3A_4096 = arith.index_cast %scan3A_134 : i32 to index
        %get3A_4097 = arith.index_cast %get3A_4094 : i32 to index
        %get3A_4098 = arith.constant 96 : index
        %get3A_4099 = tpu.vector_load %arg7[%get3A_4095, %get3A_4096, %get3A_4097, %get3A_4098] {strides = array<i32>} : memref<2x4x64x128xf32, #tpu.memory_space<vmem>>, vector<1x1x1x16xf32>,
        %get3A_4100 = vector.shape_cast %get3A_4099 : vector<1x1x1x16xf32> to vector<16xf32>
        %max3A_4101 = arith.maximumf %get3A_4093, %get3A_4100 : vector<16xf32>
        %get3A_4102 = arith.constant 17 : i32
        %get3A_4103 = arith.index_cast %rem3A_69 : i32 to index
        %get3A_4104 = arith.index_cast %scan3A_134 : i32 to index
        %get3A_4105 = arith.index_cast %get3A_4102 : i32 to index
        %get3A_4106 = arith.constant 96 : index
        %get3A_4107 = tpu.vector_load %arg7[%get3A_4103, %get3A_4104, %get3A_4105, %get3A_4106] {strides = array<i32>} : memref<2x4x64x128xf32, #tpu.memory_space<vmem>>, vector<1x1x1x16xf32>,
        %get3A_4108 = vector.shape_cast %get3A_4107 : vector<1x1x1x16xf32> to vector<16xf32>
        %max3A_4109 = arith.maximumf %max3A_4101, %get3A_4108 : vector<16xf32>
        %get3A_4110 = arith.constant 23 : i32
        %get3A_4111 = arith.index_cast %rem3A_69 : i32 to index
        %get3A_4112 = arith.index_cast %scan3A_134 : i32 to index
        %get3A_4113 = arith.index_cast %get3A_4110 : i32 to index
        %get3A_4114 = arith.constant 96 : index
        %get3A_4115 = tpu.vector_load %arg7[%get3A_4111, %get3A_4112, %get3A_4113, %get3A_4114] {strides = array<i32>} : memref<2x4x64x128xf32, #tpu.memory_space<vmem>>, vector<1x1x1x16xf32>,
        %get3A_4116 = vector.shape_cast %get3A_4115 : vector<1x1x1x16xf32> to vector<16xf32>
        %max3A_4117 = arith.maximumf %max3A_4109, %get3A_4116 : vector<16xf32>
        %get3A_4118 = arith.constant 29 : i32
        %get3A_4119 = arith.index_cast %rem3A_69 : i32 to index
        %get3A_4120 = arith.index_cast %scan3A_134 : i32 to index
        %get3A_4121 = arith.index_cast %get3A_4118 : i32 to index
        %get3A_4122 = arith.constant 96 : index
        %get3A_4123 = tpu.vector_load %arg7[%get3A_4119, %get3A_4120, %get3A_4121, %get3A_4122] {strides = array<i32>} : memref<2x4x64x128xf32, #tpu.memory_space<vmem>>, vector<1x1x1x16xf32>,
        %get3A_4124 = vector.shape_cast %get3A_4123 : vector<1x1x1x16xf32> to vector<16xf32>
        %max3A_4125 = arith.maximumf %max3A_4117, %get3A_4124 : vector<16xf32>
        %get3A_4126 = arith.constant 35 : i32
        %get3A_4127 = arith.index_cast %rem3A_69 : i32 to index
        %get3A_4128 = arith.index_cast %scan3A_134 : i32 to index
        %get3A_4129 = arith.index_cast %get3A_4126 : i32 to index
        %get3A_4130 = arith.constant 96 : index
        %get3A_4131 = tpu.vector_load %arg7[%get3A_4127, %get3A_4128, %get3A_4129, %get3A_4130] {strides = array<i32>} : memref<2x4x64x128xf32, #tpu.memory_space<vmem>>, vector<1x1x1x16xf32>,
        %get3A_4132 = vector.shape_cast %get3A_4131 : vector<1x1x1x16xf32> to vector<16xf32>
        %max3A_4133 = arith.maximumf %max3A_4125, %get3A_4132 : vector<16xf32>
        %get3A_4134 = arith.constant 41 : i32
        %get3A_4135 = arith.index_cast %rem3A_69 : i32 to index
        %get3A_4136 = arith.index_cast %scan3A_134 : i32 to index
        %get3A_4137 = arith.index_cast %get3A_4134 : i32 to index
        %get3A_4138 = arith.constant 96 : index
        %get3A_4139 = tpu.vector_load %arg7[%get3A_4135, %get3A_4136, %get3A_4137, %get3A_4138] {strides = array<i32>} : memref<2x4x64x128xf32, #tpu.memory_space<vmem>>, vector<1x1x1x16xf32>,
        %get3A_4140 = vector.shape_cast %get3A_4139 : vector<1x1x1x16xf32> to vector<16xf32>
        %max3A_4141 = arith.maximumf %max3A_4133, %get3A_4140 : vector<16xf32>
        %get3A_4142 = arith.constant 47 : i32
        %get3A_4143 = arith.index_cast %rem3A_69 : i32 to index
        %get3A_4144 = arith.index_cast %scan3A_134 : i32 to index
        %get3A_4145 = arith.index_cast %get3A_4142 : i32 to index
        %get3A_4146 = arith.constant 96 : index
        %get3A_4147 = tpu.vector_load %arg7[%get3A_4143, %get3A_4144, %get3A_4145, %get3A_4146] {strides = array<i32>} : memref<2x4x64x128xf32, #tpu.memory_space<vmem>>, vector<1x1x1x16xf32>,
        %get3A_4148 = vector.shape_cast %get3A_4147 : vector<1x1x1x16xf32> to vector<16xf32>
        %max3A_4149 = arith.maximumf %max3A_4141, %get3A_4148 : vector<16xf32>
        %get3A_4150 = arith.constant 53 : i32
        %get3A_4151 = arith.index_cast %rem3A_69 : i32 to index
        %get3A_4152 = arith.index_cast %scan3A_134 : i32 to index
        %get3A_4153 = arith.index_cast %get3A_4150 : i32 to index
        %get3A_4154 = arith.constant 96 : index
        %get3A_4155 = tpu.vector_load %arg7[%get3A_4151, %get3A_4152, %get3A_4153, %get3A_4154] {strides = array<i32>} : memref<2x4x64x128xf32, #tpu.memory_space<vmem>>, vector<1x1x1x16xf32>,
        %get3A_4156 = vector.shape_cast %get3A_4155 : vector<1x1x1x16xf32> to vector<16xf32>
        %max3A_4157 = arith.maximumf %max3A_4149, %get3A_4156 : vector<16xf32>
        %mul3A_4158 = arith.constant 6 : i32
        %mul3A_4159 = arith.muli %scan3A_134, %mul3A_4158 : i32
        %add3A_4160 = arith.constant 5 : i32
        %add3A_4161 = arith.addi %mul3A_4159, %add3A_4160 : i32
        %get3A_4162 = arith.index_cast %rem3A_69 : i32 to index
        %get3A_4163 = arith.index_cast %add3A_4161 : i32 to index
        %get3A_4164 = arith.constant 96 : index
        %get3A_4165 = tpu.vector_load %arg6[%get3A_4162, %get3A_4163, %get3A_4164] {strides = array<i32>} : memref<2x24x128xf32, #tpu.memory_space<vmem>>, vector<1x1x16xf32>,
        %get3A_4166 = vector.shape_cast %get3A_4165 : vector<1x1x16xf32> to vector<16xf32>
        %sub3A_4167 = arith.subf %max3A_4157, %get3A_4166 : vector<16xf32>
        %swap3A_4168 = arith.index_cast %scan3A_134 : i32 to index
        %swap3A_4169 = arith.constant 736 : index
        %swap3A_4170 = tpu.vector_load %arg8[%swap3A_4168, %swap3A_4169] {strides = array<i32>} : memref<4x768xf32, #tpu.memory_space<vmem>>, vector<1x16xf32>,
        %swap3A_4171 = vector.shape_cast %swap3A_4170 : vector<1x16xf32> to vector<16xf32>
        %swap3A_4172 = vector.shape_cast %sub3A_4167 : vector<16xf32> to vector<1x16xf32>
        tpu.vector_store %arg8[%swap3A_4168, %swap3A_4169], %swap3A_4172 {strides = array<i32>} : memref<4x768xf32, #tpu.memory_space<vmem>>, vector<1x16xf32>,
        %get3A_4173 = arith.constant 5 : i32
        %get3A_4174 = arith.index_cast %rem3A_69 : i32 to index
        %get3A_4175 = arith.index_cast %scan3A_134 : i32 to index
        %get3A_4176 = arith.index_cast %get3A_4173 : i32 to index
        %get3A_4177 = arith.constant 112 : index
        %get3A_4178 = tpu.vector_load %arg7[%get3A_4174, %get3A_4175, %get3A_4176, %get3A_4177] {strides = array<i32>} : memref<2x4x64x128xf32, #tpu.memory_space<vmem>>, vector<1x1x1x16xf32>,
        %get3A_4179 = vector.shape_cast %get3A_4178 : vector<1x1x1x16xf32> to vector<16xf32>
        %get3A_4180 = arith.constant 11 : i32
        %get3A_4181 = arith.index_cast %rem3A_69 : i32 to index
        %get3A_4182 = arith.index_cast %scan3A_134 : i32 to index
        %get3A_4183 = arith.index_cast %get3A_4180 : i32 to index
        %get3A_4184 = arith.constant 112 : index
        %get3A_4185 = tpu.vector_load %arg7[%get3A_4181, %get3A_4182, %get3A_4183, %get3A_4184] {strides = array<i32>} : memref<2x4x64x128xf32, #tpu.memory_space<vmem>>, vector<1x1x1x16xf32>,
        %get3A_4186 = vector.shape_cast %get3A_4185 : vector<1x1x1x16xf32> to vector<16xf32>
        %max3A_4187 = arith.maximumf %get3A_4179, %get3A_4186 : vector<16xf32>
        %get3A_4188 = arith.constant 17 : i32
        %get3A_4189 = arith.index_cast %rem3A_69 : i32 to index
        %get3A_4190 = arith.index_cast %scan3A_134 : i32 to index
        %get3A_4191 = arith.index_cast %get3A_4188 : i32 to index
        %get3A_4192 = arith.constant 112 : index
        %get3A_4193 = tpu.vector_load %arg7[%get3A_4189, %get3A_4190, %get3A_4191, %get3A_4192] {strides = array<i32>} : memref<2x4x64x128xf32, #tpu.memory_space<vmem>>, vector<1x1x1x16xf32>,
        %get3A_4194 = vector.shape_cast %get3A_4193 : vector<1x1x1x16xf32> to vector<16xf32>
        %max3A_4195 = arith.maximumf %max3A_4187, %get3A_4194 : vector<16xf32>
        %get3A_4196 = arith.constant 23 : i32
        %get3A_4197 = arith.index_cast %rem3A_69 : i32 to index
        %get3A_4198 = arith.index_cast %scan3A_134 : i32 to index
        %get3A_4199 = arith.index_cast %get3A_4196 : i32 to index
        %get3A_4200 = arith.constant 112 : index
        %get3A_4201 = tpu.vector_load %arg7[%get3A_4197, %get3A_4198, %get3A_4199, %get3A_4200] {strides = array<i32>} : memref<2x4x64x128xf32, #tpu.memory_space<vmem>>, vector<1x1x1x16xf32>,
        %get3A_4202 = vector.shape_cast %get3A_4201 : vector<1x1x1x16xf32> to vector<16xf32>
        %max3A_4203 = arith.maximumf %max3A_4195, %get3A_4202 : vector<16xf32>
        %get3A_4204 = arith.constant 29 : i32
        %get3A_4205 = arith.index_cast %rem3A_69 : i32 to index
        %get3A_4206 = arith.index_cast %scan3A_134 : i32 to index
        %get3A_4207 = arith.index_cast %get3A_4204 : i32 to index
        %get3A_4208 = arith.constant 112 : index
        %get3A_4209 = tpu.vector_load %arg7[%get3A_4205, %get3A_4206, %get3A_4207, %get3A_4208] {strides = array<i32>} : memref<2x4x64x128xf32, #tpu.memory_space<vmem>>, vector<1x1x1x16xf32>,
        %get3A_4210 = vector.shape_cast %get3A_4209 : vector<1x1x1x16xf32> to vector<16xf32>
        %max3A_4211 = arith.maximumf %max3A_4203, %get3A_4210 : vector<16xf32>
        %get3A_4212 = arith.constant 35 : i32
        %get3A_4213 = arith.index_cast %rem3A_69 : i32 to index
        %get3A_4214 = arith.index_cast %scan3A_134 : i32 to index
        %get3A_4215 = arith.index_cast %get3A_4212 : i32 to index
        %get3A_4216 = arith.constant 112 : index
        %get3A_4217 = tpu.vector_load %arg7[%get3A_4213, %get3A_4214, %get3A_4215, %get3A_4216] {strides = array<i32>} : memref<2x4x64x128xf32, #tpu.memory_space<vmem>>, vector<1x1x1x16xf32>,
        %get3A_4218 = vector.shape_cast %get3A_4217 : vector<1x1x1x16xf32> to vector<16xf32>
        %max3A_4219 = arith.maximumf %max3A_4211, %get3A_4218 : vector<16xf32>
        %get3A_4220 = arith.constant 41 : i32
        %get3A_4221 = arith.index_cast %rem3A_69 : i32 to index
        %get3A_4222 = arith.index_cast %scan3A_134 : i32 to index
        %get3A_4223 = arith.index_cast %get3A_4220 : i32 to index
        %get3A_4224 = arith.constant 112 : index
        %get3A_4225 = tpu.vector_load %arg7[%get3A_4221, %get3A_4222, %get3A_4223, %get3A_4224] {strides = array<i32>} : memref<2x4x64x128xf32, #tpu.memory_space<vmem>>, vector<1x1x1x16xf32>,
        %get3A_4226 = vector.shape_cast %get3A_4225 : vector<1x1x1x16xf32> to vector<16xf32>
        %max3A_4227 = arith.maximumf %max3A_4219, %get3A_4226 : vector<16xf32>
        %get3A_4228 = arith.constant 47 : i32
        %get3A_4229 = arith.index_cast %rem3A_69 : i32 to index
        %get3A_4230 = arith.index_cast %scan3A_134 : i32 to index
        %get3A_4231 = arith.index_cast %get3A_4228 : i32 to index
        %get3A_4232 = arith.constant 112 : index
        %get3A_4233 = tpu.vector_load %arg7[%get3A_4229, %get3A_4230, %get3A_4231, %get3A_4232] {strides = array<i32>} : memref<2x4x64x128xf32, #tpu.memory_space<vmem>>, vector<1x1x1x16xf32>,
        %get3A_4234 = vector.shape_cast %get3A_4233 : vector<1x1x1x16xf32> to vector<16xf32>
        %max3A_4235 = arith.maximumf %max3A_4227, %get3A_4234 : vector<16xf32>
        %get3A_4236 = arith.constant 53 : i32
        %get3A_4237 = arith.index_cast %rem3A_69 : i32 to index
        %get3A_4238 = arith.index_cast %scan3A_134 : i32 to index
        %get3A_4239 = arith.index_cast %get3A_4236 : i32 to index
        %get3A_4240 = arith.constant 112 : index
        %get3A_4241 = tpu.vector_load %arg7[%get3A_4237, %get3A_4238, %get3A_4239, %get3A_4240] {strides = array<i32>} : memref<2x4x64x128xf32, #tpu.memory_space<vmem>>, vector<1x1x1x16xf32>,
        %get3A_4242 = vector.shape_cast %get3A_4241 : vector<1x1x1x16xf32> to vector<16xf32>
        %max3A_4243 = arith.maximumf %max3A_4235, %get3A_4242 : vector<16xf32>
        %mul3A_4244 = arith.constant 6 : i32
        %mul3A_4245 = arith.muli %scan3A_134, %mul3A_4244 : i32
        %add3A_4246 = arith.constant 5 : i32
        %add3A_4247 = arith.addi %mul3A_4245, %add3A_4246 : i32
        %get3A_4248 = arith.index_cast %rem3A_69 : i32 to index
        %get3A_4249 = arith.index_cast %add3A_4247 : i32 to index
        %get3A_4250 = arith.constant 112 : index
        %get3A_4251 = tpu.vector_load %arg6[%get3A_4248, %get3A_4249, %get3A_4250] {strides = array<i32>} : memref<2x24x128xf32, #tpu.memory_space<vmem>>, vector<1x1x16xf32>,
        %get3A_4252 = vector.shape_cast %get3A_4251 : vector<1x1x16xf32> to vector<16xf32>
        %sub3A_4253 = arith.subf %max3A_4243, %get3A_4252 : vector<16xf32>
        %swap3A_4254 = arith.index_cast %scan3A_134 : i32 to index
        %swap3A_4255 = arith.constant 752 : index
        %swap3A_4256 = tpu.vector_load %arg8[%swap3A_4254, %swap3A_4255] {strides = array<i32>} : memref<4x768xf32, #tpu.memory_space<vmem>>, vector<1x16xf32>,
        %swap3A_4257 = vector.shape_cast %swap3A_4256 : vector<1x16xf32> to vector<16xf32>
        %swap3A_4258 = vector.shape_cast %sub3A_4253 : vector<16xf32> to vector<1x16xf32>
        tpu.vector_store %arg8[%swap3A_4254, %swap3A_4255], %swap3A_4258 {strides = array<i32>} : memref<4x768xf32, #tpu.memory_space<vmem>>, vector<1x16xf32>,
      }
      %scan3A_130 = arith.constant 4 : i32
      %mul3A_131 = arith.constant 4 : i32
      %mul3A_132 = arith.muli %scan3A_68, %mul3A_131 : i32
      %add3A_133 = arith.addi %mul3A_2, %mul3A_132 : i32
      "tpu.region"() ({
        %run_scoped3A_134 = tpu.sem_alloc : memref<!tpu.dma_semaphore, #tpu.memory_space<semaphore_mem>>
        %dma_start3A_135 = arith.constant 0 : i32
        %dma_start3A_136 = tpu.memref_slice %arg4[%add3A_133, %dma_start3A_135] : memref<4096x768xf32, #tpu.memory_space<hbm>> -> memref<4x768xf32, #tpu.memory_space<hbm>>
        %dma_start3A_137 = arith.constant 0 : i32
        %dma_start3A_138 = tpu.memref_slice %arg4[%add3A_133, %dma_start3A_137] : memref<4096x768xf32, #tpu.memory_space<hbm>> -> memref<4x768xf32, #tpu.memory_space<hbm>>
        tpu.enqueue_dma source(%arg8 : memref<4x768xf32, #tpu.memory_space<vmem>>) target(%dma_start3A_138 : memref<4x768xf32, #tpu.memory_space<hbm>>) target_semaphore(%run_scoped3A_134 : memref<!tpu.dma_semaphore, #tpu.memory_space<semaphore_mem>>)
        %dma_wait3A_139 = arith.constant 0 : i32
        %dma_wait3A_140 = tpu.memref_slice %arg4[%add3A_133, %dma_wait3A_139] : memref<4096x768xf32, #tpu.memory_space<hbm>> -> memref<4x768xf32, #tpu.memory_space<hbm>>
        %dma_wait3A_141 = arith.constant 0 : i32
        %dma_wait3A_142 = tpu.memref_slice %arg4[%add3A_133, %dma_wait3A_141] : memref<4096x768xf32, #tpu.memory_space<hbm>> -> memref<4x768xf32, #tpu.memory_space<hbm>>
        tpu.wait_dma2 semaphore(%run_scoped3A_134 : memref<!tpu.dma_semaphore, #tpu.memory_space<semaphore_mem>>) src(%arg8 : memref<4x768xf32, #tpu.memory_space<vmem>>) dst(%dma_wait3A_142 : memref<4x768xf32, #tpu.memory_space<hbm>>)
        tpu.yield
      }) : () -> ()
    }
    %scan3A_67 = arith.constant 32 : i32
    return
  }
}

module attributes {stable_mosaic.version = 14 : i64} {
  func.func @_conv_patch_kernel(%arg0: i32, %arg1: memref<3xf32, #tpu.memory_space<smem>>, %arg2: memref<3xf32, #tpu.memory_space<smem>>, %arg3: memref<9x354x1056xbf16, #tpu.memory_space<vmem>>, %arg4: memref<9x354x1056xbf16, #tpu.memory_space<vmem>>, %arg5: memref<1x3x352x352xf32, #tpu.memory_space<vmem>>, %arg6: memref<1x3x352x352xf32, #tpu.memory_space<vmem>>, %arg7: memref<1x512x768xf32, #tpu.memory_space<vmem>>, %arg8: memref<3x354x354xf32, #tpu.memory_space<vmem>>, %arg9: memref<3x354x354xf32, #tpu.memory_space<vmem>>) attributes {dimension_semantics = [#tpu.dimension_semantics<arbitrary>], iteration_bounds = array<i64: 8>, scalar_prefetch = 0 : i64, scratch_operands = 2 : i64, tpu.core_type = #tpu.core_type<tc>, window_params = [{transform_indices = @transform_0, window_bounds = array<i64: 3>}, {transform_indices = @transform_1, window_bounds = array<i64: 3>}, {pipeline_mode = #tpu.pipeline_mode<synchronous>, transform_indices = @transform_2, window_bounds = array<i64: 9, 354, 1056>}, {pipeline_mode = #tpu.pipeline_mode<synchronous>, transform_indices = @transform_3, window_bounds = array<i64: 9, 354, 1056>}, {transform_indices = @transform_4, window_bounds = array<i64: 1, 3, 352, 352>}, {transform_indices = @transform_5, window_bounds = array<i64: 1, 3, 352, 352>}, {transform_indices = @transform_6, window_bounds = array<i64: 1, 512, 768>}]} {
    %eq3A = arith.constant 0 : i32
    %eq3A_0 = arith.cmpi eq, %arg0, %eq3A : i32
    %convert_element_type3A = arith.extui %eq3A_0 : i1 to i32
    %cond3A = arith.constant 0 : i32
    %cond3A_1 = arith.cmpi ne, %convert_element_type3A, %cond3A : i32
    scf.if %cond3A_1 {
      %broadcast_in_dim3A_296 = arith.constant 0.000000e+00 : f32
      %broadcast_in_dim3A_297 = vector.broadcast %broadcast_in_dim3A_296 : f32 to vector<3x354x354xf32>
      %swap3A_298 = arith.constant 0 : index
      %swap3A_299 = arith.constant 0 : index
      %swap3A_300 = arith.constant 0 : index
      %swap3A_301 = vector.load %arg8[%swap3A_298, %swap3A_299, %swap3A_300] : memref<3x354x354xf32, #tpu.memory_space<vmem>>, vector<3x354x354xf32>
      tpu.vector_store %arg8[%swap3A_298, %swap3A_299, %swap3A_300], %broadcast_in_dim3A_297 {strides = array<i32>} : memref<3x354x354xf32, #tpu.memory_space<vmem>>, vector<3x354x354xf32>,
      %broadcast_in_dim3A_302 = arith.constant 0.000000e+00 : f32
      %broadcast_in_dim3A_303 = vector.broadcast %broadcast_in_dim3A_302 : f32 to vector<3x354x354xf32>
      %swap3A_304 = arith.constant 0 : index
      %swap3A_305 = arith.constant 0 : index
      %swap3A_306 = arith.constant 0 : index
      %swap3A_307 = vector.load %arg9[%swap3A_304, %swap3A_305, %swap3A_306] : memref<3x354x354xf32, #tpu.memory_space<vmem>>, vector<3x354x354xf32>
      tpu.vector_store %arg9[%swap3A_304, %swap3A_305, %swap3A_306], %broadcast_in_dim3A_303 {strides = array<i32>} : memref<3x354x354xf32, #tpu.memory_space<vmem>>, vector<3x354x354xf32>,
    } else {
    }
    %get3A = arith.constant 0 : index
    %get3A_2 = arith.constant 0 : index
    %get3A_3 = arith.constant 0 : index
    %get3A_4 = arith.constant 0 : index
    %get3A_5 = vector.load %arg5[%get3A, %get3A_2, %get3A_3, %get3A_4] : memref<1x3x352x352xf32, #tpu.memory_space<vmem>>, vector<1x3x352x352xf32>
    %get3A_6 = vector.shape_cast %get3A_5 : vector<1x3x352x352xf32> to vector<3x352x352xf32>
    %swap3A = arith.constant 0 : index
    %swap3A_7 = arith.constant 1 : index
    %swap3A_8 = arith.constant 1 : index
    %swap3A_9 = vector.load %arg8[%swap3A, %swap3A_7, %swap3A_8] : memref<3x354x354xf32, #tpu.memory_space<vmem>>, vector<3x352x352xf32>
    tpu.vector_store %arg8[%swap3A, %swap3A_7, %swap3A_8], %get3A_6 {strides = array<i32>} : memref<3x354x354xf32, #tpu.memory_space<vmem>>, vector<3x352x352xf32>,
    %get3A_10 = arith.constant 0 : index
    %get3A_11 = arith.constant 0 : index
    %get3A_12 = arith.constant 0 : index
    %get3A_13 = vector.load %arg8[%get3A_10, %get3A_11, %get3A_12] : memref<3x354x354xf32, #tpu.memory_space<vmem>>, vector<3x354x354xf32>
    %convert_element_type3A_14 = arith.truncf %get3A_13 : vector<3x354x354xf32> to vector<3x354x354xbf16>
    %broadcast_in_dim3A = arith.constant 0.000000e+00 : f32
    %broadcast_in_dim3A_15 = vector.broadcast %broadcast_in_dim3A : f32 to vector<352x1056xf32>
    %slice3A = vector.extract_strided_slice %convert_element_type3A_14 {offsets = [0, 0, 0], sizes = [1, 352, 354], strides = [1, 1, 1]} : vector<3x354x354xbf16> to vector<1x352x354xbf16>
    %squeeze3A = vector.shape_cast %slice3A : vector<1x352x354xbf16> to vector<352x354xbf16>
    %get3A_16 = arith.constant 0 : index
    %get3A_17 = arith.constant 0 : index
    %get3A_18 = arith.constant 0 : index
    %get3A_19 = vector.load %arg3[%get3A_16, %get3A_17, %get3A_18] : memref<9x354x1056xbf16, #tpu.memory_space<vmem>>, vector<1x354x1056xbf16>
    %get3A_20 = vector.shape_cast %get3A_19 : vector<1x354x1056xbf16> to vector<354x1056xbf16>
    %dot_general3A = arith.constant dense<0.000000e+00> : vector<352x1056xf32>
    %dot_general3A_21 = tpu.matmul %squeeze3A, %get3A_20, %dot_general3A {dimension_numbers = #tpu.dot_dimension_numbers<[1], [0], [0], [1], [0, 0, 1, 1], [], []>, transpose_lhs_hint = false} : vector<352x354xbf16>, vector<354x1056xbf16>, vector<352x1056xf32> -> vector<352x1056xf32>
    %add3A = arith.addf %broadcast_in_dim3A_15, %dot_general3A_21 : vector<352x1056xf32>
    %slice3A_22 = vector.extract_strided_slice %convert_element_type3A_14 {offsets = [0, 1, 0], sizes = [1, 352, 354], strides = [1, 1, 1]} : vector<3x354x354xbf16> to vector<1x352x354xbf16>
    %squeeze3A_23 = vector.shape_cast %slice3A_22 : vector<1x352x354xbf16> to vector<352x354xbf16>
    %get3A_24 = arith.constant 1 : index
    %get3A_25 = arith.constant 0 : index
    %get3A_26 = arith.constant 0 : index
    %get3A_27 = vector.load %arg3[%get3A_24, %get3A_25, %get3A_26] : memref<9x354x1056xbf16, #tpu.memory_space<vmem>>, vector<1x354x1056xbf16>
    %get3A_28 = vector.shape_cast %get3A_27 : vector<1x354x1056xbf16> to vector<354x1056xbf16>
    %dot_general3A_29 = arith.constant dense<0.000000e+00> : vector<352x1056xf32>
    %dot_general3A_30 = tpu.matmul %squeeze3A_23, %get3A_28, %dot_general3A_29 {dimension_numbers = #tpu.dot_dimension_numbers<[1], [0], [0], [1], [0, 0, 1, 1], [], []>, transpose_lhs_hint = false} : vector<352x354xbf16>, vector<354x1056xbf16>, vector<352x1056xf32> -> vector<352x1056xf32>
    %add3A_31 = arith.addf %add3A, %dot_general3A_30 : vector<352x1056xf32>
    %slice3A_32 = vector.extract_strided_slice %convert_element_type3A_14 {offsets = [0, 2, 0], sizes = [1, 352, 354], strides = [1, 1, 1]} : vector<3x354x354xbf16> to vector<1x352x354xbf16>
    %squeeze3A_33 = vector.shape_cast %slice3A_32 : vector<1x352x354xbf16> to vector<352x354xbf16>
    %get3A_34 = arith.constant 2 : index
    %get3A_35 = arith.constant 0 : index
    %get3A_36 = arith.constant 0 : index
    %get3A_37 = vector.load %arg3[%get3A_34, %get3A_35, %get3A_36] : memref<9x354x1056xbf16, #tpu.memory_space<vmem>>, vector<1x354x1056xbf16>
    %get3A_38 = vector.shape_cast %get3A_37 : vector<1x354x1056xbf16> to vector<354x1056xbf16>
    %dot_general3A_39 = arith.constant dense<0.000000e+00> : vector<352x1056xf32>
    %dot_general3A_40 = tpu.matmul %squeeze3A_33, %get3A_38, %dot_general3A_39 {dimension_numbers = #tpu.dot_dimension_numbers<[1], [0], [0], [1], [0, 0, 1, 1], [], []>, transpose_lhs_hint = false} : vector<352x354xbf16>, vector<354x1056xbf16>, vector<352x1056xf32> -> vector<352x1056xf32>
    %add3A_41 = arith.addf %add3A_31, %dot_general3A_40 : vector<352x1056xf32>
    %slice3A_42 = vector.extract_strided_slice %convert_element_type3A_14 {offsets = [1, 0, 0], sizes = [1, 352, 354], strides = [1, 1, 1]} : vector<3x354x354xbf16> to vector<1x352x354xbf16>
    %squeeze3A_43 = vector.shape_cast %slice3A_42 : vector<1x352x354xbf16> to vector<352x354xbf16>
    %get3A_44 = arith.constant 3 : index
    %get3A_45 = arith.constant 0 : index
    %get3A_46 = arith.constant 0 : index
    %get3A_47 = vector.load %arg3[%get3A_44, %get3A_45, %get3A_46] : memref<9x354x1056xbf16, #tpu.memory_space<vmem>>, vector<1x354x1056xbf16>
    %get3A_48 = vector.shape_cast %get3A_47 : vector<1x354x1056xbf16> to vector<354x1056xbf16>
    %dot_general3A_49 = arith.constant dense<0.000000e+00> : vector<352x1056xf32>
    %dot_general3A_50 = tpu.matmul %squeeze3A_43, %get3A_48, %dot_general3A_49 {dimension_numbers = #tpu.dot_dimension_numbers<[1], [0], [0], [1], [0, 0, 1, 1], [], []>, transpose_lhs_hint = false} : vector<352x354xbf16>, vector<354x1056xbf16>, vector<352x1056xf32> -> vector<352x1056xf32>
    %add3A_51 = arith.addf %add3A_41, %dot_general3A_50 : vector<352x1056xf32>
    %slice3A_52 = vector.extract_strided_slice %convert_element_type3A_14 {offsets = [1, 1, 0], sizes = [1, 352, 354], strides = [1, 1, 1]} : vector<3x354x354xbf16> to vector<1x352x354xbf16>
    %squeeze3A_53 = vector.shape_cast %slice3A_52 : vector<1x352x354xbf16> to vector<352x354xbf16>
    %get3A_54 = arith.constant 4 : index
    %get3A_55 = arith.constant 0 : index
    %get3A_56 = arith.constant 0 : index
    %get3A_57 = vector.load %arg3[%get3A_54, %get3A_55, %get3A_56] : memref<9x354x1056xbf16, #tpu.memory_space<vmem>>, vector<1x354x1056xbf16>
    %get3A_58 = vector.shape_cast %get3A_57 : vector<1x354x1056xbf16> to vector<354x1056xbf16>
    %dot_general3A_59 = arith.constant dense<0.000000e+00> : vector<352x1056xf32>
    %dot_general3A_60 = tpu.matmul %squeeze3A_53, %get3A_58, %dot_general3A_59 {dimension_numbers = #tpu.dot_dimension_numbers<[1], [0], [0], [1], [0, 0, 1, 1], [], []>, transpose_lhs_hint = false} : vector<352x354xbf16>, vector<354x1056xbf16>, vector<352x1056xf32> -> vector<352x1056xf32>
    %add3A_61 = arith.addf %add3A_51, %dot_general3A_60 : vector<352x1056xf32>
    %slice3A_62 = vector.extract_strided_slice %convert_element_type3A_14 {offsets = [1, 2, 0], sizes = [1, 352, 354], strides = [1, 1, 1]} : vector<3x354x354xbf16> to vector<1x352x354xbf16>
    %squeeze3A_63 = vector.shape_cast %slice3A_62 : vector<1x352x354xbf16> to vector<352x354xbf16>
    %get3A_64 = arith.constant 5 : index
    %get3A_65 = arith.constant 0 : index
    %get3A_66 = arith.constant 0 : index
    %get3A_67 = vector.load %arg3[%get3A_64, %get3A_65, %get3A_66] : memref<9x354x1056xbf16, #tpu.memory_space<vmem>>, vector<1x354x1056xbf16>
    %get3A_68 = vector.shape_cast %get3A_67 : vector<1x354x1056xbf16> to vector<354x1056xbf16>
    %dot_general3A_69 = arith.constant dense<0.000000e+00> : vector<352x1056xf32>
    %dot_general3A_70 = tpu.matmul %squeeze3A_63, %get3A_68, %dot_general3A_69 {dimension_numbers = #tpu.dot_dimension_numbers<[1], [0], [0], [1], [0, 0, 1, 1], [], []>, transpose_lhs_hint = false} : vector<352x354xbf16>, vector<354x1056xbf16>, vector<352x1056xf32> -> vector<352x1056xf32>
    %add3A_71 = arith.addf %add3A_61, %dot_general3A_70 : vector<352x1056xf32>
    %slice3A_72 = vector.extract_strided_slice %convert_element_type3A_14 {offsets = [2, 0, 0], sizes = [1, 352, 354], strides = [1, 1, 1]} : vector<3x354x354xbf16> to vector<1x352x354xbf16>
    %squeeze3A_73 = vector.shape_cast %slice3A_72 : vector<1x352x354xbf16> to vector<352x354xbf16>
    %get3A_74 = arith.constant 6 : index
    %get3A_75 = arith.constant 0 : index
    %get3A_76 = arith.constant 0 : index
    %get3A_77 = vector.load %arg3[%get3A_74, %get3A_75, %get3A_76] : memref<9x354x1056xbf16, #tpu.memory_space<vmem>>, vector<1x354x1056xbf16>
    %get3A_78 = vector.shape_cast %get3A_77 : vector<1x354x1056xbf16> to vector<354x1056xbf16>
    %dot_general3A_79 = arith.constant dense<0.000000e+00> : vector<352x1056xf32>
    %dot_general3A_80 = tpu.matmul %squeeze3A_73, %get3A_78, %dot_general3A_79 {dimension_numbers = #tpu.dot_dimension_numbers<[1], [0], [0], [1], [0, 0, 1, 1], [], []>, transpose_lhs_hint = false} : vector<352x354xbf16>, vector<354x1056xbf16>, vector<352x1056xf32> -> vector<352x1056xf32>
    %add3A_81 = arith.addf %add3A_71, %dot_general3A_80 : vector<352x1056xf32>
    %slice3A_82 = vector.extract_strided_slice %convert_element_type3A_14 {offsets = [2, 1, 0], sizes = [1, 352, 354], strides = [1, 1, 1]} : vector<3x354x354xbf16> to vector<1x352x354xbf16>
    %squeeze3A_83 = vector.shape_cast %slice3A_82 : vector<1x352x354xbf16> to vector<352x354xbf16>
    %get3A_84 = arith.constant 7 : index
    %get3A_85 = arith.constant 0 : index
    %get3A_86 = arith.constant 0 : index
    %get3A_87 = vector.load %arg3[%get3A_84, %get3A_85, %get3A_86] : memref<9x354x1056xbf16, #tpu.memory_space<vmem>>, vector<1x354x1056xbf16>
    %get3A_88 = vector.shape_cast %get3A_87 : vector<1x354x1056xbf16> to vector<354x1056xbf16>
    %dot_general3A_89 = arith.constant dense<0.000000e+00> : vector<352x1056xf32>
    %dot_general3A_90 = tpu.matmul %squeeze3A_83, %get3A_88, %dot_general3A_89 {dimension_numbers = #tpu.dot_dimension_numbers<[1], [0], [0], [1], [0, 0, 1, 1], [], []>, transpose_lhs_hint = false} : vector<352x354xbf16>, vector<354x1056xbf16>, vector<352x1056xf32> -> vector<352x1056xf32>
    %add3A_91 = arith.addf %add3A_81, %dot_general3A_90 : vector<352x1056xf32>
    %slice3A_92 = vector.extract_strided_slice %convert_element_type3A_14 {offsets = [2, 2, 0], sizes = [1, 352, 354], strides = [1, 1, 1]} : vector<3x354x354xbf16> to vector<1x352x354xbf16>
    %squeeze3A_93 = vector.shape_cast %slice3A_92 : vector<1x352x354xbf16> to vector<352x354xbf16>
    %get3A_94 = arith.constant 8 : index
    %get3A_95 = arith.constant 0 : index
    %get3A_96 = arith.constant 0 : index
    %get3A_97 = vector.load %arg3[%get3A_94, %get3A_95, %get3A_96] : memref<9x354x1056xbf16, #tpu.memory_space<vmem>>, vector<1x354x1056xbf16>
    %get3A_98 = vector.shape_cast %get3A_97 : vector<1x354x1056xbf16> to vector<354x1056xbf16>
    %dot_general3A_99 = arith.constant dense<0.000000e+00> : vector<352x1056xf32>
    %dot_general3A_100 = tpu.matmul %squeeze3A_93, %get3A_98, %dot_general3A_99 {dimension_numbers = #tpu.dot_dimension_numbers<[1], [0], [0], [1], [0, 0, 1, 1], [], []>, transpose_lhs_hint = false} : vector<352x354xbf16>, vector<354x1056xbf16>, vector<352x1056xf32> -> vector<352x1056xf32>
    %add3A_101 = arith.addf %add3A_91, %dot_general3A_100 : vector<352x1056xf32>
    %slice3A_102 = vector.extract_strided_slice %add3A_101 {offsets = [0, 0], sizes = [352, 352], strides = [1, 1]} : vector<352x1056xf32> to vector<352x352xf32>
    %get3A_103 = arith.constant 0 : index
    %get3A_104 = memref.load %arg1[%get3A_103] : memref<3xf32, #tpu.memory_space<smem>>
    %add3A_105 = vector.broadcast %get3A_104 : f32 to vector<352x352xf32>
    %add3A_106 = arith.addf %slice3A_102, %add3A_105 : vector<352x352xf32>
    %max3A = arith.constant 0.000000e+00 : f32
    %max3A_107 = vector.broadcast %max3A : f32 to vector<352x352xf32>
    %max3A_108 = arith.maximumf %add3A_106, %max3A_107 : vector<352x352xf32>
    %swap3A_109 = arith.constant 0 : index
    %swap3A_110 = arith.constant 1 : index
    %swap3A_111 = arith.constant 1 : index
    %swap3A_112 = vector.load %arg9[%swap3A_109, %swap3A_110, %swap3A_111] : memref<3x354x354xf32, #tpu.memory_space<vmem>>, vector<1x352x352xf32>
    %swap3A_113 = vector.shape_cast %swap3A_112 : vector<1x352x352xf32> to vector<352x352xf32>
    %swap3A_114 = vector.shape_cast %max3A_108 : vector<352x352xf32> to vector<1x352x352xf32>
    tpu.vector_store %arg9[%swap3A_109, %swap3A_110, %swap3A_111], %swap3A_114 {strides = array<i32>} : memref<3x354x354xf32, #tpu.memory_space<vmem>>, vector<1x352x352xf32>,
    %slice3A_115 = vector.extract_strided_slice %add3A_101 {offsets = [0, 352], sizes = [352, 352], strides = [1, 1]} : vector<352x1056xf32> to vector<352x352xf32>
    %get3A_116 = arith.constant 1 : index
    %get3A_117 = memref.load %arg1[%get3A_116] : memref<3xf32, #tpu.memory_space<smem>>
    %add3A_118 = vector.broadcast %get3A_117 : f32 to vector<352x352xf32>
    %add3A_119 = arith.addf %slice3A_115, %add3A_118 : vector<352x352xf32>
    %max3A_120 = arith.constant 0.000000e+00 : f32
    %max3A_121 = vector.broadcast %max3A_120 : f32 to vector<352x352xf32>
    %max3A_122 = arith.maximumf %add3A_119, %max3A_121 : vector<352x352xf32>
    %swap3A_123 = arith.constant 1 : index
    %swap3A_124 = arith.constant 1 : index
    %swap3A_125 = arith.constant 1 : index
    %swap3A_126 = vector.load %arg9[%swap3A_123, %swap3A_124, %swap3A_125] : memref<3x354x354xf32, #tpu.memory_space<vmem>>, vector<1x352x352xf32>
    %swap3A_127 = vector.shape_cast %swap3A_126 : vector<1x352x352xf32> to vector<352x352xf32>
    %swap3A_128 = vector.shape_cast %max3A_122 : vector<352x352xf32> to vector<1x352x352xf32>
    tpu.vector_store %arg9[%swap3A_123, %swap3A_124, %swap3A_125], %swap3A_128 {strides = array<i32>} : memref<3x354x354xf32, #tpu.memory_space<vmem>>, vector<1x352x352xf32>,
    %slice3A_129 = vector.extract_strided_slice %add3A_101 {offsets = [0, 704], sizes = [352, 352], strides = [1, 1]} : vector<352x1056xf32> to vector<352x352xf32>
    %get3A_130 = arith.constant 2 : index
    %get3A_131 = memref.load %arg1[%get3A_130] : memref<3xf32, #tpu.memory_space<smem>>
    %add3A_132 = vector.broadcast %get3A_131 : f32 to vector<352x352xf32>
    %add3A_133 = arith.addf %slice3A_129, %add3A_132 : vector<352x352xf32>
    %max3A_134 = arith.constant 0.000000e+00 : f32
    %max3A_135 = vector.broadcast %max3A_134 : f32 to vector<352x352xf32>
    %max3A_136 = arith.maximumf %add3A_133, %max3A_135 : vector<352x352xf32>
    %swap3A_137 = arith.constant 2 : index
    %swap3A_138 = arith.constant 1 : index
    %swap3A_139 = arith.constant 1 : index
    %swap3A_140 = vector.load %arg9[%swap3A_137, %swap3A_138, %swap3A_139] : memref<3x354x354xf32, #tpu.memory_space<vmem>>, vector<1x352x352xf32>
    %swap3A_141 = vector.shape_cast %swap3A_140 : vector<1x352x352xf32> to vector<352x352xf32>
    %swap3A_142 = vector.shape_cast %max3A_136 : vector<352x352xf32> to vector<1x352x352xf32>
    tpu.vector_store %arg9[%swap3A_137, %swap3A_138, %swap3A_139], %swap3A_142 {strides = array<i32>} : memref<3x354x354xf32, #tpu.memory_space<vmem>>, vector<1x352x352xf32>,
    %get3A_143 = arith.constant 0 : index
    %get3A_144 = arith.constant 0 : index
    %get3A_145 = arith.constant 0 : index
    %get3A_146 = vector.load %arg9[%get3A_143, %get3A_144, %get3A_145] : memref<3x354x354xf32, #tpu.memory_space<vmem>>, vector<3x354x354xf32>
    %convert_element_type3A_147 = arith.truncf %get3A_146 : vector<3x354x354xf32> to vector<3x354x354xbf16>
    %broadcast_in_dim3A_148 = arith.constant 0.000000e+00 : f32
    %broadcast_in_dim3A_149 = vector.broadcast %broadcast_in_dim3A_148 : f32 to vector<352x1056xf32>
    %slice3A_150 = vector.extract_strided_slice %convert_element_type3A_147 {offsets = [0, 0, 0], sizes = [1, 352, 354], strides = [1, 1, 1]} : vector<3x354x354xbf16> to vector<1x352x354xbf16>
    %squeeze3A_151 = vector.shape_cast %slice3A_150 : vector<1x352x354xbf16> to vector<352x354xbf16>
    %get3A_152 = arith.constant 0 : index
    %get3A_153 = arith.constant 0 : index
    %get3A_154 = arith.constant 0 : index
    %get3A_155 = vector.load %arg4[%get3A_152, %get3A_153, %get3A_154] : memref<9x354x1056xbf16, #tpu.memory_space<vmem>>, vector<1x354x1056xbf16>
    %get3A_156 = vector.shape_cast %get3A_155 : vector<1x354x1056xbf16> to vector<354x1056xbf16>
    %dot_general3A_157 = arith.constant dense<0.000000e+00> : vector<352x1056xf32>
    %dot_general3A_158 = tpu.matmul %squeeze3A_151, %get3A_156, %dot_general3A_157 {dimension_numbers = #tpu.dot_dimension_numbers<[1], [0], [0], [1], [0, 0, 1, 1], [], []>, transpose_lhs_hint = false} : vector<352x354xbf16>, vector<354x1056xbf16>, vector<352x1056xf32> -> vector<352x1056xf32>
    %add3A_159 = arith.addf %broadcast_in_dim3A_149, %dot_general3A_158 : vector<352x1056xf32>
    %slice3A_160 = vector.extract_strided_slice %convert_element_type3A_147 {offsets = [0, 1, 0], sizes = [1, 352, 354], strides = [1, 1, 1]} : vector<3x354x354xbf16> to vector<1x352x354xbf16>
    %squeeze3A_161 = vector.shape_cast %slice3A_160 : vector<1x352x354xbf16> to vector<352x354xbf16>
    %get3A_162 = arith.constant 1 : index
    %get3A_163 = arith.constant 0 : index
    %get3A_164 = arith.constant 0 : index
    %get3A_165 = vector.load %arg4[%get3A_162, %get3A_163, %get3A_164] : memref<9x354x1056xbf16, #tpu.memory_space<vmem>>, vector<1x354x1056xbf16>
    %get3A_166 = vector.shape_cast %get3A_165 : vector<1x354x1056xbf16> to vector<354x1056xbf16>
    %dot_general3A_167 = arith.constant dense<0.000000e+00> : vector<352x1056xf32>
    %dot_general3A_168 = tpu.matmul %squeeze3A_161, %get3A_166, %dot_general3A_167 {dimension_numbers = #tpu.dot_dimension_numbers<[1], [0], [0], [1], [0, 0, 1, 1], [], []>, transpose_lhs_hint = false} : vector<352x354xbf16>, vector<354x1056xbf16>, vector<352x1056xf32> -> vector<352x1056xf32>
    %add3A_169 = arith.addf %add3A_159, %dot_general3A_168 : vector<352x1056xf32>
    %slice3A_170 = vector.extract_strided_slice %convert_element_type3A_147 {offsets = [0, 2, 0], sizes = [1, 352, 354], strides = [1, 1, 1]} : vector<3x354x354xbf16> to vector<1x352x354xbf16>
    %squeeze3A_171 = vector.shape_cast %slice3A_170 : vector<1x352x354xbf16> to vector<352x354xbf16>
    %get3A_172 = arith.constant 2 : index
    %get3A_173 = arith.constant 0 : index
    %get3A_174 = arith.constant 0 : index
    %get3A_175 = vector.load %arg4[%get3A_172, %get3A_173, %get3A_174] : memref<9x354x1056xbf16, #tpu.memory_space<vmem>>, vector<1x354x1056xbf16>
    %get3A_176 = vector.shape_cast %get3A_175 : vector<1x354x1056xbf16> to vector<354x1056xbf16>
    %dot_general3A_177 = arith.constant dense<0.000000e+00> : vector<352x1056xf32>
    %dot_general3A_178 = tpu.matmul %squeeze3A_171, %get3A_176, %dot_general3A_177 {dimension_numbers = #tpu.dot_dimension_numbers<[1], [0], [0], [1], [0, 0, 1, 1], [], []>, transpose_lhs_hint = false} : vector<352x354xbf16>, vector<354x1056xbf16>, vector<352x1056xf32> -> vector<352x1056xf32>
    %add3A_179 = arith.addf %add3A_169, %dot_general3A_178 : vector<352x1056xf32>
    %slice3A_180 = vector.extract_strided_slice %convert_element_type3A_147 {offsets = [1, 0, 0], sizes = [1, 352, 354], strides = [1, 1, 1]} : vector<3x354x354xbf16> to vector<1x352x354xbf16>
    %squeeze3A_181 = vector.shape_cast %slice3A_180 : vector<1x352x354xbf16> to vector<352x354xbf16>
    %get3A_182 = arith.constant 3 : index
    %get3A_183 = arith.constant 0 : index
    %get3A_184 = arith.constant 0 : index
    %get3A_185 = vector.load %arg4[%get3A_182, %get3A_183, %get3A_184] : memref<9x354x1056xbf16, #tpu.memory_space<vmem>>, vector<1x354x1056xbf16>
    %get3A_186 = vector.shape_cast %get3A_185 : vector<1x354x1056xbf16> to vector<354x1056xbf16>
    %dot_general3A_187 = arith.constant dense<0.000000e+00> : vector<352x1056xf32>
    %dot_general3A_188 = tpu.matmul %squeeze3A_181, %get3A_186, %dot_general3A_187 {dimension_numbers = #tpu.dot_dimension_numbers<[1], [0], [0], [1], [0, 0, 1, 1], [], []>, transpose_lhs_hint = false} : vector<352x354xbf16>, vector<354x1056xbf16>, vector<352x1056xf32> -> vector<352x1056xf32>
    %add3A_189 = arith.addf %add3A_179, %dot_general3A_188 : vector<352x1056xf32>
    %slice3A_190 = vector.extract_strided_slice %convert_element_type3A_147 {offsets = [1, 1, 0], sizes = [1, 352, 354], strides = [1, 1, 1]} : vector<3x354x354xbf16> to vector<1x352x354xbf16>
    %squeeze3A_191 = vector.shape_cast %slice3A_190 : vector<1x352x354xbf16> to vector<352x354xbf16>
    %get3A_192 = arith.constant 4 : index
    %get3A_193 = arith.constant 0 : index
    %get3A_194 = arith.constant 0 : index
    %get3A_195 = vector.load %arg4[%get3A_192, %get3A_193, %get3A_194] : memref<9x354x1056xbf16, #tpu.memory_space<vmem>>, vector<1x354x1056xbf16>
    %get3A_196 = vector.shape_cast %get3A_195 : vector<1x354x1056xbf16> to vector<354x1056xbf16>
    %dot_general3A_197 = arith.constant dense<0.000000e+00> : vector<352x1056xf32>
    %dot_general3A_198 = tpu.matmul %squeeze3A_191, %get3A_196, %dot_general3A_197 {dimension_numbers = #tpu.dot_dimension_numbers<[1], [0], [0], [1], [0, 0, 1, 1], [], []>, transpose_lhs_hint = false} : vector<352x354xbf16>, vector<354x1056xbf16>, vector<352x1056xf32> -> vector<352x1056xf32>
    %add3A_199 = arith.addf %add3A_189, %dot_general3A_198 : vector<352x1056xf32>
    %slice3A_200 = vector.extract_strided_slice %convert_element_type3A_147 {offsets = [1, 2, 0], sizes = [1, 352, 354], strides = [1, 1, 1]} : vector<3x354x354xbf16> to vector<1x352x354xbf16>
    %squeeze3A_201 = vector.shape_cast %slice3A_200 : vector<1x352x354xbf16> to vector<352x354xbf16>
    %get3A_202 = arith.constant 5 : index
    %get3A_203 = arith.constant 0 : index
    %get3A_204 = arith.constant 0 : index
    %get3A_205 = vector.load %arg4[%get3A_202, %get3A_203, %get3A_204] : memref<9x354x1056xbf16, #tpu.memory_space<vmem>>, vector<1x354x1056xbf16>
    %get3A_206 = vector.shape_cast %get3A_205 : vector<1x354x1056xbf16> to vector<354x1056xbf16>
    %dot_general3A_207 = arith.constant dense<0.000000e+00> : vector<352x1056xf32>
    %dot_general3A_208 = tpu.matmul %squeeze3A_201, %get3A_206, %dot_general3A_207 {dimension_numbers = #tpu.dot_dimension_numbers<[1], [0], [0], [1], [0, 0, 1, 1], [], []>, transpose_lhs_hint = false} : vector<352x354xbf16>, vector<354x1056xbf16>, vector<352x1056xf32> -> vector<352x1056xf32>
    %add3A_209 = arith.addf %add3A_199, %dot_general3A_208 : vector<352x1056xf32>
    %slice3A_210 = vector.extract_strided_slice %convert_element_type3A_147 {offsets = [2, 0, 0], sizes = [1, 352, 354], strides = [1, 1, 1]} : vector<3x354x354xbf16> to vector<1x352x354xbf16>
    %squeeze3A_211 = vector.shape_cast %slice3A_210 : vector<1x352x354xbf16> to vector<352x354xbf16>
    %get3A_212 = arith.constant 6 : index
    %get3A_213 = arith.constant 0 : index
    %get3A_214 = arith.constant 0 : index
    %get3A_215 = vector.load %arg4[%get3A_212, %get3A_213, %get3A_214] : memref<9x354x1056xbf16, #tpu.memory_space<vmem>>, vector<1x354x1056xbf16>
    %get3A_216 = vector.shape_cast %get3A_215 : vector<1x354x1056xbf16> to vector<354x1056xbf16>
    %dot_general3A_217 = arith.constant dense<0.000000e+00> : vector<352x1056xf32>
    %dot_general3A_218 = tpu.matmul %squeeze3A_211, %get3A_216, %dot_general3A_217 {dimension_numbers = #tpu.dot_dimension_numbers<[1], [0], [0], [1], [0, 0, 1, 1], [], []>, transpose_lhs_hint = false} : vector<352x354xbf16>, vector<354x1056xbf16>, vector<352x1056xf32> -> vector<352x1056xf32>
    %add3A_219 = arith.addf %add3A_209, %dot_general3A_218 : vector<352x1056xf32>
    %slice3A_220 = vector.extract_strided_slice %convert_element_type3A_147 {offsets = [2, 1, 0], sizes = [1, 352, 354], strides = [1, 1, 1]} : vector<3x354x354xbf16> to vector<1x352x354xbf16>
    %squeeze3A_221 = vector.shape_cast %slice3A_220 : vector<1x352x354xbf16> to vector<352x354xbf16>
    %get3A_222 = arith.constant 7 : index
    %get3A_223 = arith.constant 0 : index
    %get3A_224 = arith.constant 0 : index
    %get3A_225 = vector.load %arg4[%get3A_222, %get3A_223, %get3A_224] : memref<9x354x1056xbf16, #tpu.memory_space<vmem>>, vector<1x354x1056xbf16>
    %get3A_226 = vector.shape_cast %get3A_225 : vector<1x354x1056xbf16> to vector<354x1056xbf16>
    %dot_general3A_227 = arith.constant dense<0.000000e+00> : vector<352x1056xf32>
    %dot_general3A_228 = tpu.matmul %squeeze3A_221, %get3A_226, %dot_general3A_227 {dimension_numbers = #tpu.dot_dimension_numbers<[1], [0], [0], [1], [0, 0, 1, 1], [], []>, transpose_lhs_hint = false} : vector<352x354xbf16>, vector<354x1056xbf16>, vector<352x1056xf32> -> vector<352x1056xf32>
    %add3A_229 = arith.addf %add3A_219, %dot_general3A_228 : vector<352x1056xf32>
    %slice3A_230 = vector.extract_strided_slice %convert_element_type3A_147 {offsets = [2, 2, 0], sizes = [1, 352, 354], strides = [1, 1, 1]} : vector<3x354x354xbf16> to vector<1x352x354xbf16>
    %squeeze3A_231 = vector.shape_cast %slice3A_230 : vector<1x352x354xbf16> to vector<352x354xbf16>
    %get3A_232 = arith.constant 8 : index
    %get3A_233 = arith.constant 0 : index
    %get3A_234 = arith.constant 0 : index
    %get3A_235 = vector.load %arg4[%get3A_232, %get3A_233, %get3A_234] : memref<9x354x1056xbf16, #tpu.memory_space<vmem>>, vector<1x354x1056xbf16>
    %get3A_236 = vector.shape_cast %get3A_235 : vector<1x354x1056xbf16> to vector<354x1056xbf16>
    %dot_general3A_237 = arith.constant dense<0.000000e+00> : vector<352x1056xf32>
    %dot_general3A_238 = tpu.matmul %squeeze3A_231, %get3A_236, %dot_general3A_237 {dimension_numbers = #tpu.dot_dimension_numbers<[1], [0], [0], [1], [0, 0, 1, 1], [], []>, transpose_lhs_hint = false} : vector<352x354xbf16>, vector<354x1056xbf16>, vector<352x1056xf32> -> vector<352x1056xf32>
    %add3A_239 = arith.addf %add3A_229, %dot_general3A_238 : vector<352x1056xf32>
    %slice3A_240 = vector.extract_strided_slice %add3A_239 {offsets = [0, 0], sizes = [352, 352], strides = [1, 1]} : vector<352x1056xf32> to vector<352x352xf32>
    %get3A_241 = arith.constant 0 : index
    %get3A_242 = memref.load %arg2[%get3A_241] : memref<3xf32, #tpu.memory_space<smem>>
    %add3A_243 = vector.broadcast %get3A_242 : f32 to vector<352x352xf32>
    %add3A_244 = arith.addf %slice3A_240, %add3A_243 : vector<352x352xf32>
    %slice3A_245 = vector.extract_strided_slice %get3A_13 {offsets = [0, 1, 1], sizes = [1, 352, 352], strides = [1, 1, 1]} : vector<3x354x354xf32> to vector<1x352x352xf32>
    %squeeze3A_246 = vector.shape_cast %slice3A_245 : vector<1x352x352xf32> to vector<352x352xf32>
    %mul3A = arith.mulf %add3A_244, %squeeze3A_246 : vector<352x352xf32>
    %swap3A_247 = arith.constant 0 : index
    %swap3A_248 = arith.constant 0 : index
    %swap3A_249 = arith.constant 0 : index
    %swap3A_250 = arith.constant 0 : index
    %swap3A_251 = vector.load %arg6[%swap3A_247, %swap3A_248, %swap3A_249, %swap3A_250] : memref<1x3x352x352xf32, #tpu.memory_space<vmem>>, vector<1x1x352x352xf32>
    %swap3A_252 = vector.shape_cast %swap3A_251 : vector<1x1x352x352xf32> to vector<352x352xf32>
    %swap3A_253 = vector.shape_cast %mul3A : vector<352x352xf32> to vector<1x1x352x352xf32>
    tpu.vector_store %arg6[%swap3A_247, %swap3A_248, %swap3A_249, %swap3A_250], %swap3A_253 {strides = array<i32>} : memref<1x3x352x352xf32, #tpu.memory_space<vmem>>, vector<1x1x352x352xf32>,
    %slice3A_254 = vector.extract_strided_slice %add3A_239 {offsets = [0, 352], sizes = [352, 352], strides = [1, 1]} : vector<352x1056xf32> to vector<352x352xf32>
    %get3A_255 = arith.constant 1 : index
    %get3A_256 = memref.load %arg2[%get3A_255] : memref<3xf32, #tpu.memory_space<smem>>
    %add3A_257 = vector.broadcast %get3A_256 : f32 to vector<352x352xf32>
    %add3A_258 = arith.addf %slice3A_254, %add3A_257 : vector<352x352xf32>
    %slice3A_259 = vector.extract_strided_slice %get3A_13 {offsets = [1, 1, 1], sizes = [1, 352, 352], strides = [1, 1, 1]} : vector<3x354x354xf32> to vector<1x352x352xf32>
    %squeeze3A_260 = vector.shape_cast %slice3A_259 : vector<1x352x352xf32> to vector<352x352xf32>
    %mul3A_261 = arith.mulf %add3A_258, %squeeze3A_260 : vector<352x352xf32>
    %swap3A_262 = arith.constant 0 : index
    %swap3A_263 = arith.constant 1 : index
    %swap3A_264 = arith.constant 0 : index
    %swap3A_265 = arith.constant 0 : index
    %swap3A_266 = vector.load %arg6[%swap3A_262, %swap3A_263, %swap3A_264, %swap3A_265] : memref<1x3x352x352xf32, #tpu.memory_space<vmem>>, vector<1x1x352x352xf32>
    %swap3A_267 = vector.shape_cast %swap3A_266 : vector<1x1x352x352xf32> to vector<352x352xf32>
    %swap3A_268 = vector.shape_cast %mul3A_261 : vector<352x352xf32> to vector<1x1x352x352xf32>
    tpu.vector_store %arg6[%swap3A_262, %swap3A_263, %swap3A_264, %swap3A_265], %swap3A_268 {strides = array<i32>} : memref<1x3x352x352xf32, #tpu.memory_space<vmem>>, vector<1x1x352x352xf32>,
    %slice3A_269 = vector.extract_strided_slice %add3A_239 {offsets = [0, 704], sizes = [352, 352], strides = [1, 1]} : vector<352x1056xf32> to vector<352x352xf32>
    %get3A_270 = arith.constant 2 : index
    %get3A_271 = memref.load %arg2[%get3A_270] : memref<3xf32, #tpu.memory_space<smem>>
    %add3A_272 = vector.broadcast %get3A_271 : f32 to vector<352x352xf32>
    %add3A_273 = arith.addf %slice3A_269, %add3A_272 : vector<352x352xf32>
    %slice3A_274 = vector.extract_strided_slice %get3A_13 {offsets = [2, 1, 1], sizes = [1, 352, 352], strides = [1, 1, 1]} : vector<3x354x354xf32> to vector<1x352x352xf32>
    %squeeze3A_275 = vector.shape_cast %slice3A_274 : vector<1x352x352xf32> to vector<352x352xf32>
    %mul3A_276 = arith.mulf %add3A_273, %squeeze3A_275 : vector<352x352xf32>
    %swap3A_277 = arith.constant 0 : index
    %swap3A_278 = arith.constant 2 : index
    %swap3A_279 = arith.constant 0 : index
    %swap3A_280 = arith.constant 0 : index
    %swap3A_281 = vector.load %arg6[%swap3A_277, %swap3A_278, %swap3A_279, %swap3A_280] : memref<1x3x352x352xf32, #tpu.memory_space<vmem>>, vector<1x1x352x352xf32>
    %swap3A_282 = vector.shape_cast %swap3A_281 : vector<1x1x352x352xf32> to vector<352x352xf32>
    %swap3A_283 = vector.shape_cast %mul3A_276 : vector<352x352xf32> to vector<1x1x352x352xf32>
    tpu.vector_store %arg6[%swap3A_277, %swap3A_278, %swap3A_279, %swap3A_280], %swap3A_283 {strides = array<i32>} : memref<1x3x352x352xf32, #tpu.memory_space<vmem>>, vector<1x1x352x352xf32>,
    %stack3A = vector.shape_cast %add3A_244 : vector<352x352xf32> to vector<1x352x352xf32>
    %stack3A_284 = vector.shape_cast %add3A_258 : vector<352x352xf32> to vector<1x352x352xf32>
    %stack3A_285 = vector.shape_cast %add3A_273 : vector<352x352xf32> to vector<1x352x352xf32>
    %stack3A_286 = tpu.concatenate %stack3A, %stack3A_284, %stack3A_285 in 0 : vector<1x352x352xf32>, vector<1x352x352xf32>, vector<1x352x352xf32> -> vector<3x352x352xf32>
    %reshape3A = vector.shape_cast %stack3A_286 : vector<3x352x352xf32> to vector<3x22x16x22x16xf32>
    %transpose3A = tpu.transpose %reshape3A, [1, 3, 0, 2, 4] : vector<3x22x16x22x16xf32> -> vector<22x22x3x16x16xf32>
    %reshape3A_287 = vector.shape_cast %transpose3A : vector<22x22x3x16x16xf32> to vector<484x768xf32>
    %broadcast_in_dim3A_288 = arith.constant 0.000000e+00 : f32
    %broadcast_in_dim3A_289 = vector.broadcast %broadcast_in_dim3A_288 : f32 to vector<28x768xf32>
    %concatenate3A = tpu.concatenate %reshape3A_287, %broadcast_in_dim3A_289 in 0 : vector<484x768xf32>, vector<28x768xf32> -> vector<512x768xf32>
    %swap3A_290 = arith.constant 0 : index
    %swap3A_291 = arith.constant 0 : index
    %swap3A_292 = arith.constant 0 : index
    %swap3A_293 = vector.load %arg7[%swap3A_290, %swap3A_291, %swap3A_292] : memref<1x512x768xf32, #tpu.memory_space<vmem>>, vector<1x512x768xf32>
    %swap3A_294 = vector.shape_cast %swap3A_293 : vector<1x512x768xf32> to vector<512x768xf32>
    %swap3A_295 = vector.shape_cast %concatenate3A : vector<512x768xf32> to vector<1x512x768xf32>
    tpu.vector_store %arg7[%swap3A_290, %swap3A_291, %swap3A_292], %swap3A_295 {strides = array<i32>} : memref<1x512x768xf32, #tpu.memory_space<vmem>>, vector<1x512x768xf32>,
    return
  }
  func.func @transform_0(%arg0: i32) -> i32 {
    %c0_i32 = arith.constant 0 : i32
    %c0_i32_0 = arith.constant 0 : i32
    return %c0_i32 : i32
  }
  func.func @transform_1(%arg0: i32) -> i32 {
    %c0_i32 = arith.constant 0 : i32
    %c0_i32_0 = arith.constant 0 : i32
    return %c0_i32 : i32
  }
  func.func @transform_2(%arg0: i32) -> (i32, i32, i32) {
    %c0_i32 = arith.constant 0 : i32
    %c0_i32_0 = arith.constant 0 : i32
    %c0_i32_1 = arith.constant 0 : i32
    %c0_i32_2 = arith.constant 0 : i32
    return %c0_i32, %c0_i32_0, %c0_i32_1 : i32, i32, i32
  }
  func.func @transform_3(%arg0: i32) -> (i32, i32, i32) {
    %c0_i32 = arith.constant 0 : i32
    %c0_i32_0 = arith.constant 0 : i32
    %c0_i32_1 = arith.constant 0 : i32
    %c0_i32_2 = arith.constant 0 : i32
    return %c0_i32, %c0_i32_0, %c0_i32_1 : i32, i32, i32
  }
  func.func @transform_4(%arg0: i32) -> (i32, i32, i32, i32) {
    %c0_i32 = arith.constant 0 : i32
    %c0_i32_0 = arith.constant 0 : i32
    %c0_i32_1 = arith.constant 0 : i32
    %c0_i32_2 = arith.constant 0 : i32
    return %arg0, %c0_i32, %c0_i32_0, %c0_i32_1 : i32, i32, i32, i32
  }
  func.func @transform_5(%arg0: i32) -> (i32, i32, i32, i32) {
    %c0_i32 = arith.constant 0 : i32
    %c0_i32_0 = arith.constant 0 : i32
    %c0_i32_1 = arith.constant 0 : i32
    %c0_i32_2 = arith.constant 0 : i32
    return %arg0, %c0_i32, %c0_i32_0, %c0_i32_1 : i32, i32, i32, i32
  }
  func.func @transform_6(%arg0: i32) -> (i32, i32, i32) {
    %c0_i32 = arith.constant 0 : i32
    %c0_i32_0 = arith.constant 0 : i32
    %c0_i32_1 = arith.constant 0 : i32
    return %arg0, %c0_i32, %c0_i32_0 : i32, i32, i32
  }
}

module attributes {stable_mosaic.version = 14 : i64} {
  func.func @_vig_a_kernel(%arg0: i32, %arg1: memref<1x512x768xf32, #tpu.memory_space<vmem>>, %arg2: memref<768x768xbf16, #tpu.memory_space<vmem>>, %arg3: memref<1x768xf32, #tpu.memory_space<vmem>>, %arg4: memref<1x512x768xf32, #tpu.memory_space<vmem>>, %arg5: memref<1x512x128xi32, #tpu.memory_space<vmem>>) attributes {dimension_semantics = [#tpu.dimension_semantics<arbitrary>], iteration_bounds = array<i64: 8>, scalar_prefetch = 0 : i64, scratch_operands = 0 : i64, tpu.core_type = #tpu.core_type<tc>, window_params = [{transform_indices = @transform_0, window_bounds = array<i64: 1, 512, 768>}, {pipeline_mode = #tpu.pipeline_mode<synchronous>, transform_indices = @transform_1, window_bounds = array<i64: 768, 768>}, {pipeline_mode = #tpu.pipeline_mode<synchronous>, transform_indices = @transform_2, window_bounds = array<i64: 1, 768>}, {transform_indices = @transform_3, window_bounds = array<i64: 1, 512, 768>}, {transform_indices = @transform_4, window_bounds = array<i64: 1, 512, 128>}]} {
    %get3A = arith.constant 0 : index
    %get3A_0 = arith.constant 0 : index
    %get3A_1 = arith.constant 0 : index
    %get3A_2 = vector.load %arg1[%get3A, %get3A_0, %get3A_1] : memref<1x512x768xf32, #tpu.memory_space<vmem>>, vector<1x512x768xf32>
    %get3A_3 = vector.shape_cast %get3A_2 : vector<1x512x768xf32> to vector<512x768xf32>
    %convert_element_type3A = arith.truncf %get3A_3 : vector<512x768xf32> to vector<512x768xbf16>
    %get3A_4 = arith.constant 0 : index
    %get3A_5 = arith.constant 0 : index
    %get3A_6 = vector.load %arg2[%get3A_4, %get3A_5] : memref<768x768xbf16, #tpu.memory_space<vmem>>, vector<768x768xbf16>
    %dot_general3A = arith.constant dense<0.000000e+00> : vector<512x768xf32>
    %dot_general3A_7 = tpu.matmul %convert_element_type3A, %get3A_6, %dot_general3A {dimension_numbers = #tpu.dot_dimension_numbers<[1], [0], [0], [1], [0, 0, 1, 1], [], []>, transpose_lhs_hint = false} : vector<512x768xbf16>, vector<768x768xbf16>, vector<512x768xf32> -> vector<512x768xf32>
    %get3A_8 = arith.constant 0 : index
    %get3A_9 = arith.constant 0 : index
    %get3A_10 = vector.load %arg3[%get3A_8, %get3A_9] : memref<1x768xf32, #tpu.memory_space<vmem>>, vector<1x768xf32>
    %add3A = vector.broadcast %get3A_10 : vector<1x768xf32> to vector<512x768xf32>
    %add3A_11 = arith.addf %dot_general3A_7, %add3A : vector<512x768xf32>
    %swap3A = arith.constant 0 : index
    %swap3A_12 = arith.constant 0 : index
    %swap3A_13 = arith.constant 0 : index
    %swap3A_14 = vector.load %arg4[%swap3A, %swap3A_12, %swap3A_13] : memref<1x512x768xf32, #tpu.memory_space<vmem>>, vector<1x512x768xf32>
    %swap3A_15 = vector.shape_cast %swap3A_14 : vector<1x512x768xf32> to vector<512x768xf32>
    %swap3A_16 = vector.shape_cast %add3A_11 : vector<512x768xf32> to vector<1x512x768xf32>
    tpu.vector_store %arg4[%swap3A, %swap3A_12, %swap3A_13], %swap3A_16 {strides = array<i32>} : memref<1x512x768xf32, #tpu.memory_space<vmem>>, vector<1x512x768xf32>,
    %mul3A = arith.mulf %add3A_11, %add3A_11 : vector<512x768xf32>
    %reduce_sum3A = arith.constant dense<0.000000e+00> : vector<512xf32>
    %reduce_sum3A_17 = vector.multi_reduction <add>, %mul3A, %reduce_sum3A [1] : vector<512x768xf32> to vector<512xf32>
    %broadcast_in_dim3A = vector.shape_cast %reduce_sum3A_17 : vector<512xf32> to vector<512x1xf32>
    %convert_element_type3A_18 = arith.truncf %add3A_11 : vector<512x768xf32> to vector<512x768xbf16>
    %dot_general3A_19 = arith.constant dense<0.000000e+00> : vector<512x512xf32>
    %dot_general3A_20 = tpu.matmul %convert_element_type3A_18, %convert_element_type3A_18, %dot_general3A_19 {dimension_numbers = #tpu.dot_dimension_numbers<[1], [1], [0], [0], [0, 0, 1, 0], [], []>, transpose_lhs_hint = false} : vector<512x768xbf16>, vector<512x768xbf16>, vector<512x512xf32> -> vector<512x512xf32>
    %transpose3A = tpu.transpose %broadcast_in_dim3A, [1, 0] : vector<512x1xf32> -> vector<1x512xf32>
    %add3A_21 = vector.broadcast %broadcast_in_dim3A : vector<512x1xf32> to vector<512x512xf32>
    %add3A_22 = vector.broadcast %transpose3A : vector<1x512xf32> to vector<512x512xf32>
    %add3A_23 = arith.addf %add3A_21, %add3A_22 : vector<512x512xf32>
    %mul3A_24 = arith.constant 2.000000e+00 : f32
    %mul3A_25 = vector.broadcast %mul3A_24 : f32 to vector<512x512xf32>
    %mul3A_26 = arith.mulf %mul3A_25, %dot_general3A_20 : vector<512x512xf32>
    %sub3A = arith.subf %add3A_23, %mul3A_26 : vector<512x512xf32>
    %iota3A = tpu.iota {dimensions = array<i32: 1>} : vector<512x512xi32>
    %lt3A = arith.constant 484 : i32
    %lt3A_27 = vector.broadcast %lt3A : i32 to vector<512x512xi32>
    %lt3A_28 = arith.cmpi slt, %iota3A, %lt3A_27 : vector<512x512xi32>
    %jit3A = arith.constant 0x7F800000 : f32
    %broadcast_in_dim3A_29 = vector.broadcast %jit3A : f32 to vector<512x512xf32>
    %select_n3A = arith.select %lt3A_28, %sub3A, %broadcast_in_dim3A_29 : vector<512x512xi1>, vector<512x512xf32>
    %mul3A_30 = arith.constant 512 : i32
    %mul3A_31 = arith.muli %arg0, %mul3A_30 : i32
    %iota3A_32 = tpu.iota {dimensions = array<i32: 1>} : vector<512x128xi32>
    %broadcast_in_dim3A_33 = arith.constant 0 : i32
    %broadcast_in_dim3A_34 = vector.broadcast %broadcast_in_dim3A_33 : i32 to vector<512x128xi32>
    %reduce_min3A = arith.constant dense<0x7F800000> : vector<512xf32>
    %reduce_min3A_35 = vector.multi_reduction <minimumf>, %select_n3A, %reduce_min3A [1] : vector<512x512xf32> to vector<512xf32>
    %broadcast_in_dim3A_36 = vector.shape_cast %reduce_min3A_35 : vector<512xf32> to vector<512x1xf32>
    %eq3A = vector.broadcast %broadcast_in_dim3A_36 : vector<512x1xf32> to vector<512x512xf32>
    %eq3A_37 = arith.cmpf oeq, %select_n3A, %eq3A : vector<512x512xf32>
    %jit3A_38 = arith.constant 512 : i32
    %broadcast_in_dim3A_39 = vector.broadcast %jit3A_38 : i32 to vector<512x512xi32>
    %select_n3A_40 = arith.select %eq3A_37, %iota3A, %broadcast_in_dim3A_39 : vector<512x512xi1>, vector<512x512xi32>
    %reduce_min3A_41 = arith.constant dense<2147483647> : vector<512xi32>
    %reduce_min3A_42 = vector.multi_reduction <minsi>, %select_n3A_40, %reduce_min3A_41 [1] : vector<512x512xi32> to vector<512xi32>
    %broadcast_in_dim3A_43 = vector.shape_cast %reduce_min3A_42 : vector<512xi32> to vector<512x1xi32>
    %sub3A_44 = arith.constant 0 : i32
    %sub3A_45 = vector.broadcast %sub3A_44 : i32 to vector<512x128xi32>
    %sub3A_46 = arith.subi %iota3A_32, %sub3A_45 : vector<512x128xi32>
    %ge3A = arith.constant 0 : i32
    %ge3A_47 = vector.broadcast %ge3A : i32 to vector<512x128xi32>
    %ge3A_48 = arith.cmpi sge, %sub3A_46, %ge3A_47 : vector<512x128xi32>
    %lt3A_49 = arith.constant 6 : i32
    %lt3A_50 = vector.broadcast %lt3A_49 : i32 to vector<512x128xi32>
    %lt3A_51 = arith.cmpi slt, %sub3A_46, %lt3A_50 : vector<512x128xi32>
    %and3A = arith.andi %ge3A_48, %lt3A_51 : vector<512x128xi1>
    %add3A_52 = vector.broadcast %mul3A_31 : i32 to vector<512x1xi32>
    %add3A_53 = arith.addi %broadcast_in_dim3A_43, %add3A_52 : vector<512x1xi32>
    %mul3A_54 = arith.constant 6 : i32
    %mul3A_55 = vector.broadcast %mul3A_54 : i32 to vector<512x1xi32>
    %mul3A_56 = arith.muli %add3A_53, %mul3A_55 : vector<512x1xi32>
    %add3A_57 = vector.broadcast %mul3A_56 : vector<512x1xi32> to vector<512x128xi32>
    %add3A_58 = arith.addi %add3A_57, %sub3A_46 : vector<512x128xi32>
    %jit3A_59 = arith.constant 0 : i32
    %broadcast_in_dim3A_60 = vector.broadcast %jit3A_59 : i32 to vector<512x128xi32>
    %select_n3A_61 = arith.select %and3A, %add3A_58, %broadcast_in_dim3A_60 : vector<512x128xi1>, vector<512x128xi32>
    %add3A_62 = arith.addi %broadcast_in_dim3A_34, %select_n3A_61 : vector<512x128xi32>
    %eq3A_63 = vector.broadcast %broadcast_in_dim3A_43 : vector<512x1xi32> to vector<512x512xi32>
    %eq3A_64 = arith.cmpi eq, %iota3A, %eq3A_63 : vector<512x512xi32>
    %jit3A_65 = arith.constant 0x7F800000 : f32
    %broadcast_in_dim3A_66 = vector.broadcast %jit3A_65 : f32 to vector<512x512xf32>
    %select_n3A_67 = arith.select %eq3A_64, %broadcast_in_dim3A_66, %select_n3A : vector<512x512xi1>, vector<512x512xf32>
    %reduce_min3A_68 = arith.constant dense<0x7F800000> : vector<512xf32>
    %reduce_min3A_69 = vector.multi_reduction <minimumf>, %select_n3A_67, %reduce_min3A_68 [1] : vector<512x512xf32> to vector<512xf32>
    %broadcast_in_dim3A_70 = vector.shape_cast %reduce_min3A_69 : vector<512xf32> to vector<512x1xf32>
    %eq3A_71 = vector.broadcast %broadcast_in_dim3A_70 : vector<512x1xf32> to vector<512x512xf32>
    %eq3A_72 = arith.cmpf oeq, %select_n3A_67, %eq3A_71 : vector<512x512xf32>
    %jit3A_73 = arith.constant 512 : i32
    %broadcast_in_dim3A_74 = vector.broadcast %jit3A_73 : i32 to vector<512x512xi32>
    %select_n3A_75 = arith.select %eq3A_72, %iota3A, %broadcast_in_dim3A_74 : vector<512x512xi1>, vector<512x512xi32>
    %reduce_min3A_76 = arith.constant dense<2147483647> : vector<512xi32>
    %reduce_min3A_77 = vector.multi_reduction <minsi>, %select_n3A_75, %reduce_min3A_76 [1] : vector<512x512xi32> to vector<512xi32>
    %broadcast_in_dim3A_78 = vector.shape_cast %reduce_min3A_77 : vector<512xi32> to vector<512x1xi32>
    %sub3A_79 = arith.constant 6 : i32
    %sub3A_80 = vector.broadcast %sub3A_79 : i32 to vector<512x128xi32>
    %sub3A_81 = arith.subi %iota3A_32, %sub3A_80 : vector<512x128xi32>
    %ge3A_82 = arith.constant 0 : i32
    %ge3A_83 = vector.broadcast %ge3A_82 : i32 to vector<512x128xi32>
    %ge3A_84 = arith.cmpi sge, %sub3A_81, %ge3A_83 : vector<512x128xi32>
    %lt3A_85 = arith.constant 6 : i32
    %lt3A_86 = vector.broadcast %lt3A_85 : i32 to vector<512x128xi32>
    %lt3A_87 = arith.cmpi slt, %sub3A_81, %lt3A_86 : vector<512x128xi32>
    %and3A_88 = arith.andi %ge3A_84, %lt3A_87 : vector<512x128xi1>
    %add3A_89 = vector.broadcast %mul3A_31 : i32 to vector<512x1xi32>
    %add3A_90 = arith.addi %broadcast_in_dim3A_78, %add3A_89 : vector<512x1xi32>
    %mul3A_91 = arith.constant 6 : i32
    %mul3A_92 = vector.broadcast %mul3A_91 : i32 to vector<512x1xi32>
    %mul3A_93 = arith.muli %add3A_90, %mul3A_92 : vector<512x1xi32>
    %add3A_94 = vector.broadcast %mul3A_93 : vector<512x1xi32> to vector<512x128xi32>
    %add3A_95 = arith.addi %add3A_94, %sub3A_81 : vector<512x128xi32>
    %jit3A_96 = arith.constant 0 : i32
    %broadcast_in_dim3A_97 = vector.broadcast %jit3A_96 : i32 to vector<512x128xi32>
    %select_n3A_98 = arith.select %and3A_88, %add3A_95, %broadcast_in_dim3A_97 : vector<512x128xi1>, vector<512x128xi32>
    %add3A_99 = arith.addi %add3A_62, %select_n3A_98 : vector<512x128xi32>
    %eq3A_100 = vector.broadcast %broadcast_in_dim3A_78 : vector<512x1xi32> to vector<512x512xi32>
    %eq3A_101 = arith.cmpi eq, %iota3A, %eq3A_100 : vector<512x512xi32>
    %jit3A_102 = arith.constant 0x7F800000 : f32
    %broadcast_in_dim3A_103 = vector.broadcast %jit3A_102 : f32 to vector<512x512xf32>
    %select_n3A_104 = arith.select %eq3A_101, %broadcast_in_dim3A_103, %select_n3A_67 : vector<512x512xi1>, vector<512x512xf32>
    %reduce_min3A_105 = arith.constant dense<0x7F800000> : vector<512xf32>
    %reduce_min3A_106 = vector.multi_reduction <minimumf>, %select_n3A_104, %reduce_min3A_105 [1] : vector<512x512xf32> to vector<512xf32>
    %broadcast_in_dim3A_107 = vector.shape_cast %reduce_min3A_106 : vector<512xf32> to vector<512x1xf32>
    %eq3A_108 = vector.broadcast %broadcast_in_dim3A_107 : vector<512x1xf32> to vector<512x512xf32>
    %eq3A_109 = arith.cmpf oeq, %select_n3A_104, %eq3A_108 : vector<512x512xf32>
    %jit3A_110 = arith.constant 512 : i32
    %broadcast_in_dim3A_111 = vector.broadcast %jit3A_110 : i32 to vector<512x512xi32>
    %select_n3A_112 = arith.select %eq3A_109, %iota3A, %broadcast_in_dim3A_111 : vector<512x512xi1>, vector<512x512xi32>
    %reduce_min3A_113 = arith.constant dense<2147483647> : vector<512xi32>
    %reduce_min3A_114 = vector.multi_reduction <minsi>, %select_n3A_112, %reduce_min3A_113 [1] : vector<512x512xi32> to vector<512xi32>
    %broadcast_in_dim3A_115 = vector.shape_cast %reduce_min3A_114 : vector<512xi32> to vector<512x1xi32>
    %sub3A_116 = arith.constant 12 : i32
    %sub3A_117 = vector.broadcast %sub3A_116 : i32 to vector<512x128xi32>
    %sub3A_118 = arith.subi %iota3A_32, %sub3A_117 : vector<512x128xi32>
    %ge3A_119 = arith.constant 0 : i32
    %ge3A_120 = vector.broadcast %ge3A_119 : i32 to vector<512x128xi32>
    %ge3A_121 = arith.cmpi sge, %sub3A_118, %ge3A_120 : vector<512x128xi32>
    %lt3A_122 = arith.constant 6 : i32
    %lt3A_123 = vector.broadcast %lt3A_122 : i32 to vector<512x128xi32>
    %lt3A_124 = arith.cmpi slt, %sub3A_118, %lt3A_123 : vector<512x128xi32>
    %and3A_125 = arith.andi %ge3A_121, %lt3A_124 : vector<512x128xi1>
    %add3A_126 = vector.broadcast %mul3A_31 : i32 to vector<512x1xi32>
    %add3A_127 = arith.addi %broadcast_in_dim3A_115, %add3A_126 : vector<512x1xi32>
    %mul3A_128 = arith.constant 6 : i32
    %mul3A_129 = vector.broadcast %mul3A_128 : i32 to vector<512x1xi32>
    %mul3A_130 = arith.muli %add3A_127, %mul3A_129 : vector<512x1xi32>
    %add3A_131 = vector.broadcast %mul3A_130 : vector<512x1xi32> to vector<512x128xi32>
    %add3A_132 = arith.addi %add3A_131, %sub3A_118 : vector<512x128xi32>
    %jit3A_133 = arith.constant 0 : i32
    %broadcast_in_dim3A_134 = vector.broadcast %jit3A_133 : i32 to vector<512x128xi32>
    %select_n3A_135 = arith.select %and3A_125, %add3A_132, %broadcast_in_dim3A_134 : vector<512x128xi1>, vector<512x128xi32>
    %add3A_136 = arith.addi %add3A_99, %select_n3A_135 : vector<512x128xi32>
    %eq3A_137 = vector.broadcast %broadcast_in_dim3A_115 : vector<512x1xi32> to vector<512x512xi32>
    %eq3A_138 = arith.cmpi eq, %iota3A, %eq3A_137 : vector<512x512xi32>
    %jit3A_139 = arith.constant 0x7F800000 : f32
    %broadcast_in_dim3A_140 = vector.broadcast %jit3A_139 : f32 to vector<512x512xf32>
    %select_n3A_141 = arith.select %eq3A_138, %broadcast_in_dim3A_140, %select_n3A_104 : vector<512x512xi1>, vector<512x512xf32>
    %reduce_min3A_142 = arith.constant dense<0x7F800000> : vector<512xf32>
    %reduce_min3A_143 = vector.multi_reduction <minimumf>, %select_n3A_141, %reduce_min3A_142 [1] : vector<512x512xf32> to vector<512xf32>
    %broadcast_in_dim3A_144 = vector.shape_cast %reduce_min3A_143 : vector<512xf32> to vector<512x1xf32>
    %eq3A_145 = vector.broadcast %broadcast_in_dim3A_144 : vector<512x1xf32> to vector<512x512xf32>
    %eq3A_146 = arith.cmpf oeq, %select_n3A_141, %eq3A_145 : vector<512x512xf32>
    %jit3A_147 = arith.constant 512 : i32
    %broadcast_in_dim3A_148 = vector.broadcast %jit3A_147 : i32 to vector<512x512xi32>
    %select_n3A_149 = arith.select %eq3A_146, %iota3A, %broadcast_in_dim3A_148 : vector<512x512xi1>, vector<512x512xi32>
    %reduce_min3A_150 = arith.constant dense<2147483647> : vector<512xi32>
    %reduce_min3A_151 = vector.multi_reduction <minsi>, %select_n3A_149, %reduce_min3A_150 [1] : vector<512x512xi32> to vector<512xi32>
    %broadcast_in_dim3A_152 = vector.shape_cast %reduce_min3A_151 : vector<512xi32> to vector<512x1xi32>
    %sub3A_153 = arith.constant 18 : i32
    %sub3A_154 = vector.broadcast %sub3A_153 : i32 to vector<512x128xi32>
    %sub3A_155 = arith.subi %iota3A_32, %sub3A_154 : vector<512x128xi32>
    %ge3A_156 = arith.constant 0 : i32
    %ge3A_157 = vector.broadcast %ge3A_156 : i32 to vector<512x128xi32>
    %ge3A_158 = arith.cmpi sge, %sub3A_155, %ge3A_157 : vector<512x128xi32>
    %lt3A_159 = arith.constant 6 : i32
    %lt3A_160 = vector.broadcast %lt3A_159 : i32 to vector<512x128xi32>
    %lt3A_161 = arith.cmpi slt, %sub3A_155, %lt3A_160 : vector<512x128xi32>
    %and3A_162 = arith.andi %ge3A_158, %lt3A_161 : vector<512x128xi1>
    %add3A_163 = vector.broadcast %mul3A_31 : i32 to vector<512x1xi32>
    %add3A_164 = arith.addi %broadcast_in_dim3A_152, %add3A_163 : vector<512x1xi32>
    %mul3A_165 = arith.constant 6 : i32
    %mul3A_166 = vector.broadcast %mul3A_165 : i32 to vector<512x1xi32>
    %mul3A_167 = arith.muli %add3A_164, %mul3A_166 : vector<512x1xi32>
    %add3A_168 = vector.broadcast %mul3A_167 : vector<512x1xi32> to vector<512x128xi32>
    %add3A_169 = arith.addi %add3A_168, %sub3A_155 : vector<512x128xi32>
    %jit3A_170 = arith.constant 0 : i32
    %broadcast_in_dim3A_171 = vector.broadcast %jit3A_170 : i32 to vector<512x128xi32>
    %select_n3A_172 = arith.select %and3A_162, %add3A_169, %broadcast_in_dim3A_171 : vector<512x128xi1>, vector<512x128xi32>
    %add3A_173 = arith.addi %add3A_136, %select_n3A_172 : vector<512x128xi32>
    %eq3A_174 = vector.broadcast %broadcast_in_dim3A_152 : vector<512x1xi32> to vector<512x512xi32>
    %eq3A_175 = arith.cmpi eq, %iota3A, %eq3A_174 : vector<512x512xi32>
    %jit3A_176 = arith.constant 0x7F800000 : f32
    %broadcast_in_dim3A_177 = vector.broadcast %jit3A_176 : f32 to vector<512x512xf32>
    %select_n3A_178 = arith.select %eq3A_175, %broadcast_in_dim3A_177, %select_n3A_141 : vector<512x512xi1>, vector<512x512xf32>
    %reduce_min3A_179 = arith.constant dense<0x7F800000> : vector<512xf32>
    %reduce_min3A_180 = vector.multi_reduction <minimumf>, %select_n3A_178, %reduce_min3A_179 [1] : vector<512x512xf32> to vector<512xf32>
    %broadcast_in_dim3A_181 = vector.shape_cast %reduce_min3A_180 : vector<512xf32> to vector<512x1xf32>
    %eq3A_182 = vector.broadcast %broadcast_in_dim3A_181 : vector<512x1xf32> to vector<512x512xf32>
    %eq3A_183 = arith.cmpf oeq, %select_n3A_178, %eq3A_182 : vector<512x512xf32>
    %jit3A_184 = arith.constant 512 : i32
    %broadcast_in_dim3A_185 = vector.broadcast %jit3A_184 : i32 to vector<512x512xi32>
    %select_n3A_186 = arith.select %eq3A_183, %iota3A, %broadcast_in_dim3A_185 : vector<512x512xi1>, vector<512x512xi32>
    %reduce_min3A_187 = arith.constant dense<2147483647> : vector<512xi32>
    %reduce_min3A_188 = vector.multi_reduction <minsi>, %select_n3A_186, %reduce_min3A_187 [1] : vector<512x512xi32> to vector<512xi32>
    %broadcast_in_dim3A_189 = vector.shape_cast %reduce_min3A_188 : vector<512xi32> to vector<512x1xi32>
    %sub3A_190 = arith.constant 24 : i32
    %sub3A_191 = vector.broadcast %sub3A_190 : i32 to vector<512x128xi32>
    %sub3A_192 = arith.subi %iota3A_32, %sub3A_191 : vector<512x128xi32>
    %ge3A_193 = arith.constant 0 : i32
    %ge3A_194 = vector.broadcast %ge3A_193 : i32 to vector<512x128xi32>
    %ge3A_195 = arith.cmpi sge, %sub3A_192, %ge3A_194 : vector<512x128xi32>
    %lt3A_196 = arith.constant 6 : i32
    %lt3A_197 = vector.broadcast %lt3A_196 : i32 to vector<512x128xi32>
    %lt3A_198 = arith.cmpi slt, %sub3A_192, %lt3A_197 : vector<512x128xi32>
    %and3A_199 = arith.andi %ge3A_195, %lt3A_198 : vector<512x128xi1>
    %add3A_200 = vector.broadcast %mul3A_31 : i32 to vector<512x1xi32>
    %add3A_201 = arith.addi %broadcast_in_dim3A_189, %add3A_200 : vector<512x1xi32>
    %mul3A_202 = arith.constant 6 : i32
    %mul3A_203 = vector.broadcast %mul3A_202 : i32 to vector<512x1xi32>
    %mul3A_204 = arith.muli %add3A_201, %mul3A_203 : vector<512x1xi32>
    %add3A_205 = vector.broadcast %mul3A_204 : vector<512x1xi32> to vector<512x128xi32>
    %add3A_206 = arith.addi %add3A_205, %sub3A_192 : vector<512x128xi32>
    %jit3A_207 = arith.constant 0 : i32
    %broadcast_in_dim3A_208 = vector.broadcast %jit3A_207 : i32 to vector<512x128xi32>
    %select_n3A_209 = arith.select %and3A_199, %add3A_206, %broadcast_in_dim3A_208 : vector<512x128xi1>, vector<512x128xi32>
    %add3A_210 = arith.addi %add3A_173, %select_n3A_209 : vector<512x128xi32>
    %eq3A_211 = vector.broadcast %broadcast_in_dim3A_189 : vector<512x1xi32> to vector<512x512xi32>
    %eq3A_212 = arith.cmpi eq, %iota3A, %eq3A_211 : vector<512x512xi32>
    %jit3A_213 = arith.constant 0x7F800000 : f32
    %broadcast_in_dim3A_214 = vector.broadcast %jit3A_213 : f32 to vector<512x512xf32>
    %select_n3A_215 = arith.select %eq3A_212, %broadcast_in_dim3A_214, %select_n3A_178 : vector<512x512xi1>, vector<512x512xf32>
    %reduce_min3A_216 = arith.constant dense<0x7F800000> : vector<512xf32>
    %reduce_min3A_217 = vector.multi_reduction <minimumf>, %select_n3A_215, %reduce_min3A_216 [1] : vector<512x512xf32> to vector<512xf32>
    %broadcast_in_dim3A_218 = vector.shape_cast %reduce_min3A_217 : vector<512xf32> to vector<512x1xf32>
    %eq3A_219 = vector.broadcast %broadcast_in_dim3A_218 : vector<512x1xf32> to vector<512x512xf32>
    %eq3A_220 = arith.cmpf oeq, %select_n3A_215, %eq3A_219 : vector<512x512xf32>
    %jit3A_221 = arith.constant 512 : i32
    %broadcast_in_dim3A_222 = vector.broadcast %jit3A_221 : i32 to vector<512x512xi32>
    %select_n3A_223 = arith.select %eq3A_220, %iota3A, %broadcast_in_dim3A_222 : vector<512x512xi1>, vector<512x512xi32>
    %reduce_min3A_224 = arith.constant dense<2147483647> : vector<512xi32>
    %reduce_min3A_225 = vector.multi_reduction <minsi>, %select_n3A_223, %reduce_min3A_224 [1] : vector<512x512xi32> to vector<512xi32>
    %broadcast_in_dim3A_226 = vector.shape_cast %reduce_min3A_225 : vector<512xi32> to vector<512x1xi32>
    %sub3A_227 = arith.constant 30 : i32
    %sub3A_228 = vector.broadcast %sub3A_227 : i32 to vector<512x128xi32>
    %sub3A_229 = arith.subi %iota3A_32, %sub3A_228 : vector<512x128xi32>
    %ge3A_230 = arith.constant 0 : i32
    %ge3A_231 = vector.broadcast %ge3A_230 : i32 to vector<512x128xi32>
    %ge3A_232 = arith.cmpi sge, %sub3A_229, %ge3A_231 : vector<512x128xi32>
    %lt3A_233 = arith.constant 6 : i32
    %lt3A_234 = vector.broadcast %lt3A_233 : i32 to vector<512x128xi32>
    %lt3A_235 = arith.cmpi slt, %sub3A_229, %lt3A_234 : vector<512x128xi32>
    %and3A_236 = arith.andi %ge3A_232, %lt3A_235 : vector<512x128xi1>
    %add3A_237 = vector.broadcast %mul3A_31 : i32 to vector<512x1xi32>
    %add3A_238 = arith.addi %broadcast_in_dim3A_226, %add3A_237 : vector<512x1xi32>
    %mul3A_239 = arith.constant 6 : i32
    %mul3A_240 = vector.broadcast %mul3A_239 : i32 to vector<512x1xi32>
    %mul3A_241 = arith.muli %add3A_238, %mul3A_240 : vector<512x1xi32>
    %add3A_242 = vector.broadcast %mul3A_241 : vector<512x1xi32> to vector<512x128xi32>
    %add3A_243 = arith.addi %add3A_242, %sub3A_229 : vector<512x128xi32>
    %jit3A_244 = arith.constant 0 : i32
    %broadcast_in_dim3A_245 = vector.broadcast %jit3A_244 : i32 to vector<512x128xi32>
    %select_n3A_246 = arith.select %and3A_236, %add3A_243, %broadcast_in_dim3A_245 : vector<512x128xi1>, vector<512x128xi32>
    %add3A_247 = arith.addi %add3A_210, %select_n3A_246 : vector<512x128xi32>
    %eq3A_248 = vector.broadcast %broadcast_in_dim3A_226 : vector<512x1xi32> to vector<512x512xi32>
    %eq3A_249 = arith.cmpi eq, %iota3A, %eq3A_248 : vector<512x512xi32>
    %jit3A_250 = arith.constant 0x7F800000 : f32
    %broadcast_in_dim3A_251 = vector.broadcast %jit3A_250 : f32 to vector<512x512xf32>
    %select_n3A_252 = arith.select %eq3A_249, %broadcast_in_dim3A_251, %select_n3A_215 : vector<512x512xi1>, vector<512x512xf32>
    %reduce_min3A_253 = arith.constant dense<0x7F800000> : vector<512xf32>
    %reduce_min3A_254 = vector.multi_reduction <minimumf>, %select_n3A_252, %reduce_min3A_253 [1] : vector<512x512xf32> to vector<512xf32>
    %broadcast_in_dim3A_255 = vector.shape_cast %reduce_min3A_254 : vector<512xf32> to vector<512x1xf32>
    %eq3A_256 = vector.broadcast %broadcast_in_dim3A_255 : vector<512x1xf32> to vector<512x512xf32>
    %eq3A_257 = arith.cmpf oeq, %select_n3A_252, %eq3A_256 : vector<512x512xf32>
    %jit3A_258 = arith.constant 512 : i32
    %broadcast_in_dim3A_259 = vector.broadcast %jit3A_258 : i32 to vector<512x512xi32>
    %select_n3A_260 = arith.select %eq3A_257, %iota3A, %broadcast_in_dim3A_259 : vector<512x512xi1>, vector<512x512xi32>
    %reduce_min3A_261 = arith.constant dense<2147483647> : vector<512xi32>
    %reduce_min3A_262 = vector.multi_reduction <minsi>, %select_n3A_260, %reduce_min3A_261 [1] : vector<512x512xi32> to vector<512xi32>
    %broadcast_in_dim3A_263 = vector.shape_cast %reduce_min3A_262 : vector<512xi32> to vector<512x1xi32>
    %sub3A_264 = arith.constant 36 : i32
    %sub3A_265 = vector.broadcast %sub3A_264 : i32 to vector<512x128xi32>
    %sub3A_266 = arith.subi %iota3A_32, %sub3A_265 : vector<512x128xi32>
    %ge3A_267 = arith.constant 0 : i32
    %ge3A_268 = vector.broadcast %ge3A_267 : i32 to vector<512x128xi32>
    %ge3A_269 = arith.cmpi sge, %sub3A_266, %ge3A_268 : vector<512x128xi32>
    %lt3A_270 = arith.constant 6 : i32
    %lt3A_271 = vector.broadcast %lt3A_270 : i32 to vector<512x128xi32>
    %lt3A_272 = arith.cmpi slt, %sub3A_266, %lt3A_271 : vector<512x128xi32>
    %and3A_273 = arith.andi %ge3A_269, %lt3A_272 : vector<512x128xi1>
    %add3A_274 = vector.broadcast %mul3A_31 : i32 to vector<512x1xi32>
    %add3A_275 = arith.addi %broadcast_in_dim3A_263, %add3A_274 : vector<512x1xi32>
    %mul3A_276 = arith.constant 6 : i32
    %mul3A_277 = vector.broadcast %mul3A_276 : i32 to vector<512x1xi32>
    %mul3A_278 = arith.muli %add3A_275, %mul3A_277 : vector<512x1xi32>
    %add3A_279 = vector.broadcast %mul3A_278 : vector<512x1xi32> to vector<512x128xi32>
    %add3A_280 = arith.addi %add3A_279, %sub3A_266 : vector<512x128xi32>
    %jit3A_281 = arith.constant 0 : i32
    %broadcast_in_dim3A_282 = vector.broadcast %jit3A_281 : i32 to vector<512x128xi32>
    %select_n3A_283 = arith.select %and3A_273, %add3A_280, %broadcast_in_dim3A_282 : vector<512x128xi1>, vector<512x128xi32>
    %add3A_284 = arith.addi %add3A_247, %select_n3A_283 : vector<512x128xi32>
    %eq3A_285 = vector.broadcast %broadcast_in_dim3A_263 : vector<512x1xi32> to vector<512x512xi32>
    %eq3A_286 = arith.cmpi eq, %iota3A, %eq3A_285 : vector<512x512xi32>
    %jit3A_287 = arith.constant 0x7F800000 : f32
    %broadcast_in_dim3A_288 = vector.broadcast %jit3A_287 : f32 to vector<512x512xf32>
    %select_n3A_289 = arith.select %eq3A_286, %broadcast_in_dim3A_288, %select_n3A_252 : vector<512x512xi1>, vector<512x512xf32>
    %reduce_min3A_290 = arith.constant dense<0x7F800000> : vector<512xf32>
    %reduce_min3A_291 = vector.multi_reduction <minimumf>, %select_n3A_289, %reduce_min3A_290 [1] : vector<512x512xf32> to vector<512xf32>
    %broadcast_in_dim3A_292 = vector.shape_cast %reduce_min3A_291 : vector<512xf32> to vector<512x1xf32>
    %eq3A_293 = vector.broadcast %broadcast_in_dim3A_292 : vector<512x1xf32> to vector<512x512xf32>
    %eq3A_294 = arith.cmpf oeq, %select_n3A_289, %eq3A_293 : vector<512x512xf32>
    %jit3A_295 = arith.constant 512 : i32
    %broadcast_in_dim3A_296 = vector.broadcast %jit3A_295 : i32 to vector<512x512xi32>
    %select_n3A_297 = arith.select %eq3A_294, %iota3A, %broadcast_in_dim3A_296 : vector<512x512xi1>, vector<512x512xi32>
    %reduce_min3A_298 = arith.constant dense<2147483647> : vector<512xi32>
    %reduce_min3A_299 = vector.multi_reduction <minsi>, %select_n3A_297, %reduce_min3A_298 [1] : vector<512x512xi32> to vector<512xi32>
    %broadcast_in_dim3A_300 = vector.shape_cast %reduce_min3A_299 : vector<512xi32> to vector<512x1xi32>
    %sub3A_301 = arith.constant 42 : i32
    %sub3A_302 = vector.broadcast %sub3A_301 : i32 to vector<512x128xi32>
    %sub3A_303 = arith.subi %iota3A_32, %sub3A_302 : vector<512x128xi32>
    %ge3A_304 = arith.constant 0 : i32
    %ge3A_305 = vector.broadcast %ge3A_304 : i32 to vector<512x128xi32>
    %ge3A_306 = arith.cmpi sge, %sub3A_303, %ge3A_305 : vector<512x128xi32>
    %lt3A_307 = arith.constant 6 : i32
    %lt3A_308 = vector.broadcast %lt3A_307 : i32 to vector<512x128xi32>
    %lt3A_309 = arith.cmpi slt, %sub3A_303, %lt3A_308 : vector<512x128xi32>
    %and3A_310 = arith.andi %ge3A_306, %lt3A_309 : vector<512x128xi1>
    %add3A_311 = vector.broadcast %mul3A_31 : i32 to vector<512x1xi32>
    %add3A_312 = arith.addi %broadcast_in_dim3A_300, %add3A_311 : vector<512x1xi32>
    %mul3A_313 = arith.constant 6 : i32
    %mul3A_314 = vector.broadcast %mul3A_313 : i32 to vector<512x1xi32>
    %mul3A_315 = arith.muli %add3A_312, %mul3A_314 : vector<512x1xi32>
    %add3A_316 = vector.broadcast %mul3A_315 : vector<512x1xi32> to vector<512x128xi32>
    %add3A_317 = arith.addi %add3A_316, %sub3A_303 : vector<512x128xi32>
    %jit3A_318 = arith.constant 0 : i32
    %broadcast_in_dim3A_319 = vector.broadcast %jit3A_318 : i32 to vector<512x128xi32>
    %select_n3A_320 = arith.select %and3A_310, %add3A_317, %broadcast_in_dim3A_319 : vector<512x128xi1>, vector<512x128xi32>
    %add3A_321 = arith.addi %add3A_284, %select_n3A_320 : vector<512x128xi32>
    %eq3A_322 = vector.broadcast %broadcast_in_dim3A_300 : vector<512x1xi32> to vector<512x512xi32>
    %eq3A_323 = arith.cmpi eq, %iota3A, %eq3A_322 : vector<512x512xi32>
    %jit3A_324 = arith.constant 0x7F800000 : f32
    %broadcast_in_dim3A_325 = vector.broadcast %jit3A_324 : f32 to vector<512x512xf32>
    %select_n3A_326 = arith.select %eq3A_323, %broadcast_in_dim3A_325, %select_n3A_289 : vector<512x512xi1>, vector<512x512xf32>
    %reduce_min3A_327 = arith.constant dense<0x7F800000> : vector<512xf32>
    %reduce_min3A_328 = vector.multi_reduction <minimumf>, %select_n3A_326, %reduce_min3A_327 [1] : vector<512x512xf32> to vector<512xf32>
    %broadcast_in_dim3A_329 = vector.shape_cast %reduce_min3A_328 : vector<512xf32> to vector<512x1xf32>
    %eq3A_330 = vector.broadcast %broadcast_in_dim3A_329 : vector<512x1xf32> to vector<512x512xf32>
    %eq3A_331 = arith.cmpf oeq, %select_n3A_326, %eq3A_330 : vector<512x512xf32>
    %jit3A_332 = arith.constant 512 : i32
    %broadcast_in_dim3A_333 = vector.broadcast %jit3A_332 : i32 to vector<512x512xi32>
    %select_n3A_334 = arith.select %eq3A_331, %iota3A, %broadcast_in_dim3A_333 : vector<512x512xi1>, vector<512x512xi32>
    %reduce_min3A_335 = arith.constant dense<2147483647> : vector<512xi32>
    %reduce_min3A_336 = vector.multi_reduction <minsi>, %select_n3A_334, %reduce_min3A_335 [1] : vector<512x512xi32> to vector<512xi32>
    %broadcast_in_dim3A_337 = vector.shape_cast %reduce_min3A_336 : vector<512xi32> to vector<512x1xi32>
    %sub3A_338 = arith.constant 48 : i32
    %sub3A_339 = vector.broadcast %sub3A_338 : i32 to vector<512x128xi32>
    %sub3A_340 = arith.subi %iota3A_32, %sub3A_339 : vector<512x128xi32>
    %ge3A_341 = arith.constant 0 : i32
    %ge3A_342 = vector.broadcast %ge3A_341 : i32 to vector<512x128xi32>
    %ge3A_343 = arith.cmpi sge, %sub3A_340, %ge3A_342 : vector<512x128xi32>
    %lt3A_344 = arith.constant 6 : i32
    %lt3A_345 = vector.broadcast %lt3A_344 : i32 to vector<512x128xi32>
    %lt3A_346 = arith.cmpi slt, %sub3A_340, %lt3A_345 : vector<512x128xi32>
    %and3A_347 = arith.andi %ge3A_343, %lt3A_346 : vector<512x128xi1>
    %add3A_348 = vector.broadcast %mul3A_31 : i32 to vector<512x1xi32>
    %add3A_349 = arith.addi %broadcast_in_dim3A_337, %add3A_348 : vector<512x1xi32>
    %mul3A_350 = arith.constant 6 : i32
    %mul3A_351 = vector.broadcast %mul3A_350 : i32 to vector<512x1xi32>
    %mul3A_352 = arith.muli %add3A_349, %mul3A_351 : vector<512x1xi32>
    %add3A_353 = vector.broadcast %mul3A_352 : vector<512x1xi32> to vector<512x128xi32>
    %add3A_354 = arith.addi %add3A_353, %sub3A_340 : vector<512x128xi32>
    %jit3A_355 = arith.constant 0 : i32
    %broadcast_in_dim3A_356 = vector.broadcast %jit3A_355 : i32 to vector<512x128xi32>
    %select_n3A_357 = arith.select %and3A_347, %add3A_354, %broadcast_in_dim3A_356 : vector<512x128xi1>, vector<512x128xi32>
    %add3A_358 = arith.addi %add3A_321, %select_n3A_357 : vector<512x128xi32>
    %ge3A_359 = arith.constant 54 : i32
    %ge3A_360 = vector.broadcast %ge3A_359 : i32 to vector<512x128xi32>
    %ge3A_361 = arith.cmpi sge, %iota3A_32, %ge3A_360 : vector<512x128xi32>
    %lt3A_362 = arith.constant 64 : i32
    %lt3A_363 = vector.broadcast %lt3A_362 : i32 to vector<512x128xi32>
    %lt3A_364 = arith.cmpi slt, %iota3A_32, %lt3A_363 : vector<512x128xi32>
    %and3A_365 = arith.andi %ge3A_361, %lt3A_364 : vector<512x128xi1>
    %add3A_366 = vector.broadcast %mul3A_31 : i32 to vector<512x1xi32>
    %add3A_367 = arith.addi %broadcast_in_dim3A_43, %add3A_366 : vector<512x1xi32>
    %mul3A_368 = arith.constant 6 : i32
    %mul3A_369 = vector.broadcast %mul3A_368 : i32 to vector<512x1xi32>
    %mul3A_370 = arith.muli %add3A_367, %mul3A_369 : vector<512x1xi32>
    %broadcast_in_dim3A_371 = vector.shape_cast %mul3A_370 : vector<512x1xi32> to vector<512x1xi32>
    %broadcast_in_dim3A_372 = vector.broadcast %broadcast_in_dim3A_371 : vector<512x1xi32> to vector<512x128xi32>
    %select_n3A_373 = arith.select %and3A_365, %broadcast_in_dim3A_372, %add3A_358 : vector<512x128xi1>, vector<512x128xi32>
    %swap3A_374 = arith.constant 0 : index
    %swap3A_375 = arith.constant 0 : index
    %swap3A_376 = arith.constant 0 : index
    %swap3A_377 = vector.load %arg5[%swap3A_374, %swap3A_375, %swap3A_376] : memref<1x512x128xi32, #tpu.memory_space<vmem>>, vector<1x512x128xi32>
    %swap3A_378 = vector.shape_cast %swap3A_377 : vector<1x512x128xi32> to vector<512x128xi32>
    %swap3A_379 = vector.shape_cast %select_n3A_373 : vector<512x128xi32> to vector<1x512x128xi32>
    tpu.vector_store %arg5[%swap3A_374, %swap3A_375, %swap3A_376], %swap3A_379 {strides = array<i32>} : memref<1x512x128xi32, #tpu.memory_space<vmem>>, vector<1x512x128xi32>,
    return
  }
  func.func @transform_0(%arg0: i32) -> (i32, i32, i32) {
    %c0_i32 = arith.constant 0 : i32
    %c0_i32_0 = arith.constant 0 : i32
    %c0_i32_1 = arith.constant 0 : i32
    return %arg0, %c0_i32, %c0_i32_0 : i32, i32, i32
  }
  func.func @transform_1(%arg0: i32) -> (i32, i32) {
    %c0_i32 = arith.constant 0 : i32
    %c0_i32_0 = arith.constant 0 : i32
    %c0_i32_1 = arith.constant 0 : i32
    return %c0_i32, %c0_i32_0 : i32, i32
  }
  func.func @transform_2(%arg0: i32) -> (i32, i32) {
    %c0_i32 = arith.constant 0 : i32
    %c0_i32_0 = arith.constant 0 : i32
    %c0_i32_1 = arith.constant 0 : i32
    return %c0_i32, %c0_i32_0 : i32, i32
  }
  func.func @transform_3(%arg0: i32) -> (i32, i32, i32) {
    %c0_i32 = arith.constant 0 : i32
    %c0_i32_0 = arith.constant 0 : i32
    %c0_i32_1 = arith.constant 0 : i32
    return %arg0, %c0_i32, %c0_i32_0 : i32, i32, i32
  }
  func.func @transform_4(%arg0: i32) -> (i32, i32, i32) {
    %c0_i32 = arith.constant 0 : i32
    %c0_i32_0 = arith.constant 0 : i32
    %c0_i32_1 = arith.constant 0 : i32
    return %arg0, %c0_i32, %c0_i32_0 : i32, i32, i32
  }
}

module attributes {stable_mosaic.version = 14 : i64} {
  func.func @_vig_b_kernel(%arg0: i32, %arg1: memref<1x512x768xf32, #tpu.memory_space<vmem>>, %arg2: memref<1x512x768xf32, #tpu.memory_space<vmem>>, %arg3: memref<768x768xbf16, #tpu.memory_space<vmem>>, %arg4: memref<768x768xbf16, #tpu.memory_space<vmem>>, %arg5: memref<1x768xf32, #tpu.memory_space<vmem>>, %arg6: memref<1x512x768xf32, #tpu.memory_space<vmem>>) attributes {dimension_semantics = [#tpu.dimension_semantics<arbitrary>], iteration_bounds = array<i64: 8>, scalar_prefetch = 0 : i64, scratch_operands = 0 : i64, tpu.core_type = #tpu.core_type<tc>, window_params = [{transform_indices = @transform_0, window_bounds = array<i64: 1, 512, 768>}, {transform_indices = @transform_1, window_bounds = array<i64: 1, 512, 768>}, {pipeline_mode = #tpu.pipeline_mode<synchronous>, transform_indices = @transform_2, window_bounds = array<i64: 768, 768>}, {pipeline_mode = #tpu.pipeline_mode<synchronous>, transform_indices = @transform_3, window_bounds = array<i64: 768, 768>}, {pipeline_mode = #tpu.pipeline_mode<synchronous>, transform_indices = @transform_4, window_bounds = array<i64: 1, 768>}, {transform_indices = @transform_5, window_bounds = array<i64: 1, 512, 768>}]} {
    %get3A = arith.constant 0 : index
    %get3A_0 = arith.constant 0 : index
    %get3A_1 = arith.constant 0 : index
    %get3A_2 = vector.load %arg1[%get3A, %get3A_0, %get3A_1] : memref<1x512x768xf32, #tpu.memory_space<vmem>>, vector<1x512x768xf32>
    %get3A_3 = vector.shape_cast %get3A_2 : vector<1x512x768xf32> to vector<512x768xf32>
    %convert_element_type3A = arith.truncf %get3A_3 : vector<512x768xf32> to vector<512x768xbf16>
    %get3A_4 = arith.constant 0 : index
    %get3A_5 = arith.constant 0 : index
    %get3A_6 = vector.load %arg3[%get3A_4, %get3A_5] : memref<768x768xbf16, #tpu.memory_space<vmem>>, vector<768x768xbf16>
    %dot_general3A = arith.constant dense<0.000000e+00> : vector<512x768xf32>
    %dot_general3A_7 = tpu.matmul %convert_element_type3A, %get3A_6, %dot_general3A {dimension_numbers = #tpu.dot_dimension_numbers<[1], [0], [0], [1], [0, 0, 1, 1], [], []>, transpose_lhs_hint = false} : vector<512x768xbf16>, vector<768x768xbf16>, vector<512x768xf32> -> vector<512x768xf32>
    %get3A_8 = arith.constant 0 : index
    %get3A_9 = arith.constant 0 : index
    %get3A_10 = arith.constant 0 : index
    %get3A_11 = vector.load %arg2[%get3A_8, %get3A_9, %get3A_10] : memref<1x512x768xf32, #tpu.memory_space<vmem>>, vector<1x512x768xf32>
    %get3A_12 = vector.shape_cast %get3A_11 : vector<1x512x768xf32> to vector<512x768xf32>
    %convert_element_type3A_13 = arith.truncf %get3A_12 : vector<512x768xf32> to vector<512x768xbf16>
    %get3A_14 = arith.constant 0 : index
    %get3A_15 = arith.constant 0 : index
    %get3A_16 = vector.load %arg4[%get3A_14, %get3A_15] : memref<768x768xbf16, #tpu.memory_space<vmem>>, vector<768x768xbf16>
    %dot_general3A_17 = arith.constant dense<0.000000e+00> : vector<512x768xf32>
    %dot_general3A_18 = tpu.matmul %convert_element_type3A_13, %get3A_16, %dot_general3A_17 {dimension_numbers = #tpu.dot_dimension_numbers<[1], [0], [0], [1], [0, 0, 1, 1], [], []>, transpose_lhs_hint = false} : vector<512x768xbf16>, vector<768x768xbf16>, vector<512x768xf32> -> vector<512x768xf32>
    %add3A = arith.addf %dot_general3A_7, %dot_general3A_18 : vector<512x768xf32>
    %get3A_19 = arith.constant 0 : index
    %get3A_20 = arith.constant 0 : index
    %get3A_21 = vector.load %arg5[%get3A_19, %get3A_20] : memref<1x768xf32, #tpu.memory_space<vmem>>, vector<1x768xf32>
    %add3A_22 = vector.broadcast %get3A_21 : vector<1x768xf32> to vector<512x768xf32>
    %add3A_23 = arith.addf %add3A, %add3A_22 : vector<512x768xf32>
    %max3A = arith.constant 0.000000e+00 : f32
    %max3A_24 = vector.broadcast %max3A : f32 to vector<512x768xf32>
    %max3A_25 = arith.maximumf %add3A_23, %max3A_24 : vector<512x768xf32>
    %add3A_26 = arith.addf %get3A_3, %max3A_25 : vector<512x768xf32>
    %swap3A = arith.constant 0 : index
    %swap3A_27 = arith.constant 0 : index
    %swap3A_28 = arith.constant 0 : index
    %swap3A_29 = vector.load %arg6[%swap3A, %swap3A_27, %swap3A_28] : memref<1x512x768xf32, #tpu.memory_space<vmem>>, vector<1x512x768xf32>
    %swap3A_30 = vector.shape_cast %swap3A_29 : vector<1x512x768xf32> to vector<512x768xf32>
    %swap3A_31 = vector.shape_cast %add3A_26 : vector<512x768xf32> to vector<1x512x768xf32>
    tpu.vector_store %arg6[%swap3A, %swap3A_27, %swap3A_28], %swap3A_31 {strides = array<i32>} : memref<1x512x768xf32, #tpu.memory_space<vmem>>, vector<1x512x768xf32>,
    return
  }
  func.func @transform_0(%arg0: i32) -> (i32, i32, i32) {
    %c0_i32 = arith.constant 0 : i32
    %c0_i32_0 = arith.constant 0 : i32
    %c0_i32_1 = arith.constant 0 : i32
    return %arg0, %c0_i32, %c0_i32_0 : i32, i32, i32
  }
  func.func @transform_1(%arg0: i32) -> (i32, i32, i32) {
    %c0_i32 = arith.constant 0 : i32
    %c0_i32_0 = arith.constant 0 : i32
    %c0_i32_1 = arith.constant 0 : i32
    return %arg0, %c0_i32, %c0_i32_0 : i32, i32, i32
  }
  func.func @transform_2(%arg0: i32) -> (i32, i32) {
    %c0_i32 = arith.constant 0 : i32
    %c0_i32_0 = arith.constant 0 : i32
    %c0_i32_1 = arith.constant 0 : i32
    return %c0_i32, %c0_i32_0 : i32, i32
  }
  func.func @transform_3(%arg0: i32) -> (i32, i32) {
    %c0_i32 = arith.constant 0 : i32
    %c0_i32_0 = arith.constant 0 : i32
    %c0_i32_1 = arith.constant 0 : i32
    return %c0_i32, %c0_i32_0 : i32, i32
  }
  func.func @transform_4(%arg0: i32) -> (i32, i32) {
    %c0_i32 = arith.constant 0 : i32
    %c0_i32_0 = arith.constant 0 : i32
    %c0_i32_1 = arith.constant 0 : i32
    return %c0_i32, %c0_i32_0 : i32, i32
  }
  func.func @transform_5(%arg0: i32) -> (i32, i32, i32) {
    %c0_i32 = arith.constant 0 : i32
    %c0_i32_0 = arith.constant 0 : i32
    %c0_i32_1 = arith.constant 0 : i32
    return %arg0, %c0_i32, %c0_i32_0 : i32, i32, i32
  }
}

</mosaic_0001>

<sc_bundles>
// kernel: kernel.6.cloned.1.call-start
scs
__scs_entry_jumppad:
0x0: {  	(pc) =	sbr.rel $0x88, $3  }
0x1: {  	(tag) =	ssettag $0x0;
	lr =	simm.s32 $0x1  }
0x2: {  	[smem:$0x3F98] =	sst lr;
	_ =	strace $0xD0000000  }
0x3: {  	_ = 	snop  }
0x4: {  	_ = 	snop  }
0x5: {  	_ = 	snop  }
0x6: {  	_ = 	snop  }
0x7: {  	_ = 	snop  }
__scs_overlays_trampoline_lowered:
0x8: {  	[smem:$0x3FA7] =	sst s0  }
0x9: {  	[smem:$0x3FA8] =	sst s1  }
0xa: {  	[smem:$0x3FA9] =	sst s2  }
0xb: {  	[smem:$0x3FAA] =	sst s3  }
0xc: {  	[smem:$0x3FAB] =	sst s4  }
0xd: {  	[smem:$0x3FAC] =	sst s5  }
0xe: {  	[smem:$0x3FAD] =	sst s6  }
0xf: {  	[smem:$0x3FAE] =	sst s7  }
0x10: {  	[smem:$0x3FAF] =	sst s8  }
0x11: {  	[smem:$0x3FB0] =	sst s9;
	s0 =	simm.s32 @!p0 $0x0  }
0x12: {  	s1 =	sld [smem:$0x3F96];
	s0 =	simm.s32 @p0 $0x1  }
0x13: {  	[smem:$0x3FB1] =	sst s0;
	s0 =	simm.s32 @!p1 $0x0  }
0x14: {  	s2 =	sld [smem:$0x3F95];
	s0 =	simm.s32 @p1 $0x1  }
0x15: {  	[smem:$0x3FB2] =	sst s0;
	s0 =	simm.s32 @!p2 $0x0  }
0x16: {  	s3 =	sld [smem:$0x3FDB];
	s0 =	simm.s32 @p2 $0x1  }
0x17: {  	s4 =	simm.s32 $0x1BF5;
	[smem:$0x3FB4] =	sst s0  }
0x18: {  	s0 =	sld [smem:$0x3F97];
	_ =	swait.ge [sflag:s4], $0x0  }
0x19: {  	s7 =	sld [smem:$0x3F98]  }
0x1a: {  	s8 =	sadd.s32 $0xFFFFE003, lr  }
0x1b: {  	s9 =	sadd.s32 $0xFFFFFEF7, lr;
	s5 =	simm.s32 $0xFFFFFFFF;
	p2 =	slt.u32 s8, $0xFFFFF086  }
0x1c: {  	p1 =	slt.u32 s9, $0xF7A;
	s5 =	simm.s32 @!p2 $0x0  }
0x1d: {  	s5 =	simm.s32 @p1 $0x1;
	p0 =	seq.s32 s7, s2  }
0x1e: {  	s7 =	smul.u32 @!p0 $0xF7A, s2;
	p2 =	seq.s32 @!p0 s5, $0x0  }
0x1f: {  	s9 =	smul.u32 $0xF7A, s1;
	s8 =	simm.s32 @!p0 $0x1BF5;
	p2 =	por !p2, p0  }
0x20: {  	[sflag:s8] =	ssyncset.s32 @!p0 $0xFFFFF086;
	s6 =	sadd.s32 @!p0 s3, s7;
	s7 =	simm.s32 @!p0 $0x108  }
0x21: {  	s3 =	sadd.s32 s3, s9;
	s6 =	sadd.s32 @!p0 $0x88, s6;
	s7 =	simm.s32 @p2 $0x1082  }
0x22: {  	[simem:s7], [sflag:s8] =	dma.local @!p0 [hbm:s6], $0xF7A  }
0x23: {  	s9 =	sor.u32 $0xD0000000, s2;
	s6 =	simm.s32 $0x108;
	_ =	swait.ge @!p0 [sflag:s8], $0x0  }
0x24: {  	s3 =	sadd.s32 $0x88, s3;
	s6 =	simm.s32 @!p1 $0x1082;
	[sflag:s4] =	ssyncset.s32 $0xFFFFF086  }
0x25: {  	[simem:s6], [sflag:s4] =	dma.local [hbm:s3], $0xF7A  }
0x26: {  	[smem:$0x3F98] =	sst s1;
	(tag) =	ssettag s2;
	_ =	strace s9  }
0x27: {  	s1 =	sld [smem:$0x3FA8]  }
0x28: {  	s2 =	sld [smem:$0x3FA9]  }
0x29: {  	s4 =	sld [smem:$0x3FAB]  }
0x2a: {  	p0 =	seq.s32 s5, $0x0;
	s5 =	sld [smem:$0x3FAC]  }
0x2b: {  	s6 =	sld [smem:$0x3FAD]  }
0x2c: {  	s7 =	sld [smem:$0x3FAE]  }
0x2d: {  	s3 =	simm.s32 $0x108;
	s8 =	sld [smem:$0x3FAF]  }
0x2e: {  	s3 =	simm.s32 @!p0 $0x1082;
	s9 =	sld [smem:$0x3FB0]  }
0x2f: {  	lr =	sadd.s32 s0, s3;
	s0 =	sld [smem:$0x3FA7]  }
0x30: {  	s3 =	sld [smem:$0x3FAA]  }
0x31: {  	[smem:$0x3FB3] =	sst s10  }
0x32: {  	s10 =	sld [smem:$0x3FB1];
	_ =	sdelay $0x3  }
0x33: {  	p0 =	seq.s32 s10, $0x1;
	s10 =	sld [smem:$0x3FB3];
	_ =	sdelay $0x3  }
0x34: {  	[smem:$0x3FB3] =	sst s10  }
0x35: {  	s10 =	sld [smem:$0x3FB2];
	_ =	sdelay $0x3  }
0x36: {  	p1 =	seq.s32 s10, $0x1;
	s10 =	sld [smem:$0x3FB3];
	_ =	sdelay $0x3  }
0x37: {  	[smem:$0x3FB3] =	sst s10  }
0x38: {  	s10 =	sld [smem:$0x3FB4]  }
0x39: {  	_ = 	snop;
	(pc) =	sbr.ind lr, $3  }
0x3a: {  	_ = 	snop  }
0x3b: {  	_ = 	snop  }
0x3c: {  	p2 =	seq.s32 s10, $0x1;
	s10 =	sld [smem:$0x3FB3]  }
0x3d: {  	_ =	shalt  }
0x3e: {  	_ =	shalt  }
0x3f: {  	_ =	shalt  }
0x40: {  	_ =	shalt  }
0x41: {  	_ =	shalt  }
0x42: {  	_ =	shalt  }
0x43: {  	_ =	shalt  }
0x44: {  	_ =	shalt  }
0x45: {  	_ =	shalt  }
0x46: {  	_ =	shalt  }
0x47: {  	_ =	shalt  }
0x48: {  	_ =	shalt  }
0x49: {  	_ =	shalt  }
0x4a: {  	_ =	shalt  }
0x4b: {  	_ =	shalt  }
0x4c: {  	_ =	shalt  }
0x4d: {  	_ =	shalt  }
0x4e: {  	_ =	shalt  }
0x4f: {  	_ =	shalt  }
0x50: {  	_ =	shalt  }
0x51: {  	_ =	shalt  }
0x52: {  	_ =	shalt  }
0x53: {  	_ =	shalt  }
0x54: {  	_ =	shalt  }
0x55: {  	_ =	shalt  }
0x56: {  	_ =	shalt  }
0x57: {  	_ =	shalt  }
0x58: {  	_ =	shalt  }
0x59: {  	_ =	shalt  }
0x5a: {  	_ =	shalt  }
0x5b: {  	_ =	shalt  }
0x5c: {  	_ =	shalt  }
0x5d: {  	_ =	shalt  }
0x5e: {  	_ =	shalt  }
0x5f: {  	_ =	shalt  }
0x60: {  	_ =	shalt  }
0x61: {  	_ =	shalt  }
0x62: {  	_ =	shalt  }
0x63: {  	_ =	shalt  }
0x64: {  	_ =	shalt  }
0x65: {  	_ =	shalt  }
0x66: {  	_ =	shalt  }
0x67: {  	_ =	shalt  }
0x68: {  	_ =	shalt  }
0x69: {  	_ =	shalt  }
0x6a: {  	_ =	shalt  }
0x6b: {  	_ =	shalt  }
0x6c: {  	_ =	shalt  }
0x6d: {  	_ =	shalt  }
0x6e: {  	_ =	shalt  }
0x6f: {  	_ =	shalt  }
0x70: {  	_ =	shalt  }
0x71: {  	_ =	shalt  }
0x72: {  	_ =	shalt  }
0x73: {  	_ =	shalt  }
0x74: {  	_ =	shalt  }
0x75: {  	_ =	shalt  }
0x76: {  	_ =	shalt  }
0x77: {  	_ =	shalt  }
0x78: {  	_ =	shalt  }
0x79: {  	_ =	shalt  }
0x7a: {  	_ =	shalt  }
0x7b: {  	_ =	shalt  }
0x7c: {  	_ =	shalt  }
0x7d: {  	_ =	shalt  }
0x7e: {  	_ =	shalt  }
0x7f: {  	_ =	shalt  }
0x80: {  	_ =	shalt  }
0x81: {  	_ =	shalt  }
0x82: {  	_ =	shalt  }
0x83: {  	_ =	shalt  }
0x84: {  	_ =	shalt  }
0x85: {  	_ =	shalt  }
0x86: {  	_ =	shalt  }
0x87: {  	_ =	shalt  }
.Lfunc_end0:
.L_simem_size_0:
called_computation_lowered:
.L_overlay_start_0:
0x88: {  	s2 =	sld [smem:$0x3FD9]  }
0x89: {  	s3 =	sld [smem:$0x3FFE];
	_ =	sdelay $0x1  }
0x8a: {  	s1 =	srdreg.scid  }
0x8b: {  	s0 =	sand.u32 $0x1, s1  }
0x8c: {  	s14 =	sshll.u32 s0, $0xA;
	s2 =	sadd.s32 s3, s2  }
0x8d: {  	s2 =	sadd.s32 s2, s14  }
0x8e: {  	[smem:$0x3FBF] =	sst s2  }
0x8f: {  	_ = 	snop  }
0x90: {  	s2 =	sld [smem:$0x3FD0];
	_ =	sdelay $0x2  }
0x91: {  	s15 =	simm.s32 $0xA;
	s4 =	simm.s32 $0x10  }
0x92: {  	[smem:s4], [sflag:s15] =	dma.local [hbm:s2], $0x1  }
0x93: {  	_ =	swait.eq [sflag:s15], $0x1  }
0x94: {  	[sflag:s15] =	ssyncset.done $0x0  }
0x95: {  	[sflag:s15] =	ssyncadd.s32 $0xFFFFFFFF  }
0x96: {  	s16 =	sld [smem:$0x11];
	(tm) =	ssettm $0x1  }
0x97: {  	s17 =	sld [smem:$0x3FFB];
	_ =	sdelay $0x3  }
0x98: {  	_ =	strace s17  }
0x99: {  	s3 =	sld [smem:$0x3FFC];
	_ =	sdelay $0x3  }
0x9a: {  	_ =	strace s3  }
0x9b: {  	s3 =	sld [smem:$0x3FFD];
	_ =	sdelay $0x3  }
0x9c: {  	_ =	strace s3  }
0x9d: {  	_ =	strace $0x8FFFFFFF  }
0x9e: {  	s18 =	sld [smem:$0x3FDB];
	_ =	sdelay $0x1  }
0x9f: {  	s19 =	simm.s32 $_scs_section_size  }
0xa0: {  	s5 =	simm.s32 $_size__tile_overlayer_lowered;
	s6 =	simm.s32 $_tile_overlayer_lowered  }
0xa1: {  	s22 =	simm.s32 $0x1BFF;
	s21 =	sshll.u32 s6, $0x1;
	s3 =	sadd.s32 s19, s18  }
0xa2: {  	s7 =	simm.s32 $0x0;
	s20 =	sshll.u32 s5, $0x1;
	s5 =	sadd.s32 s21, s3  }
0xa3: {  	[timem:s7], [sflag:s22] =	dma.local [hbm:s5], s20  }
0xa4: {  	_ =	swait.ge [sflag:s22], s20  }
0xa5: {  	s4 =	ssub.s32 $0x0, s20;
	[sflag:s22] =	ssyncset.done $0x0  }
0xa6: {  	[sflag:s22] =	ssyncadd.s32 s4;
	_ =	sdelay $0x1  }
0xa7: {  	s23 =	simm.s32 $0x1B8B  }
0xa8: {  	_ =	swait.ge [sflag:s23], $0x1  }
0xa9: {  	[sflag:s23] =	ssyncset.done $0x0  }
0xaa: {  	s25 =	simm.s32 $0x1B8E;
	s24 =	sld [smem:$0x3FFE];
	[sflag:s23] =	ssyncadd.s32 $0xFFFFFFFF  }
0xab: {  	s26 =	simm.s32 $execute0_lowered;
	[smem:$0x3FD2] =	sst s25  }
0xac: {  	s5 =	sshll.u32 s26, $0x1;
	_ =	strace $0x80000046;
	[dreg:$0x1] =	wrdreg $0xFFFFFFFF  }
0xad: {  	s28 =	simm.s32 $_size_execute0_lowered;
	s3 =	sadd.s32 s3, s5;
	[dreg:$0x0] =	wrdreg $0x0  }
0xae: {  	s5 =	sshll.u32 s28, $0x1;
	[dreg:$0x2] =	wrdreg s3  }
0xaf: {  	[dreg:$0x3] =	wrdreg s5  }
0xb0: {  	[dreg:$0x4] =	wrdreg $0xC0  }
0xb1: {  	_ =	task [dreg:s7], $0x5FFFF  }
0xb2: {  	[dreg:$0x1] =	wrdreg $0xFFFFFFFF  }
0xb3: {  	[dreg:$0x0] =	wrdreg $0x60  }
0xb4: {  	[dreg:$0x2] =	wrdreg s24  }
0xb5: {  	[dreg:$0x3] =	wrdreg s16  }
0xb6: {  	[dreg:$0x4] =	wrdreg $0x9  }
0xb7: {  	_ =	task.clear_ibuf [dreg:s7], $0x5FFFF;
	_ =	strace $0x90000046  }
0xb8: {  	s29 =	simm.s32 $0x9;
	_ =	strace $0x80000048  }
0xb9: {  	_ =	swait.ge [sflag:s29], $0x1  }
0xba: {  	[sflag:s29] =	ssyncadd.s32 $0xFFFFFFFF  }
0xbb: {  	_ =	strace $0x90000048  }
0xbc: {  	_ =	sfence  }
0xbd: {  	s30 =	sld [smem:$0x0];
	_ =	sdelay $0x2  }
0xbe: {  	s31 =	sshll.u32 s1, $0xD;
	s1 =	sshrl.u32 s1, $0x2  }
0xbf: {  	s3 =	sand.u32 $0x4000, s31;
	s1 =	sadd.s32 s1, s30  }
0xc0: {  	s0 =	sor.u32 s3, s0;
	s1 =	sshll.u32 s1, $0x11  }
0xc1: {  	s0 =	sor.u32 s1, s0  }
0xc2: {  	s0 =	sadd.s32 $0x8F2B, s0  }
0xc3: {  	[sflag:s0] =	ssyncadd.remote.s32 $0x1  }
0xc4: {  	_ =	sfence.sel $0xFFFF  }
0xc5: {  	[dreg:$0x0] =	wrdreg $0xFFFFFFFF;
	(pc) =	sbr.abs _section_cstart, $3  }
0xc6: {  	[dreg:$0x1] =	wrdreg $0xFFFFFFFF  }
0xc7: {  	_ =	task.clear_ibuf [dreg:s7], $0x2FFFF;
	_ =	strace $0x9FFFFFFF  }
0xc8: {  	(tm) =	ssettm $0x7FFFFFFF  }
0xc9: {  	_ =	shalt  }
tec
execute0_lowered:
.L_overlay_start_1:
0x0: {  	(tag) =	ssettag $0x1  }
0x1: {  	s5 =	rddreg [dreg:$0x0]  }
0x2: {  	s2 =	rddreg [dreg:$0x1]  }
0x3: {  	s3 =	simm.s32 $0x0;
	s4 =	srdreg.scid;
	s1 =	stileid.u32  }
0x4: {  	s11 =	simm.s32 $0x400;
	s12 =	simm.s32 $0x40;
	s13 =	simm.s32 $0x1C00  }
0x5: {  	s14 =	simm.s32 $0x80;
	s15 =	simm.s32 $0x3C00;
	s16 =	simm.s32 $0x100  }
0x6: {  	s17 =	simm.s32 $0x5C00;
	s18 =	simm.s32 $0x180;
	s19 =	simm.s32 $0x7C00  }
0x7: {  	s20 =	simm.s32 $0x1;
	s21 =	simm.s32 $0x200;
	s22 =	simm.s32 $0x11C00  }
0x8: {  	s23 =	simm.s32 $0x0;
	[smem:$0x7FF] =	sst s3;
	s4 =	sand.u32 $0x1, s4  }
0x9: {  	s6 =	sshll.u32 s1, $0x1;
	_ =	strace $0x80000047;
	s7 =	ssub.s32 $0x2, s4  }
0xa: {  	s6 =	sor.u32 s4, s6;
	s4 =	sadd.s32 $0x60600, s5;
	s5 =	sadd.s32 $0xC0600, s5  }
0xb: {  	s8 =	sshrl.u32 s7, $0x1;
	s9 =	smul.u32 $0x3000, s6;
	s31 =	sshll.u32 s6, $0xB  }
0xc: {  	s6 =	sshll.u32 s6, $0x7;
	s10 =	ssub.s32 s7, s8;
	s7 =	sadd.s32 s2, s31  }
0xd: {  	s8 =	sadd.s32 s4, s9;
	s9 =	smax.u32 s10, $0x1;
	s10 =	simm.s32 $0x2  }
.LBB2_1:
0xe: {  	[tilespmem:s3], [sflag:$0x2] =	stream.linear.gather [hbm4b:s7+s3], $0x200, $0x38;
	[tilespmem:$0x12800] =	vst v63  }
0xf: {  	_ =	swait.ge [sflag:s10], $0x200  }
0x10: {  	[sflag:s10] =	ssyncset.done $0x0  }
0x11: {  	[sflag:s10] =	ssyncadd.s32 $0xFFFFFE00  }
0x12: {  	[tilespmem:s11], [sflag:$0x2] =	stream.linear.gather [hbm4b:s8+s3], $0xC00, $0x38;
	[tilespmem:$0x12800] =	vst v63  }
0x13: {  	_ =	swait.ge [sflag:s10], $0xC00  }
0x14: {  	[sflag:s10] =	ssyncset.done $0x0  }
0x15: {  	[sflag:s10] =	ssyncadd.s32 $0xFFFFF400  }
0x16: {  	[tilespmem:s13], [sflag:$0x1] =	stream.indirect.gather [hbm4b:s4+s12], $0x80, s3, s12, $0xb8;
	[tilespmem:$0x12800] =	vst v63  }
0x17: {  	_ = 	snop  }
0x18: {  	[tilespmem:s15], [sflag:$0x1] =	stream.indirect.gather [hbm4b:s4+s12], $0x80, s14, s12, $0xb8;
	[tilespmem:$0x12800] =	vst v63  }
0x19: {  	_ = 	snop  }
0x1a: {  	[tilespmem:s17], [sflag:$0x1] =	stream.indirect.gather [hbm4b:s4+s12], $0x80, s16, s12, $0xb8;
	[tilespmem:$0x12800] =	vst v63  }
0x1b: {  	s25 =	simm.s32 $0x0  }
0x1c: {  	[tilespmem:s19], [sflag:$0x1] =	stream.indirect.gather [hbm4b:s4+s12], $0x80, s18, s12, $0xb8;
	[tilespmem:$0x12800] =	vst v63  }
.LBB2_2:
0x1d: {  	s24 =	sadd.s32 $0x1, s25;
	p0 =	seq.s32 s25, $0x1F  }
0x1e: {  	s26 =	sshll.u32 @!p0 s24, $0x2  }
0x1f: {  	s28 =	sshll.u32 @!p0 s24, $0x6;
	s26 =	sadd.s32 @!p0 s6, s26  }
0x20: {  	s28 =	sand.u32 @!p0 $0x40, s28;
	s29 =	sshll.u32 @!p0 s26, $0x4  }
0x21: {  	s30 =	sand.u32 @!p0 $0x1, s24;
	s28 =	sadd.s32 @!p0 s2, s28;
	s29 =	sand.u32 @!p0 $0xFFFFF80, s29  }
0x22: {  	s31 =	sshll.u32 @!p0 s30, $0x9;
	s28 =	sadd.s32 @!p0 s29, s28;
	s29 =	simm.s32 @!p0 $0x0  }
0x23: {  	[tilespmem:s31], [sflag:$0x2] =	stream.linear.gather @!p0 [hbm4b:s28+s29], $0x200, $0x38;
	[tilespmem:$0x12800] =	vst v63  }
0x24: {  	s0 =	smul.u32 @!p0 $0x3000, s30;
	s28 =	simm.s32 @!p0 $0x2  }
0x25: {  	s26 =	smul.u32 @!p0 $0x60, s26;
	_ =	swait.ge @!p0 [sflag:s28], $0x200  }
0x26: {  	s0 =	sshrl.u32 @!p0 s0, $0x2;
	[sflag:s28] =	ssyncset.done @!p0 $0x0  }
0x27: {  	s0 =	sadd.s32 @!p0 $0x400, s0;
	s26 =	sadd.s32 @!p0 s4, s26;
	[sflag:s28] =	ssyncadd.s32 @!p0 $0xFFFFFE00  }
0x28: {  	[tilespmem:s0], [sflag:$0x2] =	stream.linear.gather @!p0 [hbm4b:s26+s29], $0xC00, $0x38;
	[tilespmem:$0x12800] =	vst v63  }
0x29: {  	_ =	swait.ge @!p0 [sflag:s28], $0xC00  }
0x2a: {  	s0 =	sshll.u32 @!p0 s30, $0xF;
	[sflag:s28] =	ssyncset.done @!p0 $0x0  }
0x2b: {  	s26 =	sor.u32 @!p0 $0x1C00, s0;
	[sflag:s28] =	ssyncadd.s32 @!p0 $0xFFFFF400;
	s28 =	simm.s32 @!p0 $0x40  }
0x2c: {  	[tilespmem:s26], [sflag:$0x1] =	stream.indirect.gather @!p0 [hbm4b:s4+s28], $0x80, s31, s28, $0xb8;
	[tilespmem:$0x12800] =	vst v63  }
0x2d: {  	s29 =	sor.u32 @!p0 $0x80, s31;
	s26 =	sor.u32 @!p0 $0x3C00, s0  }
0x2e: {  	[tilespmem:s26], [sflag:$0x1] =	stream.indirect.gather @!p0 [hbm4b:s4+s28], $0x80, s29, s28, $0xb8;
	[tilespmem:$0x12800] =	vst v63  }
0x2f: {  	s26 =	sor.u32 @!p0 $0x5C00, s0;
	s29 =	sor.u32 @!p0 $0x100, s31  }
0x30: {  	[tilespmem:s26], [sflag:$0x1] =	stream.indirect.gather @!p0 [hbm4b:s4+s28], $0x80, s29, s28, $0xb8;
	[tilespmem:$0x12800] =	vst v63  }
0x31: {  	s0 =	sor.u32 @!p0 $0x7C00, s0;
	s26 =	sor.u32 @!p0 $0x180, s31  }
0x32: {  	[tilespmem:s0], [sflag:$0x1] =	stream.indirect.gather @!p0 [hbm4b:s4+s28], $0x80, s26, s28, $0xb8;
	[tilespmem:$0x12800] =	vst v63  }
0x33: {  	_ =	swait.ge [sflag:s20], $0x2000  }
0x34: {  	[sflag:s20] =	ssyncset.done $0x0  }
0x35: {  	[sflag:s20] =	ssyncadd.s32 $0xFFFFE000  }
0x36: {  	_ =	swait.ge [sflag:s20], $0x2000  }
0x37: {  	[sflag:s20] =	ssyncset.done $0x0  }
0x38: {  	[sflag:s20] =	ssyncadd.s32 $0xFFFFE000  }
0x39: {  	s29 =	sand.u32 $0x1, s25;
	_ =	swait.ge [sflag:s20], $0x2000  }
0x3a: {  	s30 =	smul.u32 $0x3000, s29;
	s0 =	sshll.u32 s29, $0xF;
	[sflag:s20] =	ssyncset.done $0x0  }
0x3b: {  	s0 =	sor.u32 $0x1C00, s0;
	[sflag:s20] =	ssyncadd.s32 $0xFFFFE000  }
0x3c: {  	s26 =	sshrl.u32 s30, $0x2;
	v0 =	vmov s0;
	_ =	swait.ge [sflag:s20], $0x2000  }
0x3d: {  	s31 =	sadd.s32 $0x400, s26;
	[sflag:s20] =	ssyncset.done $0x0  }
0x3e: {  	s26 =	simm.s32 $0x0;
	v1 =	vmov s31;
	[sflag:s20] =	ssyncadd.s32 $0xFFFFE000  }
.LBB2_3:
0x3f: {  	s0 =	sshll.u32 s26, $0xD  }
0x40: {  	s28 =	sand.u32 $0x3FFFE000, s0  }
0x41: {  	v2 =	vld.idx.msk [tilespmem:v0+s28+$0x0 ss:$0x1], $0xffff  }
0x42: {  	v3 =	vld.idx.msk [tilespmem:v0+s28+$0x300 ss:$0x1], $0xffff  }
0x43: {  	v4 =	vld.idx.msk [tilespmem:v0+s28+$0x600 ss:$0x1], $0xffff  }
0x44: {  	v5 =	vld.idx.msk [tilespmem:v0+s28+$0x900 ss:$0x1], $0xffff  }
0x45: {  	v6 =	vld.idx.msk [tilespmem:v0+s28+$0xC00 ss:$0x1], $0xffff  }
0x46: {  	v7 =	vld.idx.msk [tilespmem:v0+s28+$0xF00 ss:$0x1], $0xffff  }
0x47: {  	s30 =	smul.u32 $0xC00, s26;
	v2 =	vmax.f32 v2, v3;
	v3 =	vld.idx.msk [tilespmem:v0+s28+$0x1200 ss:$0x1], $0xffff  }
0x48: {  	v62 =	vld.idx.msk [tilespmem:v0+s28+$0x1500 ss:$0x1], $0xffff;
	v2 =	vmax.f32 v2, v4  }
0x49: {  	v63 =	vld.idx.msk [tilespmem:v0+s28+$0x1800 ss:$0x1], $0xffff;
	s29 =	sshra.s32 s30, $0x2;
	v2 =	vmax.f32 v2, v5  }
0x4a: {  	v9 =	vld.idx.msk [tilespmem:v1+s29+$0x0 ss:$0x1], $0xffff;
	v2 =	vmax.f32 v2, v6  }
0x4b: {  	v2 =	vmax.f32 v2, v7  }
0x4c: {  	v2 =	vmax.f32 v2, v3  }
0x4d: {  	v2 =	vmax.f32 v2, v62  }
0x4e: {  	v2 =	vmax.f32 v2, v63  }
0x4f: {  	s31 =	sshll.u32 s26, $0x9;
	v2 =	vsub.f32 v2, v9  }
0x50: {  	s30 =	sshra.s32 s31, $0x2  }
0x51: {  	[tilespmem:s30+$0x11C00] =	vst v2  }
0x52: {  	v2 =	vld.idx.msk [tilespmem:v0+s28+$0x10 ss:$0x1], $0xffff  }
0x53: {  	v3 =	vld.idx.msk [tilespmem:v0+s28+$0x310 ss:$0x1], $0xffff  }
0x54: {  	v10 =	vld.idx.msk [tilespmem:v0+s28+$0x610 ss:$0x1], $0xffff  }
0x55: {  	v11 =	vld.idx.msk [tilespmem:v0+s28+$0x910 ss:$0x1], $0xffff  }
0x56: {  	v12 =	vld.idx.msk [tilespmem:v0+s28+$0xC10 ss:$0x1], $0xffff  }
0x57: {  	v13 =	vld.idx.msk [tilespmem:v0+s28+$0xF10 ss:$0x1], $0xffff  }
0x58: {  	v2 =	vmax.f32 v2, v3;
	v3 =	vld.idx.msk [tilespmem:v0+s28+$0x1210 ss:$0x1], $0xffff  }
0x59: {  	v14 =	vld.idx.msk [tilespmem:v0+s28+$0x1510 ss:$0x1], $0xffff;
	v2 =	vmax.f32 v2, v10  }
0x5a: {  	v15 =	vld.idx.msk [tilespmem:v0+s28+$0x1810 ss:$0x1], $0xffff;
	v2 =	vmax.f32 v2, v11  }
0x5b: {  	v16 =	vld.idx.msk [tilespmem:v1+s29+$0x10 ss:$0x1], $0xffff;
	v2 =	vmax.f32 v2, v12  }
0x5c: {  	v2 =	vmax.f32 v2, v13  }
0x5d: {  	v2 =	vmax.f32 v2, v3  }
0x5e: {  	v2 =	vmax.f32 v2, v14  }
0x5f: {  	v2 =	vmax.f32 v2, v15  }
0x60: {  	v2 =	vsub.f32 v2, v16;
	_ =	sdelay $0x1  }
0x61: {  	[tilespmem:s30+$0x11C10] =	vst v2  }
0x62: {  	v2 =	vld.idx.msk [tilespmem:v0+s28+$0x20 ss:$0x1], $0xffff  }
0x63: {  	v3 =	vld.idx.msk [tilespmem:v0+s28+$0x320 ss:$0x1], $0xffff  }
0x64: {  	v17 =	vld.idx.msk [tilespmem:v0+s28+$0x620 ss:$0x1], $0xffff  }
0x65: {  	v18 =	vld.idx.msk [tilespmem:v0+s28+$0x920 ss:$0x1], $0xffff  }
0x66: {  	v19 =	vld.idx.msk [tilespmem:v0+s28+$0xC20 ss:$0x1], $0xffff  }
0x67: {  	v20 =	vld.idx.msk [tilespmem:v0+s28+$0xF20 ss:$0x1], $0xffff  }
0x68: {  	v2 =	vmax.f32 v2, v3;
	v3 =	vld.idx.msk [tilespmem:v0+s28+$0x1220 ss:$0x1], $0xffff  }
0x69: {  	v21 =	vld.idx.msk [tilespmem:v0+s28+$0x1520 ss:$0x1], $0xffff;
	v2 =	vmax.f32 v2, v17  }
0x6a: {  	v22 =	vld.idx.msk [tilespmem:v0+s28+$0x1820 ss:$0x1], $0xffff;
	v2 =	vmax.f32 v2, v18  }
0x6b: {  	v23 =	vld.idx.msk [tilespmem:v1+s29+$0x20 ss:$0x1], $0xffff;
	v2 =	vmax.f32 v2, v19  }
0x6c: {  	v2 =	vmax.f32 v2, v20  }
0x6d: {  	v2 =	vmax.f32 v2, v3  }
0x6e: {  	v2 =	vmax.f32 v2, v21  }
0x6f: {  	v2 =	vmax.f32 v2, v22  }
0x70: {  	v2 =	vsub.f32 v2, v23;
	_ =	sdelay $0x1  }
0x71: {  	[tilespmem:s30+$0x11C20] =	vst v2  }
0x72: {  	v2 =	vld.idx.msk [tilespmem:v0+s28+$0x30 ss:$0x1], $0xffff  }
0x73: {  	v3 =	vld.idx.msk [tilespmem:v0+s28+$0x330 ss:$0x1], $0xffff  }
0x74: {  	v24 =	vld.idx.msk [tilespmem:v0+s28+$0x630 ss:$0x1], $0xffff  }
0x75: {  	v25 =	vld.idx.msk [tilespmem:v0+s28+$0x930 ss:$0x1], $0xffff  }
0x76: {  	v26 =	vld.idx.msk [tilespmem:v0+s28+$0xC30 ss:$0x1], $0xffff  }
0x77: {  	v27 =	vld.idx.msk [tilespmem:v0+s28+$0xF30 ss:$0x1], $0xffff  }
0x78: {  	v2 =	vmax.f32 v2, v3;
	v3 =	vld.idx.msk [tilespmem:v0+s28+$0x1230 ss:$0x1], $0xffff  }
0x79: {  	v28 =	vld.idx.msk [tilespmem:v0+s28+$0x1530 ss:$0x1], $0xffff;
	v2 =	vmax.f32 v2, v24  }
0x7a: {  	v29 =	vld.idx.msk [tilespmem:v0+s28+$0x1830 ss:$0x1], $0xffff;
	v2 =	vmax.f32 v2, v25  }
0x7b: {  	v30 =	vld.idx.msk [tilespmem:v1+s29+$0x30 ss:$0x1], $0xffff;
	v2 =	vmax.f32 v2, v26  }
0x7c: {  	v2 =	vmax.f32 v2, v27  }
0x7d: {  	v2 =	vmax.f32 v2, v3  }
0x7e: {  	v2 =	vmax.f32 v2, v28  }
0x7f: {  	v2 =	vmax.f32 v2, v29  }
0x80: {  	v2 =	vsub.f32 v2, v30;
	_ =	sdelay $0x1  }
0x81: {  	[tilespmem:s30+$0x11C30] =	vst v2  }
0x82: {  	v2 =	vld.idx.msk [tilespmem:v0+s28+$0x40 ss:$0x1], $0xffff  }
0x83: {  	v3 =	vld.idx.msk [tilespmem:v0+s28+$0x340 ss:$0x1], $0xffff  }
0x84: {  	v31 =	vld.idx.msk [tilespmem:v0+s28+$0x640 ss:$0x1], $0xffff  }
0x85: {  	v32 =	vld.idx.msk [tilespmem:v0+s28+$0x940 ss:$0x1], $0xffff  }
0x86: {  	v33 =	vld.idx.msk [tilespmem:v0+s28+$0xC40 ss:$0x1], $0xffff  }
0x87: {  	v34 =	vld.idx.msk [tilespmem:v0+s28+$0xF40 ss:$0x1], $0xffff  }
0x88: {  	v2 =	vmax.f32 v2, v3;
	v3 =	vld.idx.msk [tilespmem:v0+s28+$0x1240 ss:$0x1], $0xffff  }
0x89: {  	v35 =	vld.idx.msk [tilespmem:v0+s28+$0x1540 ss:$0x1], $0xffff;
	v2 =	vmax.f32 v2, v31  }
0x8a: {  	v36 =	vld.idx.msk [tilespmem:v0+s28+$0x1840 ss:$0x1], $0xffff;
	v2 =	vmax.f32 v2, v32  }
0x8b: {  	v37 =	vld.idx.msk [tilespmem:v1+s29+$0x40 ss:$0x1], $0xffff;
	v2 =	vmax.f32 v2, v33  }
0x8c: {  	v2 =	vmax.f32 v2, v34  }
0x8d: {  	v2 =	vmax.f32 v2, v3  }
0x8e: {  	v2 =	vmax.f32 v2, v35  }
0x8f: {  	v2 =	vmax.f32 v2, v36  }
0x90: {  	v2 =	vsub.f32 v2, v37;
	_ =	sdelay $0x1  }
0x91: {  	[tilespmem:s30+$0x11C40] =	vst v2  }
0x92: {  	v2 =	vld.idx.msk [tilespmem:v0+s28+$0x50 ss:$0x1], $0xffff  }
0x93: {  	v3 =	vld.idx.msk [tilespmem:v0+s28+$0x350 ss:$0x1], $0xffff  }
0x94: {  	v38 =	vld.idx.msk [tilespmem:v0+s28+$0x650 ss:$0x1], $0xffff  }
0x95: {  	v39 =	vld.idx.msk [tilespmem:v0+s28+$0x950 ss:$0x1], $0xffff  }
0x96: {  	v40 =	vld.idx.msk [tilespmem:v0+s28+$0xC50 ss:$0x1], $0xffff  }
0x97: {  	v41 =	vld.idx.msk [tilespmem:v0+s28+$0xF50 ss:$0x1], $0xffff  }
0x98: {  	v2 =	vmax.f32 v2, v3;
	v3 =	vld.idx.msk [tilespmem:v0+s28+$0x1250 ss:$0x1], $0xffff  }
0x99: {  	v42 =	vld.idx.msk [tilespmem:v0+s28+$0x1550 ss:$0x1], $0xffff;
	v2 =	vmax.f32 v2, v38  }
0x9a: {  	v43 =	vld.idx.msk [tilespmem:v0+s28+$0x1850 ss:$0x1], $0xffff;
	v2 =	vmax.f32 v2, v39  }
0x9b: {  	v44 =	vld.idx.msk [tilespmem:v1+s29+$0x50 ss:$0x1], $0xffff;
	v2 =	vmax.f32 v2, v40  }
0x9c: {  	v2 =	vmax.f32 v2, v41  }
0x9d: {  	v2 =	vmax.f32 v2, v3  }
0x9e: {  	v2 =	vmax.f32 v2, v42  }
0x9f: {  	v2 =	vmax.f32 v2, v43  }
0xa0: {  	v2 =	vsub.f32 v2, v44;
	_ =	sdelay $0x1  }
0xa1: {  	[tilespmem:s30+$0x11C50] =	vst v2  }
0xa2: {  	v2 =	vld.idx.msk [tilespmem:v0+s28+$0x60 ss:$0x1], $0xffff  }
0xa3: {  	v3 =	vld.idx.msk [tilespmem:v0+s28+$0x360 ss:$0x1], $0xffff  }
0xa4: {  	v45 =	vld.idx.msk [tilespmem:v0+s28+$0x660 ss:$0x1], $0xffff  }
0xa5: {  	v46 =	vld.idx.msk [tilespmem:v0+s28+$0x960 ss:$0x1], $0xffff  }
0xa6: {  	v47 =	vld.idx.msk [tilespmem:v0+s28+$0xC60 ss:$0x1], $0xffff  }
0xa7: {  	v48 =	vld.idx.msk [tilespmem:v0+s28+$0xF60 ss:$0x1], $0xffff  }
0xa8: {  	v2 =	vmax.f32 v2, v3;
	v3 =	vld.idx.msk [tilespmem:v0+s28+$0x1260 ss:$0x1], $0xffff  }
0xa9: {  	v49 =	vld.idx.msk [tilespmem:v0+s28+$0x1560 ss:$0x1], $0xffff;
	v2 =	vmax.f32 v2, v45  }
0xaa: {  	v50 =	vld.idx.msk [tilespmem:v0+s28+$0x1860 ss:$0x1], $0xffff;
	v2 =	vmax.f32 v2, v46  }
0xab: {  	v51 =	vld.idx.msk [tilespmem:v1+s29+$0x60 ss:$0x1], $0xffff;
	v2 =	vmax.f32 v2, v47  }
0xac: {  	v2 =	vmax.f32 v2, v48  }
0xad: {  	v2 =	vmax.f32 v2, v3  }
0xae: {  	v2 =	vmax.f32 v2, v49  }
0xaf: {  	v2 =	vmax.f32 v2, v50  }
0xb0: {  	v2 =	vsub.f32 v2, v51;
	_ =	sdelay $0x1  }
0xb1: {  	[tilespmem:s30+$0x11C60] =	vst v2  }
0xb2: {  	v2 =	vld.idx.msk [tilespmem:v0+s28+$0x70 ss:$0x1], $0xffff  }
0xb3: {  	v3 =	vld.idx.msk [tilespmem:v0+s28+$0x370 ss:$0x1], $0xffff  }
0xb4: {  	v52 =	vld.idx.msk [tilespmem:v0+s28+$0x670 ss:$0x1], $0xffff  }
0xb5: {  	v53 =	vld.idx.msk [tilespmem:v0+s28+$0x970 ss:$0x1], $0xffff  }
0xb6: {  	v54 =	vld.idx.msk [tilespmem:v0+s28+$0xC70 ss:$0x1], $0xffff  }
0xb7: {  	v55 =	vld.idx.msk [tilespmem:v0+s28+$0xF70 ss:$0x1], $0xffff  }
0xb8: {  	v2 =	vmax.f32 v2, v3;
	v3 =	vld.idx.msk [tilespmem:v0+s28+$0x1270 ss:$0x1], $0xffff  }
0xb9: {  	v56 =	vld.idx.msk [tilespmem:v0+s28+$0x1570 ss:$0x1], $0xffff;
	v2 =	vmax.f32 v2, v52  }
0xba: {  	v57 =	vld.idx.msk [tilespmem:v0+s28+$0x1870 ss:$0x1], $0xffff;
	v2 =	vmax.f32 v2, v53  }
0xbb: {  	v58 =	vld.idx.msk [tilespmem:v1+s29+$0x70 ss:$0x1], $0xffff;
	v2 =	vmax.f32 v2, v54  }
0xbc: {  	v2 =	vmax.f32 v2, v55  }
0xbd: {  	v2 =	vmax.f32 v2, v3  }
0xbe: {  	v2 =	vmax.f32 v2, v56  }
0xbf: {  	v2 =	vmax.f32 v2, v57  }
0xc0: {  	v2 =	vsub.f32 v2, v58;
	_ =	sdelay $0x1  }
0xc1: {  	[tilespmem:s30+$0x11C70] =	vst v2  }
0xc2: {  	v2 =	vld.idx.msk [tilespmem:v0+s28+$0x80 ss:$0x1], $0xffff  }
0xc3: {  	v3 =	vld.idx.msk [tilespmem:v0+s28+$0x380 ss:$0x1], $0xffff  }
0xc4: {  	v59 =	vld.idx.msk [tilespmem:v0+s28+$0x680 ss:$0x1], $0xffff  }
0xc5: {  	v60 =	vld.idx.msk [tilespmem:v0+s28+$0x980 ss:$0x1], $0xffff  }
0xc6: {  	v61 =	vld.idx.msk [tilespmem:v0+s28+$0xC80 ss:$0x1], $0xffff  }
0xc7: {  	v62 =	vld.idx.msk [tilespmem:v0+s28+$0xF80 ss:$0x1], $0xffff  }
0xc8: {  	v2 =	vmax.f32 v2, v3;
	v3 =	vld.idx.msk [tilespmem:v0+s28+$0x1280 ss:$0x1], $0xffff  }
0xc9: {  	v63 =	vld.idx.msk [tilespmem:v0+s28+$0x1580 ss:$0x1], $0xffff;
	v2 =	vmax.f32 v2, v59  }
0xca: {  	v9 =	vld.idx.msk [tilespmem:v0+s28+$0x1880 ss:$0x1], $0xffff;
	v2 =	vmax.f32 v2, v60  }
0xcb: {  	v10 =	vld.idx.msk [tilespmem:v1+s29+$0x80 ss:$0x1], $0xffff;
	v2 =	vmax.f32 v2, v61  }
0xcc: {  	v2 =	vmax.f32 v2, v62  }
0xcd: {  	v2 =	vmax.f32 v2, v3  }
0xce: {  	v2 =	vmax.f32 v2, v63  }
0xcf: {  	v2 =	vmax.f32 v2, v9  }
0xd0: {  	v2 =	vsub.f32 v2, v10;
	_ =	sdelay $0x1  }
0xd1: {  	[tilespmem:s30+$0x11E00] =	vst v2  }
0xd2: {  	v2 =	vld.idx.msk [tilespmem:v0+s28+$0x90 ss:$0x1], $0xffff  }
0xd3: {  	v3 =	vld.idx.msk [tilespmem:v0+s28+$0x390 ss:$0x1], $0xffff  }
0xd4: {  	v11 =	vld.idx.msk [tilespmem:v0+s28+$0x690 ss:$0x1], $0xffff  }
0xd5: {  	v12 =	vld.idx.msk [tilespmem:v0+s28+$0x990 ss:$0x1], $0xffff  }
0xd6: {  	v13 =	vld.idx.msk [tilespmem:v0+s28+$0xC90 ss:$0x1], $0xffff  }
0xd7: {  	v14 =	vld.idx.msk [tilespmem:v0+s28+$0xF90 ss:$0x1], $0xffff  }
0xd8: {  	v2 =	vmax.f32 v2, v3;
	v3 =	vld.idx.msk [tilespmem:v0+s28+$0x1290 ss:$0x1], $0xffff  }
0xd9: {  	v15 =	vld.idx.msk [tilespmem:v0+s28+$0x1590 ss:$0x1], $0xffff;
	v2 =	vmax.f32 v2, v11  }
0xda: {  	v16 =	vld.idx.msk [tilespmem:v0+s28+$0x1890 ss:$0x1], $0xffff;
	v2 =	vmax.f32 v2, v12  }
0xdb: {  	v17 =	vld.idx.msk [tilespmem:v1+s29+$0x90 ss:$0x1], $0xffff;
	v2 =	vmax.f32 v2, v13  }
0xdc: {  	v2 =	vmax.f32 v2, v14  }
0xdd: {  	v2 =	vmax.f32 v2, v3  }
0xde: {  	v2 =	vmax.f32 v2, v15  }
0xdf: {  	v2 =	vmax.f32 v2, v16  }
0xe0: {  	v2 =	vsub.f32 v2, v17;
	_ =	sdelay $0x1  }
0xe1: {  	[tilespmem:s30+$0x11E10] =	vst v2  }
0xe2: {  	v2 =	vld.idx.msk [tilespmem:v0+s28+$0xA0 ss:$0x1], $0xffff  }
0xe3: {  	v3 =	vld.idx.msk [tilespmem:v0+s28+$0x3A0 ss:$0x1], $0xffff  }
0xe4: {  	v18 =	vld.idx.msk [tilespmem:v0+s28+$0x6A0 ss:$0x1], $0xffff  }
0xe5: {  	v19 =	vld.idx.msk [tilespmem:v0+s28+$0x9A0 ss:$0x1], $0xffff  }
0xe6: {  	v20 =	vld.idx.msk [tilespmem:v0+s28+$0xCA0 ss:$0x1], $0xffff  }
0xe7: {  	v21 =	vld.idx.msk [tilespmem:v0+s28+$0xFA0 ss:$0x1], $0xffff  }
0xe8: {  	v2 =	vmax.f32 v2, v3;
	v3 =	vld.idx.msk [tilespmem:v0+s28+$0x12A0 ss:$0x1], $0xffff  }
0xe9: {  	v22 =	vld.idx.msk [tilespmem:v0+s28+$0x15A0 ss:$0x1], $0xffff;
	v2 =	vmax.f32 v2, v18  }
0xea: {  	v23 =	vld.idx.msk [tilespmem:v0+s28+$0x18A0 ss:$0x1], $0xffff;
	v2 =	vmax.f32 v2, v19  }
0xeb: {  	v24 =	vld.idx.msk [tilespmem:v1+s29+$0xA0 ss:$0x1], $0xffff;
	v2 =	vmax.f32 v2, v20  }
0xec: {  	v2 =	vmax.f32 v2, v21  }
0xed: {  	v2 =	vmax.f32 v2, v3  }
0xee: {  	v2 =	vmax.f32 v2, v22  }
0xef: {  	v2 =	vmax.f32 v2, v23  }
0xf0: {  	v2 =	vsub.f32 v2, v24;
	_ =	sdelay $0x1  }
0xf1: {  	[tilespmem:s30+$0x11E20] =	vst v2  }
0xf2: {  	v2 =	vld.idx.msk [tilespmem:v0+s28+$0xB0 ss:$0x1], $0xffff  }
0xf3: {  	v3 =	vld.idx.msk [tilespmem:v0+s28+$0x3B0 ss:$0x1], $0xffff  }
0xf4: {  	v25 =	vld.idx.msk [tilespmem:v0+s28+$0x6B0 ss:$0x1], $0xffff  }
0xf5: {  	v26 =	vld.idx.msk [tilespmem:v0+s28+$0x9B0 ss:$0x1], $0xffff  }
0xf6: {  	v27 =	vld.idx.msk [tilespmem:v0+s28+$0xCB0 ss:$0x1], $0xffff  }
0xf7: {  	v28 =	vld.idx.msk [tilespmem:v0+s28+$0xFB0 ss:$0x1], $0xffff  }
0xf8: {  	v2 =	vmax.f32 v2, v3;
	v3 =	vld.idx.msk [tilespmem:v0+s28+$0x12B0 ss:$0x1], $0xffff  }
0xf9: {  	v29 =	vld.idx.msk [tilespmem:v0+s28+$0x15B0 ss:$0x1], $0xffff;
	v2 =	vmax.f32 v2, v25  }
0xfa: {  	v30 =	vld.idx.msk [tilespmem:v0+s28+$0x18B0 ss:$0x1], $0xffff;
	v2 =	vmax.f32 v2, v26  }
0xfb: {  	v31 =	vld.idx.msk [tilespmem:v1+s29+$0xB0 ss:$0x1], $0xffff;
	v2 =	vmax.f32 v2, v27  }
0xfc: {  	v2 =	vmax.f32 v2, v28  }
0xfd: {  	v2 =	vmax.f32 v2, v3  }
0xfe: {  	v2 =	vmax.f32 v2, v29  }
0xff: {  	v2 =	vmax.f32 v2, v30  }
0x100: {  	v2 =	vsub.f32 v2, v31;
	_ =	sdelay $0x1  }
0x101: {  	[tilespmem:s30+$0x11E30] =	vst v2  }
0x102: {  	v2 =	vld.idx.msk [tilespmem:v0+s28+$0xC0 ss:$0x1], $0xffff  }
0x103: {  	v3 =	vld.idx.msk [tilespmem:v0+s28+$0x3C0 ss:$0x1], $0xffff  }
0x104: {  	v32 =	vld.idx.msk [tilespmem:v0+s28+$0x6C0 ss:$0x1], $0xffff  }
0x105: {  	v33 =	vld.idx.msk [tilespmem:v0+s28+$0x9C0 ss:$0x1], $0xffff  }
0x106: {  	v34 =	vld.idx.msk [tilespmem:v0+s28+$0xCC0 ss:$0x1], $0xffff  }
0x107: {  	v35 =	vld.idx.msk [tilespmem:v0+s28+$0xFC0 ss:$0x1], $0xffff  }
0x108: {  	v2 =	vmax.f32 v2, v3;
	v3 =	vld.idx.msk [tilespmem:v0+s28+$0x12C0 ss:$0x1], $0xffff  }
0x109: {  	v36 =	vld.idx.msk [tilespmem:v0+s28+$0x15C0 ss:$0x1], $0xffff;
	v2 =	vmax.f32 v2, v32  }
0x10a: {  	v37 =	vld.idx.msk [tilespmem:v0+s28+$0x18C0 ss:$0x1], $0xffff;
	v2 =	vmax.f32 v2, v33  }
0x10b: {  	v38 =	vld.idx.msk [tilespmem:v1+s29+$0xC0 ss:$0x1], $0xffff;
	v2 =	vmax.f32 v2, v34  }
0x10c: {  	v2 =	vmax.f32 v2, v35  }
0x10d: {  	v2 =	vmax.f32 v2, v3  }
0x10e: {  	v2 =	vmax.f32 v2, v36  }
0x10f: {  	v2 =	vmax.f32 v2, v37  }
0x110: {  	v2 =	vsub.f32 v2, v38;
	_ =	sdelay $0x1  }
0x111: {  	[tilespmem:s30+$0x11E40] =	vst v2  }
0x112: {  	v2 =	vld.idx.msk [tilespmem:v0+s28+$0xD0 ss:$0x1], $0xffff  }
0x113: {  	v3 =	vld.idx.msk [tilespmem:v0+s28+$0x3D0 ss:$0x1], $0xffff  }
0x114: {  	v39 =	vld.idx.msk [tilespmem:v0+s28+$0x6D0 ss:$0x1], $0xffff  }
0x115: {  	v40 =	vld.idx.msk [tilespmem:v0+s28+$0x9D0 ss:$0x1], $0xffff  }
0x116: {  	v41 =	vld.idx.msk [tilespmem:v0+s28+$0xCD0 ss:$0x1], $0xffff  }
0x117: {  	v42 =	vld.idx.msk [tilespmem:v0+s28+$0xFD0 ss:$0x1], $0xffff  }
0x118: {  	v2 =	vmax.f32 v2, v3;
	v3 =	vld.idx.msk [tilespmem:v0+s28+$0x12D0 ss:$0x1], $0xffff  }
0x119: {  	v43 =	vld.idx.msk [tilespmem:v0+s28+$0x15D0 ss:$0x1], $0xffff;
	v2 =	vmax.f32 v2, v39  }
0x11a: {  	v44 =	vld.idx.msk [tilespmem:v0+s28+$0x18D0 ss:$0x1], $0xffff;
	v2 =	vmax.f32 v2, v40  }
0x11b: {  	v45 =	vld.idx.msk [tilespmem:v1+s29+$0xD0 ss:$0x1], $0xffff;
	v2 =	vmax.f32 v2, v41  }
0x11c: {  	v2 =	vmax.f32 v2, v42  }
0x11d: {  	v2 =	vmax.f32 v2, v3  }
0x11e: {  	v2 =	vmax.f32 v2, v43  }
0x11f: {  	v2 =	vmax.f32 v2, v44  }
0x120: {  	v2 =	vsub.f32 v2, v45;
	_ =	sdelay $0x1  }
0x121: {  	[tilespmem:s30+$0x11E50] =	vst v2  }
0x122: {  	v2 =	vld.idx.msk [tilespmem:v0+s28+$0xE0 ss:$0x1], $0xffff  }
0x123: {  	v3 =	vld.idx.msk [tilespmem:v0+s28+$0x3E0 ss:$0x1], $0xffff  }
0x124: {  	v46 =	vld.idx.msk [tilespmem:v0+s28+$0x6E0 ss:$0x1], $0xffff  }
0x125: {  	v47 =	vld.idx.msk [tilespmem:v0+s28+$0x9E0 ss:$0x1], $0xffff  }
0x126: {  	v48 =	vld.idx.msk [tilespmem:v0+s28+$0xCE0 ss:$0x1], $0xffff  }
0x127: {  	v49 =	vld.idx.msk [tilespmem:v0+s28+$0xFE0 ss:$0x1], $0xffff  }
0x128: {  	v2 =	vmax.f32 v2, v3;
	v3 =	vld.idx.msk [tilespmem:v0+s28+$0x12E0 ss:$0x1], $0xffff  }
0x129: {  	v50 =	vld.idx.msk [tilespmem:v0+s28+$0x15E0 ss:$0x1], $0xffff;
	v2 =	vmax.f32 v2, v46  }
0x12a: {  	v51 =	vld.idx.msk [tilespmem:v0+s28+$0x18E0 ss:$0x1], $0xffff;
	v2 =	vmax.f32 v2, v47  }
0x12b: {  	v52 =	vld.idx.msk [tilespmem:v1+s29+$0xE0 ss:$0x1], $0xffff;
	v2 =	vmax.f32 v2, v48  }
0x12c: {  	v2 =	vmax.f32 v2, v49  }
0x12d: {  	v2 =	vmax.f32 v2, v3  }
0x12e: {  	v2 =	vmax.f32 v2, v50  }
0x12f: {  	v2 =	vmax.f32 v2, v51  }
0x130: {  	v2 =	vsub.f32 v2, v52;
	_ =	sdelay $0x1  }
0x131: {  	[tilespmem:s30+$0x11E60] =	vst v2  }
0x132: {  	v2 =	vld.idx.msk [tilespmem:v0+s28+$0xF0 ss:$0x1], $0xffff  }
0x133: {  	v3 =	vld.idx.msk [tilespmem:v0+s28+$0x3F0 ss:$0x1], $0xffff  }
0x134: {  	v53 =	vld.idx.msk [tilespmem:v0+s28+$0x6F0 ss:$0x1], $0xffff  }
0x135: {  	v54 =	vld.idx.msk [tilespmem:v0+s28+$0x9F0 ss:$0x1], $0xffff  }
0x136: {  	v55 =	vld.idx.msk [tilespmem:v0+s28+$0xCF0 ss:$0x1], $0xffff  }
0x137: {  	v56 =	vld.idx.msk [tilespmem:v0+s28+$0xFF0 ss:$0x1], $0xffff  }
0x138: {  	v2 =	vmax.f32 v2, v3;
	v3 =	vld.idx.msk [tilespmem:v0+s28+$0x12F0 ss:$0x1], $0xffff  }
0x139: {  	v57 =	vld.idx.msk [tilespmem:v0+s28+$0x15F0 ss:$0x1], $0xffff;
	v2 =	vmax.f32 v2, v53  }
0x13a: {  	v58 =	vld.idx.msk [tilespmem:v0+s28+$0x18F0 ss:$0x1], $0xffff;
	v2 =	vmax.f32 v2, v54  }
0x13b: {  	v59 =	vld.idx.msk [tilespmem:v1+s29+$0xF0 ss:$0x1], $0xffff;
	v2 =	vmax.f32 v2, v55  }
0x13c: {  	v2 =	vmax.f32 v2, v56  }
0x13d: {  	v2 =	vmax.f32 v2, v3  }
0x13e: {  	v2 =	vmax.f32 v2, v57  }
0x13f: {  	v2 =	vmax.f32 v2, v58  }
0x140: {  	v2 =	vsub.f32 v2, v59;
	_ =	sdelay $0x1  }
0x141: {  	[tilespmem:s30+$0x11E70] =	vst v2  }
0x142: {  	v2 =	vld.idx.msk [tilespmem:v0+s28+$0x100 ss:$0x1], $0xffff  }
0x143: {  	v3 =	vld.idx.msk [tilespmem:v0+s28+$0x400 ss:$0x1], $0xffff  }
0x144: {  	v60 =	vld.idx.msk [tilespmem:v0+s28+$0x700 ss:$0x1], $0xffff  }
0x145: {  	v61 =	vld.idx.msk [tilespmem:v0+s28+$0xA00 ss:$0x1], $0xffff  }
0x146: {  	v62 =	vld.idx.msk [tilespmem:v0+s28+$0xD00 ss:$0x1], $0xffff  }
0x147: {  	v63 =	vld.idx.msk [tilespmem:v0+s28+$0x1000 ss:$0x1], $0xffff  }
0x148: {  	v2 =	vmax.f32 v2, v3;
	v3 =	vld.idx.msk [tilespmem:v0+s28+$0x1300 ss:$0x1], $0xffff  }
0x149: {  	v9 =	vld.idx.msk [tilespmem:v0+s28+$0x1600 ss:$0x1], $0xffff;
	v2 =	vmax.f32 v2, v60  }
0x14a: {  	v10 =	vld.idx.msk [tilespmem:v0+s28+$0x1900 ss:$0x1], $0xffff;
	v2 =	vmax.f32 v2, v61  }
0x14b: {  	v11 =	vld.idx.msk [tilespmem:v1+s29+$0x100 ss:$0x1], $0xffff;
	v2 =	vmax.f32 v2, v62  }
0x14c: {  	v2 =	vmax.f32 v2, v63  }
0x14d: {  	v2 =	vmax.f32 v2, v3  }
0x14e: {  	v2 =	vmax.f32 v2, v9  }
0x14f: {  	v2 =	vmax.f32 v2, v10  }
0x150: {  	v2 =	vsub.f32 v2, v11;
	_ =	sdelay $0x1  }
0x151: {  	[tilespmem:s30+$0x12000] =	vst v2  }
0x152: {  	v2 =	vld.idx.msk [tilespmem:v0+s28+$0x110 ss:$0x1], $0xffff  }
0x153: {  	v3 =	vld.idx.msk [tilespmem:v0+s28+$0x410 ss:$0x1], $0xffff  }
0x154: {  	v12 =	vld.idx.msk [tilespmem:v0+s28+$0x710 ss:$0x1], $0xffff  }
0x155: {  	v13 =	vld.idx.msk [tilespmem:v0+s28+$0xA10 ss:$0x1], $0xffff  }
0x156: {  	v14 =	vld.idx.msk [tilespmem:v0+s28+$0xD10 ss:$0x1], $0xffff  }
0x157: {  	v15 =	vld.idx.msk [tilespmem:v0+s28+$0x1010 ss:$0x1], $0xffff  }
0x158: {  	v2 =	vmax.f32 v2, v3;
	v3 =	vld.idx.msk [tilespmem:v0+s28+$0x1310 ss:$0x1], $0xffff  }
0x159: {  	v16 =	vld.idx.msk [tilespmem:v0+s28+$0x1610 ss:$0x1], $0xffff;
	v2 =	vmax.f32 v2, v12  }
0x15a: {  	v17 =	vld.idx.msk [tilespmem:v0+s28+$0x1910 ss:$0x1], $0xffff;
	v2 =	vmax.f32 v2, v13  }
0x15b: {  	v18 =	vld.idx.msk [tilespmem:v1+s29+$0x110 ss:$0x1], $0xffff;
	v2 =	vmax.f32 v2, v14  }
0x15c: {  	v2 =	vmax.f32 v2, v15  }
0x15d: {  	v2 =	vmax.f32 v2, v3  }
0x15e: {  	v2 =	vmax.f32 v2, v16  }
0x15f: {  	v2 =	vmax.f32 v2, v17  }
0x160: {  	v2 =	vsub.f32 v2, v18;
	_ =	sdelay $0x1  }
0x161: {  	[tilespmem:s30+$0x12010] =	vst v2  }
0x162: {  	v2 =	vld.idx.msk [tilespmem:v0+s28+$0x120 ss:$0x1], $0xffff  }
0x163: {  	v3 =	vld.idx.msk [tilespmem:v0+s28+$0x420 ss:$0x1], $0xffff  }
0x164: {  	v19 =	vld.idx.msk [tilespmem:v0+s28+$0x720 ss:$0x1], $0xffff  }
0x165: {  	v20 =	vld.idx.msk [tilespmem:v0+s28+$0xA20 ss:$0x1], $0xffff  }
0x166: {  	v21 =	vld.idx.msk [tilespmem:v0+s28+$0xD20 ss:$0x1], $0xffff  }
0x167: {  	v22 =	vld.idx.msk [tilespmem:v0+s28+$0x1020 ss:$0x1], $0xffff  }
0x168: {  	v2 =	vmax.f32 v2, v3;
	v3 =	vld.idx.msk [tilespmem:v0+s28+$0x1320 ss:$0x1], $0xffff  }
0x169: {  	v23 =	vld.idx.msk [tilespmem:v0+s28+$0x1620 ss:$0x1], $0xffff;
	v2 =	vmax.f32 v2, v19  }
0x16a: {  	v24 =	vld.idx.msk [tilespmem:v0+s28+$0x1920 ss:$0x1], $0xffff;
	v2 =	vmax.f32 v2, v20  }
0x16b: {  	v25 =	vld.idx.msk [tilespmem:v1+s29+$0x120 ss:$0x1], $0xffff;
	v2 =	vmax.f32 v2, v21  }
0x16c: {  	v2 =	vmax.f32 v2, v22  }
0x16d: {  	v2 =	vmax.f32 v2, v3  }
0x16e: {  	v2 =	vmax.f32 v2, v23  }
0x16f: {  	v2 =	vmax.f32 v2, v24  }
0x170: {  	v2 =	vsub.f32 v2, v25;
	_ =	sdelay $0x1  }
0x171: {  	[tilespmem:s30+$0x12020] =	vst v2  }
0x172: {  	v2 =	vld.idx.msk [tilespmem:v0+s28+$0x130 ss:$0x1], $0xffff  }
0x173: {  	v3 =	vld.idx.msk [tilespmem:v0+s28+$0x430 ss:$0x1], $0xffff  }
0x174: {  	v26 =	vld.idx.msk [tilespmem:v0+s28+$0x730 ss:$0x1], $0xffff  }
0x175: {  	v27 =	vld.idx.msk [tilespmem:v0+s28+$0xA30 ss:$0x1], $0xffff  }
0x176: {  	v28 =	vld.idx.msk [tilespmem:v0+s28+$0xD30 ss:$0x1], $0xffff  }
0x177: {  	v29 =	vld.idx.msk [tilespmem:v0+s28+$0x1030 ss:$0x1], $0xffff  }
0x178: {  	v2 =	vmax.f32 v2, v3;
	v3 =	vld.idx.msk [tilespmem:v0+s28+$0x1330 ss:$0x1], $0xffff  }
0x179: {  	v30 =	vld.idx.msk [tilespmem:v0+s28+$0x1630 ss:$0x1], $0xffff;
	v2 =	vmax.f32 v2, v26  }
0x17a: {  	v31 =	vld.idx.msk [tilespmem:v0+s28+$0x1930 ss:$0x1], $0xffff;
	v2 =	vmax.f32 v2, v27  }
0x17b: {  	v32 =	vld.idx.msk [tilespmem:v1+s29+$0x130 ss:$0x1], $0xffff;
	v2 =	vmax.f32 v2, v28  }
0x17c: {  	v2 =	vmax.f32 v2, v29  }
0x17d: {  	v2 =	vmax.f32 v2, v3  }
0x17e: {  	v2 =	vmax.f32 v2, v30  }
0x17f: {  	v2 =	vmax.f32 v2, v31  }
0x180: {  	v2 =	vsub.f32 v2, v32;
	_ =	sdelay $0x1  }
0x181: {  	[tilespmem:s30+$0x12030] =	vst v2  }
0x182: {  	v2 =	vld.idx.msk [tilespmem:v0+s28+$0x140 ss:$0x1], $0xffff  }
0x183: {  	v3 =	vld.idx.msk [tilespmem:v0+s28+$0x440 ss:$0x1], $0xffff  }
0x184: {  	v33 =	vld.idx.msk [tilespmem:v0+s28+$0x740 ss:$0x1], $0xffff  }
0x185: {  	v34 =	vld.idx.msk [tilespmem:v0+s28+$0xA40 ss:$0x1], $0xffff  }
0x186: {  	v35 =	vld.idx.msk [tilespmem:v0+s28+$0xD40 ss:$0x1], $0xffff  }
0x187: {  	v36 =	vld.idx.msk [tilespmem:v0+s28+$0x1040 ss:$0x1], $0xffff  }
0x188: {  	v2 =	vmax.f32 v2, v3;
	v3 =	vld.idx.msk [tilespmem:v0+s28+$0x1340 ss:$0x1], $0xffff  }
0x189: {  	v37 =	vld.idx.msk [tilespmem:v0+s28+$0x1640 ss:$0x1], $0xffff;
	v2 =	vmax.f32 v2, v33  }
0x18a: {  	v38 =	vld.idx.msk [tilespmem:v0+s28+$0x1940 ss:$0x1], $0xffff;
	v2 =	vmax.f32 v2, v34  }
0x18b: {  	v39 =	vld.idx.msk [tilespmem:v1+s29+$0x140 ss:$0x1], $0xffff;
	v2 =	vmax.f32 v2, v35  }
0x18c: {  	v2 =	vmax.f32 v2, v36  }
0x18d: {  	v2 =	vmax.f32 v2, v3  }
0x18e: {  	v2 =	vmax.f32 v2, v37  }
0x18f: {  	v2 =	vmax.f32 v2, v38  }
0x190: {  	v2 =	vsub.f32 v2, v39;
	_ =	sdelay $0x1  }
0x191: {  	[tilespmem:s30+$0x12040] =	vst v2  }
0x192: {  	v2 =	vld.idx.msk [tilespmem:v0+s28+$0x150 ss:$0x1], $0xffff  }
0x193: {  	v3 =	vld.idx.msk [tilespmem:v0+s28+$0x450 ss:$0x1], $0xffff  }
0x194: {  	v40 =	vld.idx.msk [tilespmem:v0+s28+$0x750 ss:$0x1], $0xffff  }
0x195: {  	v41 =	vld.idx.msk [tilespmem:v0+s28+$0xA50 ss:$0x1], $0xffff  }
0x196: {  	v42 =	vld.idx.msk [tilespmem:v0+s28+$0xD50 ss:$0x1], $0xffff  }
0x197: {  	v43 =	vld.idx.msk [tilespmem:v0+s28+$0x1050 ss:$0x1], $0xffff  }
0x198: {  	v2 =	vmax.f32 v2, v3;
	v3 =	vld.idx.msk [tilespmem:v0+s28+$0x1350 ss:$0x1], $0xffff  }
0x199: {  	v44 =	vld.idx.msk [tilespmem:v0+s28+$0x1650 ss:$0x1], $0xffff;
	v2 =	vmax.f32 v2, v40  }
0x19a: {  	v45 =	vld.idx.msk [tilespmem:v0+s28+$0x1950 ss:$0x1], $0xffff;
	v2 =	vmax.f32 v2, v41  }
0x19b: {  	v46 =	vld.idx.msk [tilespmem:v1+s29+$0x150 ss:$0x1], $0xffff;
	v2 =	vmax.f32 v2, v42  }
0x19c: {  	v2 =	vmax.f32 v2, v43  }
0x19d: {  	v2 =	vmax.f32 v2, v3  }
0x19e: {  	v2 =	vmax.f32 v2, v44  }
0x19f: {  	v2 =	vmax.f32 v2, v45  }
0x1a0: {  	v2 =	vsub.f32 v2, v46;
	_ =	sdelay $0x1  }
0x1a1: {  	[tilespmem:s30+$0x12050] =	vst v2  }
0x1a2: {  	v2 =	vld.idx.msk [tilespmem:v0+s28+$0x160 ss:$0x1], $0xffff  }
0x1a3: {  	v3 =	vld.idx.msk [tilespmem:v0+s28+$0x460 ss:$0x1], $0xffff  }
0x1a4: {  	v47 =	vld.idx.msk [tilespmem:v0+s28+$0x760 ss:$0x1], $0xffff  }
0x1a5: {  	v48 =	vld.idx.msk [tilespmem:v0+s28+$0xA60 ss:$0x1], $0xffff  }
0x1a6: {  	v49 =	vld.idx.msk [tilespmem:v0+s28+$0xD60 ss:$0x1], $0xffff  }
0x1a7: {  	v50 =	vld.idx.msk [tilespmem:v0+s28+$0x1060 ss:$0x1], $0xffff  }
0x1a8: {  	v2 =	vmax.f32 v2, v3;
	v3 =	vld.idx.msk [tilespmem:v0+s28+$0x1360 ss:$0x1], $0xffff  }
0x1a9: {  	v51 =	vld.idx.msk [tilespmem:v0+s28+$0x1660 ss:$0x1], $0xffff;
	v2 =	vmax.f32 v2, v47  }
0x1aa: {  	v52 =	vld.idx.msk [tilespmem:v0+s28+$0x1960 ss:$0x1], $0xffff;
	v2 =	vmax.f32 v2, v48  }
0x1ab: {  	v53 =	vld.idx.msk [tilespmem:v1+s29+$0x160 ss:$0x1], $0xffff;
	v2 =	vmax.f32 v2, v49  }
0x1ac: {  	v2 =	vmax.f32 v2, v50  }
0x1ad: {  	v2 =	vmax.f32 v2, v3  }
0x1ae: {  	v2 =	vmax.f32 v2, v51  }
0x1af: {  	v2 =	vmax.f32 v2, v52  }
0x1b0: {  	v2 =	vsub.f32 v2, v53;
	_ =	sdelay $0x1  }
0x1b1: {  	[tilespmem:s30+$0x12060] =	vst v2  }
0x1b2: {  	v2 =	vld.idx.msk [tilespmem:v0+s28+$0x170 ss:$0x1], $0xffff  }
0x1b3: {  	v3 =	vld.idx.msk [tilespmem:v0+s28+$0x470 ss:$0x1], $0xffff  }
0x1b4: {  	v54 =	vld.idx.msk [tilespmem:v0+s28+$0x770 ss:$0x1], $0xffff  }
0x1b5: {  	v55 =	vld.idx.msk [tilespmem:v0+s28+$0xA70 ss:$0x1], $0xffff  }
0x1b6: {  	v56 =	vld.idx.msk [tilespmem:v0+s28+$0xD70 ss:$0x1], $0xffff  }
0x1b7: {  	v57 =	vld.idx.msk [tilespmem:v0+s28+$0x1070 ss:$0x1], $0xffff  }
0x1b8: {  	v2 =	vmax.f32 v2, v3;
	v3 =	vld.idx.msk [tilespmem:v0+s28+$0x1370 ss:$0x1], $0xffff  }
0x1b9: {  	v58 =	vld.idx.msk [tilespmem:v0+s28+$0x1670 ss:$0x1], $0xffff;
	v2 =	vmax.f32 v2, v54  }
0x1ba: {  	v59 =	vld.idx.msk [tilespmem:v0+s28+$0x1970 ss:$0x1], $0xffff;
	v2 =	vmax.f32 v2, v55  }
0x1bb: {  	v60 =	vld.idx.msk [tilespmem:v1+s29+$0x170 ss:$0x1], $0xffff;
	v2 =	vmax.f32 v2, v56  }
0x1bc: {  	v2 =	vmax.f32 v2, v57  }
0x1bd: {  	v2 =	vmax.f32 v2, v3  }
0x1be: {  	v2 =	vmax.f32 v2, v58  }
0x1bf: {  	v2 =	vmax.f32 v2, v59  }
0x1c0: {  	v2 =	vsub.f32 v2, v60;
	_ =	sdelay $0x1  }
0x1c1: {  	[tilespmem:s30+$0x12070] =	vst v2  }
0x1c2: {  	v2 =	vld.idx.msk [tilespmem:v0+s28+$0x180 ss:$0x1], $0xffff  }
0x1c3: {  	v3 =	vld.idx.msk [tilespmem:v0+s28+$0x480 ss:$0x1], $0xffff  }
0x1c4: {  	v61 =	vld.idx.msk [tilespmem:v0+s28+$0x780 ss:$0x1], $0xffff  }
0x1c5: {  	v62 =	vld.idx.msk [tilespmem:v0+s28+$0xA80 ss:$0x1], $0xffff  }
0x1c6: {  	v63 =	vld.idx.msk [tilespmem:v0+s28+$0xD80 ss:$0x1], $0xffff  }
0x1c7: {  	v9 =	vld.idx.msk [tilespmem:v0+s28+$0x1080 ss:$0x1], $0xffff  }
0x1c8: {  	v2 =	vmax.f32 v2, v3;
	v3 =	vld.idx.msk [tilespmem:v0+s28+$0x1380 ss:$0x1], $0xffff  }
0x1c9: {  	v10 =	vld.idx.msk [tilespmem:v0+s28+$0x1680 ss:$0x1], $0xffff;
	v2 =	vmax.f32 v2, v61  }
0x1ca: {  	v11 =	vld.idx.msk [tilespmem:v0+s28+$0x1980 ss:$0x1], $0xffff;
	v2 =	vmax.f32 v2, v62  }
0x1cb: {  	v12 =	vld.idx.msk [tilespmem:v1+s29+$0x180 ss:$0x1], $0xffff;
	v2 =	vmax.f32 v2, v63  }
0x1cc: {  	v2 =	vmax.f32 v2, v9  }
0x1cd: {  	v2 =	vmax.f32 v2, v3  }
0x1ce: {  	v2 =	vmax.f32 v2, v10  }
0x1cf: {  	v2 =	vmax.f32 v2, v11  }
0x1d0: {  	v2 =	vsub.f32 v2, v12;
	_ =	sdelay $0x1  }
0x1d1: {  	[tilespmem:s30+$0x12200] =	vst v2  }
0x1d2: {  	v2 =	vld.idx.msk [tilespmem:v0+s28+$0x190 ss:$0x1], $0xffff  }
0x1d3: {  	v3 =	vld.idx.msk [tilespmem:v0+s28+$0x490 ss:$0x1], $0xffff  }
0x1d4: {  	v13 =	vld.idx.msk [tilespmem:v0+s28+$0x790 ss:$0x1], $0xffff  }
0x1d5: {  	v14 =	vld.idx.msk [tilespmem:v0+s28+$0xA90 ss:$0x1], $0xffff  }
0x1d6: {  	v15 =	vld.idx.msk [tilespmem:v0+s28+$0xD90 ss:$0x1], $0xffff  }
0x1d7: {  	v16 =	vld.idx.msk [tilespmem:v0+s28+$0x1090 ss:$0x1], $0xffff  }
0x1d8: {  	v2 =	vmax.f32 v2, v3;
	v3 =	vld.idx.msk [tilespmem:v0+s28+$0x1390 ss:$0x1], $0xffff  }
0x1d9: {  	v17 =	vld.idx.msk [tilespmem:v0+s28+$0x1690 ss:$0x1], $0xffff;
	v2 =	vmax.f32 v2, v13  }
0x1da: {  	v18 =	vld.idx.msk [tilespmem:v0+s28+$0x1990 ss:$0x1], $0xffff;
	v2 =	vmax.f32 v2, v14  }
0x1db: {  	v19 =	vld.idx.msk [tilespmem:v1+s29+$0x190 ss:$0x1], $0xffff;
	v2 =	vmax.f32 v2, v15  }
0x1dc: {  	v2 =	vmax.f32 v2, v16  }
0x1dd: {  	v2 =	vmax.f32 v2, v3  }
0x1de: {  	v2 =	vmax.f32 v2, v17  }
0x1df: {  	v2 =	vmax.f32 v2, v18  }
0x1e0: {  	v2 =	vsub.f32 v2, v19;
	_ =	sdelay $0x1  }
0x1e1: {  	[tilespmem:s30+$0x12210] =	vst v2  }
0x1e2: {  	v2 =	vld.idx.msk [tilespmem:v0+s28+$0x1A0 ss:$0x1], $0xffff  }
0x1e3: {  	v3 =	vld.idx.msk [tilespmem:v0+s28+$0x4A0 ss:$0x1], $0xffff  }
0x1e4: {  	v20 =	vld.idx.msk [tilespmem:v0+s28+$0x7A0 ss:$0x1], $0xffff  }
0x1e5: {  	v21 =	vld.idx.msk [tilespmem:v0+s28+$0xAA0 ss:$0x1], $0xffff  }
0x1e6: {  	v22 =	vld.idx.msk [tilespmem:v0+s28+$0xDA0 ss:$0x1], $0xffff  }
0x1e7: {  	v23 =	vld.idx.msk [tilespmem:v0+s28+$0x10A0 ss:$0x1], $0xffff  }
0x1e8: {  	v2 =	vmax.f32 v2, v3;
	v3 =	vld.idx.msk [tilespmem:v0+s28+$0x13A0 ss:$0x1], $0xffff  }
0x1e9: {  	v24 =	vld.idx.msk [tilespmem:v0+s28+$0x16A0 ss:$0x1], $0xffff;
	v2 =	vmax.f32 v2, v20  }
0x1ea: {  	v25 =	vld.idx.msk [tilespmem:v0+s28+$0x19A0 ss:$0x1], $0xffff;
	v2 =	vmax.f32 v2, v21  }
0x1eb: {  	v26 =	vld.idx.msk [tilespmem:v1+s29+$0x1A0 ss:$0x1], $0xffff;
	v2 =	vmax.f32 v2, v22  }
0x1ec: {  	v2 =	vmax.f32 v2, v23  }
0x1ed: {  	v2 =	vmax.f32 v2, v3  }
0x1ee: {  	v2 =	vmax.f32 v2, v24  }
0x1ef: {  	v2 =	vmax.f32 v2, v25  }
0x1f0: {  	v2 =	vsub.f32 v2, v26;
	_ =	sdelay $0x1  }
0x1f1: {  	[tilespmem:s30+$0x12220] =	vst v2  }
0x1f2: {  	v2 =	vld.idx.msk [tilespmem:v0+s28+$0x1B0 ss:$0x1], $0xffff  }
0x1f3: {  	v3 =	vld.idx.msk [tilespmem:v0+s28+$0x4B0 ss:$0x1], $0xffff  }
0x1f4: {  	v27 =	vld.idx.msk [tilespmem:v0+s28+$0x7B0 ss:$0x1], $0xffff  }
0x1f5: {  	v28 =	vld.idx.msk [tilespmem:v0+s28+$0xAB0 ss:$0x1], $0xffff  }
0x1f6: {  	v29 =	vld.idx.msk [tilespmem:v0+s28+$0xDB0 ss:$0x1], $0xffff  }
0x1f7: {  	v30 =	vld.idx.msk [tilespmem:v0+s28+$0x10B0 ss:$0x1], $0xffff  }
0x1f8: {  	v2 =	vmax.f32 v2, v3;
	v3 =	vld.idx.msk [tilespmem:v0+s28+$0x13B0 ss:$0x1], $0xffff  }
0x1f9: {  	v31 =	vld.idx.msk [tilespmem:v0+s28+$0x16B0 ss:$0x1], $0xffff;
	v2 =	vmax.f32 v2, v27  }
0x1fa: {  	v32 =	vld.idx.msk [tilespmem:v0+s28+$0x19B0 ss:$0x1], $0xffff;
	v2 =	vmax.f32 v2, v28  }
0x1fb: {  	v33 =	vld.idx.msk [tilespmem:v1+s29+$0x1B0 ss:$0x1], $0xffff;
	v2 =	vmax.f32 v2, v29  }
0x1fc: {  	v2 =	vmax.f32 v2, v30  }
0x1fd: {  	v2 =	vmax.f32 v2, v3  }
0x1fe: {  	v2 =	vmax.f32 v2, v31  }
0x1ff: {  	v2 =	vmax.f32 v2, v32  }
0x200: {  	v2 =	vsub.f32 v2, v33;
	_ =	sdelay $0x1  }
0x201: {  	[tilespmem:s30+$0x12230] =	vst v2  }
0x202: {  	v2 =	vld.idx.msk [tilespmem:v0+s28+$0x1C0 ss:$0x1], $0xffff  }
0x203: {  	v3 =	vld.idx.msk [tilespmem:v0+s28+$0x4C0 ss:$0x1], $0xffff  }
0x204: {  	v34 =	vld.idx.msk [tilespmem:v0+s28+$0x7C0 ss:$0x1], $0xffff  }
0x205: {  	v35 =	vld.idx.msk [tilespmem:v0+s28+$0xAC0 ss:$0x1], $0xffff  }
0x206: {  	v36 =	vld.idx.msk [tilespmem:v0+s28+$0xDC0 ss:$0x1], $0xffff  }
0x207: {  	v37 =	vld.idx.msk [tilespmem:v0+s28+$0x10C0 ss:$0x1], $0xffff  }
0x208: {  	v2 =	vmax.f32 v2, v3;
	v3 =	vld.idx.msk [tilespmem:v0+s28+$0x13C0 ss:$0x1], $0xffff  }
0x209: {  	v38 =	vld.idx.msk [tilespmem:v0+s28+$0x16C0 ss:$0x1], $0xffff;
	v2 =	vmax.f32 v2, v34  }
0x20a: {  	v39 =	vld.idx.msk [tilespmem:v0+s28+$0x19C0 ss:$0x1], $0xffff;
	v2 =	vmax.f32 v2, v35  }
0x20b: {  	v40 =	vld.idx.msk [tilespmem:v1+s29+$0x1C0 ss:$0x1], $0xffff;
	v2 =	vmax.f32 v2, v36  }
0x20c: {  	v2 =	vmax.f32 v2, v37  }
0x20d: {  	v2 =	vmax.f32 v2, v3  }
0x20e: {  	v2 =	vmax.f32 v2, v38  }
0x20f: {  	v2 =	vmax.f32 v2, v39  }
0x210: {  	v2 =	vsub.f32 v2, v40;
	_ =	sdelay $0x1  }
0x211: {  	[tilespmem:s30+$0x12240] =	vst v2  }
0x212: {  	v2 =	vld.idx.msk [tilespmem:v0+s28+$0x1D0 ss:$0x1], $0xffff  }
0x213: {  	v3 =	vld.idx.msk [tilespmem:v0+s28+$0x4D0 ss:$0x1], $0xffff  }
0x214: {  	v41 =	vld.idx.msk [tilespmem:v0+s28+$0x7D0 ss:$0x1], $0xffff  }
0x215: {  	v42 =	vld.idx.msk [tilespmem:v0+s28+$0xAD0 ss:$0x1], $0xffff  }
0x216: {  	v43 =	vld.idx.msk [tilespmem:v0+s28+$0xDD0 ss:$0x1], $0xffff  }
0x217: {  	v44 =	vld.idx.msk [tilespmem:v0+s28+$0x10D0 ss:$0x1], $0xffff  }
0x218: {  	v2 =	vmax.f32 v2, v3;
	v3 =	vld.idx.msk [tilespmem:v0+s28+$0x13D0 ss:$0x1], $0xffff  }
0x219: {  	v45 =	vld.idx.msk [tilespmem:v0+s28+$0x16D0 ss:$0x1], $0xffff;
	v2 =	vmax.f32 v2, v41  }
0x21a: {  	v46 =	vld.idx.msk [tilespmem:v0+s28+$0x19D0 ss:$0x1], $0xffff;
	v2 =	vmax.f32 v2, v42  }
0x21b: {  	v47 =	vld.idx.msk [tilespmem:v1+s29+$0x1D0 ss:$0x1], $0xffff;
	v2 =	vmax.f32 v2, v43  }
0x21c: {  	v2 =	vmax.f32 v2, v44  }
0x21d: {  	v2 =	vmax.f32 v2, v3  }
0x21e: {  	v2 =	vmax.f32 v2, v45  }
0x21f: {  	v2 =	vmax.f32 v2, v46  }
0x220: {  	v2 =	vsub.f32 v2, v47;
	_ =	sdelay $0x1  }
0x221: {  	[tilespmem:s30+$0x12250] =	vst v2  }
0x222: {  	v2 =	vld.idx.msk [tilespmem:v0+s28+$0x1E0 ss:$0x1], $0xffff  }
0x223: {  	v3 =	vld.idx.msk [tilespmem:v0+s28+$0x4E0 ss:$0x1], $0xffff  }
0x224: {  	v48 =	vld.idx.msk [tilespmem:v0+s28+$0x7E0 ss:$0x1], $0xffff  }
0x225: {  	v49 =	vld.idx.msk [tilespmem:v0+s28+$0xAE0 ss:$0x1], $0xffff  }
0x226: {  	v50 =	vld.idx.msk [tilespmem:v0+s28+$0xDE0 ss:$0x1], $0xffff  }
0x227: {  	v51 =	vld.idx.msk [tilespmem:v0+s28+$0x10E0 ss:$0x1], $0xffff  }
0x228: {  	v2 =	vmax.f32 v2, v3;
	v3 =	vld.idx.msk [tilespmem:v0+s28+$0x13E0 ss:$0x1], $0xffff  }
0x229: {  	v52 =	vld.idx.msk [tilespmem:v0+s28+$0x16E0 ss:$0x1], $0xffff;
	v2 =	vmax.f32 v2, v48  }
0x22a: {  	v53 =	vld.idx.msk [tilespmem:v0+s28+$0x19E0 ss:$0x1], $0xffff;
	v2 =	vmax.f32 v2, v49  }
0x22b: {  	v54 =	vld.idx.msk [tilespmem:v1+s29+$0x1E0 ss:$0x1], $0xffff;
	v2 =	vmax.f32 v2, v50  }
0x22c: {  	v2 =	vmax.f32 v2, v51  }
0x22d: {  	v2 =	vmax.f32 v2, v3  }
0x22e: {  	v2 =	vmax.f32 v2, v52  }
0x22f: {  	v2 =	vmax.f32 v2, v53  }
0x230: {  	v2 =	vsub.f32 v2, v54;
	_ =	sdelay $0x1  }
0x231: {  	[tilespmem:s30+$0x12260] =	vst v2  }
0x232: {  	v2 =	vld.idx.msk [tilespmem:v0+s28+$0x1F0 ss:$0x1], $0xffff  }
0x233: {  	v3 =	vld.idx.msk [tilespmem:v0+s28+$0x4F0 ss:$0x1], $0xffff  }
0x234: {  	v55 =	vld.idx.msk [tilespmem:v0+s28+$0x7F0 ss:$0x1], $0xffff  }
0x235: {  	v56 =	vld.idx.msk [tilespmem:v0+s28+$0xAF0 ss:$0x1], $0xffff  }
0x236: {  	v57 =	vld.idx.msk [tilespmem:v0+s28+$0xDF0 ss:$0x1], $0xffff  }
0x237: {  	v58 =	vld.idx.msk [tilespmem:v0+s28+$0x10F0 ss:$0x1], $0xffff  }
0x238: {  	v2 =	vmax.f32 v2, v3;
	v3 =	vld.idx.msk [tilespmem:v0+s28+$0x13F0 ss:$0x1], $0xffff  }
0x239: {  	v59 =	vld.idx.msk [tilespmem:v0+s28+$0x16F0 ss:$0x1], $0xffff;
	v2 =	vmax.f32 v2, v55  }
0x23a: {  	v60 =	vld.idx.msk [tilespmem:v0+s28+$0x19F0 ss:$0x1], $0xffff;
	v2 =	vmax.f32 v2, v56  }
0x23b: {  	v61 =	vld.idx.msk [tilespmem:v1+s29+$0x1F0 ss:$0x1], $0xffff;
	v2 =	vmax.f32 v2, v57  }
0x23c: {  	v2 =	vmax.f32 v2, v58  }
0x23d: {  	v2 =	vmax.f32 v2, v3  }
0x23e: {  	v2 =	vmax.f32 v2, v59  }
0x23f: {  	v2 =	vmax.f32 v2, v60  }
0x240: {  	v2 =	vsub.f32 v2, v61;
	_ =	sdelay $0x1  }
0x241: {  	[tilespmem:s30+$0x12270] =	vst v2  }
0x242: {  	v2 =	vld.idx.msk [tilespmem:v0+s28+$0x200 ss:$0x1], $0xffff  }
0x243: {  	v3 =	vld.idx.msk [tilespmem:v0+s28+$0x500 ss:$0x1], $0xffff  }
0x244: {  	v62 =	vld.idx.msk [tilespmem:v0+s28+$0x800 ss:$0x1], $0xffff  }
0x245: {  	v63 =	vld.idx.msk [tilespmem:v0+s28+$0xB00 ss:$0x1], $0xffff  }
0x246: {  	v9 =	vld.idx.msk [tilespmem:v0+s28+$0xE00 ss:$0x1], $0xffff  }
0x247: {  	v10 =	vld.idx.msk [tilespmem:v0+s28+$0x1100 ss:$0x1], $0xffff  }
0x248: {  	v2 =	vmax.f32 v2, v3;
	v3 =	vld.idx.msk [tilespmem:v0+s28+$0x1400 ss:$0x1], $0xffff  }
0x249: {  	v11 =	vld.idx.msk [tilespmem:v0+s28+$0x1700 ss:$0x1], $0xffff;
	v2 =	vmax.f32 v2, v62  }
0x24a: {  	v12 =	vld.idx.msk [tilespmem:v0+s28+$0x1A00 ss:$0x1], $0xffff;
	v2 =	vmax.f32 v2, v63  }
0x24b: {  	v13 =	vld.idx.msk [tilespmem:v1+s29+$0x200 ss:$0x1], $0xffff;
	v2 =	vmax.f32 v2, v9  }
0x24c: {  	v2 =	vmax.f32 v2, v10  }
0x24d: {  	v2 =	vmax.f32 v2, v3  }
0x24e: {  	v2 =	vmax.f32 v2, v11  }
0x24f: {  	v2 =	vmax.f32 v2, v12  }
0x250: {  	v2 =	vsub.f32 v2, v13;
	_ =	sdelay $0x1  }
0x251: {  	[tilespmem:s30+$0x12400] =	vst v2  }
0x252: {  	v2 =	vld.idx.msk [tilespmem:v0+s28+$0x210 ss:$0x1], $0xffff  }
0x253: {  	v3 =	vld.idx.msk [tilespmem:v0+s28+$0x510 ss:$0x1], $0xffff  }
0x254: {  	v14 =	vld.idx.msk [tilespmem:v0+s28+$0x810 ss:$0x1], $0xffff  }
0x255: {  	v15 =	vld.idx.msk [tilespmem:v0+s28+$0xB10 ss:$0x1], $0xffff  }
0x256: {  	v16 =	vld.idx.msk [tilespmem:v0+s28+$0xE10 ss:$0x1], $0xffff  }
0x257: {  	v17 =	vld.idx.msk [tilespmem:v0+s28+$0x1110 ss:$0x1], $0xffff  }
0x258: {  	v2 =	vmax.f32 v2, v3;
	v3 =	vld.idx.msk [tilespmem:v0+s28+$0x1410 ss:$0x1], $0xffff  }
0x259: {  	v18 =	vld.idx.msk [tilespmem:v0+s28+$0x1710 ss:$0x1], $0xffff;
	v2 =	vmax.f32 v2, v14  }
0x25a: {  	v19 =	vld.idx.msk [tilespmem:v0+s28+$0x1A10 ss:$0x1], $0xffff;
	v2 =	vmax.f32 v2, v15  }
0x25b: {  	v20 =	vld.idx.msk [tilespmem:v1+s29+$0x210 ss:$0x1], $0xffff;
	v2 =	vmax.f32 v2, v16  }
0x25c: {  	v2 =	vmax.f32 v2, v17  }
0x25d: {  	v2 =	vmax.f32 v2, v3  }
0x25e: {  	v2 =	vmax.f32 v2, v18  }
0x25f: {  	v2 =	vmax.f32 v2, v19  }
0x260: {  	v2 =	vsub.f32 v2, v20;
	_ =	sdelay $0x1  }
0x261: {  	[tilespmem:s30+$0x12410] =	vst v2  }
0x262: {  	v2 =	vld.idx.msk [tilespmem:v0+s28+$0x220 ss:$0x1], $0xffff  }
0x263: {  	v3 =	vld.idx.msk [tilespmem:v0+s28+$0x520 ss:$0x1], $0xffff  }
0x264: {  	v21 =	vld.idx.msk [tilespmem:v0+s28+$0x820 ss:$0x1], $0xffff  }
0x265: {  	v22 =	vld.idx.msk [tilespmem:v0+s28+$0xB20 ss:$0x1], $0xffff  }
0x266: {  	v23 =	vld.idx.msk [tilespmem:v0+s28+$0xE20 ss:$0x1], $0xffff  }
0x267: {  	v24 =	vld.idx.msk [tilespmem:v0+s28+$0x1120 ss:$0x1], $0xffff  }
0x268: {  	v2 =	vmax.f32 v2, v3;
	v3 =	vld.idx.msk [tilespmem:v0+s28+$0x1420 ss:$0x1], $0xffff  }
0x269: {  	v25 =	vld.idx.msk [tilespmem:v0+s28+$0x1720 ss:$0x1], $0xffff;
	v2 =	vmax.f32 v2, v21  }
0x26a: {  	v26 =	vld.idx.msk [tilespmem:v0+s28+$0x1A20 ss:$0x1], $0xffff;
	v2 =	vmax.f32 v2, v22  }
0x26b: {  	v27 =	vld.idx.msk [tilespmem:v1+s29+$0x220 ss:$0x1], $0xffff;
	v2 =	vmax.f32 v2, v23  }
0x26c: {  	v2 =	vmax.f32 v2, v24  }
0x26d: {  	v2 =	vmax.f32 v2, v3  }
0x26e: {  	v2 =	vmax.f32 v2, v25  }
0x26f: {  	v2 =	vmax.f32 v2, v26  }
0x270: {  	v2 =	vsub.f32 v2, v27;
	_ =	sdelay $0x1  }
0x271: {  	[tilespmem:s30+$0x12420] =	vst v2  }
0x272: {  	v2 =	vld.idx.msk [tilespmem:v0+s28+$0x230 ss:$0x1], $0xffff  }
0x273: {  	v3 =	vld.idx.msk [tilespmem:v0+s28+$0x530 ss:$0x1], $0xffff  }
0x274: {  	v28 =	vld.idx.msk [tilespmem:v0+s28+$0x830 ss:$0x1], $0xffff  }
0x275: {  	v29 =	vld.idx.msk [tilespmem:v0+s28+$0xB30 ss:$0x1], $0xffff  }
0x276: {  	v30 =	vld.idx.msk [tilespmem:v0+s28+$0xE30 ss:$0x1], $0xffff  }
0x277: {  	v31 =	vld.idx.msk [tilespmem:v0+s28+$0x1130 ss:$0x1], $0xffff  }
0x278: {  	v2 =	vmax.f32 v2, v3;
	v3 =	vld.idx.msk [tilespmem:v0+s28+$0x1430 ss:$0x1], $0xffff  }
0x279: {  	v32 =	vld.idx.msk [tilespmem:v0+s28+$0x1730 ss:$0x1], $0xffff;
	v2 =	vmax.f32 v2, v28  }
0x27a: {  	v33 =	vld.idx.msk [tilespmem:v0+s28+$0x1A30 ss:$0x1], $0xffff;
	v2 =	vmax.f32 v2, v29  }
0x27b: {  	v34 =	vld.idx.msk [tilespmem:v1+s29+$0x230 ss:$0x1], $0xffff;
	v2 =	vmax.f32 v2, v30  }
0x27c: {  	v2 =	vmax.f32 v2, v31  }
0x27d: {  	v2 =	vmax.f32 v2, v3  }
0x27e: {  	v2 =	vmax.f32 v2, v32  }
0x27f: {  	v2 =	vmax.f32 v2, v33  }
0x280: {  	v2 =	vsub.f32 v2, v34;
	_ =	sdelay $0x1  }
0x281: {  	[tilespmem:s30+$0x12430] =	vst v2  }
0x282: {  	v2 =	vld.idx.msk [tilespmem:v0+s28+$0x240 ss:$0x1], $0xffff  }
0x283: {  	v3 =	vld.idx.msk [tilespmem:v0+s28+$0x540 ss:$0x1], $0xffff  }
0x284: {  	v35 =	vld.idx.msk [tilespmem:v0+s28+$0x840 ss:$0x1], $0xffff  }
0x285: {  	v36 =	vld.idx.msk [tilespmem:v0+s28+$0xB40 ss:$0x1], $0xffff  }
0x286: {  	v37 =	vld.idx.msk [tilespmem:v0+s28+$0xE40 ss:$0x1], $0xffff  }
0x287: {  	v38 =	vld.idx.msk [tilespmem:v0+s28+$0x1140 ss:$0x1], $0xffff  }
0x288: {  	v2 =	vmax.f32 v2, v3;
	v3 =	vld.idx.msk [tilespmem:v0+s28+$0x1440 ss:$0x1], $0xffff  }
0x289: {  	v39 =	vld.idx.msk [tilespmem:v0+s28+$0x1740 ss:$0x1], $0xffff;
	v2 =	vmax.f32 v2, v35  }
0x28a: {  	v40 =	vld.idx.msk [tilespmem:v0+s28+$0x1A40 ss:$0x1], $0xffff;
	v2 =	vmax.f32 v2, v36  }
0x28b: {  	v41 =	vld.idx.msk [tilespmem:v1+s29+$0x240 ss:$0x1], $0xffff;
	v2 =	vmax.f32 v2, v37  }
0x28c: {  	v2 =	vmax.f32 v2, v38  }
0x28d: {  	v2 =	vmax.f32 v2, v3  }
0x28e: {  	v2 =	vmax.f32 v2, v39  }
0x28f: {  	v2 =	vmax.f32 v2, v40  }
0x290: {  	v2 =	vsub.f32 v2, v41;
	_ =	sdelay $0x1  }
0x291: {  	[tilespmem:s30+$0x12440] =	vst v2  }
0x292: {  	v2 =	vld.idx.msk [tilespmem:v0+s28+$0x250 ss:$0x1], $0xffff  }
0x293: {  	v3 =	vld.idx.msk [tilespmem:v0+s28+$0x550 ss:$0x1], $0xffff  }
0x294: {  	v42 =	vld.idx.msk [tilespmem:v0+s28+$0x850 ss:$0x1], $0xffff  }
0x295: {  	v43 =	vld.idx.msk [tilespmem:v0+s28+$0xB50 ss:$0x1], $0xffff  }
0x296: {  	v44 =	vld.idx.msk [tilespmem:v0+s28+$0xE50 ss:$0x1], $0xffff  }
0x297: {  	v45 =	vld.idx.msk [tilespmem:v0+s28+$0x1150 ss:$0x1], $0xffff  }
0x298: {  	v2 =	vmax.f32 v2, v3;
	v3 =	vld.idx.msk [tilespmem:v0+s28+$0x1450 ss:$0x1], $0xffff  }
0x299: {  	v46 =	vld.idx.msk [tilespmem:v0+s28+$0x1750 ss:$0x1], $0xffff;
	v2 =	vmax.f32 v2, v42  }
0x29a: {  	v47 =	vld.idx.msk [tilespmem:v0+s28+$0x1A50 ss:$0x1], $0xffff;
	v2 =	vmax.f32 v2, v43  }
0x29b: {  	v48 =	vld.idx.msk [tilespmem:v1+s29+$0x250 ss:$0x1], $0xffff;
	v2 =	vmax.f32 v2, v44  }
0x29c: {  	v2 =	vmax.f32 v2, v45  }
0x29d: {  	v2 =	vmax.f32 v2, v3  }
0x29e: {  	v2 =	vmax.f32 v2, v46  }
0x29f: {  	v2 =	vmax.f32 v2, v47  }
0x2a0: {  	v2 =	vsub.f32 v2, v48;
	_ =	sdelay $0x1  }
0x2a1: {  	[tilespmem:s30+$0x12450] =	vst v2  }
0x2a2: {  	v2 =	vld.idx.msk [tilespmem:v0+s28+$0x260 ss:$0x1], $0xffff  }
0x2a3: {  	v3 =	vld.idx.msk [tilespmem:v0+s28+$0x560 ss:$0x1], $0xffff  }
0x2a4: {  	v49 =	vld.idx.msk [tilespmem:v0+s28+$0x860 ss:$0x1], $0xffff  }
0x2a5: {  	v50 =	vld.idx.msk [tilespmem:v0+s28+$0xB60 ss:$0x1], $0xffff  }
0x2a6: {  	v51 =	vld.idx.msk [tilespmem:v0+s28+$0xE60 ss:$0x1], $0xffff  }
0x2a7: {  	v52 =	vld.idx.msk [tilespmem:v0+s28+$0x1160 ss:$0x1], $0xffff  }
0x2a8: {  	v2 =	vmax.f32 v2, v3;
	v3 =	vld.idx.msk [tilespmem:v0+s28+$0x1460 ss:$0x1], $0xffff  }
0x2a9: {  	v53 =	vld.idx.msk [tilespmem:v0+s28+$0x1760 ss:$0x1], $0xffff;
	v2 =	vmax.f32 v2, v49  }
0x2aa: {  	v54 =	vld.idx.msk [tilespmem:v0+s28+$0x1A60 ss:$0x1], $0xffff;
	v2 =	vmax.f32 v2, v50  }
0x2ab: {  	v55 =	vld.idx.msk [tilespmem:v1+s29+$0x260 ss:$0x1], $0xffff;
	v2 =	vmax.f32 v2, v51  }
0x2ac: {  	v2 =	vmax.f32 v2, v52  }
0x2ad: {  	v2 =	vmax.f32 v2, v3  }
0x2ae: {  	v2 =	vmax.f32 v2, v53  }
0x2af: {  	v2 =	vmax.f32 v2, v54  }
0x2b0: {  	v2 =	vsub.f32 v2, v55;
	_ =	sdelay $0x1  }
0x2b1: {  	[tilespmem:s30+$0x12460] =	vst v2  }
0x2b2: {  	v2 =	vld.idx.msk [tilespmem:v0+s28+$0x270 ss:$0x1], $0xffff  }
0x2b3: {  	v3 =	vld.idx.msk [tilespmem:v0+s28+$0x570 ss:$0x1], $0xffff  }
0x2b4: {  	v56 =	vld.idx.msk [tilespmem:v0+s28+$0x870 ss:$0x1], $0xffff  }
0x2b5: {  	v57 =	vld.idx.msk [tilespmem:v0+s28+$0xB70 ss:$0x1], $0xffff  }
0x2b6: {  	v58 =	vld.idx.msk [tilespmem:v0+s28+$0xE70 ss:$0x1], $0xffff  }
0x2b7: {  	v59 =	vld.idx.msk [tilespmem:v0+s28+$0x1170 ss:$0x1], $0xffff  }
0x2b8: {  	v2 =	vmax.f32 v2, v3;
	v3 =	vld.idx.msk [tilespmem:v0+s28+$0x1470 ss:$0x1], $0xffff  }
0x2b9: {  	v60 =	vld.idx.msk [tilespmem:v0+s28+$0x1770 ss:$0x1], $0xffff;
	v2 =	vmax.f32 v2, v56  }
0x2ba: {  	v61 =	vld.idx.msk [tilespmem:v0+s28+$0x1A70 ss:$0x1], $0xffff;
	v2 =	vmax.f32 v2, v57  }
0x2bb: {  	v62 =	vld.idx.msk [tilespmem:v1+s29+$0x270 ss:$0x1], $0xffff;
	v2 =	vmax.f32 v2, v58  }
0x2bc: {  	v2 =	vmax.f32 v2, v59  }
0x2bd: {  	v2 =	vmax.f32 v2, v3  }
0x2be: {  	v2 =	vmax.f32 v2, v60  }
0x2bf: {  	v2 =	vmax.f32 v2, v61  }
0x2c0: {  	v2 =	vsub.f32 v2, v62;
	_ =	sdelay $0x1  }
0x2c1: {  	[tilespmem:s30+$0x12470] =	vst v2  }
0x2c2: {  	v2 =	vld.idx.msk [tilespmem:v0+s28+$0x280 ss:$0x1], $0xffff  }
0x2c3: {  	v3 =	vld.idx.msk [tilespmem:v0+s28+$0x580 ss:$0x1], $0xffff  }
0x2c4: {  	v63 =	vld.idx.msk [tilespmem:v0+s28+$0x880 ss:$0x1], $0xffff  }
0x2c5: {  	v9 =	vld.idx.msk [tilespmem:v0+s28+$0xB80 ss:$0x1], $0xffff  }
0x2c6: {  	v10 =	vld.idx.msk [tilespmem:v0+s28+$0xE80 ss:$0x1], $0xffff  }
0x2c7: {  	v11 =	vld.idx.msk [tilespmem:v0+s28+$0x1180 ss:$0x1], $0xffff  }
0x2c8: {  	v2 =	vmax.f32 v2, v3;
	v3 =	vld.idx.msk [tilespmem:v0+s28+$0x1480 ss:$0x1], $0xffff  }
0x2c9: {  	v12 =	vld.idx.msk [tilespmem:v0+s28+$0x1780 ss:$0x1], $0xffff;
	v2 =	vmax.f32 v2, v63  }
0x2ca: {  	v13 =	vld.idx.msk [tilespmem:v0+s28+$0x1A80 ss:$0x1], $0xffff;
	v2 =	vmax.f32 v2, v9  }
0x2cb: {  	v14 =	vld.idx.msk [tilespmem:v1+s29+$0x280 ss:$0x1], $0xffff;
	v2 =	vmax.f32 v2, v10  }
0x2cc: {  	v2 =	vmax.f32 v2, v11  }
0x2cd: {  	v2 =	vmax.f32 v2, v3  }
0x2ce: {  	v2 =	vmax.f32 v2, v12  }
0x2cf: {  	v2 =	vmax.f32 v2, v13  }
0x2d0: {  	v2 =	vsub.f32 v2, v14;
	_ =	sdelay $0x1  }
0x2d1: {  	[tilespmem:s30+$0x12600] =	vst v2  }
0x2d2: {  	v2 =	vld.idx.msk [tilespmem:v0+s28+$0x290 ss:$0x1], $0xffff  }
0x2d3: {  	v3 =	vld.idx.msk [tilespmem:v0+s28+$0x590 ss:$0x1], $0xffff  }
0x2d4: {  	v15 =	vld.idx.msk [tilespmem:v0+s28+$0x890 ss:$0x1], $0xffff  }
0x2d5: {  	v16 =	vld.idx.msk [tilespmem:v0+s28+$0xB90 ss:$0x1], $0xffff  }
0x2d6: {  	v17 =	vld.idx.msk [tilespmem:v0+s28+$0xE90 ss:$0x1], $0xffff  }
0x2d7: {  	v18 =	vld.idx.msk [tilespmem:v0+s28+$0x1190 ss:$0x1], $0xffff  }
0x2d8: {  	v2 =	vmax.f32 v2, v3;
	v3 =	vld.idx.msk [tilespmem:v0+s28+$0x1490 ss:$0x1], $0xffff  }
0x2d9: {  	v19 =	vld.idx.msk [tilespmem:v0+s28+$0x1790 ss:$0x1], $0xffff;
	v2 =	vmax.f32 v2, v15  }
0x2da: {  	v20 =	vld.idx.msk [tilespmem:v0+s28+$0x1A90 ss:$0x1], $0xffff;
	v2 =	vmax.f32 v2, v16  }
0x2db: {  	v21 =	vld.idx.msk [tilespmem:v1+s29+$0x290 ss:$0x1], $0xffff;
	v2 =	vmax.f32 v2, v17  }
0x2dc: {  	v2 =	vmax.f32 v2, v18  }
0x2dd: {  	v2 =	vmax.f32 v2, v3  }
0x2de: {  	v2 =	vmax.f32 v2, v19  }
0x2df: {  	v2 =	vmax.f32 v2, v20  }
0x2e0: {  	v2 =	vsub.f32 v2, v21;
	_ =	sdelay $0x1  }
0x2e1: {  	[tilespmem:s30+$0x12610] =	vst v2  }
0x2e2: {  	v2 =	vld.idx.msk [tilespmem:v0+s28+$0x2A0 ss:$0x1], $0xffff  }
0x2e3: {  	v3 =	vld.idx.msk [tilespmem:v0+s28+$0x5A0 ss:$0x1], $0xffff  }
0x2e4: {  	v22 =	vld.idx.msk [tilespmem:v0+s28+$0x8A0 ss:$0x1], $0xffff  }
0x2e5: {  	v23 =	vld.idx.msk [tilespmem:v0+s28+$0xBA0 ss:$0x1], $0xffff  }
0x2e6: {  	v24 =	vld.idx.msk [tilespmem:v0+s28+$0xEA0 ss:$0x1], $0xffff  }
0x2e7: {  	v25 =	vld.idx.msk [tilespmem:v0+s28+$0x11A0 ss:$0x1], $0xffff  }
0x2e8: {  	v2 =	vmax.f32 v2, v3;
	v3 =	vld.idx.msk [tilespmem:v0+s28+$0x14A0 ss:$0x1], $0xffff  }
0x2e9: {  	v26 =	vld.idx.msk [tilespmem:v0+s28+$0x17A0 ss:$0x1], $0xffff;
	v2 =	vmax.f32 v2, v22  }
0x2ea: {  	v27 =	vld.idx.msk [tilespmem:v0+s28+$0x1AA0 ss:$0x1], $0xffff;
	v2 =	vmax.f32 v2, v23  }
0x2eb: {  	v28 =	vld.idx.msk [tilespmem:v1+s29+$0x2A0 ss:$0x1], $0xffff;
	v2 =	vmax.f32 v2, v24  }
0x2ec: {  	v2 =	vmax.f32 v2, v25  }
0x2ed: {  	v2 =	vmax.f32 v2, v3  }
0x2ee: {  	v2 =	vmax.f32 v2, v26  }
0x2ef: {  	v2 =	vmax.f32 v2, v27  }
0x2f0: {  	v2 =	vsub.f32 v2, v28;
	_ =	sdelay $0x1  }
0x2f1: {  	[tilespmem:s30+$0x12620] =	vst v2  }
0x2f2: {  	v2 =	vld.idx.msk [tilespmem:v0+s28+$0x2B0 ss:$0x1], $0xffff  }
0x2f3: {  	v3 =	vld.idx.msk [tilespmem:v0+s28+$0x5B0 ss:$0x1], $0xffff  }
0x2f4: {  	v29 =	vld.idx.msk [tilespmem:v0+s28+$0x8B0 ss:$0x1], $0xffff  }
0x2f5: {  	v30 =	vld.idx.msk [tilespmem:v0+s28+$0xBB0 ss:$0x1], $0xffff  }
0x2f6: {  	v31 =	vld.idx.msk [tilespmem:v0+s28+$0xEB0 ss:$0x1], $0xffff  }
0x2f7: {  	v32 =	vld.idx.msk [tilespmem:v0+s28+$0x11B0 ss:$0x1], $0xffff  }
0x2f8: {  	v2 =	vmax.f32 v2, v3;
	v3 =	vld.idx.msk [tilespmem:v0+s28+$0x14B0 ss:$0x1], $0xffff  }
0x2f9: {  	v33 =	vld.idx.msk [tilespmem:v0+s28+$0x17B0 ss:$0x1], $0xffff;
	v2 =	vmax.f32 v2, v29  }
0x2fa: {  	v34 =	vld.idx.msk [tilespmem:v0+s28+$0x1AB0 ss:$0x1], $0xffff;
	v2 =	vmax.f32 v2, v30  }
0x2fb: {  	v35 =	vld.idx.msk [tilespmem:v1+s29+$0x2B0 ss:$0x1], $0xffff;
	v2 =	vmax.f32 v2, v31  }
0x2fc: {  	v2 =	vmax.f32 v2, v32  }
0x2fd: {  	v2 =	vmax.f32 v2, v3  }
0x2fe: {  	v2 =	vmax.f32 v2, v33  }
0x2ff: {  	v2 =	vmax.f32 v2, v34  }
0x300: {  	v2 =	vsub.f32 v2, v35;
	_ =	sdelay $0x1  }
0x301: {  	[tilespmem:s30+$0x12630] =	vst v2  }
0x302: {  	v2 =	vld.idx.msk [tilespmem:v0+s28+$0x2C0 ss:$0x1], $0xffff  }
0x303: {  	v3 =	vld.idx.msk [tilespmem:v0+s28+$0x5C0 ss:$0x1], $0xffff  }
0x304: {  	v36 =	vld.idx.msk [tilespmem:v0+s28+$0x8C0 ss:$0x1], $0xffff  }
0x305: {  	v37 =	vld.idx.msk [tilespmem:v0+s28+$0xBC0 ss:$0x1], $0xffff  }
0x306: {  	v38 =	vld.idx.msk [tilespmem:v0+s28+$0xEC0 ss:$0x1], $0xffff  }
0x307: {  	v39 =	vld.idx.msk [tilespmem:v0+s28+$0x11C0 ss:$0x1], $0xffff  }
0x308: {  	v2 =	vmax.f32 v2, v3;
	v3 =	vld.idx.msk [tilespmem:v0+s28+$0x14C0 ss:$0x1], $0xffff  }
0x309: {  	v40 =	vld.idx.msk [tilespmem:v0+s28+$0x17C0 ss:$0x1], $0xffff;
	v2 =	vmax.f32 v2, v36  }
0x30a: {  	v41 =	vld.idx.msk [tilespmem:v0+s28+$0x1AC0 ss:$0x1], $0xffff;
	v2 =	vmax.f32 v2, v37  }
0x30b: {  	v42 =	vld.idx.msk [tilespmem:v1+s29+$0x2C0 ss:$0x1], $0xffff;
	v2 =	vmax.f32 v2, v38  }
0x30c: {  	v2 =	vmax.f32 v2, v39  }
0x30d: {  	v2 =	vmax.f32 v2, v3  }
0x30e: {  	v2 =	vmax.f32 v2, v40  }
0x30f: {  	v2 =	vmax.f32 v2, v41  }
0x310: {  	v2 =	vsub.f32 v2, v42;
	_ =	sdelay $0x1  }
0x311: {  	[tilespmem:s30+$0x12640] =	vst v2  }
0x312: {  	v2 =	vld.idx.msk [tilespmem:v0+s28+$0x2D0 ss:$0x1], $0xffff  }
0x313: {  	v3 =	vld.idx.msk [tilespmem:v0+s28+$0x5D0 ss:$0x1], $0xffff  }
0x314: {  	v43 =	vld.idx.msk [tilespmem:v0+s28+$0x8D0 ss:$0x1], $0xffff  }
0x315: {  	v44 =	vld.idx.msk [tilespmem:v0+s28+$0xBD0 ss:$0x1], $0xffff  }
0x316: {  	v45 =	vld.idx.msk [tilespmem:v0+s28+$0xED0 ss:$0x1], $0xffff  }
0x317: {  	v46 =	vld.idx.msk [tilespmem:v0+s28+$0x11D0 ss:$0x1], $0xffff  }
0x318: {  	v2 =	vmax.f32 v2, v3;
	v3 =	vld.idx.msk [tilespmem:v0+s28+$0x14D0 ss:$0x1], $0xffff  }
0x319: {  	v47 =	vld.idx.msk [tilespmem:v0+s28+$0x17D0 ss:$0x1], $0xffff;
	v2 =	vmax.f32 v2, v43  }
0x31a: {  	v48 =	vld.idx.msk [tilespmem:v0+s28+$0x1AD0 ss:$0x1], $0xffff;
	v2 =	vmax.f32 v2, v44  }
0x31b: {  	v49 =	vld.idx.msk [tilespmem:v1+s29+$0x2D0 ss:$0x1], $0xffff;
	v2 =	vmax.f32 v2, v45  }
0x31c: {  	v2 =	vmax.f32 v2, v46  }
0x31d: {  	v2 =	vmax.f32 v2, v3  }
0x31e: {  	v2 =	vmax.f32 v2, v47  }
0x31f: {  	v2 =	vmax.f32 v2, v48  }
0x320: {  	v2 =	vsub.f32 v2, v49;
	_ =	sdelay $0x1  }
0x321: {  	[tilespmem:s30+$0x12650] =	vst v2  }
0x322: {  	v2 =	vld.idx.msk [tilespmem:v0+s28+$0x2E0 ss:$0x1], $0xffff  }
0x323: {  	v3 =	vld.idx.msk [tilespmem:v0+s28+$0x5E0 ss:$0x1], $0xffff  }
0x324: {  	v50 =	vld.idx.msk [tilespmem:v0+s28+$0x8E0 ss:$0x1], $0xffff  }
0x325: {  	v51 =	vld.idx.msk [tilespmem:v0+s28+$0xBE0 ss:$0x1], $0xffff  }
0x326: {  	v52 =	vld.idx.msk [tilespmem:v0+s28+$0xEE0 ss:$0x1], $0xffff  }
0x327: {  	v53 =	vld.idx.msk [tilespmem:v0+s28+$0x11E0 ss:$0x1], $0xffff  }
0x328: {  	v2 =	vmax.f32 v2, v3;
	v3 =	vld.idx.msk [tilespmem:v0+s28+$0x14E0 ss:$0x1], $0xffff  }
0x329: {  	v54 =	vld.idx.msk [tilespmem:v0+s28+$0x17E0 ss:$0x1], $0xffff;
	v2 =	vmax.f32 v2, v50  }
0x32a: {  	v55 =	vld.idx.msk [tilespmem:v0+s28+$0x1AE0 ss:$0x1], $0xffff;
	v2 =	vmax.f32 v2, v51  }
0x32b: {  	v56 =	vld.idx.msk [tilespmem:v1+s29+$0x2E0 ss:$0x1], $0xffff;
	v2 =	vmax.f32 v2, v52  }
0x32c: {  	v2 =	vmax.f32 v2, v53  }
0x32d: {  	v2 =	vmax.f32 v2, v3  }
0x32e: {  	v2 =	vmax.f32 v2, v54  }
0x32f: {  	v2 =	vmax.f32 v2, v55  }
0x330: {  	v2 =	vsub.f32 v2, v56;
	_ =	sdelay $0x1  }
0x331: {  	[tilespmem:s30+$0x12660] =	vst v2  }
0x332: {  	v2 =	vld.idx.msk [tilespmem:v0+s28+$0x2F0 ss:$0x1], $0xffff  }
0x333: {  	v3 =	vld.idx.msk [tilespmem:v0+s28+$0x5F0 ss:$0x1], $0xffff  }
0x334: {  	v57 =	vld.idx.msk [tilespmem:v0+s28+$0x8F0 ss:$0x1], $0xffff  }
0x335: {  	v58 =	vld.idx.msk [tilespmem:v0+s28+$0xBF0 ss:$0x1], $0xffff  }
0x336: {  	v59 =	vld.idx.msk [tilespmem:v0+s28+$0xEF0 ss:$0x1], $0xffff  }
0x337: {  	v60 =	vld.idx.msk [tilespmem:v0+s28+$0x11F0 ss:$0x1], $0xffff  }
0x338: {  	v2 =	vmax.f32 v2, v3;
	v3 =	vld.idx.msk [tilespmem:v0+s28+$0x14F0 ss:$0x1], $0xffff  }
0x339: {  	v61 =	vld.idx.msk [tilespmem:v0+s28+$0x17F0 ss:$0x1], $0xffff;
	v2 =	vmax.f32 v2, v57  }
0x33a: {  	v62 =	vld.idx.msk [tilespmem:v0+s28+$0x1AF0 ss:$0x1], $0xffff;
	v2 =	vmax.f32 v2, v58  }
0x33b: {  	v63 =	vld.idx.msk [tilespmem:v1+s29+$0x2F0 ss:$0x1], $0xffff;
	v2 =	vmax.f32 v2, v59  }
0x33c: {  	v2 =	vmax.f32 v2, v60  }
0x33d: {  	p0 =	sne.s32 s26, $0x3;
	v2 =	vmax.f32 v2, v3  }
.Ltmp0:
0x33e: {  	v2 =	vmax.f32 v2, v61;
	(pc) =	sbr.rel @p0 .LBB2_3-.Ltmp0, $3  }
0x33f: {  	v2 =	vmax.f32 v2, v62  }
0x340: {  	v2 =	vsub.f32 v2, v63;
	_ =	sdelay $0x1  }
0x341: {  	s26 =	sadd.s32 $0x1, s26;
	[tilespmem:s30+$0x12670] =	vst v2  }
0x342: {  	s0 =	sshll.u32 s25, $0x2  }
0x343: {  	s0 =	sadd.s32 s6, s0  }
0x344: {  	s0 =	sshrl.u32 s0, $0x3  }
0x345: {  	s31 =	sshll.u32 s25, $0x9;
	s0 =	smul.u32 $0x1800, s0  }
0x346: {  	s25 =	sand.u32 $0x200, s31  }
0x347: {  	s0 =	sor.u32 s25, s0  }
0x348: {  	p0 =	sne.s32 s24, $0x20;
	s0 =	sshrl.u32 s0, $0x3  }
.Ltmp1:
0x349: {  	s0 =	sadd.s32 s5, s0;
	(pc) =	sbr.rel @p0 .LBB2_2-.Ltmp1, $4  }
0x34a: {  	[hbm4b:s0+s21] =	stream.strided.scatter [tilespmem:s22], [sflag:$0x2], $0xC00, s11, s21, $0x38;
	[tilespmem:$0x12800] =	vst v63  }
0x34b: {  	_ =	swait.ge [sflag:s10], $0xC00  }
0x34c: {  	[sflag:s10] =	ssyncset.done $0x0  }
0x34d: {  	s25 =	smov.u32 s24;
	[sflag:s10] =	ssyncadd.s32 $0xFFFFF400  }
0x34e: {  	s23 =	sadd.s32 $0x1, s23  }
0x34f: {  	p0 =	sne.s32 s23, s9  }
.Ltmp2:
0x350: {  	_ = 	snop;
	(pc) =	sbr.rel @p0 .LBB2_1-.Ltmp2, $1  }
0x351: {  	_ =	sdelay $0x3  }
0x352: {  	_ =	sfence.sel $0x180000  }
0x353: {  	[bflag:$0x0] =	sbarrier.arrive $0xFFFF  }
0x354: {  	_ =	strace $0x90000047  }
0x355: {  	[bflag:$0x2] =	sbarrier.arrive $0xFFFF  }
0x356: {  	p0 =	sne.s32 s1, $0x0;
	s0 =	rddreg [dreg:$0x2]  }
0x357: {  	s0 =	sadd.s32 @!p0 $0x100000, s0  }
0x358: {  	[sflag:s0] =	ssyncadd.tile.s32 @!p0 $0x1;
	_ =	shalt  }
.Lfunc_end2:
_tile_overlayer_lowered:
.L_overlay_start_2:
0x359: {  	(tag) =	ssettag $0x2  }
0x35a: {  	s0 =	rddreg [dreg:$0x0];
	s2 =	stileid.u32  }
0x35b: {  	s1 =	rddreg [dreg:$0x1];
	p0 =	sne.s32 s2, $0x0  }
0x35c: {  	s3 =	rddreg [dreg:$0x2];
	[bflag:$0x3] =	sbarrier.arrive $0xFFFF;
	s2 =	simm.s32 @!p0 $0x1C02  }
0x35d: {  	[timem:s3], [sflag:s2] =	dma.local @!p0 [hbm:s0], s1  }
0x35e: {  	s0 =	simm.s32 @!p0 $0x2  }
0x35f: {  	_ =	swait.ge @!p0 [sflag:s0], s1  }
0x360: {  	s1 =	ssub.s32 @!p0 $0x0, s1;
	[sflag:s0] =	ssyncset.done @!p0 $0x0  }
0x361: {  	[sflag:s0] =	ssyncadd.s32 @!p0 s1  }
0x362: {  	[bflag:$0x3] =	sbarrier.arrive $0xFFFF  }
0x363: {  	_ =	shalt  }

</sc_bundles>
